<compile_context>
chip_gen: v7x
topology: tpu7x:2x2x1
jax: 0.10.2.dev20260603
libtpu: 0.0.44.dev20260713+nightly
codegen_flags: <defaults>
</compile_context>

<pallas_src>
import jax
import jax.numpy as jnp
from jax import lax
from jax.experimental import pallas as pl
from jax.experimental.pallas import tpu as pltpu
from jax.experimental.pallas import tpu_sc as plsc

B = 8
T_PHN = 512
H = 256
MEL = 2048
LANES = 16

NW = 32
ROWS_PER_W = (B * MEL) // NW
CHUNK = 64
NBUF = 6
NCHUNK = ROWS_PER_W // CHUNK
W_PER_B = MEL // ROWS_PER_W


def _lr_body(x, dur, out, dur_v, idx2,
             b0, b1, b2, b3, b4, b5, g0, g1, g2, g3, g4, g5,
             s0, s1, s2, s3, s4, s5):
    bufs = (b0, b1, b2, b3, b4, b5)
    gsems = (g0, g1, g2, g3, g4, g5)
    ssems = (s0, s1, s2, s3, s4, s5)

    cid = lax.axis_index("c")
    sid = lax.axis_index("s")
    wid = sid * 2 + cid
    base = wid * ROWS_PER_W
    b = wid // W_PER_B

    pltpu.sync_copy(dur.at[pl.ds(base, ROWS_PER_W)], dur_v.at[pl.ds(0, ROWS_PER_W)])
    xb = x.at[b]
    zero16 = jnp.zeros((LANES,), jnp.int32)
    lanes16 = lax.iota(jnp.int32, LANES)
    gdnums = lax.GatherDimensionNumbers(
        offset_dims=(), collapsed_slice_dims=(0,), start_index_map=(0,))

    def _lane_min(v):
        for s in (8, 4, 2, 1):
            perm = jnp.bitwise_xor(lanes16, s)
            shuf = lax.gather(v, perm[:, None], gdnums, slice_sizes=(1,),
                              mode=lax.GatherScatterMode.PROMISE_IN_BOUNDS)
            v = jnp.minimum(v, shuf)
        return v

    zany = []
    for c in range(NCHUNK):
        row = idx2.at[c]
        dmin = jnp.full((LANES,), 1, jnp.int32)
        for j in range(CHUNK // LANES):
            d = dur_v[pl.ds(c * CHUNK + j * LANES, LANES)]
            row[pl.ds(j * LANES, LANES)] = jnp.maximum(d - 1, zero16)
            dmin = jnp.minimum(dmin, d)
        zany.append(_lane_min(dmin)[0] == 0)

    gh = [None] * NCHUNK
    sh = [None] * NCHUNK
    for c in range(NBUF):
        gh[c] = pltpu.async_copy(xb.at[idx2.at[c]], bufs[c], gsems[c])

    zrow = jnp.zeros((LANES,), jnp.float32)

    for c in range(NCHUNK):
        slot = c % NBUF
        gh[c].wait()

        @pl.when(zany[c])
        def _fix(c=c, slot=slot):
            def fix_body(r, carry):
                dvec = dur_v[pl.ds(c * CHUNK + r, LANES)]

                @pl.when(dvec[0] == 0)
                def _z():
                    brow = bufs[slot].at[r]
                    for k in range(H // LANES):
                        brow[pl.ds(k * LANES, LANES)] = zrow
                return carry

            lax.fori_loop(0, CHUNK, fix_body, 0)

        sh[c] = pltpu.async_copy(
            bufs[slot], out.at[pl.ds(base + c * CHUNK, CHUNK)], ssems[slot])
        nxt = c + NBUF
        if nxt < NCHUNK:
            sh[c].wait()
            gh[nxt] = pltpu.async_copy(xb.at[idx2.at[nxt]], bufs[slot], gsems[slot])
    for c in range(NCHUNK - NBUF, NCHUNK):
        sh[c].wait()


_lr_call = pl.kernel(
    _lr_body,
    out_type=jax.ShapeDtypeStruct((B * MEL, H), jnp.float32),
    mesh=plsc.VectorSubcoreMesh(core_axis_name="c", subcore_axis_name="s"),
    scratch_types=(
        pltpu.VMEM((ROWS_PER_W + LANES,), jnp.int32),
        pltpu.VMEM((NCHUNK, CHUNK), jnp.int32),
        pltpu.VMEM((CHUNK, H), jnp.float32),
        pltpu.VMEM((CHUNK, H), jnp.float32),
        pltpu.VMEM((CHUNK, H), jnp.float32),
        pltpu.VMEM((CHUNK, H), jnp.float32),
        pltpu.VMEM((CHUNK, H), jnp.float32),
        pltpu.VMEM((CHUNK, H), jnp.float32),
        pltpu.SemaphoreType.DMA,
        pltpu.SemaphoreType.DMA,
        pltpu.SemaphoreType.DMA,
        pltpu.SemaphoreType.DMA,
        pltpu.SemaphoreType.DMA,
        pltpu.SemaphoreType.DMA,
        pltpu.SemaphoreType.DMA,
        pltpu.SemaphoreType.DMA,
        pltpu.SemaphoreType.DMA,
        pltpu.SemaphoreType.DMA,
        pltpu.SemaphoreType.DMA,
        pltpu.SemaphoreType.DMA,
    ),
)


def _mel_tc_body(dur_ref, mel_ref):
    d = dur_ref[...]
    t = lax.broadcasted_iota(jnp.int32, (B, MEL), 1)
    mel_ref[...] = jnp.min(jnp.where(d == 0, t, MEL), axis=1)


_mel_tc = pl.pallas_call(
    _mel_tc_body,
    out_shape=jax.ShapeDtypeStruct((B,), jnp.int32),
)


def kernel(x, duration):
    dur2 = duration.astype(jnp.int32)
    out_flat = _lr_call(x, dur2.reshape(B * MEL))
    return out_flat.reshape(B, MEL, H), _mel_tc(dur2)

# --- scband reference (transcript-rebuilt; emitter-appended) ---
"""Pipeline reference for scband-length-regulator-50414326120823 (READ-ONLY COPY).

The authoritative reference and input builder live on the scoring server;
editing this copy changes nothing except your own understanding.
"""

import jax, jax.numpy as jnp
import numpy as np


def setup_inputs(seed: int = 0) -> dict:
    key = jax.random.key(seed)
    k1, k2 = jax.random.split(key)
    # x: phoneme-level hidden states [B, T_phn, H]
    x = jax.random.normal(k1, (8, 512, 256), dtype=jnp.float32)
    # duration (alignment 'ali'): indices into front-padded x, values in [0, T_phn]
    # 0 maps to the zero pad row (marks end of utterance)
    duration = jax.random.randint(k2, (8, 2048), 0, 513)
    return {"x": x, "duration": duration}


def reference(x, duration):
    # LR path (sub2phn=False): h = F.pad(h, [0,0,1,0]); gather along time dim
    h = jnp.pad(x, ((0, 0), (1, 0), (0, 0)), mode="constant", constant_values=0.0)
    B = x.shape[0]
    # torch.gather(h, 1, ali[...,None].repeat(1,1,H)) == batched row gather
    out = h[jnp.arange(B)[:, None], duration]  # [B, mel_max, H]
    # mel_len: index of first 0 in each ali row, else full length
    is_zero = duration == 0
    has_zero = jnp.any(is_zero, axis=1)
    first_zero = jnp.argmax(is_zero, axis=1)
    mel_len = jnp.where(has_zero, first_zero, duration.shape[1]).astype(jnp.int32)
    return (out, mel_len)

if __name__ == "__main__":
    import jax
    _d = setup_inputs()
    print(jax.jit(kernel)(*tuple(_d.values())))

</pallas_src>

<mosaic_0001>
#map = affine_map<(d0, d1) -> (0, 0, 0)>
#map1 = affine_map<(d0, d1) -> (0)>
#map2 = affine_map<(d0, d1) -> (0, 0)>
module attributes {stable_mosaic.version = 14 : i64} {
  func.func @_lr_body(%arg0: i32, %arg1: i32, %arg2: memref<8x512x256xf32, #tpu.memory_space<hbm>>, %arg3: memref<16384xi32, #tpu.memory_space<hbm>>, %arg4: memref<16384x256xf32, #tpu.memory_space<hbm>>, %arg5: memref<528xi32, #tpu.memory_space<vmem>>, %arg6: memref<8x64xi32, #tpu.memory_space<vmem>>, %arg7: memref<64x256xf32, #tpu.memory_space<vmem>>, %arg8: memref<64x256xf32, #tpu.memory_space<vmem>>, %arg9: memref<64x256xf32, #tpu.memory_space<vmem>>, %arg10: memref<64x256xf32, #tpu.memory_space<vmem>>, %arg11: memref<64x256xf32, #tpu.memory_space<vmem>>, %arg12: memref<64x256xf32, #tpu.memory_space<vmem>>, %arg13: memref<!tpu.dma_semaphore, #tpu.memory_space<semaphore_mem>>, %arg14: memref<!tpu.dma_semaphore, #tpu.memory_space<semaphore_mem>>, %arg15: memref<!tpu.dma_semaphore, #tpu.memory_space<semaphore_mem>>, %arg16: memref<!tpu.dma_semaphore, #tpu.memory_space<semaphore_mem>>, %arg17: memref<!tpu.dma_semaphore, #tpu.memory_space<semaphore_mem>>, %arg18: memref<!tpu.dma_semaphore, #tpu.memory_space<semaphore_mem>>, %arg19: memref<!tpu.dma_semaphore, #tpu.memory_space<semaphore_mem>>, %arg20: memref<!tpu.dma_semaphore, #tpu.memory_space<semaphore_mem>>, %arg21: memref<!tpu.dma_semaphore, #tpu.memory_space<semaphore_mem>>, %arg22: memref<!tpu.dma_semaphore, #tpu.memory_space<semaphore_mem>>, %arg23: memref<!tpu.dma_semaphore, #tpu.memory_space<semaphore_mem>>, %arg24: memref<!tpu.dma_semaphore, #tpu.memory_space<semaphore_mem>>) attributes {dimension_semantics = [#tpu.dimension_semantics<core_parallel>, #tpu.dimension_semantics<subcore_parallel>], iteration_bounds = array<i64: 2, 16>, scalar_prefetch = 0 : i64, scratch_operands = 20 : i64, tpu.core_type = #tpu.core_type<sc_vector_subcore>, window_params = [{transform_indices = #map}, {transform_indices = #map1}, {transform_indices = #map2}]} {
    %mul3A = arith.constant 2 : i32
    %mul3A_0 = arith.muli %arg1, %mul3A : i32
    %add3A = arith.addi %mul3A_0, %arg0 : i32
    %mul3A_1 = arith.constant 512 : i32
    %mul3A_2 = arith.muli %add3A, %mul3A_1 : i32
    %jit3A = arith.constant 4 : i32
    %div3A = arith.divsi %add3A, %jit3A : i32
    %sign3A = arith.constant 0 : i32
    %sign3A_3 = arith.cmpi sgt, %add3A, %sign3A : i32
    %sign3A_4 = arith.extui %sign3A_3 : i1 to i32
    %sign3A_5 = arith.constant 0 : i32
    %sign3A_6 = arith.cmpi slt, %add3A, %sign3A_5 : i32
    %sign3A_7 = arith.extui %sign3A_6 : i1 to i32
    %sign3A_8 = arith.subi %sign3A_4, %sign3A_7 : i32
    %sign3A_9 = arith.constant 0 : i32
    %sign3A_10 = arith.cmpi sgt, %jit3A, %sign3A_9 : i32
    %sign3A_11 = arith.extui %sign3A_10 : i1 to i32
    %sign3A_12 = arith.constant 0 : i32
    %sign3A_13 = arith.cmpi slt, %jit3A, %sign3A_12 : i32
    %sign3A_14 = arith.extui %sign3A_13 : i1 to i32
    %sign3A_15 = arith.subi %sign3A_11, %sign3A_14 : i32
    %ne3A = arith.cmpi ne, %sign3A_8, %sign3A_15 : i32
    %rem3A = arith.remsi %add3A, %jit3A : i32
    %ne3A_16 = arith.constant 0 : i32
    %ne3A_17 = arith.cmpi ne, %rem3A, %ne3A_16 : i32
    %and3A = arith.andi %ne3A, %ne3A_17 : i1
    %sub3A = arith.constant 1 : i32
    %sub3A_18 = arith.subi %div3A, %sub3A : i32
    %select_n3A = arith.select %and3A, %sub3A_18, %div3A : i32
    "tpu.region"() ({
      %run_scoped3A = tpu.sem_alloc : memref<!tpu.dma_semaphore, #tpu.memory_space<semaphore_mem>>
      %dma_start3A_1073 = arith.constant 0 : i32
      %dma_start3A_1074 = tpu.memref_slice %arg5[%dma_start3A_1073] : memref<528xi32, #tpu.memory_space<vmem>> -> memref<512xi32, #tpu.memory_space<vmem>>
      %dma_start3A_1075 = tpu.memref_slice %arg3[%mul3A_2] : memref<16384xi32, #tpu.memory_space<hbm>> -> memref<512xi32, #tpu.memory_space<hbm>>
      %dma_start3A_1076 = arith.constant 0 : i32
      %dma_start3A_1077 = tpu.memref_slice %arg5[%dma_start3A_1076] : memref<528xi32, #tpu.memory_space<vmem>> -> memref<512xi32, #tpu.memory_space<vmem>>
      %dma_start3A_1078 = tpu.memref_slice %arg3[%mul3A_2] : memref<16384xi32, #tpu.memory_space<hbm>> -> memref<512xi32, #tpu.memory_space<hbm>>
      tpu.enqueue_dma source(%dma_start3A_1078 : memref<512xi32, #tpu.memory_space<hbm>>) target(%dma_start3A_1077 : memref<512xi32, #tpu.memory_space<vmem>>) target_semaphore(%run_scoped3A : memref<!tpu.dma_semaphore, #tpu.memory_space<semaphore_mem>>)
      %dma_wait3A_1079 = arith.constant 0 : i32
      %dma_wait3A_1080 = tpu.memref_slice %arg5[%dma_wait3A_1079] : memref<528xi32, #tpu.memory_space<vmem>> -> memref<512xi32, #tpu.memory_space<vmem>>
      %dma_wait3A_1081 = tpu.memref_slice %arg3[%mul3A_2] : memref<16384xi32, #tpu.memory_space<hbm>> -> memref<512xi32, #tpu.memory_space<hbm>>
      %dma_wait3A_1082 = arith.constant 0 : i32
      %dma_wait3A_1083 = tpu.memref_slice %arg5[%dma_wait3A_1082] : memref<528xi32, #tpu.memory_space<vmem>> -> memref<512xi32, #tpu.memory_space<vmem>>
      %dma_wait3A_1084 = tpu.memref_slice %arg3[%mul3A_2] : memref<16384xi32, #tpu.memory_space<hbm>> -> memref<512xi32, #tpu.memory_space<hbm>>
      tpu.wait_dma2 semaphore(%run_scoped3A : memref<!tpu.dma_semaphore, #tpu.memory_space<semaphore_mem>>) src(%dma_wait3A_1084 : memref<512xi32, #tpu.memory_space<hbm>>) dst(%dma_wait3A_1083 : memref<512xi32, #tpu.memory_space<vmem>>)
      tpu.yield
    }) : () -> ()
    %broadcast_in_dim3A = arith.constant 0 : i32
    %broadcast_in_dim3A_19 = vector.broadcast %broadcast_in_dim3A : i32 to vector<16xi32>
    %iota3A = tpu.iota {dimensions = array<i32: 0>} : vector<16xi32>
    %broadcast_in_dim3A_20 = arith.constant 1 : i32
    %broadcast_in_dim3A_21 = vector.broadcast %broadcast_in_dim3A_20 : i32 to vector<16xi32>
    %get3A = arith.constant 0 : index
    %get3A_22 = tpu.vector_load %arg5[%get3A] {strides = array<i32>} : memref<528xi32, #tpu.memory_space<vmem>>, vector<16xi32>,
    %get3A_23 = vector.shape_cast %get3A_22 : vector<16xi32> to vector<16xi32>
    %sub3A_24 = arith.constant 1 : i32
    %sub3A_25 = vector.broadcast %sub3A_24 : i32 to vector<16xi32>
    %sub3A_26 = arith.subi %get3A_23, %sub3A_25 : vector<16xi32>
    %max3A = arith.maxsi %sub3A_26, %broadcast_in_dim3A_19 : vector<16xi32>
    %swap3A = arith.constant 0 : i32
    %swap3A_27 = arith.constant 0 : i32
    %swap3A_28 = tpu.memref_slice %arg6[%swap3A, %swap3A_27] : memref<8x64xi32, #tpu.memory_space<vmem>> -> memref<1x64xi32, #tpu.memory_space<vmem>>
    %swap3A_29 = tpu.memref_squeeze %swap3A_28 : memref<1x64xi32, #tpu.memory_space<vmem>> -> memref<64xi32, #tpu.memory_space<vmem>>
    %swap3A_30 = arith.constant 0 : index
    %swap3A_31 = tpu.vector_load %swap3A_29[%swap3A_30] {strides = array<i32>} : memref<64xi32, #tpu.memory_space<vmem>>, vector<16xi32>,
    %swap3A_32 = vector.shape_cast %swap3A_31 : vector<16xi32> to vector<16xi32>
    %swap3A_33 = vector.shape_cast %max3A : vector<16xi32> to vector<16xi32>
    tpu.vector_store %swap3A_29[%swap3A_30], %swap3A_33 {strides = array<i32>} : memref<64xi32, #tpu.memory_space<vmem>>, vector<16xi32>,
    %min3A = arith.minsi %broadcast_in_dim3A_21, %get3A_23 : vector<16xi32>
    %get3A_34 = arith.constant 16 : index
    %get3A_35 = tpu.vector_load %arg5[%get3A_34] {strides = array<i32>} : memref<528xi32, #tpu.memory_space<vmem>>, vector<16xi32>,
    %get3A_36 = vector.shape_cast %get3A_35 : vector<16xi32> to vector<16xi32>
    %sub3A_37 = arith.constant 1 : i32
    %sub3A_38 = vector.broadcast %sub3A_37 : i32 to vector<16xi32>
    %sub3A_39 = arith.subi %get3A_36, %sub3A_38 : vector<16xi32>
    %max3A_40 = arith.maxsi %sub3A_39, %broadcast_in_dim3A_19 : vector<16xi32>
    %swap3A_41 = arith.constant 0 : i32
    %swap3A_42 = arith.constant 0 : i32
    %swap3A_43 = tpu.memref_slice %arg6[%swap3A_41, %swap3A_42] : memref<8x64xi32, #tpu.memory_space<vmem>> -> memref<1x64xi32, #tpu.memory_space<vmem>>
    %swap3A_44 = tpu.memref_squeeze %swap3A_43 : memref<1x64xi32, #tpu.memory_space<vmem>> -> memref<64xi32, #tpu.memory_space<vmem>>
    %swap3A_45 = arith.constant 16 : index
    %swap3A_46 = tpu.vector_load %swap3A_44[%swap3A_45] {strides = array<i32>} : memref<64xi32, #tpu.memory_space<vmem>>, vector<16xi32>,
    %swap3A_47 = vector.shape_cast %swap3A_46 : vector<16xi32> to vector<16xi32>
    %swap3A_48 = vector.shape_cast %max3A_40 : vector<16xi32> to vector<16xi32>
    tpu.vector_store %swap3A_44[%swap3A_45], %swap3A_48 {strides = array<i32>} : memref<64xi32, #tpu.memory_space<vmem>>, vector<16xi32>,
    %min3A_49 = arith.minsi %min3A, %get3A_36 : vector<16xi32>
    %get3A_50 = arith.constant 32 : index
    %get3A_51 = tpu.vector_load %arg5[%get3A_50] {strides = array<i32>} : memref<528xi32, #tpu.memory_space<vmem>>, vector<16xi32>,
    %get3A_52 = vector.shape_cast %get3A_51 : vector<16xi32> to vector<16xi32>
    %sub3A_53 = arith.constant 1 : i32
    %sub3A_54 = vector.broadcast %sub3A_53 : i32 to vector<16xi32>
    %sub3A_55 = arith.subi %get3A_52, %sub3A_54 : vector<16xi32>
    %max3A_56 = arith.maxsi %sub3A_55, %broadcast_in_dim3A_19 : vector<16xi32>
    %swap3A_57 = arith.constant 0 : i32
    %swap3A_58 = arith.constant 0 : i32
    %swap3A_59 = tpu.memref_slice %arg6[%swap3A_57, %swap3A_58] : memref<8x64xi32, #tpu.memory_space<vmem>> -> memref<1x64xi32, #tpu.memory_space<vmem>>
    %swap3A_60 = tpu.memref_squeeze %swap3A_59 : memref<1x64xi32, #tpu.memory_space<vmem>> -> memref<64xi32, #tpu.memory_space<vmem>>
    %swap3A_61 = arith.constant 32 : index
    %swap3A_62 = tpu.vector_load %swap3A_60[%swap3A_61] {strides = array<i32>} : memref<64xi32, #tpu.memory_space<vmem>>, vector<16xi32>,
    %swap3A_63 = vector.shape_cast %swap3A_62 : vector<16xi32> to vector<16xi32>
    %swap3A_64 = vector.shape_cast %max3A_56 : vector<16xi32> to vector<16xi32>
    tpu.vector_store %swap3A_60[%swap3A_61], %swap3A_64 {strides = array<i32>} : memref<64xi32, #tpu.memory_space<vmem>>, vector<16xi32>,
    %min3A_65 = arith.minsi %min3A_49, %get3A_52 : vector<16xi32>
    %get3A_66 = arith.constant 48 : index
    %get3A_67 = tpu.vector_load %arg5[%get3A_66] {strides = array<i32>} : memref<528xi32, #tpu.memory_space<vmem>>, vector<16xi32>,
    %get3A_68 = vector.shape_cast %get3A_67 : vector<16xi32> to vector<16xi32>
    %sub3A_69 = arith.constant 1 : i32
    %sub3A_70 = vector.broadcast %sub3A_69 : i32 to vector<16xi32>
    %sub3A_71 = arith.subi %get3A_68, %sub3A_70 : vector<16xi32>
    %max3A_72 = arith.maxsi %sub3A_71, %broadcast_in_dim3A_19 : vector<16xi32>
    %swap3A_73 = arith.constant 0 : i32
    %swap3A_74 = arith.constant 0 : i32
    %swap3A_75 = tpu.memref_slice %arg6[%swap3A_73, %swap3A_74] : memref<8x64xi32, #tpu.memory_space<vmem>> -> memref<1x64xi32, #tpu.memory_space<vmem>>
    %swap3A_76 = tpu.memref_squeeze %swap3A_75 : memref<1x64xi32, #tpu.memory_space<vmem>> -> memref<64xi32, #tpu.memory_space<vmem>>
    %swap3A_77 = arith.constant 48 : index
    %swap3A_78 = tpu.vector_load %swap3A_76[%swap3A_77] {strides = array<i32>} : memref<64xi32, #tpu.memory_space<vmem>>, vector<16xi32>,
    %swap3A_79 = vector.shape_cast %swap3A_78 : vector<16xi32> to vector<16xi32>
    %swap3A_80 = vector.shape_cast %max3A_72 : vector<16xi32> to vector<16xi32>
    tpu.vector_store %swap3A_76[%swap3A_77], %swap3A_80 {strides = array<i32>} : memref<64xi32, #tpu.memory_space<vmem>>, vector<16xi32>,
    %min3A_81 = arith.minsi %min3A_65, %get3A_68 : vector<16xi32>
    %xor3A = arith.constant 8 : i32
    %xor3A_82 = vector.broadcast %xor3A : i32 to vector<16xi32>
    %xor3A_83 = arith.xori %iota3A, %xor3A_82 : vector<16xi32>
    %broadcast_in_dim3A_84 = vector.shape_cast %xor3A_83 : vector<16xi32> to vector<16x1xi32>
    %gather3A = vector.shape_cast %broadcast_in_dim3A_84 : vector<16x1xi32> to vector<16xi32>
    %gather3A_85 = tpu.dynamic_gather %min3A_81[%gather3A] in [0] : vector<16xi32>, vector<16xi32> -> vector<16xi32>
    %min3A_86 = arith.minsi %min3A_81, %gather3A_85 : vector<16xi32>
    %xor3A_87 = arith.constant 4 : i32
    %xor3A_88 = vector.broadcast %xor3A_87 : i32 to vector<16xi32>
    %xor3A_89 = arith.xori %iota3A, %xor3A_88 : vector<16xi32>
    %broadcast_in_dim3A_90 = vector.shape_cast %xor3A_89 : vector<16xi32> to vector<16x1xi32>
    %gather3A_91 = vector.shape_cast %broadcast_in_dim3A_90 : vector<16x1xi32> to vector<16xi32>
    %gather3A_92 = tpu.dynamic_gather %min3A_86[%gather3A_91] in [0] : vector<16xi32>, vector<16xi32> -> vector<16xi32>
    %min3A_93 = arith.minsi %min3A_86, %gather3A_92 : vector<16xi32>
    %xor3A_94 = arith.constant 2 : i32
    %xor3A_95 = vector.broadcast %xor3A_94 : i32 to vector<16xi32>
    %xor3A_96 = arith.xori %iota3A, %xor3A_95 : vector<16xi32>
    %broadcast_in_dim3A_97 = vector.shape_cast %xor3A_96 : vector<16xi32> to vector<16x1xi32>
    %gather3A_98 = vector.shape_cast %broadcast_in_dim3A_97 : vector<16x1xi32> to vector<16xi32>
    %gather3A_99 = tpu.dynamic_gather %min3A_93[%gather3A_98] in [0] : vector<16xi32>, vector<16xi32> -> vector<16xi32>
    %min3A_100 = arith.minsi %min3A_93, %gather3A_99 : vector<16xi32>
    %xor3A_101 = arith.constant 1 : i32
    %xor3A_102 = vector.broadcast %xor3A_101 : i32 to vector<16xi32>
    %xor3A_103 = arith.xori %iota3A, %xor3A_102 : vector<16xi32>
    %broadcast_in_dim3A_104 = vector.shape_cast %xor3A_103 : vector<16xi32> to vector<16x1xi32>
    %gather3A_105 = vector.shape_cast %broadcast_in_dim3A_104 : vector<16x1xi32> to vector<16xi32>
    %gather3A_106 = tpu.dynamic_gather %min3A_100[%gather3A_105] in [0] : vector<16xi32>, vector<16xi32> -> vector<16xi32>
    %min3A_107 = arith.minsi %min3A_100, %gather3A_106 : vector<16xi32>
    %slice3A = vector.extract_strided_slice %min3A_107 {offsets = [0], sizes = [1], strides = [1]} : vector<16xi32> to vector<1xi32>
    %squeeze3A = vector.extract %slice3A[0] : i32 from vector<1xi32>
    %eq3A = arith.constant 0 : i32
    %eq3A_108 = arith.cmpi eq, %squeeze3A, %eq3A : i32
    %broadcast_in_dim3A_109 = arith.constant 1 : i32
    %broadcast_in_dim3A_110 = vector.broadcast %broadcast_in_dim3A_109 : i32 to vector<16xi32>
    %get3A_111 = arith.constant 64 : index
    %get3A_112 = tpu.vector_load %arg5[%get3A_111] {strides = array<i32>} : memref<528xi32, #tpu.memory_space<vmem>>, vector<16xi32>,
    %get3A_113 = vector.shape_cast %get3A_112 : vector<16xi32> to vector<16xi32>
    %sub3A_114 = arith.constant 1 : i32
    %sub3A_115 = vector.broadcast %sub3A_114 : i32 to vector<16xi32>
    %sub3A_116 = arith.subi %get3A_113, %sub3A_115 : vector<16xi32>
    %max3A_117 = arith.maxsi %sub3A_116, %broadcast_in_dim3A_19 : vector<16xi32>
    %swap3A_118 = arith.constant 1 : i32
    %swap3A_119 = arith.constant 0 : i32
    %swap3A_120 = tpu.memref_slice %arg6[%swap3A_118, %swap3A_119] : memref<8x64xi32, #tpu.memory_space<vmem>> -> memref<1x64xi32, #tpu.memory_space<vmem>>
    %swap3A_121 = tpu.memref_squeeze %swap3A_120 : memref<1x64xi32, #tpu.memory_space<vmem>> -> memref<64xi32, #tpu.memory_space<vmem>>
    %swap3A_122 = arith.constant 0 : index
    %swap3A_123 = tpu.vector_load %swap3A_121[%swap3A_122] {strides = array<i32>} : memref<64xi32, #tpu.memory_space<vmem>>, vector<16xi32>,
    %swap3A_124 = vector.shape_cast %swap3A_123 : vector<16xi32> to vector<16xi32>
    %swap3A_125 = vector.shape_cast %max3A_117 : vector<16xi32> to vector<16xi32>
    tpu.vector_store %swap3A_121[%swap3A_122], %swap3A_125 {strides = array<i32>} : memref<64xi32, #tpu.memory_space<vmem>>, vector<16xi32>,
    %min3A_126 = arith.minsi %broadcast_in_dim3A_110, %get3A_113 : vector<16xi32>
    %get3A_127 = arith.constant 80 : index
    %get3A_128 = tpu.vector_load %arg5[%get3A_127] {strides = array<i32>} : memref<528xi32, #tpu.memory_space<vmem>>, vector<16xi32>,
    %get3A_129 = vector.shape_cast %get3A_128 : vector<16xi32> to vector<16xi32>
    %sub3A_130 = arith.constant 1 : i32
    %sub3A_131 = vector.broadcast %sub3A_130 : i32 to vector<16xi32>
    %sub3A_132 = arith.subi %get3A_129, %sub3A_131 : vector<16xi32>
    %max3A_133 = arith.maxsi %sub3A_132, %broadcast_in_dim3A_19 : vector<16xi32>
    %swap3A_134 = arith.constant 1 : i32
    %swap3A_135 = arith.constant 0 : i32
    %swap3A_136 = tpu.memref_slice %arg6[%swap3A_134, %swap3A_135] : memref<8x64xi32, #tpu.memory_space<vmem>> -> memref<1x64xi32, #tpu.memory_space<vmem>>
    %swap3A_137 = tpu.memref_squeeze %swap3A_136 : memref<1x64xi32, #tpu.memory_space<vmem>> -> memref<64xi32, #tpu.memory_space<vmem>>
    %swap3A_138 = arith.constant 16 : index
    %swap3A_139 = tpu.vector_load %swap3A_137[%swap3A_138] {strides = array<i32>} : memref<64xi32, #tpu.memory_space<vmem>>, vector<16xi32>,
    %swap3A_140 = vector.shape_cast %swap3A_139 : vector<16xi32> to vector<16xi32>
    %swap3A_141 = vector.shape_cast %max3A_133 : vector<16xi32> to vector<16xi32>
    tpu.vector_store %swap3A_137[%swap3A_138], %swap3A_141 {strides = array<i32>} : memref<64xi32, #tpu.memory_space<vmem>>, vector<16xi32>,
    %min3A_142 = arith.minsi %min3A_126, %get3A_129 : vector<16xi32>
    %get3A_143 = arith.constant 96 : index
    %get3A_144 = tpu.vector_load %arg5[%get3A_143] {strides = array<i32>} : memref<528xi32, #tpu.memory_space<vmem>>, vector<16xi32>,
    %get3A_145 = vector.shape_cast %get3A_144 : vector<16xi32> to vector<16xi32>
    %sub3A_146 = arith.constant 1 : i32
    %sub3A_147 = vector.broadcast %sub3A_146 : i32 to vector<16xi32>
    %sub3A_148 = arith.subi %get3A_145, %sub3A_147 : vector<16xi32>
    %max3A_149 = arith.maxsi %sub3A_148, %broadcast_in_dim3A_19 : vector<16xi32>
    %swap3A_150 = arith.constant 1 : i32
    %swap3A_151 = arith.constant 0 : i32
    %swap3A_152 = tpu.memref_slice %arg6[%swap3A_150, %swap3A_151] : memref<8x64xi32, #tpu.memory_space<vmem>> -> memref<1x64xi32, #tpu.memory_space<vmem>>
    %swap3A_153 = tpu.memref_squeeze %swap3A_152 : memref<1x64xi32, #tpu.memory_space<vmem>> -> memref<64xi32, #tpu.memory_space<vmem>>
    %swap3A_154 = arith.constant 32 : index
    %swap3A_155 = tpu.vector_load %swap3A_153[%swap3A_154] {strides = array<i32>} : memref<64xi32, #tpu.memory_space<vmem>>, vector<16xi32>,
    %swap3A_156 = vector.shape_cast %swap3A_155 : vector<16xi32> to vector<16xi32>
    %swap3A_157 = vector.shape_cast %max3A_149 : vector<16xi32> to vector<16xi32>
    tpu.vector_store %swap3A_153[%swap3A_154], %swap3A_157 {strides = array<i32>} : memref<64xi32, #tpu.memory_space<vmem>>, vector<16xi32>,
    %min3A_158 = arith.minsi %min3A_142, %get3A_145 : vector<16xi32>
    %get3A_159 = arith.constant 112 : index
    %get3A_160 = tpu.vector_load %arg5[%get3A_159] {strides = array<i32>} : memref<528xi32, #tpu.memory_space<vmem>>, vector<16xi32>,
    %get3A_161 = vector.shape_cast %get3A_160 : vector<16xi32> to vector<16xi32>
    %sub3A_162 = arith.constant 1 : i32
    %sub3A_163 = vector.broadcast %sub3A_162 : i32 to vector<16xi32>
    %sub3A_164 = arith.subi %get3A_161, %sub3A_163 : vector<16xi32>
    %max3A_165 = arith.maxsi %sub3A_164, %broadcast_in_dim3A_19 : vector<16xi32>
    %swap3A_166 = arith.constant 1 : i32
    %swap3A_167 = arith.constant 0 : i32
    %swap3A_168 = tpu.memref_slice %arg6[%swap3A_166, %swap3A_167] : memref<8x64xi32, #tpu.memory_space<vmem>> -> memref<1x64xi32, #tpu.memory_space<vmem>>
    %swap3A_169 = tpu.memref_squeeze %swap3A_168 : memref<1x64xi32, #tpu.memory_space<vmem>> -> memref<64xi32, #tpu.memory_space<vmem>>
    %swap3A_170 = arith.constant 48 : index
    %swap3A_171 = tpu.vector_load %swap3A_169[%swap3A_170] {strides = array<i32>} : memref<64xi32, #tpu.memory_space<vmem>>, vector<16xi32>,
    %swap3A_172 = vector.shape_cast %swap3A_171 : vector<16xi32> to vector<16xi32>
    %swap3A_173 = vector.shape_cast %max3A_165 : vector<16xi32> to vector<16xi32>
    tpu.vector_store %swap3A_169[%swap3A_170], %swap3A_173 {strides = array<i32>} : memref<64xi32, #tpu.memory_space<vmem>>, vector<16xi32>,
    %min3A_174 = arith.minsi %min3A_158, %get3A_161 : vector<16xi32>
    %xor3A_175 = arith.constant 8 : i32
    %xor3A_176 = vector.broadcast %xor3A_175 : i32 to vector<16xi32>
    %xor3A_177 = arith.xori %iota3A, %xor3A_176 : vector<16xi32>
    %broadcast_in_dim3A_178 = vector.shape_cast %xor3A_177 : vector<16xi32> to vector<16x1xi32>
    %gather3A_179 = vector.shape_cast %broadcast_in_dim3A_178 : vector<16x1xi32> to vector<16xi32>
    %gather3A_180 = tpu.dynamic_gather %min3A_174[%gather3A_179] in [0] : vector<16xi32>, vector<16xi32> -> vector<16xi32>
    %min3A_181 = arith.minsi %min3A_174, %gather3A_180 : vector<16xi32>
    %xor3A_182 = arith.constant 4 : i32
    %xor3A_183 = vector.broadcast %xor3A_182 : i32 to vector<16xi32>
    %xor3A_184 = arith.xori %iota3A, %xor3A_183 : vector<16xi32>
    %broadcast_in_dim3A_185 = vector.shape_cast %xor3A_184 : vector<16xi32> to vector<16x1xi32>
    %gather3A_186 = vector.shape_cast %broadcast_in_dim3A_185 : vector<16x1xi32> to vector<16xi32>
    %gather3A_187 = tpu.dynamic_gather %min3A_181[%gather3A_186] in [0] : vector<16xi32>, vector<16xi32> -> vector<16xi32>
    %min3A_188 = arith.minsi %min3A_181, %gather3A_187 : vector<16xi32>
    %xor3A_189 = arith.constant 2 : i32
    %xor3A_190 = vector.broadcast %xor3A_189 : i32 to vector<16xi32>
    %xor3A_191 = arith.xori %iota3A, %xor3A_190 : vector<16xi32>
    %broadcast_in_dim3A_192 = vector.shape_cast %xor3A_191 : vector<16xi32> to vector<16x1xi32>
    %gather3A_193 = vector.shape_cast %broadcast_in_dim3A_192 : vector<16x1xi32> to vector<16xi32>
    %gather3A_194 = tpu.dynamic_gather %min3A_188[%gather3A_193] in [0] : vector<16xi32>, vector<16xi32> -> vector<16xi32>
    %min3A_195 = arith.minsi %min3A_188, %gather3A_194 : vector<16xi32>
    %xor3A_196 = arith.constant 1 : i32
    %xor3A_197 = vector.broadcast %xor3A_196 : i32 to vector<16xi32>
    %xor3A_198 = arith.xori %iota3A, %xor3A_197 : vector<16xi32>
    %broadcast_in_dim3A_199 = vector.shape_cast %xor3A_198 : vector<16xi32> to vector<16x1xi32>
    %gather3A_200 = vector.shape_cast %broadcast_in_dim3A_199 : vector<16x1xi32> to vector<16xi32>
    %gather3A_201 = tpu.dynamic_gather %min3A_195[%gather3A_200] in [0] : vector<16xi32>, vector<16xi32> -> vector<16xi32>
    %min3A_202 = arith.minsi %min3A_195, %gather3A_201 : vector<16xi32>
    %slice3A_203 = vector.extract_strided_slice %min3A_202 {offsets = [0], sizes = [1], strides = [1]} : vector<16xi32> to vector<1xi32>
    %squeeze3A_204 = vector.extract %slice3A_203[0] : i32 from vector<1xi32>
    %eq3A_205 = arith.constant 0 : i32
    %eq3A_206 = arith.cmpi eq, %squeeze3A_204, %eq3A_205 : i32
    %broadcast_in_dim3A_207 = arith.constant 1 : i32
    %broadcast_in_dim3A_208 = vector.broadcast %broadcast_in_dim3A_207 : i32 to vector<16xi32>
    %get3A_209 = arith.constant 128 : index
    %get3A_210 = tpu.vector_load %arg5[%get3A_209] {strides = array<i32>} : memref<528xi32, #tpu.memory_space<vmem>>, vector<16xi32>,
    %get3A_211 = vector.shape_cast %get3A_210 : vector<16xi32> to vector<16xi32>
    %sub3A_212 = arith.constant 1 : i32
    %sub3A_213 = vector.broadcast %sub3A_212 : i32 to vector<16xi32>
    %sub3A_214 = arith.subi %get3A_211, %sub3A_213 : vector<16xi32>
    %max3A_215 = arith.maxsi %sub3A_214, %broadcast_in_dim3A_19 : vector<16xi32>
    %swap3A_216 = arith.constant 2 : i32
    %swap3A_217 = arith.constant 0 : i32
    %swap3A_218 = tpu.memref_slice %arg6[%swap3A_216, %swap3A_217] : memref<8x64xi32, #tpu.memory_space<vmem>> -> memref<1x64xi32, #tpu.memory_space<vmem>>
    %swap3A_219 = tpu.memref_squeeze %swap3A_218 : memref<1x64xi32, #tpu.memory_space<vmem>> -> memref<64xi32, #tpu.memory_space<vmem>>
    %swap3A_220 = arith.constant 0 : index
    %swap3A_221 = tpu.vector_load %swap3A_219[%swap3A_220] {strides = array<i32>} : memref<64xi32, #tpu.memory_space<vmem>>, vector<16xi32>,
    %swap3A_222 = vector.shape_cast %swap3A_221 : vector<16xi32> to vector<16xi32>
    %swap3A_223 = vector.shape_cast %max3A_215 : vector<16xi32> to vector<16xi32>
    tpu.vector_store %swap3A_219[%swap3A_220], %swap3A_223 {strides = array<i32>} : memref<64xi32, #tpu.memory_space<vmem>>, vector<16xi32>,
    %min3A_224 = arith.minsi %broadcast_in_dim3A_208, %get3A_211 : vector<16xi32>
    %get3A_225 = arith.constant 144 : index
    %get3A_226 = tpu.vector_load %arg5[%get3A_225] {strides = array<i32>} : memref<528xi32, #tpu.memory_space<vmem>>, vector<16xi32>,
    %get3A_227 = vector.shape_cast %get3A_226 : vector<16xi32> to vector<16xi32>
    %sub3A_228 = arith.constant 1 : i32
    %sub3A_229 = vector.broadcast %sub3A_228 : i32 to vector<16xi32>
    %sub3A_230 = arith.subi %get3A_227, %sub3A_229 : vector<16xi32>
    %max3A_231 = arith.maxsi %sub3A_230, %broadcast_in_dim3A_19 : vector<16xi32>
    %swap3A_232 = arith.constant 2 : i32
    %swap3A_233 = arith.constant 0 : i32
    %swap3A_234 = tpu.memref_slice %arg6[%swap3A_232, %swap3A_233] : memref<8x64xi32, #tpu.memory_space<vmem>> -> memref<1x64xi32, #tpu.memory_space<vmem>>
    %swap3A_235 = tpu.memref_squeeze %swap3A_234 : memref<1x64xi32, #tpu.memory_space<vmem>> -> memref<64xi32, #tpu.memory_space<vmem>>
    %swap3A_236 = arith.constant 16 : index
    %swap3A_237 = tpu.vector_load %swap3A_235[%swap3A_236] {strides = array<i32>} : memref<64xi32, #tpu.memory_space<vmem>>, vector<16xi32>,
    %swap3A_238 = vector.shape_cast %swap3A_237 : vector<16xi32> to vector<16xi32>
    %swap3A_239 = vector.shape_cast %max3A_231 : vector<16xi32> to vector<16xi32>
    tpu.vector_store %swap3A_235[%swap3A_236], %swap3A_239 {strides = array<i32>} : memref<64xi32, #tpu.memory_space<vmem>>, vector<16xi32>,
    %min3A_240 = arith.minsi %min3A_224, %get3A_227 : vector<16xi32>
    %get3A_241 = arith.constant 160 : index
    %get3A_242 = tpu.vector_load %arg5[%get3A_241] {strides = array<i32>} : memref<528xi32, #tpu.memory_space<vmem>>, vector<16xi32>,
    %get3A_243 = vector.shape_cast %get3A_242 : vector<16xi32> to vector<16xi32>
    %sub3A_244 = arith.constant 1 : i32
    %sub3A_245 = vector.broadcast %sub3A_244 : i32 to vector<16xi32>
    %sub3A_246 = arith.subi %get3A_243, %sub3A_245 : vector<16xi32>
    %max3A_247 = arith.maxsi %sub3A_246, %broadcast_in_dim3A_19 : vector<16xi32>
    %swap3A_248 = arith.constant 2 : i32
    %swap3A_249 = arith.constant 0 : i32
    %swap3A_250 = tpu.memref_slice %arg6[%swap3A_248, %swap3A_249] : memref<8x64xi32, #tpu.memory_space<vmem>> -> memref<1x64xi32, #tpu.memory_space<vmem>>
    %swap3A_251 = tpu.memref_squeeze %swap3A_250 : memref<1x64xi32, #tpu.memory_space<vmem>> -> memref<64xi32, #tpu.memory_space<vmem>>
    %swap3A_252 = arith.constant 32 : index
    %swap3A_253 = tpu.vector_load %swap3A_251[%swap3A_252] {strides = array<i32>} : memref<64xi32, #tpu.memory_space<vmem>>, vector<16xi32>,
    %swap3A_254 = vector.shape_cast %swap3A_253 : vector<16xi32> to vector<16xi32>
    %swap3A_255 = vector.shape_cast %max3A_247 : vector<16xi32> to vector<16xi32>
    tpu.vector_store %swap3A_251[%swap3A_252], %swap3A_255 {strides = array<i32>} : memref<64xi32, #tpu.memory_space<vmem>>, vector<16xi32>,
    %min3A_256 = arith.minsi %min3A_240, %get3A_243 : vector<16xi32>
    %get3A_257 = arith.constant 176 : index
    %get3A_258 = tpu.vector_load %arg5[%get3A_257] {strides = array<i32>} : memref<528xi32, #tpu.memory_space<vmem>>, vector<16xi32>,
    %get3A_259 = vector.shape_cast %get3A_258 : vector<16xi32> to vector<16xi32>
    %sub3A_260 = arith.constant 1 : i32
    %sub3A_261 = vector.broadcast %sub3A_260 : i32 to vector<16xi32>
    %sub3A_262 = arith.subi %get3A_259, %sub3A_261 : vector<16xi32>
    %max3A_263 = arith.maxsi %sub3A_262, %broadcast_in_dim3A_19 : vector<16xi32>
    %swap3A_264 = arith.constant 2 : i32
    %swap3A_265 = arith.constant 0 : i32
    %swap3A_266 = tpu.memref_slice %arg6[%swap3A_264, %swap3A_265] : memref<8x64xi32, #tpu.memory_space<vmem>> -> memref<1x64xi32, #tpu.memory_space<vmem>>
    %swap3A_267 = tpu.memref_squeeze %swap3A_266 : memref<1x64xi32, #tpu.memory_space<vmem>> -> memref<64xi32, #tpu.memory_space<vmem>>
    %swap3A_268 = arith.constant 48 : index
    %swap3A_269 = tpu.vector_load %swap3A_267[%swap3A_268] {strides = array<i32>} : memref<64xi32, #tpu.memory_space<vmem>>, vector<16xi32>,
    %swap3A_270 = vector.shape_cast %swap3A_269 : vector<16xi32> to vector<16xi32>
    %swap3A_271 = vector.shape_cast %max3A_263 : vector<16xi32> to vector<16xi32>
    tpu.vector_store %swap3A_267[%swap3A_268], %swap3A_271 {strides = array<i32>} : memref<64xi32, #tpu.memory_space<vmem>>, vector<16xi32>,
    %min3A_272 = arith.minsi %min3A_256, %get3A_259 : vector<16xi32>
    %xor3A_273 = arith.constant 8 : i32
    %xor3A_274 = vector.broadcast %xor3A_273 : i32 to vector<16xi32>
    %xor3A_275 = arith.xori %iota3A, %xor3A_274 : vector<16xi32>
    %broadcast_in_dim3A_276 = vector.shape_cast %xor3A_275 : vector<16xi32> to vector<16x1xi32>
    %gather3A_277 = vector.shape_cast %broadcast_in_dim3A_276 : vector<16x1xi32> to vector<16xi32>
    %gather3A_278 = tpu.dynamic_gather %min3A_272[%gather3A_277] in [0] : vector<16xi32>, vector<16xi32> -> vector<16xi32>
    %min3A_279 = arith.minsi %min3A_272, %gather3A_278 : vector<16xi32>
    %xor3A_280 = arith.constant 4 : i32
    %xor3A_281 = vector.broadcast %xor3A_280 : i32 to vector<16xi32>
    %xor3A_282 = arith.xori %iota3A, %xor3A_281 : vector<16xi32>
    %broadcast_in_dim3A_283 = vector.shape_cast %xor3A_282 : vector<16xi32> to vector<16x1xi32>
    %gather3A_284 = vector.shape_cast %broadcast_in_dim3A_283 : vector<16x1xi32> to vector<16xi32>
    %gather3A_285 = tpu.dynamic_gather %min3A_279[%gather3A_284] in [0] : vector<16xi32>, vector<16xi32> -> vector<16xi32>
    %min3A_286 = arith.minsi %min3A_279, %gather3A_285 : vector<16xi32>
    %xor3A_287 = arith.constant 2 : i32
    %xor3A_288 = vector.broadcast %xor3A_287 : i32 to vector<16xi32>
    %xor3A_289 = arith.xori %iota3A, %xor3A_288 : vector<16xi32>
    %broadcast_in_dim3A_290 = vector.shape_cast %xor3A_289 : vector<16xi32> to vector<16x1xi32>
    %gather3A_291 = vector.shape_cast %broadcast_in_dim3A_290 : vector<16x1xi32> to vector<16xi32>
    %gather3A_292 = tpu.dynamic_gather %min3A_286[%gather3A_291] in [0] : vector<16xi32>, vector<16xi32> -> vector<16xi32>
    %min3A_293 = arith.minsi %min3A_286, %gather3A_292 : vector<16xi32>
    %xor3A_294 = arith.constant 1 : i32
    %xor3A_295 = vector.broadcast %xor3A_294 : i32 to vector<16xi32>
    %xor3A_296 = arith.xori %iota3A, %xor3A_295 : vector<16xi32>
    %broadcast_in_dim3A_297 = vector.shape_cast %xor3A_296 : vector<16xi32> to vector<16x1xi32>
    %gather3A_298 = vector.shape_cast %broadcast_in_dim3A_297 : vector<16x1xi32> to vector<16xi32>
    %gather3A_299 = tpu.dynamic_gather %min3A_293[%gather3A_298] in [0] : vector<16xi32>, vector<16xi32> -> vector<16xi32>
    %min3A_300 = arith.minsi %min3A_293, %gather3A_299 : vector<16xi32>
    %slice3A_301 = vector.extract_strided_slice %min3A_300 {offsets = [0], sizes = [1], strides = [1]} : vector<16xi32> to vector<1xi32>
    %squeeze3A_302 = vector.extract %slice3A_301[0] : i32 from vector<1xi32>
    %eq3A_303 = arith.constant 0 : i32
    %eq3A_304 = arith.cmpi eq, %squeeze3A_302, %eq3A_303 : i32
    %broadcast_in_dim3A_305 = arith.constant 1 : i32
    %broadcast_in_dim3A_306 = vector.broadcast %broadcast_in_dim3A_305 : i32 to vector<16xi32>
    %get3A_307 = arith.constant 192 : index
    %get3A_308 = tpu.vector_load %arg5[%get3A_307] {strides = array<i32>} : memref<528xi32, #tpu.memory_space<vmem>>, vector<16xi32>,
    %get3A_309 = vector.shape_cast %get3A_308 : vector<16xi32> to vector<16xi32>
    %sub3A_310 = arith.constant 1 : i32
    %sub3A_311 = vector.broadcast %sub3A_310 : i32 to vector<16xi32>
    %sub3A_312 = arith.subi %get3A_309, %sub3A_311 : vector<16xi32>
    %max3A_313 = arith.maxsi %sub3A_312, %broadcast_in_dim3A_19 : vector<16xi32>
    %swap3A_314 = arith.constant 3 : i32
    %swap3A_315 = arith.constant 0 : i32
    %swap3A_316 = tpu.memref_slice %arg6[%swap3A_314, %swap3A_315] : memref<8x64xi32, #tpu.memory_space<vmem>> -> memref<1x64xi32, #tpu.memory_space<vmem>>
    %swap3A_317 = tpu.memref_squeeze %swap3A_316 : memref<1x64xi32, #tpu.memory_space<vmem>> -> memref<64xi32, #tpu.memory_space<vmem>>
    %swap3A_318 = arith.constant 0 : index
    %swap3A_319 = tpu.vector_load %swap3A_317[%swap3A_318] {strides = array<i32>} : memref<64xi32, #tpu.memory_space<vmem>>, vector<16xi32>,
    %swap3A_320 = vector.shape_cast %swap3A_319 : vector<16xi32> to vector<16xi32>
    %swap3A_321 = vector.shape_cast %max3A_313 : vector<16xi32> to vector<16xi32>
    tpu.vector_store %swap3A_317[%swap3A_318], %swap3A_321 {strides = array<i32>} : memref<64xi32, #tpu.memory_space<vmem>>, vector<16xi32>,
    %min3A_322 = arith.minsi %broadcast_in_dim3A_306, %get3A_309 : vector<16xi32>
    %get3A_323 = arith.constant 208 : index
    %get3A_324 = tpu.vector_load %arg5[%get3A_323] {strides = array<i32>} : memref<528xi32, #tpu.memory_space<vmem>>, vector<16xi32>,
    %get3A_325 = vector.shape_cast %get3A_324 : vector<16xi32> to vector<16xi32>
    %sub3A_326 = arith.constant 1 : i32
    %sub3A_327 = vector.broadcast %sub3A_326 : i32 to vector<16xi32>
    %sub3A_328 = arith.subi %get3A_325, %sub3A_327 : vector<16xi32>
    %max3A_329 = arith.maxsi %sub3A_328, %broadcast_in_dim3A_19 : vector<16xi32>
    %swap3A_330 = arith.constant 3 : i32
    %swap3A_331 = arith.constant 0 : i32
    %swap3A_332 = tpu.memref_slice %arg6[%swap3A_330, %swap3A_331] : memref<8x64xi32, #tpu.memory_space<vmem>> -> memref<1x64xi32, #tpu.memory_space<vmem>>
    %swap3A_333 = tpu.memref_squeeze %swap3A_332 : memref<1x64xi32, #tpu.memory_space<vmem>> -> memref<64xi32, #tpu.memory_space<vmem>>
    %swap3A_334 = arith.constant 16 : index
    %swap3A_335 = tpu.vector_load %swap3A_333[%swap3A_334] {strides = array<i32>} : memref<64xi32, #tpu.memory_space<vmem>>, vector<16xi32>,
    %swap3A_336 = vector.shape_cast %swap3A_335 : vector<16xi32> to vector<16xi32>
    %swap3A_337 = vector.shape_cast %max3A_329 : vector<16xi32> to vector<16xi32>
    tpu.vector_store %swap3A_333[%swap3A_334], %swap3A_337 {strides = array<i32>} : memref<64xi32, #tpu.memory_space<vmem>>, vector<16xi32>,
    %min3A_338 = arith.minsi %min3A_322, %get3A_325 : vector<16xi32>
    %get3A_339 = arith.constant 224 : index
    %get3A_340 = tpu.vector_load %arg5[%get3A_339] {strides = array<i32>} : memref<528xi32, #tpu.memory_space<vmem>>, vector<16xi32>,
    %get3A_341 = vector.shape_cast %get3A_340 : vector<16xi32> to vector<16xi32>
    %sub3A_342 = arith.constant 1 : i32
    %sub3A_343 = vector.broadcast %sub3A_342 : i32 to vector<16xi32>
    %sub3A_344 = arith.subi %get3A_341, %sub3A_343 : vector<16xi32>
    %max3A_345 = arith.maxsi %sub3A_344, %broadcast_in_dim3A_19 : vector<16xi32>
    %swap3A_346 = arith.constant 3 : i32
    %swap3A_347 = arith.constant 0 : i32
    %swap3A_348 = tpu.memref_slice %arg6[%swap3A_346, %swap3A_347] : memref<8x64xi32, #tpu.memory_space<vmem>> -> memref<1x64xi32, #tpu.memory_space<vmem>>
    %swap3A_349 = tpu.memref_squeeze %swap3A_348 : memref<1x64xi32, #tpu.memory_space<vmem>> -> memref<64xi32, #tpu.memory_space<vmem>>
    %swap3A_350 = arith.constant 32 : index
    %swap3A_351 = tpu.vector_load %swap3A_349[%swap3A_350] {strides = array<i32>} : memref<64xi32, #tpu.memory_space<vmem>>, vector<16xi32>,
    %swap3A_352 = vector.shape_cast %swap3A_351 : vector<16xi32> to vector<16xi32>
    %swap3A_353 = vector.shape_cast %max3A_345 : vector<16xi32> to vector<16xi32>
    tpu.vector_store %swap3A_349[%swap3A_350], %swap3A_353 {strides = array<i32>} : memref<64xi32, #tpu.memory_space<vmem>>, vector<16xi32>,
    %min3A_354 = arith.minsi %min3A_338, %get3A_341 : vector<16xi32>
    %get3A_355 = arith.constant 240 : index
    %get3A_356 = tpu.vector_load %arg5[%get3A_355] {strides = array<i32>} : memref<528xi32, #tpu.memory_space<vmem>>, vector<16xi32>,
    %get3A_357 = vector.shape_cast %get3A_356 : vector<16xi32> to vector<16xi32>
    %sub3A_358 = arith.constant 1 : i32
    %sub3A_359 = vector.broadcast %sub3A_358 : i32 to vector<16xi32>
    %sub3A_360 = arith.subi %get3A_357, %sub3A_359 : vector<16xi32>
    %max3A_361 = arith.maxsi %sub3A_360, %broadcast_in_dim3A_19 : vector<16xi32>
    %swap3A_362 = arith.constant 3 : i32
    %swap3A_363 = arith.constant 0 : i32
    %swap3A_364 = tpu.memref_slice %arg6[%swap3A_362, %swap3A_363] : memref<8x64xi32, #tpu.memory_space<vmem>> -> memref<1x64xi32, #tpu.memory_space<vmem>>
    %swap3A_365 = tpu.memref_squeeze %swap3A_364 : memref<1x64xi32, #tpu.memory_space<vmem>> -> memref<64xi32, #tpu.memory_space<vmem>>
    %swap3A_366 = arith.constant 48 : index
    %swap3A_367 = tpu.vector_load %swap3A_365[%swap3A_366] {strides = array<i32>} : memref<64xi32, #tpu.memory_space<vmem>>, vector<16xi32>,
    %swap3A_368 = vector.shape_cast %swap3A_367 : vector<16xi32> to vector<16xi32>
    %swap3A_369 = vector.shape_cast %max3A_361 : vector<16xi32> to vector<16xi32>
    tpu.vector_store %swap3A_365[%swap3A_366], %swap3A_369 {strides = array<i32>} : memref<64xi32, #tpu.memory_space<vmem>>, vector<16xi32>,
    %min3A_370 = arith.minsi %min3A_354, %get3A_357 : vector<16xi32>
    %xor3A_371 = arith.constant 8 : i32
    %xor3A_372 = vector.broadcast %xor3A_371 : i32 to vector<16xi32>
    %xor3A_373 = arith.xori %iota3A, %xor3A_372 : vector<16xi32>
    %broadcast_in_dim3A_374 = vector.shape_cast %xor3A_373 : vector<16xi32> to vector<16x1xi32>
    %gather3A_375 = vector.shape_cast %broadcast_in_dim3A_374 : vector<16x1xi32> to vector<16xi32>
    %gather3A_376 = tpu.dynamic_gather %min3A_370[%gather3A_375] in [0] : vector<16xi32>, vector<16xi32> -> vector<16xi32>
    %min3A_377 = arith.minsi %min3A_370, %gather3A_376 : vector<16xi32>
    %xor3A_378 = arith.constant 4 : i32
    %xor3A_379 = vector.broadcast %xor3A_378 : i32 to vector<16xi32>
    %xor3A_380 = arith.xori %iota3A, %xor3A_379 : vector<16xi32>
    %broadcast_in_dim3A_381 = vector.shape_cast %xor3A_380 : vector<16xi32> to vector<16x1xi32>
    %gather3A_382 = vector.shape_cast %broadcast_in_dim3A_381 : vector<16x1xi32> to vector<16xi32>
    %gather3A_383 = tpu.dynamic_gather %min3A_377[%gather3A_382] in [0] : vector<16xi32>, vector<16xi32> -> vector<16xi32>
    %min3A_384 = arith.minsi %min3A_377, %gather3A_383 : vector<16xi32>
    %xor3A_385 = arith.constant 2 : i32
    %xor3A_386 = vector.broadcast %xor3A_385 : i32 to vector<16xi32>
    %xor3A_387 = arith.xori %iota3A, %xor3A_386 : vector<16xi32>
    %broadcast_in_dim3A_388 = vector.shape_cast %xor3A_387 : vector<16xi32> to vector<16x1xi32>
    %gather3A_389 = vector.shape_cast %broadcast_in_dim3A_388 : vector<16x1xi32> to vector<16xi32>
    %gather3A_390 = tpu.dynamic_gather %min3A_384[%gather3A_389] in [0] : vector<16xi32>, vector<16xi32> -> vector<16xi32>
    %min3A_391 = arith.minsi %min3A_384, %gather3A_390 : vector<16xi32>
    %xor3A_392 = arith.constant 1 : i32
    %xor3A_393 = vector.broadcast %xor3A_392 : i32 to vector<16xi32>
    %xor3A_394 = arith.xori %iota3A, %xor3A_393 : vector<16xi32>
    %broadcast_in_dim3A_395 = vector.shape_cast %xor3A_394 : vector<16xi32> to vector<16x1xi32>
    %gather3A_396 = vector.shape_cast %broadcast_in_dim3A_395 : vector<16x1xi32> to vector<16xi32>
    %gather3A_397 = tpu.dynamic_gather %min3A_391[%gather3A_396] in [0] : vector<16xi32>, vector<16xi32> -> vector<16xi32>
    %min3A_398 = arith.minsi %min3A_391, %gather3A_397 : vector<16xi32>
    %slice3A_399 = vector.extract_strided_slice %min3A_398 {offsets = [0], sizes = [1], strides = [1]} : vector<16xi32> to vector<1xi32>
    %squeeze3A_400 = vector.extract %slice3A_399[0] : i32 from vector<1xi32>
    %eq3A_401 = arith.constant 0 : i32
    %eq3A_402 = arith.cmpi eq, %squeeze3A_400, %eq3A_401 : i32
    %broadcast_in_dim3A_403 = arith.constant 1 : i32
    %broadcast_in_dim3A_404 = vector.broadcast %broadcast_in_dim3A_403 : i32 to vector<16xi32>
    %get3A_405 = arith.constant 256 : index
    %get3A_406 = tpu.vector_load %arg5[%get3A_405] {strides = array<i32>} : memref<528xi32, #tpu.memory_space<vmem>>, vector<16xi32>,
    %get3A_407 = vector.shape_cast %get3A_406 : vector<16xi32> to vector<16xi32>
    %sub3A_408 = arith.constant 1 : i32
    %sub3A_409 = vector.broadcast %sub3A_408 : i32 to vector<16xi32>
    %sub3A_410 = arith.subi %get3A_407, %sub3A_409 : vector<16xi32>
    %max3A_411 = arith.maxsi %sub3A_410, %broadcast_in_dim3A_19 : vector<16xi32>
    %swap3A_412 = arith.constant 4 : i32
    %swap3A_413 = arith.constant 0 : i32
    %swap3A_414 = tpu.memref_slice %arg6[%swap3A_412, %swap3A_413] : memref<8x64xi32, #tpu.memory_space<vmem>> -> memref<1x64xi32, #tpu.memory_space<vmem>>
    %swap3A_415 = tpu.memref_squeeze %swap3A_414 : memref<1x64xi32, #tpu.memory_space<vmem>> -> memref<64xi32, #tpu.memory_space<vmem>>
    %swap3A_416 = arith.constant 0 : index
    %swap3A_417 = tpu.vector_load %swap3A_415[%swap3A_416] {strides = array<i32>} : memref<64xi32, #tpu.memory_space<vmem>>, vector<16xi32>,
    %swap3A_418 = vector.shape_cast %swap3A_417 : vector<16xi32> to vector<16xi32>
    %swap3A_419 = vector.shape_cast %max3A_411 : vector<16xi32> to vector<16xi32>
    tpu.vector_store %swap3A_415[%swap3A_416], %swap3A_419 {strides = array<i32>} : memref<64xi32, #tpu.memory_space<vmem>>, vector<16xi32>,
    %min3A_420 = arith.minsi %broadcast_in_dim3A_404, %get3A_407 : vector<16xi32>
    %get3A_421 = arith.constant 272 : index
    %get3A_422 = tpu.vector_load %arg5[%get3A_421] {strides = array<i32>} : memref<528xi32, #tpu.memory_space<vmem>>, vector<16xi32>,
    %get3A_423 = vector.shape_cast %get3A_422 : vector<16xi32> to vector<16xi32>
    %sub3A_424 = arith.constant 1 : i32
    %sub3A_425 = vector.broadcast %sub3A_424 : i32 to vector<16xi32>
    %sub3A_426 = arith.subi %get3A_423, %sub3A_425 : vector<16xi32>
    %max3A_427 = arith.maxsi %sub3A_426, %broadcast_in_dim3A_19 : vector<16xi32>
    %swap3A_428 = arith.constant 4 : i32
    %swap3A_429 = arith.constant 0 : i32
    %swap3A_430 = tpu.memref_slice %arg6[%swap3A_428, %swap3A_429] : memref<8x64xi32, #tpu.memory_space<vmem>> -> memref<1x64xi32, #tpu.memory_space<vmem>>
    %swap3A_431 = tpu.memref_squeeze %swap3A_430 : memref<1x64xi32, #tpu.memory_space<vmem>> -> memref<64xi32, #tpu.memory_space<vmem>>
    %swap3A_432 = arith.constant 16 : index
    %swap3A_433 = tpu.vector_load %swap3A_431[%swap3A_432] {strides = array<i32>} : memref<64xi32, #tpu.memory_space<vmem>>, vector<16xi32>,
    %swap3A_434 = vector.shape_cast %swap3A_433 : vector<16xi32> to vector<16xi32>
    %swap3A_435 = vector.shape_cast %max3A_427 : vector<16xi32> to vector<16xi32>
    tpu.vector_store %swap3A_431[%swap3A_432], %swap3A_435 {strides = array<i32>} : memref<64xi32, #tpu.memory_space<vmem>>, vector<16xi32>,
    %min3A_436 = arith.minsi %min3A_420, %get3A_423 : vector<16xi32>
    %get3A_437 = arith.constant 288 : index
    %get3A_438 = tpu.vector_load %arg5[%get3A_437] {strides = array<i32>} : memref<528xi32, #tpu.memory_space<vmem>>, vector<16xi32>,
    %get3A_439 = vector.shape_cast %get3A_438 : vector<16xi32> to vector<16xi32>
    %sub3A_440 = arith.constant 1 : i32
    %sub3A_441 = vector.broadcast %sub3A_440 : i32 to vector<16xi32>
    %sub3A_442 = arith.subi %get3A_439, %sub3A_441 : vector<16xi32>
    %max3A_443 = arith.maxsi %sub3A_442, %broadcast_in_dim3A_19 : vector<16xi32>
    %swap3A_444 = arith.constant 4 : i32
    %swap3A_445 = arith.constant 0 : i32
    %swap3A_446 = tpu.memref_slice %arg6[%swap3A_444, %swap3A_445] : memref<8x64xi32, #tpu.memory_space<vmem>> -> memref<1x64xi32, #tpu.memory_space<vmem>>
    %swap3A_447 = tpu.memref_squeeze %swap3A_446 : memref<1x64xi32, #tpu.memory_space<vmem>> -> memref<64xi32, #tpu.memory_space<vmem>>
    %swap3A_448 = arith.constant 32 : index
    %swap3A_449 = tpu.vector_load %swap3A_447[%swap3A_448] {strides = array<i32>} : memref<64xi32, #tpu.memory_space<vmem>>, vector<16xi32>,
    %swap3A_450 = vector.shape_cast %swap3A_449 : vector<16xi32> to vector<16xi32>
    %swap3A_451 = vector.shape_cast %max3A_443 : vector<16xi32> to vector<16xi32>
    tpu.vector_store %swap3A_447[%swap3A_448], %swap3A_451 {strides = array<i32>} : memref<64xi32, #tpu.memory_space<vmem>>, vector<16xi32>,
    %min3A_452 = arith.minsi %min3A_436, %get3A_439 : vector<16xi32>
    %get3A_453 = arith.constant 304 : index
    %get3A_454 = tpu.vector_load %arg5[%get3A_453] {strides = array<i32>} : memref<528xi32, #tpu.memory_space<vmem>>, vector<16xi32>,
    %get3A_455 = vector.shape_cast %get3A_454 : vector<16xi32> to vector<16xi32>
    %sub3A_456 = arith.constant 1 : i32
    %sub3A_457 = vector.broadcast %sub3A_456 : i32 to vector<16xi32>
    %sub3A_458 = arith.subi %get3A_455, %sub3A_457 : vector<16xi32>
    %max3A_459 = arith.maxsi %sub3A_458, %broadcast_in_dim3A_19 : vector<16xi32>
    %swap3A_460 = arith.constant 4 : i32
    %swap3A_461 = arith.constant 0 : i32
    %swap3A_462 = tpu.memref_slice %arg6[%swap3A_460, %swap3A_461] : memref<8x64xi32, #tpu.memory_space<vmem>> -> memref<1x64xi32, #tpu.memory_space<vmem>>
    %swap3A_463 = tpu.memref_squeeze %swap3A_462 : memref<1x64xi32, #tpu.memory_space<vmem>> -> memref<64xi32, #tpu.memory_space<vmem>>
    %swap3A_464 = arith.constant 48 : index
    %swap3A_465 = tpu.vector_load %swap3A_463[%swap3A_464] {strides = array<i32>} : memref<64xi32, #tpu.memory_space<vmem>>, vector<16xi32>,
    %swap3A_466 = vector.shape_cast %swap3A_465 : vector<16xi32> to vector<16xi32>
    %swap3A_467 = vector.shape_cast %max3A_459 : vector<16xi32> to vector<16xi32>
    tpu.vector_store %swap3A_463[%swap3A_464], %swap3A_467 {strides = array<i32>} : memref<64xi32, #tpu.memory_space<vmem>>, vector<16xi32>,
    %min3A_468 = arith.minsi %min3A_452, %get3A_455 : vector<16xi32>
    %xor3A_469 = arith.constant 8 : i32
    %xor3A_470 = vector.broadcast %xor3A_469 : i32 to vector<16xi32>
    %xor3A_471 = arith.xori %iota3A, %xor3A_470 : vector<16xi32>
    %broadcast_in_dim3A_472 = vector.shape_cast %xor3A_471 : vector<16xi32> to vector<16x1xi32>
    %gather3A_473 = vector.shape_cast %broadcast_in_dim3A_472 : vector<16x1xi32> to vector<16xi32>
    %gather3A_474 = tpu.dynamic_gather %min3A_468[%gather3A_473] in [0] : vector<16xi32>, vector<16xi32> -> vector<16xi32>
    %min3A_475 = arith.minsi %min3A_468, %gather3A_474 : vector<16xi32>
    %xor3A_476 = arith.constant 4 : i32
    %xor3A_477 = vector.broadcast %xor3A_476 : i32 to vector<16xi32>
    %xor3A_478 = arith.xori %iota3A, %xor3A_477 : vector<16xi32>
    %broadcast_in_dim3A_479 = vector.shape_cast %xor3A_478 : vector<16xi32> to vector<16x1xi32>
    %gather3A_480 = vector.shape_cast %broadcast_in_dim3A_479 : vector<16x1xi32> to vector<16xi32>
    %gather3A_481 = tpu.dynamic_gather %min3A_475[%gather3A_480] in [0] : vector<16xi32>, vector<16xi32> -> vector<16xi32>
    %min3A_482 = arith.minsi %min3A_475, %gather3A_481 : vector<16xi32>
    %xor3A_483 = arith.constant 2 : i32
    %xor3A_484 = vector.broadcast %xor3A_483 : i32 to vector<16xi32>
    %xor3A_485 = arith.xori %iota3A, %xor3A_484 : vector<16xi32>
    %broadcast_in_dim3A_486 = vector.shape_cast %xor3A_485 : vector<16xi32> to vector<16x1xi32>
    %gather3A_487 = vector.shape_cast %broadcast_in_dim3A_486 : vector<16x1xi32> to vector<16xi32>
    %gather3A_488 = tpu.dynamic_gather %min3A_482[%gather3A_487] in [0] : vector<16xi32>, vector<16xi32> -> vector<16xi32>
    %min3A_489 = arith.minsi %min3A_482, %gather3A_488 : vector<16xi32>
    %xor3A_490 = arith.constant 1 : i32
    %xor3A_491 = vector.broadcast %xor3A_490 : i32 to vector<16xi32>
    %xor3A_492 = arith.xori %iota3A, %xor3A_491 : vector<16xi32>
    %broadcast_in_dim3A_493 = vector.shape_cast %xor3A_492 : vector<16xi32> to vector<16x1xi32>
    %gather3A_494 = vector.shape_cast %broadcast_in_dim3A_493 : vector<16x1xi32> to vector<16xi32>
    %gather3A_495 = tpu.dynamic_gather %min3A_489[%gather3A_494] in [0] : vector<16xi32>, vector<16xi32> -> vector<16xi32>
    %min3A_496 = arith.minsi %min3A_489, %gather3A_495 : vector<16xi32>
    %slice3A_497 = vector.extract_strided_slice %min3A_496 {offsets = [0], sizes = [1], strides = [1]} : vector<16xi32> to vector<1xi32>
    %squeeze3A_498 = vector.extract %slice3A_497[0] : i32 from vector<1xi32>
    %eq3A_499 = arith.constant 0 : i32
    %eq3A_500 = arith.cmpi eq, %squeeze3A_498, %eq3A_499 : i32
    %broadcast_in_dim3A_501 = arith.constant 1 : i32
    %broadcast_in_dim3A_502 = vector.broadcast %broadcast_in_dim3A_501 : i32 to vector<16xi32>
    %get3A_503 = arith.constant 320 : index
    %get3A_504 = tpu.vector_load %arg5[%get3A_503] {strides = array<i32>} : memref<528xi32, #tpu.memory_space<vmem>>, vector<16xi32>,
    %get3A_505 = vector.shape_cast %get3A_504 : vector<16xi32> to vector<16xi32>
    %sub3A_506 = arith.constant 1 : i32
    %sub3A_507 = vector.broadcast %sub3A_506 : i32 to vector<16xi32>
    %sub3A_508 = arith.subi %get3A_505, %sub3A_507 : vector<16xi32>
    %max3A_509 = arith.maxsi %sub3A_508, %broadcast_in_dim3A_19 : vector<16xi32>
    %swap3A_510 = arith.constant 5 : i32
    %swap3A_511 = arith.constant 0 : i32
    %swap3A_512 = tpu.memref_slice %arg6[%swap3A_510, %swap3A_511] : memref<8x64xi32, #tpu.memory_space<vmem>> -> memref<1x64xi32, #tpu.memory_space<vmem>>
    %swap3A_513 = tpu.memref_squeeze %swap3A_512 : memref<1x64xi32, #tpu.memory_space<vmem>> -> memref<64xi32, #tpu.memory_space<vmem>>
    %swap3A_514 = arith.constant 0 : index
    %swap3A_515 = tpu.vector_load %swap3A_513[%swap3A_514] {strides = array<i32>} : memref<64xi32, #tpu.memory_space<vmem>>, vector<16xi32>,
    %swap3A_516 = vector.shape_cast %swap3A_515 : vector<16xi32> to vector<16xi32>
    %swap3A_517 = vector.shape_cast %max3A_509 : vector<16xi32> to vector<16xi32>
    tpu.vector_store %swap3A_513[%swap3A_514], %swap3A_517 {strides = array<i32>} : memref<64xi32, #tpu.memory_space<vmem>>, vector<16xi32>,
    %min3A_518 = arith.minsi %broadcast_in_dim3A_502, %get3A_505 : vector<16xi32>
    %get3A_519 = arith.constant 336 : index
    %get3A_520 = tpu.vector_load %arg5[%get3A_519] {strides = array<i32>} : memref<528xi32, #tpu.memory_space<vmem>>, vector<16xi32>,
    %get3A_521 = vector.shape_cast %get3A_520 : vector<16xi32> to vector<16xi32>
    %sub3A_522 = arith.constant 1 : i32
    %sub3A_523 = vector.broadcast %sub3A_522 : i32 to vector<16xi32>
    %sub3A_524 = arith.subi %get3A_521, %sub3A_523 : vector<16xi32>
    %max3A_525 = arith.maxsi %sub3A_524, %broadcast_in_dim3A_19 : vector<16xi32>
    %swap3A_526 = arith.constant 5 : i32
    %swap3A_527 = arith.constant 0 : i32
    %swap3A_528 = tpu.memref_slice %arg6[%swap3A_526, %swap3A_527] : memref<8x64xi32, #tpu.memory_space<vmem>> -> memref<1x64xi32, #tpu.memory_space<vmem>>
    %swap3A_529 = tpu.memref_squeeze %swap3A_528 : memref<1x64xi32, #tpu.memory_space<vmem>> -> memref<64xi32, #tpu.memory_space<vmem>>
    %swap3A_530 = arith.constant 16 : index
    %swap3A_531 = tpu.vector_load %swap3A_529[%swap3A_530] {strides = array<i32>} : memref<64xi32, #tpu.memory_space<vmem>>, vector<16xi32>,
    %swap3A_532 = vector.shape_cast %swap3A_531 : vector<16xi32> to vector<16xi32>
    %swap3A_533 = vector.shape_cast %max3A_525 : vector<16xi32> to vector<16xi32>
    tpu.vector_store %swap3A_529[%swap3A_530], %swap3A_533 {strides = array<i32>} : memref<64xi32, #tpu.memory_space<vmem>>, vector<16xi32>,
    %min3A_534 = arith.minsi %min3A_518, %get3A_521 : vector<16xi32>
    %get3A_535 = arith.constant 352 : index
    %get3A_536 = tpu.vector_load %arg5[%get3A_535] {strides = array<i32>} : memref<528xi32, #tpu.memory_space<vmem>>, vector<16xi32>,
    %get3A_537 = vector.shape_cast %get3A_536 : vector<16xi32> to vector<16xi32>
    %sub3A_538 = arith.constant 1 : i32
    %sub3A_539 = vector.broadcast %sub3A_538 : i32 to vector<16xi32>
    %sub3A_540 = arith.subi %get3A_537, %sub3A_539 : vector<16xi32>
    %max3A_541 = arith.maxsi %sub3A_540, %broadcast_in_dim3A_19 : vector<16xi32>
    %swap3A_542 = arith.constant 5 : i32
    %swap3A_543 = arith.constant 0 : i32
    %swap3A_544 = tpu.memref_slice %arg6[%swap3A_542, %swap3A_543] : memref<8x64xi32, #tpu.memory_space<vmem>> -> memref<1x64xi32, #tpu.memory_space<vmem>>
    %swap3A_545 = tpu.memref_squeeze %swap3A_544 : memref<1x64xi32, #tpu.memory_space<vmem>> -> memref<64xi32, #tpu.memory_space<vmem>>
    %swap3A_546 = arith.constant 32 : index
    %swap3A_547 = tpu.vector_load %swap3A_545[%swap3A_546] {strides = array<i32>} : memref<64xi32, #tpu.memory_space<vmem>>, vector<16xi32>,
    %swap3A_548 = vector.shape_cast %swap3A_547 : vector<16xi32> to vector<16xi32>
    %swap3A_549 = vector.shape_cast %max3A_541 : vector<16xi32> to vector<16xi32>
    tpu.vector_store %swap3A_545[%swap3A_546], %swap3A_549 {strides = array<i32>} : memref<64xi32, #tpu.memory_space<vmem>>, vector<16xi32>,
    %min3A_550 = arith.minsi %min3A_534, %get3A_537 : vector<16xi32>
    %get3A_551 = arith.constant 368 : index
    %get3A_552 = tpu.vector_load %arg5[%get3A_551] {strides = array<i32>} : memref<528xi32, #tpu.memory_space<vmem>>, vector<16xi32>,
    %get3A_553 = vector.shape_cast %get3A_552 : vector<16xi32> to vector<16xi32>
    %sub3A_554 = arith.constant 1 : i32
    %sub3A_555 = vector.broadcast %sub3A_554 : i32 to vector<16xi32>
    %sub3A_556 = arith.subi %get3A_553, %sub3A_555 : vector<16xi32>
    %max3A_557 = arith.maxsi %sub3A_556, %broadcast_in_dim3A_19 : vector<16xi32>
    %swap3A_558 = arith.constant 5 : i32
    %swap3A_559 = arith.constant 0 : i32
    %swap3A_560 = tpu.memref_slice %arg6[%swap3A_558, %swap3A_559] : memref<8x64xi32, #tpu.memory_space<vmem>> -> memref<1x64xi32, #tpu.memory_space<vmem>>
    %swap3A_561 = tpu.memref_squeeze %swap3A_560 : memref<1x64xi32, #tpu.memory_space<vmem>> -> memref<64xi32, #tpu.memory_space<vmem>>
    %swap3A_562 = arith.constant 48 : index
    %swap3A_563 = tpu.vector_load %swap3A_561[%swap3A_562] {strides = array<i32>} : memref<64xi32, #tpu.memory_space<vmem>>, vector<16xi32>,
    %swap3A_564 = vector.shape_cast %swap3A_563 : vector<16xi32> to vector<16xi32>
    %swap3A_565 = vector.shape_cast %max3A_557 : vector<16xi32> to vector<16xi32>
    tpu.vector_store %swap3A_561[%swap3A_562], %swap3A_565 {strides = array<i32>} : memref<64xi32, #tpu.memory_space<vmem>>, vector<16xi32>,
    %min3A_566 = arith.minsi %min3A_550, %get3A_553 : vector<16xi32>
    %xor3A_567 = arith.constant 8 : i32
    %xor3A_568 = vector.broadcast %xor3A_567 : i32 to vector<16xi32>
    %xor3A_569 = arith.xori %iota3A, %xor3A_568 : vector<16xi32>
    %broadcast_in_dim3A_570 = vector.shape_cast %xor3A_569 : vector<16xi32> to vector<16x1xi32>
    %gather3A_571 = vector.shape_cast %broadcast_in_dim3A_570 : vector<16x1xi32> to vector<16xi32>
    %gather3A_572 = tpu.dynamic_gather %min3A_566[%gather3A_571] in [0] : vector<16xi32>, vector<16xi32> -> vector<16xi32>
    %min3A_573 = arith.minsi %min3A_566, %gather3A_572 : vector<16xi32>
    %xor3A_574 = arith.constant 4 : i32
    %xor3A_575 = vector.broadcast %xor3A_574 : i32 to vector<16xi32>
    %xor3A_576 = arith.xori %iota3A, %xor3A_575 : vector<16xi32>
    %broadcast_in_dim3A_577 = vector.shape_cast %xor3A_576 : vector<16xi32> to vector<16x1xi32>
    %gather3A_578 = vector.shape_cast %broadcast_in_dim3A_577 : vector<16x1xi32> to vector<16xi32>
    %gather3A_579 = tpu.dynamic_gather %min3A_573[%gather3A_578] in [0] : vector<16xi32>, vector<16xi32> -> vector<16xi32>
    %min3A_580 = arith.minsi %min3A_573, %gather3A_579 : vector<16xi32>
    %xor3A_581 = arith.constant 2 : i32
    %xor3A_582 = vector.broadcast %xor3A_581 : i32 to vector<16xi32>
    %xor3A_583 = arith.xori %iota3A, %xor3A_582 : vector<16xi32>
    %broadcast_in_dim3A_584 = vector.shape_cast %xor3A_583 : vector<16xi32> to vector<16x1xi32>
    %gather3A_585 = vector.shape_cast %broadcast_in_dim3A_584 : vector<16x1xi32> to vector<16xi32>
    %gather3A_586 = tpu.dynamic_gather %min3A_580[%gather3A_585] in [0] : vector<16xi32>, vector<16xi32> -> vector<16xi32>
    %min3A_587 = arith.minsi %min3A_580, %gather3A_586 : vector<16xi32>
    %xor3A_588 = arith.constant 1 : i32
    %xor3A_589 = vector.broadcast %xor3A_588 : i32 to vector<16xi32>
    %xor3A_590 = arith.xori %iota3A, %xor3A_589 : vector<16xi32>
    %broadcast_in_dim3A_591 = vector.shape_cast %xor3A_590 : vector<16xi32> to vector<16x1xi32>
    %gather3A_592 = vector.shape_cast %broadcast_in_dim3A_591 : vector<16x1xi32> to vector<16xi32>
    %gather3A_593 = tpu.dynamic_gather %min3A_587[%gather3A_592] in [0] : vector<16xi32>, vector<16xi32> -> vector<16xi32>
    %min3A_594 = arith.minsi %min3A_587, %gather3A_593 : vector<16xi32>
    %slice3A_595 = vector.extract_strided_slice %min3A_594 {offsets = [0], sizes = [1], strides = [1]} : vector<16xi32> to vector<1xi32>
    %squeeze3A_596 = vector.extract %slice3A_595[0] : i32 from vector<1xi32>
    %eq3A_597 = arith.constant 0 : i32
    %eq3A_598 = arith.cmpi eq, %squeeze3A_596, %eq3A_597 : i32
    %broadcast_in_dim3A_599 = arith.constant 1 : i32
    %broadcast_in_dim3A_600 = vector.broadcast %broadcast_in_dim3A_599 : i32 to vector<16xi32>
    %get3A_601 = arith.constant 384 : index
    %get3A_602 = tpu.vector_load %arg5[%get3A_601] {strides = array<i32>} : memref<528xi32, #tpu.memory_space<vmem>>, vector<16xi32>,
    %get3A_603 = vector.shape_cast %get3A_602 : vector<16xi32> to vector<16xi32>
    %sub3A_604 = arith.constant 1 : i32
    %sub3A_605 = vector.broadcast %sub3A_604 : i32 to vector<16xi32>
    %sub3A_606 = arith.subi %get3A_603, %sub3A_605 : vector<16xi32>
    %max3A_607 = arith.maxsi %sub3A_606, %broadcast_in_dim3A_19 : vector<16xi32>
    %swap3A_608 = arith.constant 6 : i32
    %swap3A_609 = arith.constant 0 : i32
    %swap3A_610 = tpu.memref_slice %arg6[%swap3A_608, %swap3A_609] : memref<8x64xi32, #tpu.memory_space<vmem>> -> memref<1x64xi32, #tpu.memory_space<vmem>>
    %swap3A_611 = tpu.memref_squeeze %swap3A_610 : memref<1x64xi32, #tpu.memory_space<vmem>> -> memref<64xi32, #tpu.memory_space<vmem>>
    %swap3A_612 = arith.constant 0 : index
    %swap3A_613 = tpu.vector_load %swap3A_611[%swap3A_612] {strides = array<i32>} : memref<64xi32, #tpu.memory_space<vmem>>, vector<16xi32>,
    %swap3A_614 = vector.shape_cast %swap3A_613 : vector<16xi32> to vector<16xi32>
    %swap3A_615 = vector.shape_cast %max3A_607 : vector<16xi32> to vector<16xi32>
    tpu.vector_store %swap3A_611[%swap3A_612], %swap3A_615 {strides = array<i32>} : memref<64xi32, #tpu.memory_space<vmem>>, vector<16xi32>,
    %min3A_616 = arith.minsi %broadcast_in_dim3A_600, %get3A_603 : vector<16xi32>
    %get3A_617 = arith.constant 400 : index
    %get3A_618 = tpu.vector_load %arg5[%get3A_617] {strides = array<i32>} : memref<528xi32, #tpu.memory_space<vmem>>, vector<16xi32>,
    %get3A_619 = vector.shape_cast %get3A_618 : vector<16xi32> to vector<16xi32>
    %sub3A_620 = arith.constant 1 : i32
    %sub3A_621 = vector.broadcast %sub3A_620 : i32 to vector<16xi32>
    %sub3A_622 = arith.subi %get3A_619, %sub3A_621 : vector<16xi32>
    %max3A_623 = arith.maxsi %sub3A_622, %broadcast_in_dim3A_19 : vector<16xi32>
    %swap3A_624 = arith.constant 6 : i32
    %swap3A_625 = arith.constant 0 : i32
    %swap3A_626 = tpu.memref_slice %arg6[%swap3A_624, %swap3A_625] : memref<8x64xi32, #tpu.memory_space<vmem>> -> memref<1x64xi32, #tpu.memory_space<vmem>>
    %swap3A_627 = tpu.memref_squeeze %swap3A_626 : memref<1x64xi32, #tpu.memory_space<vmem>> -> memref<64xi32, #tpu.memory_space<vmem>>
    %swap3A_628 = arith.constant 16 : index
    %swap3A_629 = tpu.vector_load %swap3A_627[%swap3A_628] {strides = array<i32>} : memref<64xi32, #tpu.memory_space<vmem>>, vector<16xi32>,
    %swap3A_630 = vector.shape_cast %swap3A_629 : vector<16xi32> to vector<16xi32>
    %swap3A_631 = vector.shape_cast %max3A_623 : vector<16xi32> to vector<16xi32>
    tpu.vector_store %swap3A_627[%swap3A_628], %swap3A_631 {strides = array<i32>} : memref<64xi32, #tpu.memory_space<vmem>>, vector<16xi32>,
    %min3A_632 = arith.minsi %min3A_616, %get3A_619 : vector<16xi32>
    %get3A_633 = arith.constant 416 : index
    %get3A_634 = tpu.vector_load %arg5[%get3A_633] {strides = array<i32>} : memref<528xi32, #tpu.memory_space<vmem>>, vector<16xi32>,
    %get3A_635 = vector.shape_cast %get3A_634 : vector<16xi32> to vector<16xi32>
    %sub3A_636 = arith.constant 1 : i32
    %sub3A_637 = vector.broadcast %sub3A_636 : i32 to vector<16xi32>
    %sub3A_638 = arith.subi %get3A_635, %sub3A_637 : vector<16xi32>
    %max3A_639 = arith.maxsi %sub3A_638, %broadcast_in_dim3A_19 : vector<16xi32>
    %swap3A_640 = arith.constant 6 : i32
    %swap3A_641 = arith.constant 0 : i32
    %swap3A_642 = tpu.memref_slice %arg6[%swap3A_640, %swap3A_641] : memref<8x64xi32, #tpu.memory_space<vmem>> -> memref<1x64xi32, #tpu.memory_space<vmem>>
    %swap3A_643 = tpu.memref_squeeze %swap3A_642 : memref<1x64xi32, #tpu.memory_space<vmem>> -> memref<64xi32, #tpu.memory_space<vmem>>
    %swap3A_644 = arith.constant 32 : index
    %swap3A_645 = tpu.vector_load %swap3A_643[%swap3A_644] {strides = array<i32>} : memref<64xi32, #tpu.memory_space<vmem>>, vector<16xi32>,
    %swap3A_646 = vector.shape_cast %swap3A_645 : vector<16xi32> to vector<16xi32>
    %swap3A_647 = vector.shape_cast %max3A_639 : vector<16xi32> to vector<16xi32>
    tpu.vector_store %swap3A_643[%swap3A_644], %swap3A_647 {strides = array<i32>} : memref<64xi32, #tpu.memory_space<vmem>>, vector<16xi32>,
    %min3A_648 = arith.minsi %min3A_632, %get3A_635 : vector<16xi32>
    %get3A_649 = arith.constant 432 : index
    %get3A_650 = tpu.vector_load %arg5[%get3A_649] {strides = array<i32>} : memref<528xi32, #tpu.memory_space<vmem>>, vector<16xi32>,
    %get3A_651 = vector.shape_cast %get3A_650 : vector<16xi32> to vector<16xi32>
    %sub3A_652 = arith.constant 1 : i32
    %sub3A_653 = vector.broadcast %sub3A_652 : i32 to vector<16xi32>
    %sub3A_654 = arith.subi %get3A_651, %sub3A_653 : vector<16xi32>
    %max3A_655 = arith.maxsi %sub3A_654, %broadcast_in_dim3A_19 : vector<16xi32>
    %swap3A_656 = arith.constant 6 : i32
    %swap3A_657 = arith.constant 0 : i32
    %swap3A_658 = tpu.memref_slice %arg6[%swap3A_656, %swap3A_657] : memref<8x64xi32, #tpu.memory_space<vmem>> -> memref<1x64xi32, #tpu.memory_space<vmem>>
    %swap3A_659 = tpu.memref_squeeze %swap3A_658 : memref<1x64xi32, #tpu.memory_space<vmem>> -> memref<64xi32, #tpu.memory_space<vmem>>
    %swap3A_660 = arith.constant 48 : index
    %swap3A_661 = tpu.vector_load %swap3A_659[%swap3A_660] {strides = array<i32>} : memref<64xi32, #tpu.memory_space<vmem>>, vector<16xi32>,
    %swap3A_662 = vector.shape_cast %swap3A_661 : vector<16xi32> to vector<16xi32>
    %swap3A_663 = vector.shape_cast %max3A_655 : vector<16xi32> to vector<16xi32>
    tpu.vector_store %swap3A_659[%swap3A_660], %swap3A_663 {strides = array<i32>} : memref<64xi32, #tpu.memory_space<vmem>>, vector<16xi32>,
    %min3A_664 = arith.minsi %min3A_648, %get3A_651 : vector<16xi32>
    %xor3A_665 = arith.constant 8 : i32
    %xor3A_666 = vector.broadcast %xor3A_665 : i32 to vector<16xi32>
    %xor3A_667 = arith.xori %iota3A, %xor3A_666 : vector<16xi32>
    %broadcast_in_dim3A_668 = vector.shape_cast %xor3A_667 : vector<16xi32> to vector<16x1xi32>
    %gather3A_669 = vector.shape_cast %broadcast_in_dim3A_668 : vector<16x1xi32> to vector<16xi32>
    %gather3A_670 = tpu.dynamic_gather %min3A_664[%gather3A_669] in [0] : vector<16xi32>, vector<16xi32> -> vector<16xi32>
    %min3A_671 = arith.minsi %min3A_664, %gather3A_670 : vector<16xi32>
    %xor3A_672 = arith.constant 4 : i32
    %xor3A_673 = vector.broadcast %xor3A_672 : i32 to vector<16xi32>
    %xor3A_674 = arith.xori %iota3A, %xor3A_673 : vector<16xi32>
    %broadcast_in_dim3A_675 = vector.shape_cast %xor3A_674 : vector<16xi32> to vector<16x1xi32>
    %gather3A_676 = vector.shape_cast %broadcast_in_dim3A_675 : vector<16x1xi32> to vector<16xi32>
    %gather3A_677 = tpu.dynamic_gather %min3A_671[%gather3A_676] in [0] : vector<16xi32>, vector<16xi32> -> vector<16xi32>
    %min3A_678 = arith.minsi %min3A_671, %gather3A_677 : vector<16xi32>
    %xor3A_679 = arith.constant 2 : i32
    %xor3A_680 = vector.broadcast %xor3A_679 : i32 to vector<16xi32>
    %xor3A_681 = arith.xori %iota3A, %xor3A_680 : vector<16xi32>
    %broadcast_in_dim3A_682 = vector.shape_cast %xor3A_681 : vector<16xi32> to vector<16x1xi32>
    %gather3A_683 = vector.shape_cast %broadcast_in_dim3A_682 : vector<16x1xi32> to vector<16xi32>
    %gather3A_684 = tpu.dynamic_gather %min3A_678[%gather3A_683] in [0] : vector<16xi32>, vector<16xi32> -> vector<16xi32>
    %min3A_685 = arith.minsi %min3A_678, %gather3A_684 : vector<16xi32>
    %xor3A_686 = arith.constant 1 : i32
    %xor3A_687 = vector.broadcast %xor3A_686 : i32 to vector<16xi32>
    %xor3A_688 = arith.xori %iota3A, %xor3A_687 : vector<16xi32>
    %broadcast_in_dim3A_689 = vector.shape_cast %xor3A_688 : vector<16xi32> to vector<16x1xi32>
    %gather3A_690 = vector.shape_cast %broadcast_in_dim3A_689 : vector<16x1xi32> to vector<16xi32>
    %gather3A_691 = tpu.dynamic_gather %min3A_685[%gather3A_690] in [0] : vector<16xi32>, vector<16xi32> -> vector<16xi32>
    %min3A_692 = arith.minsi %min3A_685, %gather3A_691 : vector<16xi32>
    %slice3A_693 = vector.extract_strided_slice %min3A_692 {offsets = [0], sizes = [1], strides = [1]} : vector<16xi32> to vector<1xi32>
    %squeeze3A_694 = vector.extract %slice3A_693[0] : i32 from vector<1xi32>
    %eq3A_695 = arith.constant 0 : i32
    %eq3A_696 = arith.cmpi eq, %squeeze3A_694, %eq3A_695 : i32
    %broadcast_in_dim3A_697 = arith.constant 1 : i32
    %broadcast_in_dim3A_698 = vector.broadcast %broadcast_in_dim3A_697 : i32 to vector<16xi32>
    %get3A_699 = arith.constant 448 : index
    %get3A_700 = tpu.vector_load %arg5[%get3A_699] {strides = array<i32>} : memref<528xi32, #tpu.memory_space<vmem>>, vector<16xi32>,
    %get3A_701 = vector.shape_cast %get3A_700 : vector<16xi32> to vector<16xi32>
    %sub3A_702 = arith.constant 1 : i32
    %sub3A_703 = vector.broadcast %sub3A_702 : i32 to vector<16xi32>
    %sub3A_704 = arith.subi %get3A_701, %sub3A_703 : vector<16xi32>
    %max3A_705 = arith.maxsi %sub3A_704, %broadcast_in_dim3A_19 : vector<16xi32>
    %swap3A_706 = arith.constant 7 : i32
    %swap3A_707 = arith.constant 0 : i32
    %swap3A_708 = tpu.memref_slice %arg6[%swap3A_706, %swap3A_707] : memref<8x64xi32, #tpu.memory_space<vmem>> -> memref<1x64xi32, #tpu.memory_space<vmem>>
    %swap3A_709 = tpu.memref_squeeze %swap3A_708 : memref<1x64xi32, #tpu.memory_space<vmem>> -> memref<64xi32, #tpu.memory_space<vmem>>
    %swap3A_710 = arith.constant 0 : index
    %swap3A_711 = tpu.vector_load %swap3A_709[%swap3A_710] {strides = array<i32>} : memref<64xi32, #tpu.memory_space<vmem>>, vector<16xi32>,
    %swap3A_712 = vector.shape_cast %swap3A_711 : vector<16xi32> to vector<16xi32>
    %swap3A_713 = vector.shape_cast %max3A_705 : vector<16xi32> to vector<16xi32>
    tpu.vector_store %swap3A_709[%swap3A_710], %swap3A_713 {strides = array<i32>} : memref<64xi32, #tpu.memory_space<vmem>>, vector<16xi32>,
    %min3A_714 = arith.minsi %broadcast_in_dim3A_698, %get3A_701 : vector<16xi32>
    %get3A_715 = arith.constant 464 : index
    %get3A_716 = tpu.vector_load %arg5[%get3A_715] {strides = array<i32>} : memref<528xi32, #tpu.memory_space<vmem>>, vector<16xi32>,
    %get3A_717 = vector.shape_cast %get3A_716 : vector<16xi32> to vector<16xi32>
    %sub3A_718 = arith.constant 1 : i32
    %sub3A_719 = vector.broadcast %sub3A_718 : i32 to vector<16xi32>
    %sub3A_720 = arith.subi %get3A_717, %sub3A_719 : vector<16xi32>
    %max3A_721 = arith.maxsi %sub3A_720, %broadcast_in_dim3A_19 : vector<16xi32>
    %swap3A_722 = arith.constant 7 : i32
    %swap3A_723 = arith.constant 0 : i32
    %swap3A_724 = tpu.memref_slice %arg6[%swap3A_722, %swap3A_723] : memref<8x64xi32, #tpu.memory_space<vmem>> -> memref<1x64xi32, #tpu.memory_space<vmem>>
    %swap3A_725 = tpu.memref_squeeze %swap3A_724 : memref<1x64xi32, #tpu.memory_space<vmem>> -> memref<64xi32, #tpu.memory_space<vmem>>
    %swap3A_726 = arith.constant 16 : index
    %swap3A_727 = tpu.vector_load %swap3A_725[%swap3A_726] {strides = array<i32>} : memref<64xi32, #tpu.memory_space<vmem>>, vector<16xi32>,
    %swap3A_728 = vector.shape_cast %swap3A_727 : vector<16xi32> to vector<16xi32>
    %swap3A_729 = vector.shape_cast %max3A_721 : vector<16xi32> to vector<16xi32>
    tpu.vector_store %swap3A_725[%swap3A_726], %swap3A_729 {strides = array<i32>} : memref<64xi32, #tpu.memory_space<vmem>>, vector<16xi32>,
    %min3A_730 = arith.minsi %min3A_714, %get3A_717 : vector<16xi32>
    %get3A_731 = arith.constant 480 : index
    %get3A_732 = tpu.vector_load %arg5[%get3A_731] {strides = array<i32>} : memref<528xi32, #tpu.memory_space<vmem>>, vector<16xi32>,
    %get3A_733 = vector.shape_cast %get3A_732 : vector<16xi32> to vector<16xi32>
    %sub3A_734 = arith.constant 1 : i32
    %sub3A_735 = vector.broadcast %sub3A_734 : i32 to vector<16xi32>
    %sub3A_736 = arith.subi %get3A_733, %sub3A_735 : vector<16xi32>
    %max3A_737 = arith.maxsi %sub3A_736, %broadcast_in_dim3A_19 : vector<16xi32>
    %swap3A_738 = arith.constant 7 : i32
    %swap3A_739 = arith.constant 0 : i32
    %swap3A_740 = tpu.memref_slice %arg6[%swap3A_738, %swap3A_739] : memref<8x64xi32, #tpu.memory_space<vmem>> -> memref<1x64xi32, #tpu.memory_space<vmem>>
    %swap3A_741 = tpu.memref_squeeze %swap3A_740 : memref<1x64xi32, #tpu.memory_space<vmem>> -> memref<64xi32, #tpu.memory_space<vmem>>
    %swap3A_742 = arith.constant 32 : index
    %swap3A_743 = tpu.vector_load %swap3A_741[%swap3A_742] {strides = array<i32>} : memref<64xi32, #tpu.memory_space<vmem>>, vector<16xi32>,
    %swap3A_744 = vector.shape_cast %swap3A_743 : vector<16xi32> to vector<16xi32>
    %swap3A_745 = vector.shape_cast %max3A_737 : vector<16xi32> to vector<16xi32>
    tpu.vector_store %swap3A_741[%swap3A_742], %swap3A_745 {strides = array<i32>} : memref<64xi32, #tpu.memory_space<vmem>>, vector<16xi32>,
    %min3A_746 = arith.minsi %min3A_730, %get3A_733 : vector<16xi32>
    %get3A_747 = arith.constant 496 : index
    %get3A_748 = tpu.vector_load %arg5[%get3A_747] {strides = array<i32>} : memref<528xi32, #tpu.memory_space<vmem>>, vector<16xi32>,
    %get3A_749 = vector.shape_cast %get3A_748 : vector<16xi32> to vector<16xi32>
    %sub3A_750 = arith.constant 1 : i32
    %sub3A_751 = vector.broadcast %sub3A_750 : i32 to vector<16xi32>
    %sub3A_752 = arith.subi %get3A_749, %sub3A_751 : vector<16xi32>
    %max3A_753 = arith.maxsi %sub3A_752, %broadcast_in_dim3A_19 : vector<16xi32>
    %swap3A_754 = arith.constant 7 : i32
    %swap3A_755 = arith.constant 0 : i32
    %swap3A_756 = tpu.memref_slice %arg6[%swap3A_754, %swap3A_755] : memref<8x64xi32, #tpu.memory_space<vmem>> -> memref<1x64xi32, #tpu.memory_space<vmem>>
    %swap3A_757 = tpu.memref_squeeze %swap3A_756 : memref<1x64xi32, #tpu.memory_space<vmem>> -> memref<64xi32, #tpu.memory_space<vmem>>
    %swap3A_758 = arith.constant 48 : index
    %swap3A_759 = tpu.vector_load %swap3A_757[%swap3A_758] {strides = array<i32>} : memref<64xi32, #tpu.memory_space<vmem>>, vector<16xi32>,
    %swap3A_760 = vector.shape_cast %swap3A_759 : vector<16xi32> to vector<16xi32>
    %swap3A_761 = vector.shape_cast %max3A_753 : vector<16xi32> to vector<16xi32>
    tpu.vector_store %swap3A_757[%swap3A_758], %swap3A_761 {strides = array<i32>} : memref<64xi32, #tpu.memory_space<vmem>>, vector<16xi32>,
    %min3A_762 = arith.minsi %min3A_746, %get3A_749 : vector<16xi32>
    %xor3A_763 = arith.constant 8 : i32
    %xor3A_764 = vector.broadcast %xor3A_763 : i32 to vector<16xi32>
    %xor3A_765 = arith.xori %iota3A, %xor3A_764 : vector<16xi32>
    %broadcast_in_dim3A_766 = vector.shape_cast %xor3A_765 : vector<16xi32> to vector<16x1xi32>
    %gather3A_767 = vector.shape_cast %broadcast_in_dim3A_766 : vector<16x1xi32> to vector<16xi32>
    %gather3A_768 = tpu.dynamic_gather %min3A_762[%gather3A_767] in [0] : vector<16xi32>, vector<16xi32> -> vector<16xi32>
    %min3A_769 = arith.minsi %min3A_762, %gather3A_768 : vector<16xi32>
    %xor3A_770 = arith.constant 4 : i32
    %xor3A_771 = vector.broadcast %xor3A_770 : i32 to vector<16xi32>
    %xor3A_772 = arith.xori %iota3A, %xor3A_771 : vector<16xi32>
    %broadcast_in_dim3A_773 = vector.shape_cast %xor3A_772 : vector<16xi32> to vector<16x1xi32>
    %gather3A_774 = vector.shape_cast %broadcast_in_dim3A_773 : vector<16x1xi32> to vector<16xi32>
    %gather3A_775 = tpu.dynamic_gather %min3A_769[%gather3A_774] in [0] : vector<16xi32>, vector<16xi32> -> vector<16xi32>
    %min3A_776 = arith.minsi %min3A_769, %gather3A_775 : vector<16xi32>
    %xor3A_777 = arith.constant 2 : i32
    %xor3A_778 = vector.broadcast %xor3A_777 : i32 to vector<16xi32>
    %xor3A_779 = arith.xori %iota3A, %xor3A_778 : vector<16xi32>
    %broadcast_in_dim3A_780 = vector.shape_cast %xor3A_779 : vector<16xi32> to vector<16x1xi32>
    %gather3A_781 = vector.shape_cast %broadcast_in_dim3A_780 : vector<16x1xi32> to vector<16xi32>
    %gather3A_782 = tpu.dynamic_gather %min3A_776[%gather3A_781] in [0] : vector<16xi32>, vector<16xi32> -> vector<16xi32>
    %min3A_783 = arith.minsi %min3A_776, %gather3A_782 : vector<16xi32>
    %xor3A_784 = arith.constant 1 : i32
    %xor3A_785 = vector.broadcast %xor3A_784 : i32 to vector<16xi32>
    %xor3A_786 = arith.xori %iota3A, %xor3A_785 : vector<16xi32>
    %broadcast_in_dim3A_787 = vector.shape_cast %xor3A_786 : vector<16xi32> to vector<16x1xi32>
    %gather3A_788 = vector.shape_cast %broadcast_in_dim3A_787 : vector<16x1xi32> to vector<16xi32>
    %gather3A_789 = tpu.dynamic_gather %min3A_783[%gather3A_788] in [0] : vector<16xi32>, vector<16xi32> -> vector<16xi32>
    %min3A_790 = arith.minsi %min3A_783, %gather3A_789 : vector<16xi32>
    %slice3A_791 = vector.extract_strided_slice %min3A_790 {offsets = [0], sizes = [1], strides = [1]} : vector<16xi32> to vector<1xi32>
    %squeeze3A_792 = vector.extract %slice3A_791[0] : i32 from vector<1xi32>
    %eq3A_793 = arith.constant 0 : i32
    %eq3A_794 = arith.cmpi eq, %squeeze3A_792, %eq3A_793 : i32
    %dma_start3A = arith.constant 0 : i32
    %dma_start3A_795 = arith.constant 0 : i32
    %dma_start3A_796 = tpu.memref_slice %arg6[%dma_start3A, %dma_start3A_795] : memref<8x64xi32, #tpu.memory_space<vmem>> -> memref<1x64xi32, #tpu.memory_space<vmem>>
    %dma_start3A_797 = tpu.memref_squeeze %dma_start3A_796 : memref<1x64xi32, #tpu.memory_space<vmem>> -> memref<64xi32, #tpu.memory_space<vmem>>
    %dma_start3A_798 = arith.constant 0 : i32
    %dma_start3A_799 = arith.constant 0 : i32
    %dma_start3A_800 = tpu.memref_slice %arg2[%select_n3A, %dma_start3A_798, %dma_start3A_799] : memref<8x512x256xf32, #tpu.memory_space<hbm>> -> memref<1x512x256xf32, #tpu.memory_space<hbm>>
    %dma_start3A_801 = tpu.memref_squeeze %dma_start3A_800 : memref<1x512x256xf32, #tpu.memory_space<hbm>> -> memref<512x256xf32, #tpu.memory_space<hbm>>
    %dma_start3A_802 = arith.constant 0 : i32
    %dma_start3A_803 = arith.constant 0 : i32
    %dma_start3A_804 = tpu.memref_slice %dma_start3A_801[%dma_start3A_802, %dma_start3A_803] : memref<512x256xf32, #tpu.memory_space<hbm>> -> memref<512x256xf32, #tpu.memory_space<hbm>>
    tpu.enqueue_indirect_dma source(%dma_start3A_804 : memref<512x256xf32, #tpu.memory_space<hbm>>) target(%arg7 : memref<64x256xf32, #tpu.memory_space<vmem>>) offsets(%dma_start3A_797 : memref<64xi32, #tpu.memory_space<vmem>>) semaphore(%arg13 : memref<!tpu.dma_semaphore, #tpu.memory_space<semaphore_mem>>)
    %dma_start3A_805 = arith.constant 1 : i32
    %dma_start3A_806 = arith.constant 0 : i32
    %dma_start3A_807 = tpu.memref_slice %arg6[%dma_start3A_805, %dma_start3A_806] : memref<8x64xi32, #tpu.memory_space<vmem>> -> memref<1x64xi32, #tpu.memory_space<vmem>>
    %dma_start3A_808 = tpu.memref_squeeze %dma_start3A_807 : memref<1x64xi32, #tpu.memory_space<vmem>> -> memref<64xi32, #tpu.memory_space<vmem>>
    %dma_start3A_809 = arith.constant 0 : i32
    %dma_start3A_810 = arith.constant 0 : i32
    %dma_start3A_811 = tpu.memref_slice %arg2[%select_n3A, %dma_start3A_809, %dma_start3A_810] : memref<8x512x256xf32, #tpu.memory_space<hbm>> -> memref<1x512x256xf32, #tpu.memory_space<hbm>>
    %dma_start3A_812 = tpu.memref_squeeze %dma_start3A_811 : memref<1x512x256xf32, #tpu.memory_space<hbm>> -> memref<512x256xf32, #tpu.memory_space<hbm>>
    %dma_start3A_813 = arith.constant 0 : i32
    %dma_start3A_814 = arith.constant 0 : i32
    %dma_start3A_815 = tpu.memref_slice %dma_start3A_812[%dma_start3A_813, %dma_start3A_814] : memref<512x256xf32, #tpu.memory_space<hbm>> -> memref<512x256xf32, #tpu.memory_space<hbm>>
    tpu.enqueue_indirect_dma source(%dma_start3A_815 : memref<512x256xf32, #tpu.memory_space<hbm>>) target(%arg8 : memref<64x256xf32, #tpu.memory_space<vmem>>) offsets(%dma_start3A_808 : memref<64xi32, #tpu.memory_space<vmem>>) semaphore(%arg14 : memref<!tpu.dma_semaphore, #tpu.memory_space<semaphore_mem>>)
    %dma_start3A_816 = arith.constant 2 : i32
    %dma_start3A_817 = arith.constant 0 : i32
    %dma_start3A_818 = tpu.memref_slice %arg6[%dma_start3A_816, %dma_start3A_817] : memref<8x64xi32, #tpu.memory_space<vmem>> -> memref<1x64xi32, #tpu.memory_space<vmem>>
    %dma_start3A_819 = tpu.memref_squeeze %dma_start3A_818 : memref<1x64xi32, #tpu.memory_space<vmem>> -> memref<64xi32, #tpu.memory_space<vmem>>
    %dma_start3A_820 = arith.constant 0 : i32
    %dma_start3A_821 = arith.constant 0 : i32
    %dma_start3A_822 = tpu.memref_slice %arg2[%select_n3A, %dma_start3A_820, %dma_start3A_821] : memref<8x512x256xf32, #tpu.memory_space<hbm>> -> memref<1x512x256xf32, #tpu.memory_space<hbm>>
    %dma_start3A_823 = tpu.memref_squeeze %dma_start3A_822 : memref<1x512x256xf32, #tpu.memory_space<hbm>> -> memref<512x256xf32, #tpu.memory_space<hbm>>
    %dma_start3A_824 = arith.constant 0 : i32
    %dma_start3A_825 = arith.constant 0 : i32
    %dma_start3A_826 = tpu.memref_slice %dma_start3A_823[%dma_start3A_824, %dma_start3A_825] : memref<512x256xf32, #tpu.memory_space<hbm>> -> memref<512x256xf32, #tpu.memory_space<hbm>>
    tpu.enqueue_indirect_dma source(%dma_start3A_826 : memref<512x256xf32, #tpu.memory_space<hbm>>) target(%arg9 : memref<64x256xf32, #tpu.memory_space<vmem>>) offsets(%dma_start3A_819 : memref<64xi32, #tpu.memory_space<vmem>>) semaphore(%arg15 : memref<!tpu.dma_semaphore, #tpu.memory_space<semaphore_mem>>)
    %dma_start3A_827 = arith.constant 3 : i32
    %dma_start3A_828 = arith.constant 0 : i32
    %dma_start3A_829 = tpu.memref_slice %arg6[%dma_start3A_827, %dma_start3A_828] : memref<8x64xi32, #tpu.memory_space<vmem>> -> memref<1x64xi32, #tpu.memory_space<vmem>>
    %dma_start3A_830 = tpu.memref_squeeze %dma_start3A_829 : memref<1x64xi32, #tpu.memory_space<vmem>> -> memref<64xi32, #tpu.memory_space<vmem>>
    %dma_start3A_831 = arith.constant 0 : i32
    %dma_start3A_832 = arith.constant 0 : i32
    %dma_start3A_833 = tpu.memref_slice %arg2[%select_n3A, %dma_start3A_831, %dma_start3A_832] : memref<8x512x256xf32, #tpu.memory_space<hbm>> -> memref<1x512x256xf32, #tpu.memory_space<hbm>>
    %dma_start3A_834 = tpu.memref_squeeze %dma_start3A_833 : memref<1x512x256xf32, #tpu.memory_space<hbm>> -> memref<512x256xf32, #tpu.memory_space<hbm>>
    %dma_start3A_835 = arith.constant 0 : i32
    %dma_start3A_836 = arith.constant 0 : i32
    %dma_start3A_837 = tpu.memref_slice %dma_start3A_834[%dma_start3A_835, %dma_start3A_836] : memref<512x256xf32, #tpu.memory_space<hbm>> -> memref<512x256xf32, #tpu.memory_space<hbm>>
    tpu.enqueue_indirect_dma source(%dma_start3A_837 : memref<512x256xf32, #tpu.memory_space<hbm>>) target(%arg10 : memref<64x256xf32, #tpu.memory_space<vmem>>) offsets(%dma_start3A_830 : memref<64xi32, #tpu.memory_space<vmem>>) semaphore(%arg16 : memref<!tpu.dma_semaphore, #tpu.memory_space<semaphore_mem>>)
    %dma_start3A_838 = arith.constant 4 : i32
    %dma_start3A_839 = arith.constant 0 : i32
    %dma_start3A_840 = tpu.memref_slice %arg6[%dma_start3A_838, %dma_start3A_839] : memref<8x64xi32, #tpu.memory_space<vmem>> -> memref<1x64xi32, #tpu.memory_space<vmem>>
    %dma_start3A_841 = tpu.memref_squeeze %dma_start3A_840 : memref<1x64xi32, #tpu.memory_space<vmem>> -> memref<64xi32, #tpu.memory_space<vmem>>
    %dma_start3A_842 = arith.constant 0 : i32
    %dma_start3A_843 = arith.constant 0 : i32
    %dma_start3A_844 = tpu.memref_slice %arg2[%select_n3A, %dma_start3A_842, %dma_start3A_843] : memref<8x512x256xf32, #tpu.memory_space<hbm>> -> memref<1x512x256xf32, #tpu.memory_space<hbm>>
    %dma_start3A_845 = tpu.memref_squeeze %dma_start3A_844 : memref<1x512x256xf32, #tpu.memory_space<hbm>> -> memref<512x256xf32, #tpu.memory_space<hbm>>
    %dma_start3A_846 = arith.constant 0 : i32
    %dma_start3A_847 = arith.constant 0 : i32
    %dma_start3A_848 = tpu.memref_slice %dma_start3A_845[%dma_start3A_846, %dma_start3A_847] : memref<512x256xf32, #tpu.memory_space<hbm>> -> memref<512x256xf32, #tpu.memory_space<hbm>>
    tpu.enqueue_indirect_dma source(%dma_start3A_848 : memref<512x256xf32, #tpu.memory_space<hbm>>) target(%arg11 : memref<64x256xf32, #tpu.memory_space<vmem>>) offsets(%dma_start3A_841 : memref<64xi32, #tpu.memory_space<vmem>>) semaphore(%arg17 : memref<!tpu.dma_semaphore, #tpu.memory_space<semaphore_mem>>)
    %dma_start3A_849 = arith.constant 5 : i32
    %dma_start3A_850 = arith.constant 0 : i32
    %dma_start3A_851 = tpu.memref_slice %arg6[%dma_start3A_849, %dma_start3A_850] : memref<8x64xi32, #tpu.memory_space<vmem>> -> memref<1x64xi32, #tpu.memory_space<vmem>>
    %dma_start3A_852 = tpu.memref_squeeze %dma_start3A_851 : memref<1x64xi32, #tpu.memory_space<vmem>> -> memref<64xi32, #tpu.memory_space<vmem>>
    %dma_start3A_853 = arith.constant 0 : i32
    %dma_start3A_854 = arith.constant 0 : i32
    %dma_start3A_855 = tpu.memref_slice %arg2[%select_n3A, %dma_start3A_853, %dma_start3A_854] : memref<8x512x256xf32, #tpu.memory_space<hbm>> -> memref<1x512x256xf32, #tpu.memory_space<hbm>>
    %dma_start3A_856 = tpu.memref_squeeze %dma_start3A_855 : memref<1x512x256xf32, #tpu.memory_space<hbm>> -> memref<512x256xf32, #tpu.memory_space<hbm>>
    %dma_start3A_857 = arith.constant 0 : i32
    %dma_start3A_858 = arith.constant 0 : i32
    %dma_start3A_859 = tpu.memref_slice %dma_start3A_856[%dma_start3A_857, %dma_start3A_858] : memref<512x256xf32, #tpu.memory_space<hbm>> -> memref<512x256xf32, #tpu.memory_space<hbm>>
    tpu.enqueue_indirect_dma source(%dma_start3A_859 : memref<512x256xf32, #tpu.memory_space<hbm>>) target(%arg12 : memref<64x256xf32, #tpu.memory_space<vmem>>) offsets(%dma_start3A_852 : memref<64xi32, #tpu.memory_space<vmem>>) semaphore(%arg18 : memref<!tpu.dma_semaphore, #tpu.memory_space<semaphore_mem>>)
    %broadcast_in_dim3A_860 = arith.constant 0.000000e+00 : f32
    %broadcast_in_dim3A_861 = vector.broadcast %broadcast_in_dim3A_860 : f32 to vector<16xf32>
    %dma_wait3A = arith.constant 0 : i32
    %dma_wait3A_862 = arith.constant 0 : i32
    %dma_wait3A_863 = tpu.memref_slice %arg6[%dma_wait3A, %dma_wait3A_862] : memref<8x64xi32, #tpu.memory_space<vmem>> -> memref<1x64xi32, #tpu.memory_space<vmem>>
    %dma_wait3A_864 = tpu.memref_squeeze %dma_wait3A_863 : memref<1x64xi32, #tpu.memory_space<vmem>> -> memref<64xi32, #tpu.memory_space<vmem>>
    %dma_wait3A_865 = arith.constant 0 : i32
    %dma_wait3A_866 = arith.constant 0 : i32
    %dma_wait3A_867 = tpu.memref_slice %arg2[%select_n3A, %dma_wait3A_865, %dma_wait3A_866] : memref<8x512x256xf32, #tpu.memory_space<hbm>> -> memref<1x512x256xf32, #tpu.memory_space<hbm>>
    %dma_wait3A_868 = tpu.memref_squeeze %dma_wait3A_867 : memref<1x512x256xf32, #tpu.memory_space<hbm>> -> memref<512x256xf32, #tpu.memory_space<hbm>>
    %dma_wait3A_869 = arith.constant 0 : i32
    %dma_wait3A_870 = arith.constant 0 : i32
    %dma_wait3A_871 = tpu.memref_slice %dma_wait3A_868[%dma_wait3A_869, %dma_wait3A_870] : memref<512x256xf32, #tpu.memory_space<hbm>> -> memref<512x256xf32, #tpu.memory_space<hbm>>
    tpu.wait_indirect_dma semaphore(%arg13 : memref<!tpu.dma_semaphore, #tpu.memory_space<semaphore_mem>>) src(%dma_wait3A_871 : memref<512x256xf32, #tpu.memory_space<hbm>>) dst(%arg7 : memref<64x256xf32, #tpu.memory_space<vmem>>)
    %convert_element_type3A = arith.extui %eq3A_108 : i1 to i32
    %cond3A = arith.constant 0 : i32
    %cond3A_872 = arith.cmpi ne, %convert_element_type3A, %cond3A : i32
    scf.if %cond3A_872 {
      %scan3A = arith.constant 0 : i32
      %scan3A_1073 = arith.constant 0 : i32
      %scan3A_1074 = arith.constant 64 : i32
      %scan3A_1075 = arith.addi %scan3A_1073, %scan3A_1074 : i32
      %scan3A_1076 = arith.constant 1 : i32
      scf.for %scan3A_1078 = %scan3A_1073 to %scan3A_1075 step %scan3A_1076  : i32 {
        %add3A_1079 = arith.constant 0 : i32
        %add3A_1080 = arith.addi %add3A_1079, %scan3A_1078 : i32
        %get3A_1081 = arith.index_cast %add3A_1080 : i32 to index
        %get3A_1082 = tpu.vector_load %arg5[%get3A_1081] {strides = array<i32>} : memref<528xi32, #tpu.memory_space<vmem>>, vector<16xi32>,
        %get3A_1083 = vector.shape_cast %get3A_1082 : vector<16xi32> to vector<16xi32>
        %slice3A_1084 = vector.extract_strided_slice %get3A_1083 {offsets = [0], sizes = [1], strides = [1]} : vector<16xi32> to vector<1xi32>
        %squeeze3A_1085 = vector.extract %slice3A_1084[0] : i32 from vector<1xi32>
        %eq3A_1086 = arith.constant 0 : i32
        %eq3A_1087 = arith.cmpi eq, %squeeze3A_1085, %eq3A_1086 : i32
        %convert_element_type3A_1088 = arith.extui %eq3A_1087 : i1 to i32
        %cond3A_1089 = arith.constant 0 : i32
        %cond3A_1090 = arith.cmpi ne, %convert_element_type3A_1088, %cond3A_1089 : i32
        scf.if %cond3A_1090 {
          %swap3A_1091 = arith.constant 0 : i32
          %swap3A_1092 = tpu.memref_slice %arg7[%scan3A_1078, %swap3A_1091] : memref<64x256xf32, #tpu.memory_space<vmem>> -> memref<1x256xf32, #tpu.memory_space<vmem>>
          %swap3A_1093 = tpu.memref_squeeze %swap3A_1092 : memref<1x256xf32, #tpu.memory_space<vmem>> -> memref<256xf32, #tpu.memory_space<vmem>>
          %swap3A_1094 = arith.constant 0 : index
          %swap3A_1095 = tpu.vector_load %swap3A_1093[%swap3A_1094] {strides = array<i32>} : memref<256xf32, #tpu.memory_space<vmem>>, vector<16xf32>,
          %swap3A_1096 = vector.shape_cast %swap3A_1095 : vector<16xf32> to vector<16xf32>
          %swap3A_1097 = vector.shape_cast %broadcast_in_dim3A_861 : vector<16xf32> to vector<16xf32>
          tpu.vector_store %swap3A_1093[%swap3A_1094], %swap3A_1097 {strides = array<i32>} : memref<256xf32, #tpu.memory_space<vmem>>, vector<16xf32>,
          %swap3A_1098 = arith.constant 0 : i32
          %swap3A_1099 = tpu.memref_slice %arg7[%scan3A_1078, %swap3A_1098] : memref<64x256xf32, #tpu.memory_space<vmem>> -> memref<1x256xf32, #tpu.memory_space<vmem>>
          %swap3A_1100 = tpu.memref_squeeze %swap3A_1099 : memref<1x256xf32, #tpu.memory_space<vmem>> -> memref<256xf32, #tpu.memory_space<vmem>>
          %swap3A_1101 = arith.constant 16 : index
          %swap3A_1102 = tpu.vector_load %swap3A_1100[%swap3A_1101] {strides = array<i32>} : memref<256xf32, #tpu.memory_space<vmem>>, vector<16xf32>,
          %swap3A_1103 = vector.shape_cast %swap3A_1102 : vector<16xf32> to vector<16xf32>
          %swap3A_1104 = vector.shape_cast %broadcast_in_dim3A_861 : vector<16xf32> to vector<16xf32>
          tpu.vector_store %swap3A_1100[%swap3A_1101], %swap3A_1104 {strides = array<i32>} : memref<256xf32, #tpu.memory_space<vmem>>, vector<16xf32>,
          %swap3A_1105 = arith.constant 0 : i32
          %swap3A_1106 = tpu.memref_slice %arg7[%scan3A_1078, %swap3A_1105] : memref<64x256xf32, #tpu.memory_space<vmem>> -> memref<1x256xf32, #tpu.memory_space<vmem>>
          %swap3A_1107 = tpu.memref_squeeze %swap3A_1106 : memref<1x256xf32, #tpu.memory_space<vmem>> -> memref<256xf32, #tpu.memory_space<vmem>>
          %swap3A_1108 = arith.constant 32 : index
          %swap3A_1109 = tpu.vector_load %swap3A_1107[%swap3A_1108] {strides = array<i32>} : memref<256xf32, #tpu.memory_space<vmem>>, vector<16xf32>,
          %swap3A_1110 = vector.shape_cast %swap3A_1109 : vector<16xf32> to vector<16xf32>
          %swap3A_1111 = vector.shape_cast %broadcast_in_dim3A_861 : vector<16xf32> to vector<16xf32>
          tpu.vector_store %swap3A_1107[%swap3A_1108], %swap3A_1111 {strides = array<i32>} : memref<256xf32, #tpu.memory_space<vmem>>, vector<16xf32>,
          %swap3A_1112 = arith.constant 0 : i32
          %swap3A_1113 = tpu.memref_slice %arg7[%scan3A_1078, %swap3A_1112] : memref<64x256xf32, #tpu.memory_space<vmem>> -> memref<1x256xf32, #tpu.memory_space<vmem>>
          %swap3A_1114 = tpu.memref_squeeze %swap3A_1113 : memref<1x256xf32, #tpu.memory_space<vmem>> -> memref<256xf32, #tpu.memory_space<vmem>>
          %swap3A_1115 = arith.constant 48 : index
          %swap3A_1116 = tpu.vector_load %swap3A_1114[%swap3A_1115] {strides = array<i32>} : memref<256xf32, #tpu.memory_space<vmem>>, vector<16xf32>,
          %swap3A_1117 = vector.shape_cast %swap3A_1116 : vector<16xf32> to vector<16xf32>
          %swap3A_1118 = vector.shape_cast %broadcast_in_dim3A_861 : vector<16xf32> to vector<16xf32>
          tpu.vector_store %swap3A_1114[%swap3A_1115], %swap3A_1118 {strides = array<i32>} : memref<256xf32, #tpu.memory_space<vmem>>, vector<16xf32>,
          %swap3A_1119 = arith.constant 0 : i32
          %swap3A_1120 = tpu.memref_slice %arg7[%scan3A_1078, %swap3A_1119] : memref<64x256xf32, #tpu.memory_space<vmem>> -> memref<1x256xf32, #tpu.memory_space<vmem>>
          %swap3A_1121 = tpu.memref_squeeze %swap3A_1120 : memref<1x256xf32, #tpu.memory_space<vmem>> -> memref<256xf32, #tpu.memory_space<vmem>>
          %swap3A_1122 = arith.constant 64 : index
          %swap3A_1123 = tpu.vector_load %swap3A_1121[%swap3A_1122] {strides = array<i32>} : memref<256xf32, #tpu.memory_space<vmem>>, vector<16xf32>,
          %swap3A_1124 = vector.shape_cast %swap3A_1123 : vector<16xf32> to vector<16xf32>
          %swap3A_1125 = vector.shape_cast %broadcast_in_dim3A_861 : vector<16xf32> to vector<16xf32>
          tpu.vector_store %swap3A_1121[%swap3A_1122], %swap3A_1125 {strides = array<i32>} : memref<256xf32, #tpu.memory_space<vmem>>, vector<16xf32>,
          %swap3A_1126 = arith.constant 0 : i32
          %swap3A_1127 = tpu.memref_slice %arg7[%scan3A_1078, %swap3A_1126] : memref<64x256xf32, #tpu.memory_space<vmem>> -> memref<1x256xf32, #tpu.memory_space<vmem>>
          %swap3A_1128 = tpu.memref_squeeze %swap3A_1127 : memref<1x256xf32, #tpu.memory_space<vmem>> -> memref<256xf32, #tpu.memory_space<vmem>>
          %swap3A_1129 = arith.constant 80 : index
          %swap3A_1130 = tpu.vector_load %swap3A_1128[%swap3A_1129] {strides = array<i32>} : memref<256xf32, #tpu.memory_space<vmem>>, vector<16xf32>,
          %swap3A_1131 = vector.shape_cast %swap3A_1130 : vector<16xf32> to vector<16xf32>
          %swap3A_1132 = vector.shape_cast %broadcast_in_dim3A_861 : vector<16xf32> to vector<16xf32>
          tpu.vector_store %swap3A_1128[%swap3A_1129], %swap3A_1132 {strides = array<i32>} : memref<256xf32, #tpu.memory_space<vmem>>, vector<16xf32>,
          %swap3A_1133 = arith.constant 0 : i32
          %swap3A_1134 = tpu.memref_slice %arg7[%scan3A_1078, %swap3A_1133] : memref<64x256xf32, #tpu.memory_space<vmem>> -> memref<1x256xf32, #tpu.memory_space<vmem>>
          %swap3A_1135 = tpu.memref_squeeze %swap3A_1134 : memref<1x256xf32, #tpu.memory_space<vmem>> -> memref<256xf32, #tpu.memory_space<vmem>>
          %swap3A_1136 = arith.constant 96 : index
          %swap3A_1137 = tpu.vector_load %swap3A_1135[%swap3A_1136] {strides = array<i32>} : memref<256xf32, #tpu.memory_space<vmem>>, vector<16xf32>,
          %swap3A_1138 = vector.shape_cast %swap3A_1137 : vector<16xf32> to vector<16xf32>
          %swap3A_1139 = vector.shape_cast %broadcast_in_dim3A_861 : vector<16xf32> to vector<16xf32>
          tpu.vector_store %swap3A_1135[%swap3A_1136], %swap3A_1139 {strides = array<i32>} : memref<256xf32, #tpu.memory_space<vmem>>, vector<16xf32>,
          %swap3A_1140 = arith.constant 0 : i32
          %swap3A_1141 = tpu.memref_slice %arg7[%scan3A_1078, %swap3A_1140] : memref<64x256xf32, #tpu.memory_space<vmem>> -> memref<1x256xf32, #tpu.memory_space<vmem>>
          %swap3A_1142 = tpu.memref_squeeze %swap3A_1141 : memref<1x256xf32, #tpu.memory_space<vmem>> -> memref<256xf32, #tpu.memory_space<vmem>>
          %swap3A_1143 = arith.constant 112 : index
          %swap3A_1144 = tpu.vector_load %swap3A_1142[%swap3A_1143] {strides = array<i32>} : memref<256xf32, #tpu.memory_space<vmem>>, vector<16xf32>,
          %swap3A_1145 = vector.shape_cast %swap3A_1144 : vector<16xf32> to vector<16xf32>
          %swap3A_1146 = vector.shape_cast %broadcast_in_dim3A_861 : vector<16xf32> to vector<16xf32>
          tpu.vector_store %swap3A_1142[%swap3A_1143], %swap3A_1146 {strides = array<i32>} : memref<256xf32, #tpu.memory_space<vmem>>, vector<16xf32>,
          %swap3A_1147 = arith.constant 0 : i32
          %swap3A_1148 = tpu.memref_slice %arg7[%scan3A_1078, %swap3A_1147] : memref<64x256xf32, #tpu.memory_space<vmem>> -> memref<1x256xf32, #tpu.memory_space<vmem>>
          %swap3A_1149 = tpu.memref_squeeze %swap3A_1148 : memref<1x256xf32, #tpu.memory_space<vmem>> -> memref<256xf32, #tpu.memory_space<vmem>>
          %swap3A_1150 = arith.constant 128 : index
          %swap3A_1151 = tpu.vector_load %swap3A_1149[%swap3A_1150] {strides = array<i32>} : memref<256xf32, #tpu.memory_space<vmem>>, vector<16xf32>,
          %swap3A_1152 = vector.shape_cast %swap3A_1151 : vector<16xf32> to vector<16xf32>
          %swap3A_1153 = vector.shape_cast %broadcast_in_dim3A_861 : vector<16xf32> to vector<16xf32>
          tpu.vector_store %swap3A_1149[%swap3A_1150], %swap3A_1153 {strides = array<i32>} : memref<256xf32, #tpu.memory_space<vmem>>, vector<16xf32>,
          %swap3A_1154 = arith.constant 0 : i32
          %swap3A_1155 = tpu.memref_slice %arg7[%scan3A_1078, %swap3A_1154] : memref<64x256xf32, #tpu.memory_space<vmem>> -> memref<1x256xf32, #tpu.memory_space<vmem>>
          %swap3A_1156 = tpu.memref_squeeze %swap3A_1155 : memref<1x256xf32, #tpu.memory_space<vmem>> -> memref<256xf32, #tpu.memory_space<vmem>>
          %swap3A_1157 = arith.constant 144 : index
          %swap3A_1158 = tpu.vector_load %swap3A_1156[%swap3A_1157] {strides = array<i32>} : memref<256xf32, #tpu.memory_space<vmem>>, vector<16xf32>,
          %swap3A_1159 = vector.shape_cast %swap3A_1158 : vector<16xf32> to vector<16xf32>
          %swap3A_1160 = vector.shape_cast %broadcast_in_dim3A_861 : vector<16xf32> to vector<16xf32>
          tpu.vector_store %swap3A_1156[%swap3A_1157], %swap3A_1160 {strides = array<i32>} : memref<256xf32, #tpu.memory_space<vmem>>, vector<16xf32>,
          %swap3A_1161 = arith.constant 0 : i32
          %swap3A_1162 = tpu.memref_slice %arg7[%scan3A_1078, %swap3A_1161] : memref<64x256xf32, #tpu.memory_space<vmem>> -> memref<1x256xf32, #tpu.memory_space<vmem>>
          %swap3A_1163 = tpu.memref_squeeze %swap3A_1162 : memref<1x256xf32, #tpu.memory_space<vmem>> -> memref<256xf32, #tpu.memory_space<vmem>>
          %swap3A_1164 = arith.constant 160 : index
          %swap3A_1165 = tpu.vector_load %swap3A_1163[%swap3A_1164] {strides = array<i32>} : memref<256xf32, #tpu.memory_space<vmem>>, vector<16xf32>,
          %swap3A_1166 = vector.shape_cast %swap3A_1165 : vector<16xf32> to vector<16xf32>
          %swap3A_1167 = vector.shape_cast %broadcast_in_dim3A_861 : vector<16xf32> to vector<16xf32>
          tpu.vector_store %swap3A_1163[%swap3A_1164], %swap3A_1167 {strides = array<i32>} : memref<256xf32, #tpu.memory_space<vmem>>, vector<16xf32>,
          %swap3A_1168 = arith.constant 0 : i32
          %swap3A_1169 = tpu.memref_slice %arg7[%scan3A_1078, %swap3A_1168] : memref<64x256xf32, #tpu.memory_space<vmem>> -> memref<1x256xf32, #tpu.memory_space<vmem>>
          %swap3A_1170 = tpu.memref_squeeze %swap3A_1169 : memref<1x256xf32, #tpu.memory_space<vmem>> -> memref<256xf32, #tpu.memory_space<vmem>>
          %swap3A_1171 = arith.constant 176 : index
          %swap3A_1172 = tpu.vector_load %swap3A_1170[%swap3A_1171] {strides = array<i32>} : memref<256xf32, #tpu.memory_space<vmem>>, vector<16xf32>,
          %swap3A_1173 = vector.shape_cast %swap3A_1172 : vector<16xf32> to vector<16xf32>
          %swap3A_1174 = vector.shape_cast %broadcast_in_dim3A_861 : vector<16xf32> to vector<16xf32>
          tpu.vector_store %swap3A_1170[%swap3A_1171], %swap3A_1174 {strides = array<i32>} : memref<256xf32, #tpu.memory_space<vmem>>, vector<16xf32>,
          %swap3A_1175 = arith.constant 0 : i32
          %swap3A_1176 = tpu.memref_slice %arg7[%scan3A_1078, %swap3A_1175] : memref<64x256xf32, #tpu.memory_space<vmem>> -> memref<1x256xf32, #tpu.memory_space<vmem>>
          %swap3A_1177 = tpu.memref_squeeze %swap3A_1176 : memref<1x256xf32, #tpu.memory_space<vmem>> -> memref<256xf32, #tpu.memory_space<vmem>>
          %swap3A_1178 = arith.constant 192 : index
          %swap3A_1179 = tpu.vector_load %swap3A_1177[%swap3A_1178] {strides = array<i32>} : memref<256xf32, #tpu.memory_space<vmem>>, vector<16xf32>,
          %swap3A_1180 = vector.shape_cast %swap3A_1179 : vector<16xf32> to vector<16xf32>
          %swap3A_1181 = vector.shape_cast %broadcast_in_dim3A_861 : vector<16xf32> to vector<16xf32>
          tpu.vector_store %swap3A_1177[%swap3A_1178], %swap3A_1181 {strides = array<i32>} : memref<256xf32, #tpu.memory_space<vmem>>, vector<16xf32>,
          %swap3A_1182 = arith.constant 0 : i32
          %swap3A_1183 = tpu.memref_slice %arg7[%scan3A_1078, %swap3A_1182] : memref<64x256xf32, #tpu.memory_space<vmem>> -> memref<1x256xf32, #tpu.memory_space<vmem>>
          %swap3A_1184 = tpu.memref_squeeze %swap3A_1183 : memref<1x256xf32, #tpu.memory_space<vmem>> -> memref<256xf32, #tpu.memory_space<vmem>>
          %swap3A_1185 = arith.constant 208 : index
          %swap3A_1186 = tpu.vector_load %swap3A_1184[%swap3A_1185] {strides = array<i32>} : memref<256xf32, #tpu.memory_space<vmem>>, vector<16xf32>,
          %swap3A_1187 = vector.shape_cast %swap3A_1186 : vector<16xf32> to vector<16xf32>
          %swap3A_1188 = vector.shape_cast %broadcast_in_dim3A_861 : vector<16xf32> to vector<16xf32>
          tpu.vector_store %swap3A_1184[%swap3A_1185], %swap3A_1188 {strides = array<i32>} : memref<256xf32, #tpu.memory_space<vmem>>, vector<16xf32>,
          %swap3A_1189 = arith.constant 0 : i32
          %swap3A_1190 = tpu.memref_slice %arg7[%scan3A_1078, %swap3A_1189] : memref<64x256xf32, #tpu.memory_space<vmem>> -> memref<1x256xf32, #tpu.memory_space<vmem>>
          %swap3A_1191 = tpu.memref_squeeze %swap3A_1190 : memref<1x256xf32, #tpu.memory_space<vmem>> -> memref<256xf32, #tpu.memory_space<vmem>>
          %swap3A_1192 = arith.constant 224 : index
          %swap3A_1193 = tpu.vector_load %swap3A_1191[%swap3A_1192] {strides = array<i32>} : memref<256xf32, #tpu.memory_space<vmem>>, vector<16xf32>,
          %swap3A_1194 = vector.shape_cast %swap3A_1193 : vector<16xf32> to vector<16xf32>
          %swap3A_1195 = vector.shape_cast %broadcast_in_dim3A_861 : vector<16xf32> to vector<16xf32>
          tpu.vector_store %swap3A_1191[%swap3A_1192], %swap3A_1195 {strides = array<i32>} : memref<256xf32, #tpu.memory_space<vmem>>, vector<16xf32>,
          %swap3A_1196 = arith.constant 0 : i32
          %swap3A_1197 = tpu.memref_slice %arg7[%scan3A_1078, %swap3A_1196] : memref<64x256xf32, #tpu.memory_space<vmem>> -> memref<1x256xf32, #tpu.memory_space<vmem>>
          %swap3A_1198 = tpu.memref_squeeze %swap3A_1197 : memref<1x256xf32, #tpu.memory_space<vmem>> -> memref<256xf32, #tpu.memory_space<vmem>>
          %swap3A_1199 = arith.constant 240 : index
          %swap3A_1200 = tpu.vector_load %swap3A_1198[%swap3A_1199] {strides = array<i32>} : memref<256xf32, #tpu.memory_space<vmem>>, vector<16xf32>,
          %swap3A_1201 = vector.shape_cast %swap3A_1200 : vector<16xf32> to vector<16xf32>
          %swap3A_1202 = vector.shape_cast %broadcast_in_dim3A_861 : vector<16xf32> to vector<16xf32>
          tpu.vector_store %swap3A_1198[%swap3A_1199], %swap3A_1202 {strides = array<i32>} : memref<256xf32, #tpu.memory_space<vmem>>, vector<16xf32>,
        } else {
        }
      }
      %scan3A_1077 = arith.constant 64 : i32
    } else {
    }
    %add3A_873 = arith.constant 0 : i32
    %add3A_874 = arith.addi %mul3A_2, %add3A_873 : i32
    %dma_start3A_875 = arith.constant 0 : i32
    %dma_start3A_876 = tpu.memref_slice %arg4[%add3A_874, %dma_start3A_875] : memref<16384x256xf32, #tpu.memory_space<hbm>> -> memref<64x256xf32, #tpu.memory_space<hbm>>
    %dma_start3A_877 = arith.constant 0 : i32
    %dma_start3A_878 = tpu.memref_slice %arg4[%add3A_874, %dma_start3A_877] : memref<16384x256xf32, #tpu.memory_space<hbm>> -> memref<64x256xf32, #tpu.memory_space<hbm>>
    tpu.enqueue_dma source(%arg7 : memref<64x256xf32, #tpu.memory_space<vmem>>) target(%dma_start3A_878 : memref<64x256xf32, #tpu.memory_space<hbm>>) target_semaphore(%arg19 : memref<!tpu.dma_semaphore, #tpu.memory_space<semaphore_mem>>)
    %dma_wait3A_879 = arith.constant 0 : i32
    %dma_wait3A_880 = tpu.memref_slice %arg4[%add3A_874, %dma_wait3A_879] : memref<16384x256xf32, #tpu.memory_space<hbm>> -> memref<64x256xf32, #tpu.memory_space<hbm>>
    %dma_wait3A_881 = arith.constant 0 : i32
    %dma_wait3A_882 = tpu.memref_slice %arg4[%add3A_874, %dma_wait3A_881] : memref<16384x256xf32, #tpu.memory_space<hbm>> -> memref<64x256xf32, #tpu.memory_space<hbm>>
    tpu.wait_dma2 semaphore(%arg19 : memref<!tpu.dma_semaphore, #tpu.memory_space<semaphore_mem>>) src(%arg7 : memref<64x256xf32, #tpu.memory_space<vmem>>) dst(%dma_wait3A_882 : memref<64x256xf32, #tpu.memory_space<hbm>>)
    %dma_start3A_883 = arith.constant 6 : i32
    %dma_start3A_884 = arith.constant 0 : i32
    %dma_start3A_885 = tpu.memref_slice %arg6[%dma_start3A_883, %dma_start3A_884] : memref<8x64xi32, #tpu.memory_space<vmem>> -> memref<1x64xi32, #tpu.memory_space<vmem>>
    %dma_start3A_886 = tpu.memref_squeeze %dma_start3A_885 : memref<1x64xi32, #tpu.memory_space<vmem>> -> memref<64xi32, #tpu.memory_space<vmem>>
    %dma_start3A_887 = arith.constant 0 : i32
    %dma_start3A_888 = arith.constant 0 : i32
    %dma_start3A_889 = tpu.memref_slice %arg2[%select_n3A, %dma_start3A_887, %dma_start3A_888] : memref<8x512x256xf32, #tpu.memory_space<hbm>> -> memref<1x512x256xf32, #tpu.memory_space<hbm>>
    %dma_start3A_890 = tpu.memref_squeeze %dma_start3A_889 : memref<1x512x256xf32, #tpu.memory_space<hbm>> -> memref<512x256xf32, #tpu.memory_space<hbm>>
    %dma_start3A_891 = arith.constant 0 : i32
    %dma_start3A_892 = arith.constant 0 : i32
    %dma_start3A_893 = tpu.memref_slice %dma_start3A_890[%dma_start3A_891, %dma_start3A_892] : memref<512x256xf32, #tpu.memory_space<hbm>> -> memref<512x256xf32, #tpu.memory_space<hbm>>
    tpu.enqueue_indirect_dma source(%dma_start3A_893 : memref<512x256xf32, #tpu.memory_space<hbm>>) target(%arg7 : memref<64x256xf32, #tpu.memory_space<vmem>>) offsets(%dma_start3A_886 : memref<64xi32, #tpu.memory_space<vmem>>) semaphore(%arg13 : memref<!tpu.dma_semaphore, #tpu.memory_space<semaphore_mem>>)
    %dma_wait3A_894 = arith.constant 1 : i32
    %dma_wait3A_895 = arith.constant 0 : i32
    %dma_wait3A_896 = tpu.memref_slice %arg6[%dma_wait3A_894, %dma_wait3A_895] : memref<8x64xi32, #tpu.memory_space<vmem>> -> memref<1x64xi32, #tpu.memory_space<vmem>>
    %dma_wait3A_897 = tpu.memref_squeeze %dma_wait3A_896 : memref<1x64xi32, #tpu.memory_space<vmem>> -> memref<64xi32, #tpu.memory_space<vmem>>
    %dma_wait3A_898 = arith.constant 0 : i32
    %dma_wait3A_899 = arith.constant 0 : i32
    %dma_wait3A_900 = tpu.memref_slice %arg2[%select_n3A, %dma_wait3A_898, %dma_wait3A_899] : memref<8x512x256xf32, #tpu.memory_space<hbm>> -> memref<1x512x256xf32, #tpu.memory_space<hbm>>
    %dma_wait3A_901 = tpu.memref_squeeze %dma_wait3A_900 : memref<1x512x256xf32, #tpu.memory_space<hbm>> -> memref<512x256xf32, #tpu.memory_space<hbm>>
    %dma_wait3A_902 = arith.constant 0 : i32
    %dma_wait3A_903 = arith.constant 0 : i32
    %dma_wait3A_904 = tpu.memref_slice %dma_wait3A_901[%dma_wait3A_902, %dma_wait3A_903] : memref<512x256xf32, #tpu.memory_space<hbm>> -> memref<512x256xf32, #tpu.memory_space<hbm>>
    tpu.wait_indirect_dma semaphore(%arg14 : memref<!tpu.dma_semaphore, #tpu.memory_space<semaphore_mem>>) src(%dma_wait3A_904 : memref<512x256xf32, #tpu.memory_space<hbm>>) dst(%arg8 : memref<64x256xf32, #tpu.memory_space<vmem>>)
    %convert_element_type3A_905 = arith.extui %eq3A_206 : i1 to i32
    %cond3A_906 = arith.constant 0 : i32
    %cond3A_907 = arith.cmpi ne, %convert_element_type3A_905, %cond3A_906 : i32
    scf.if %cond3A_907 {
      %scan3A = arith.constant 0 : i32
      %scan3A_1073 = arith.constant 0 : i32
      %scan3A_1074 = arith.constant 64 : i32
      %scan3A_1075 = arith.addi %scan3A_1073, %scan3A_1074 : i32
      %scan3A_1076 = arith.constant 1 : i32
      scf.for %scan3A_1078 = %scan3A_1073 to %scan3A_1075 step %scan3A_1076  : i32 {
        %add3A_1079 = arith.constant 64 : i32
        %add3A_1080 = arith.addi %add3A_1079, %scan3A_1078 : i32
        %get3A_1081 = arith.index_cast %add3A_1080 : i32 to index
        %get3A_1082 = tpu.vector_load %arg5[%get3A_1081] {strides = array<i32>} : memref<528xi32, #tpu.memory_space<vmem>>, vector<16xi32>,
        %get3A_1083 = vector.shape_cast %get3A_1082 : vector<16xi32> to vector<16xi32>
        %slice3A_1084 = vector.extract_strided_slice %get3A_1083 {offsets = [0], sizes = [1], strides = [1]} : vector<16xi32> to vector<1xi32>
        %squeeze3A_1085 = vector.extract %slice3A_1084[0] : i32 from vector<1xi32>
        %eq3A_1086 = arith.constant 0 : i32
        %eq3A_1087 = arith.cmpi eq, %squeeze3A_1085, %eq3A_1086 : i32
        %convert_element_type3A_1088 = arith.extui %eq3A_1087 : i1 to i32
        %cond3A_1089 = arith.constant 0 : i32
        %cond3A_1090 = arith.cmpi ne, %convert_element_type3A_1088, %cond3A_1089 : i32
        scf.if %cond3A_1090 {
          %swap3A_1091 = arith.constant 0 : i32
          %swap3A_1092 = tpu.memref_slice %arg8[%scan3A_1078, %swap3A_1091] : memref<64x256xf32, #tpu.memory_space<vmem>> -> memref<1x256xf32, #tpu.memory_space<vmem>>
          %swap3A_1093 = tpu.memref_squeeze %swap3A_1092 : memref<1x256xf32, #tpu.memory_space<vmem>> -> memref<256xf32, #tpu.memory_space<vmem>>
          %swap3A_1094 = arith.constant 0 : index
          %swap3A_1095 = tpu.vector_load %swap3A_1093[%swap3A_1094] {strides = array<i32>} : memref<256xf32, #tpu.memory_space<vmem>>, vector<16xf32>,
          %swap3A_1096 = vector.shape_cast %swap3A_1095 : vector<16xf32> to vector<16xf32>
          %swap3A_1097 = vector.shape_cast %broadcast_in_dim3A_861 : vector<16xf32> to vector<16xf32>
          tpu.vector_store %swap3A_1093[%swap3A_1094], %swap3A_1097 {strides = array<i32>} : memref<256xf32, #tpu.memory_space<vmem>>, vector<16xf32>,
          %swap3A_1098 = arith.constant 0 : i32
          %swap3A_1099 = tpu.memref_slice %arg8[%scan3A_1078, %swap3A_1098] : memref<64x256xf32, #tpu.memory_space<vmem>> -> memref<1x256xf32, #tpu.memory_space<vmem>>
          %swap3A_1100 = tpu.memref_squeeze %swap3A_1099 : memref<1x256xf32, #tpu.memory_space<vmem>> -> memref<256xf32, #tpu.memory_space<vmem>>
          %swap3A_1101 = arith.constant 16 : index
          %swap3A_1102 = tpu.vector_load %swap3A_1100[%swap3A_1101] {strides = array<i32>} : memref<256xf32, #tpu.memory_space<vmem>>, vector<16xf32>,
          %swap3A_1103 = vector.shape_cast %swap3A_1102 : vector<16xf32> to vector<16xf32>
          %swap3A_1104 = vector.shape_cast %broadcast_in_dim3A_861 : vector<16xf32> to vector<16xf32>
          tpu.vector_store %swap3A_1100[%swap3A_1101], %swap3A_1104 {strides = array<i32>} : memref<256xf32, #tpu.memory_space<vmem>>, vector<16xf32>,
          %swap3A_1105 = arith.constant 0 : i32
          %swap3A_1106 = tpu.memref_slice %arg8[%scan3A_1078, %swap3A_1105] : memref<64x256xf32, #tpu.memory_space<vmem>> -> memref<1x256xf32, #tpu.memory_space<vmem>>
          %swap3A_1107 = tpu.memref_squeeze %swap3A_1106 : memref<1x256xf32, #tpu.memory_space<vmem>> -> memref<256xf32, #tpu.memory_space<vmem>>
          %swap3A_1108 = arith.constant 32 : index
          %swap3A_1109 = tpu.vector_load %swap3A_1107[%swap3A_1108] {strides = array<i32>} : memref<256xf32, #tpu.memory_space<vmem>>, vector<16xf32>,
          %swap3A_1110 = vector.shape_cast %swap3A_1109 : vector<16xf32> to vector<16xf32>
          %swap3A_1111 = vector.shape_cast %broadcast_in_dim3A_861 : vector<16xf32> to vector<16xf32>
          tpu.vector_store %swap3A_1107[%swap3A_1108], %swap3A_1111 {strides = array<i32>} : memref<256xf32, #tpu.memory_space<vmem>>, vector<16xf32>,
          %swap3A_1112 = arith.constant 0 : i32
          %swap3A_1113 = tpu.memref_slice %arg8[%scan3A_1078, %swap3A_1112] : memref<64x256xf32, #tpu.memory_space<vmem>> -> memref<1x256xf32, #tpu.memory_space<vmem>>
          %swap3A_1114 = tpu.memref_squeeze %swap3A_1113 : memref<1x256xf32, #tpu.memory_space<vmem>> -> memref<256xf32, #tpu.memory_space<vmem>>
          %swap3A_1115 = arith.constant 48 : index
          %swap3A_1116 = tpu.vector_load %swap3A_1114[%swap3A_1115] {strides = array<i32>} : memref<256xf32, #tpu.memory_space<vmem>>, vector<16xf32>,
          %swap3A_1117 = vector.shape_cast %swap3A_1116 : vector<16xf32> to vector<16xf32>
          %swap3A_1118 = vector.shape_cast %broadcast_in_dim3A_861 : vector<16xf32> to vector<16xf32>
          tpu.vector_store %swap3A_1114[%swap3A_1115], %swap3A_1118 {strides = array<i32>} : memref<256xf32, #tpu.memory_space<vmem>>, vector<16xf32>,
          %swap3A_1119 = arith.constant 0 : i32
          %swap3A_1120 = tpu.memref_slice %arg8[%scan3A_1078, %swap3A_1119] : memref<64x256xf32, #tpu.memory_space<vmem>> -> memref<1x256xf32, #tpu.memory_space<vmem>>
          %swap3A_1121 = tpu.memref_squeeze %swap3A_1120 : memref<1x256xf32, #tpu.memory_space<vmem>> -> memref<256xf32, #tpu.memory_space<vmem>>
          %swap3A_1122 = arith.constant 64 : index
          %swap3A_1123 = tpu.vector_load %swap3A_1121[%swap3A_1122] {strides = array<i32>} : memref<256xf32, #tpu.memory_space<vmem>>, vector<16xf32>,
          %swap3A_1124 = vector.shape_cast %swap3A_1123 : vector<16xf32> to vector<16xf32>
          %swap3A_1125 = vector.shape_cast %broadcast_in_dim3A_861 : vector<16xf32> to vector<16xf32>
          tpu.vector_store %swap3A_1121[%swap3A_1122], %swap3A_1125 {strides = array<i32>} : memref<256xf32, #tpu.memory_space<vmem>>, vector<16xf32>,
          %swap3A_1126 = arith.constant 0 : i32
          %swap3A_1127 = tpu.memref_slice %arg8[%scan3A_1078, %swap3A_1126] : memref<64x256xf32, #tpu.memory_space<vmem>> -> memref<1x256xf32, #tpu.memory_space<vmem>>
          %swap3A_1128 = tpu.memref_squeeze %swap3A_1127 : memref<1x256xf32, #tpu.memory_space<vmem>> -> memref<256xf32, #tpu.memory_space<vmem>>
          %swap3A_1129 = arith.constant 80 : index
          %swap3A_1130 = tpu.vector_load %swap3A_1128[%swap3A_1129] {strides = array<i32>} : memref<256xf32, #tpu.memory_space<vmem>>, vector<16xf32>,
          %swap3A_1131 = vector.shape_cast %swap3A_1130 : vector<16xf32> to vector<16xf32>
          %swap3A_1132 = vector.shape_cast %broadcast_in_dim3A_861 : vector<16xf32> to vector<16xf32>
          tpu.vector_store %swap3A_1128[%swap3A_1129], %swap3A_1132 {strides = array<i32>} : memref<256xf32, #tpu.memory_space<vmem>>, vector<16xf32>,
          %swap3A_1133 = arith.constant 0 : i32
          %swap3A_1134 = tpu.memref_slice %arg8[%scan3A_1078, %swap3A_1133] : memref<64x256xf32, #tpu.memory_space<vmem>> -> memref<1x256xf32, #tpu.memory_space<vmem>>
          %swap3A_1135 = tpu.memref_squeeze %swap3A_1134 : memref<1x256xf32, #tpu.memory_space<vmem>> -> memref<256xf32, #tpu.memory_space<vmem>>
          %swap3A_1136 = arith.constant 96 : index
          %swap3A_1137 = tpu.vector_load %swap3A_1135[%swap3A_1136] {strides = array<i32>} : memref<256xf32, #tpu.memory_space<vmem>>, vector<16xf32>,
          %swap3A_1138 = vector.shape_cast %swap3A_1137 : vector<16xf32> to vector<16xf32>
          %swap3A_1139 = vector.shape_cast %broadcast_in_dim3A_861 : vector<16xf32> to vector<16xf32>
          tpu.vector_store %swap3A_1135[%swap3A_1136], %swap3A_1139 {strides = array<i32>} : memref<256xf32, #tpu.memory_space<vmem>>, vector<16xf32>,
          %swap3A_1140 = arith.constant 0 : i32
          %swap3A_1141 = tpu.memref_slice %arg8[%scan3A_1078, %swap3A_1140] : memref<64x256xf32, #tpu.memory_space<vmem>> -> memref<1x256xf32, #tpu.memory_space<vmem>>
          %swap3A_1142 = tpu.memref_squeeze %swap3A_1141 : memref<1x256xf32, #tpu.memory_space<vmem>> -> memref<256xf32, #tpu.memory_space<vmem>>
          %swap3A_1143 = arith.constant 112 : index
          %swap3A_1144 = tpu.vector_load %swap3A_1142[%swap3A_1143] {strides = array<i32>} : memref<256xf32, #tpu.memory_space<vmem>>, vector<16xf32>,
          %swap3A_1145 = vector.shape_cast %swap3A_1144 : vector<16xf32> to vector<16xf32>
          %swap3A_1146 = vector.shape_cast %broadcast_in_dim3A_861 : vector<16xf32> to vector<16xf32>
          tpu.vector_store %swap3A_1142[%swap3A_1143], %swap3A_1146 {strides = array<i32>} : memref<256xf32, #tpu.memory_space<vmem>>, vector<16xf32>,
          %swap3A_1147 = arith.constant 0 : i32
          %swap3A_1148 = tpu.memref_slice %arg8[%scan3A_1078, %swap3A_1147] : memref<64x256xf32, #tpu.memory_space<vmem>> -> memref<1x256xf32, #tpu.memory_space<vmem>>
          %swap3A_1149 = tpu.memref_squeeze %swap3A_1148 : memref<1x256xf32, #tpu.memory_space<vmem>> -> memref<256xf32, #tpu.memory_space<vmem>>
          %swap3A_1150 = arith.constant 128 : index
          %swap3A_1151 = tpu.vector_load %swap3A_1149[%swap3A_1150] {strides = array<i32>} : memref<256xf32, #tpu.memory_space<vmem>>, vector<16xf32>,
          %swap3A_1152 = vector.shape_cast %swap3A_1151 : vector<16xf32> to vector<16xf32>
          %swap3A_1153 = vector.shape_cast %broadcast_in_dim3A_861 : vector<16xf32> to vector<16xf32>
          tpu.vector_store %swap3A_1149[%swap3A_1150], %swap3A_1153 {strides = array<i32>} : memref<256xf32, #tpu.memory_space<vmem>>, vector<16xf32>,
          %swap3A_1154 = arith.constant 0 : i32
          %swap3A_1155 = tpu.memref_slice %arg8[%scan3A_1078, %swap3A_1154] : memref<64x256xf32, #tpu.memory_space<vmem>> -> memref<1x256xf32, #tpu.memory_space<vmem>>
          %swap3A_1156 = tpu.memref_squeeze %swap3A_1155 : memref<1x256xf32, #tpu.memory_space<vmem>> -> memref<256xf32, #tpu.memory_space<vmem>>
          %swap3A_1157 = arith.constant 144 : index
          %swap3A_1158 = tpu.vector_load %swap3A_1156[%swap3A_1157] {strides = array<i32>} : memref<256xf32, #tpu.memory_space<vmem>>, vector<16xf32>,
          %swap3A_1159 = vector.shape_cast %swap3A_1158 : vector<16xf32> to vector<16xf32>
          %swap3A_1160 = vector.shape_cast %broadcast_in_dim3A_861 : vector<16xf32> to vector<16xf32>
          tpu.vector_store %swap3A_1156[%swap3A_1157], %swap3A_1160 {strides = array<i32>} : memref<256xf32, #tpu.memory_space<vmem>>, vector<16xf32>,
          %swap3A_1161 = arith.constant 0 : i32
          %swap3A_1162 = tpu.memref_slice %arg8[%scan3A_1078, %swap3A_1161] : memref<64x256xf32, #tpu.memory_space<vmem>> -> memref<1x256xf32, #tpu.memory_space<vmem>>
          %swap3A_1163 = tpu.memref_squeeze %swap3A_1162 : memref<1x256xf32, #tpu.memory_space<vmem>> -> memref<256xf32, #tpu.memory_space<vmem>>
          %swap3A_1164 = arith.constant 160 : index
          %swap3A_1165 = tpu.vector_load %swap3A_1163[%swap3A_1164] {strides = array<i32>} : memref<256xf32, #tpu.memory_space<vmem>>, vector<16xf32>,
          %swap3A_1166 = vector.shape_cast %swap3A_1165 : vector<16xf32> to vector<16xf32>
          %swap3A_1167 = vector.shape_cast %broadcast_in_dim3A_861 : vector<16xf32> to vector<16xf32>
          tpu.vector_store %swap3A_1163[%swap3A_1164], %swap3A_1167 {strides = array<i32>} : memref<256xf32, #tpu.memory_space<vmem>>, vector<16xf32>,
          %swap3A_1168 = arith.constant 0 : i32
          %swap3A_1169 = tpu.memref_slice %arg8[%scan3A_1078, %swap3A_1168] : memref<64x256xf32, #tpu.memory_space<vmem>> -> memref<1x256xf32, #tpu.memory_space<vmem>>
          %swap3A_1170 = tpu.memref_squeeze %swap3A_1169 : memref<1x256xf32, #tpu.memory_space<vmem>> -> memref<256xf32, #tpu.memory_space<vmem>>
          %swap3A_1171 = arith.constant 176 : index
          %swap3A_1172 = tpu.vector_load %swap3A_1170[%swap3A_1171] {strides = array<i32>} : memref<256xf32, #tpu.memory_space<vmem>>, vector<16xf32>,
          %swap3A_1173 = vector.shape_cast %swap3A_1172 : vector<16xf32> to vector<16xf32>
          %swap3A_1174 = vector.shape_cast %broadcast_in_dim3A_861 : vector<16xf32> to vector<16xf32>
          tpu.vector_store %swap3A_1170[%swap3A_1171], %swap3A_1174 {strides = array<i32>} : memref<256xf32, #tpu.memory_space<vmem>>, vector<16xf32>,
          %swap3A_1175 = arith.constant 0 : i32
          %swap3A_1176 = tpu.memref_slice %arg8[%scan3A_1078, %swap3A_1175] : memref<64x256xf32, #tpu.memory_space<vmem>> -> memref<1x256xf32, #tpu.memory_space<vmem>>
          %swap3A_1177 = tpu.memref_squeeze %swap3A_1176 : memref<1x256xf32, #tpu.memory_space<vmem>> -> memref<256xf32, #tpu.memory_space<vmem>>
          %swap3A_1178 = arith.constant 192 : index
          %swap3A_1179 = tpu.vector_load %swap3A_1177[%swap3A_1178] {strides = array<i32>} : memref<256xf32, #tpu.memory_space<vmem>>, vector<16xf32>,
          %swap3A_1180 = vector.shape_cast %swap3A_1179 : vector<16xf32> to vector<16xf32>
          %swap3A_1181 = vector.shape_cast %broadcast_in_dim3A_861 : vector<16xf32> to vector<16xf32>
          tpu.vector_store %swap3A_1177[%swap3A_1178], %swap3A_1181 {strides = array<i32>} : memref<256xf32, #tpu.memory_space<vmem>>, vector<16xf32>,
          %swap3A_1182 = arith.constant 0 : i32
          %swap3A_1183 = tpu.memref_slice %arg8[%scan3A_1078, %swap3A_1182] : memref<64x256xf32, #tpu.memory_space<vmem>> -> memref<1x256xf32, #tpu.memory_space<vmem>>
          %swap3A_1184 = tpu.memref_squeeze %swap3A_1183 : memref<1x256xf32, #tpu.memory_space<vmem>> -> memref<256xf32, #tpu.memory_space<vmem>>
          %swap3A_1185 = arith.constant 208 : index
          %swap3A_1186 = tpu.vector_load %swap3A_1184[%swap3A_1185] {strides = array<i32>} : memref<256xf32, #tpu.memory_space<vmem>>, vector<16xf32>,
          %swap3A_1187 = vector.shape_cast %swap3A_1186 : vector<16xf32> to vector<16xf32>
          %swap3A_1188 = vector.shape_cast %broadcast_in_dim3A_861 : vector<16xf32> to vector<16xf32>
          tpu.vector_store %swap3A_1184[%swap3A_1185], %swap3A_1188 {strides = array<i32>} : memref<256xf32, #tpu.memory_space<vmem>>, vector<16xf32>,
          %swap3A_1189 = arith.constant 0 : i32
          %swap3A_1190 = tpu.memref_slice %arg8[%scan3A_1078, %swap3A_1189] : memref<64x256xf32, #tpu.memory_space<vmem>> -> memref<1x256xf32, #tpu.memory_space<vmem>>
          %swap3A_1191 = tpu.memref_squeeze %swap3A_1190 : memref<1x256xf32, #tpu.memory_space<vmem>> -> memref<256xf32, #tpu.memory_space<vmem>>
          %swap3A_1192 = arith.constant 224 : index
          %swap3A_1193 = tpu.vector_load %swap3A_1191[%swap3A_1192] {strides = array<i32>} : memref<256xf32, #tpu.memory_space<vmem>>, vector<16xf32>,
          %swap3A_1194 = vector.shape_cast %swap3A_1193 : vector<16xf32> to vector<16xf32>
          %swap3A_1195 = vector.shape_cast %broadcast_in_dim3A_861 : vector<16xf32> to vector<16xf32>
          tpu.vector_store %swap3A_1191[%swap3A_1192], %swap3A_1195 {strides = array<i32>} : memref<256xf32, #tpu.memory_space<vmem>>, vector<16xf32>,
          %swap3A_1196 = arith.constant 0 : i32
          %swap3A_1197 = tpu.memref_slice %arg8[%scan3A_1078, %swap3A_1196] : memref<64x256xf32, #tpu.memory_space<vmem>> -> memref<1x256xf32, #tpu.memory_space<vmem>>
          %swap3A_1198 = tpu.memref_squeeze %swap3A_1197 : memref<1x256xf32, #tpu.memory_space<vmem>> -> memref<256xf32, #tpu.memory_space<vmem>>
          %swap3A_1199 = arith.constant 240 : index
          %swap3A_1200 = tpu.vector_load %swap3A_1198[%swap3A_1199] {strides = array<i32>} : memref<256xf32, #tpu.memory_space<vmem>>, vector<16xf32>,
          %swap3A_1201 = vector.shape_cast %swap3A_1200 : vector<16xf32> to vector<16xf32>
          %swap3A_1202 = vector.shape_cast %broadcast_in_dim3A_861 : vector<16xf32> to vector<16xf32>
          tpu.vector_store %swap3A_1198[%swap3A_1199], %swap3A_1202 {strides = array<i32>} : memref<256xf32, #tpu.memory_space<vmem>>, vector<16xf32>,
        } else {
        }
      }
      %scan3A_1077 = arith.constant 64 : i32
    } else {
    }
    %add3A_908 = arith.constant 64 : i32
    %add3A_909 = arith.addi %mul3A_2, %add3A_908 : i32
    %dma_start3A_910 = arith.constant 0 : i32
    %dma_start3A_911 = tpu.memref_slice %arg4[%add3A_909, %dma_start3A_910] : memref<16384x256xf32, #tpu.memory_space<hbm>> -> memref<64x256xf32, #tpu.memory_space<hbm>>
    %dma_start3A_912 = arith.constant 0 : i32
    %dma_start3A_913 = tpu.memref_slice %arg4[%add3A_909, %dma_start3A_912] : memref<16384x256xf32, #tpu.memory_space<hbm>> -> memref<64x256xf32, #tpu.memory_space<hbm>>
    tpu.enqueue_dma source(%arg8 : memref<64x256xf32, #tpu.memory_space<vmem>>) target(%dma_start3A_913 : memref<64x256xf32, #tpu.memory_space<hbm>>) target_semaphore(%arg20 : memref<!tpu.dma_semaphore, #tpu.memory_space<semaphore_mem>>)
    %dma_wait3A_914 = arith.constant 0 : i32
    %dma_wait3A_915 = tpu.memref_slice %arg4[%add3A_909, %dma_wait3A_914] : memref<16384x256xf32, #tpu.memory_space<hbm>> -> memref<64x256xf32, #tpu.memory_space<hbm>>
    %dma_wait3A_916 = arith.constant 0 : i32
    %dma_wait3A_917 = tpu.memref_slice %arg4[%add3A_909, %dma_wait3A_916] : memref<16384x256xf32, #tpu.memory_space<hbm>> -> memref<64x256xf32, #tpu.memory_space<hbm>>
    tpu.wait_dma2 semaphore(%arg20 : memref<!tpu.dma_semaphore, #tpu.memory_space<semaphore_mem>>) src(%arg8 : memref<64x256xf32, #tpu.memory_space<vmem>>) dst(%dma_wait3A_917 : memref<64x256xf32, #tpu.memory_space<hbm>>)
    %dma_start3A_918 = arith.constant 7 : i32
    %dma_start3A_919 = arith.constant 0 : i32
    %dma_start3A_920 = tpu.memref_slice %arg6[%dma_start3A_918, %dma_start3A_919] : memref<8x64xi32, #tpu.memory_space<vmem>> -> memref<1x64xi32, #tpu.memory_space<vmem>>
    %dma_start3A_921 = tpu.memref_squeeze %dma_start3A_920 : memref<1x64xi32, #tpu.memory_space<vmem>> -> memref<64xi32, #tpu.memory_space<vmem>>
    %dma_start3A_922 = arith.constant 0 : i32
    %dma_start3A_923 = arith.constant 0 : i32
    %dma_start3A_924 = tpu.memref_slice %arg2[%select_n3A, %dma_start3A_922, %dma_start3A_923] : memref<8x512x256xf32, #tpu.memory_space<hbm>> -> memref<1x512x256xf32, #tpu.memory_space<hbm>>
    %dma_start3A_925 = tpu.memref_squeeze %dma_start3A_924 : memref<1x512x256xf32, #tpu.memory_space<hbm>> -> memref<512x256xf32, #tpu.memory_space<hbm>>
    %dma_start3A_926 = arith.constant 0 : i32
    %dma_start3A_927 = arith.constant 0 : i32
    %dma_start3A_928 = tpu.memref_slice %dma_start3A_925[%dma_start3A_926, %dma_start3A_927] : memref<512x256xf32, #tpu.memory_space<hbm>> -> memref<512x256xf32, #tpu.memory_space<hbm>>
    tpu.enqueue_indirect_dma source(%dma_start3A_928 : memref<512x256xf32, #tpu.memory_space<hbm>>) target(%arg8 : memref<64x256xf32, #tpu.memory_space<vmem>>) offsets(%dma_start3A_921 : memref<64xi32, #tpu.memory_space<vmem>>) semaphore(%arg14 : memref<!tpu.dma_semaphore, #tpu.memory_space<semaphore_mem>>)
    %dma_wait3A_929 = arith.constant 2 : i32
    %dma_wait3A_930 = arith.constant 0 : i32
    %dma_wait3A_931 = tpu.memref_slice %arg6[%dma_wait3A_929, %dma_wait3A_930] : memref<8x64xi32, #tpu.memory_space<vmem>> -> memref<1x64xi32, #tpu.memory_space<vmem>>
    %dma_wait3A_932 = tpu.memref_squeeze %dma_wait3A_931 : memref<1x64xi32, #tpu.memory_space<vmem>> -> memref<64xi32, #tpu.memory_space<vmem>>
    %dma_wait3A_933 = arith.constant 0 : i32
    %dma_wait3A_934 = arith.constant 0 : i32
    %dma_wait3A_935 = tpu.memref_slice %arg2[%select_n3A, %dma_wait3A_933, %dma_wait3A_934] : memref<8x512x256xf32, #tpu.memory_space<hbm>> -> memref<1x512x256xf32, #tpu.memory_space<hbm>>
    %dma_wait3A_936 = tpu.memref_squeeze %dma_wait3A_935 : memref<1x512x256xf32, #tpu.memory_space<hbm>> -> memref<512x256xf32, #tpu.memory_space<hbm>>
    %dma_wait3A_937 = arith.constant 0 : i32
    %dma_wait3A_938 = arith.constant 0 : i32
    %dma_wait3A_939 = tpu.memref_slice %dma_wait3A_936[%dma_wait3A_937, %dma_wait3A_938] : memref<512x256xf32, #tpu.memory_space<hbm>> -> memref<512x256xf32, #tpu.memory_space<hbm>>
    tpu.wait_indirect_dma semaphore(%arg15 : memref<!tpu.dma_semaphore, #tpu.memory_space<semaphore_mem>>) src(%dma_wait3A_939 : memref<512x256xf32, #tpu.memory_space<hbm>>) dst(%arg9 : memref<64x256xf32, #tpu.memory_space<vmem>>)
    %convert_element_type3A_940 = arith.extui %eq3A_304 : i1 to i32
    %cond3A_941 = arith.constant 0 : i32
    %cond3A_942 = arith.cmpi ne, %convert_element_type3A_940, %cond3A_941 : i32
    scf.if %cond3A_942 {
      %scan3A = arith.constant 0 : i32
      %scan3A_1073 = arith.constant 0 : i32
      %scan3A_1074 = arith.constant 64 : i32
      %scan3A_1075 = arith.addi %scan3A_1073, %scan3A_1074 : i32
      %scan3A_1076 = arith.constant 1 : i32
      scf.for %scan3A_1078 = %scan3A_1073 to %scan3A_1075 step %scan3A_1076  : i32 {
        %add3A_1079 = arith.constant 128 : i32
        %add3A_1080 = arith.addi %add3A_1079, %scan3A_1078 : i32
        %get3A_1081 = arith.index_cast %add3A_1080 : i32 to index
        %get3A_1082 = tpu.vector_load %arg5[%get3A_1081] {strides = array<i32>} : memref<528xi32, #tpu.memory_space<vmem>>, vector<16xi32>,
        %get3A_1083 = vector.shape_cast %get3A_1082 : vector<16xi32> to vector<16xi32>
        %slice3A_1084 = vector.extract_strided_slice %get3A_1083 {offsets = [0], sizes = [1], strides = [1]} : vector<16xi32> to vector<1xi32>
        %squeeze3A_1085 = vector.extract %slice3A_1084[0] : i32 from vector<1xi32>
        %eq3A_1086 = arith.constant 0 : i32
        %eq3A_1087 = arith.cmpi eq, %squeeze3A_1085, %eq3A_1086 : i32
        %convert_element_type3A_1088 = arith.extui %eq3A_1087 : i1 to i32
        %cond3A_1089 = arith.constant 0 : i32
        %cond3A_1090 = arith.cmpi ne, %convert_element_type3A_1088, %cond3A_1089 : i32
        scf.if %cond3A_1090 {
          %swap3A_1091 = arith.constant 0 : i32
          %swap3A_1092 = tpu.memref_slice %arg9[%scan3A_1078, %swap3A_1091] : memref<64x256xf32, #tpu.memory_space<vmem>> -> memref<1x256xf32, #tpu.memory_space<vmem>>
          %swap3A_1093 = tpu.memref_squeeze %swap3A_1092 : memref<1x256xf32, #tpu.memory_space<vmem>> -> memref<256xf32, #tpu.memory_space<vmem>>
          %swap3A_1094 = arith.constant 0 : index
          %swap3A_1095 = tpu.vector_load %swap3A_1093[%swap3A_1094] {strides = array<i32>} : memref<256xf32, #tpu.memory_space<vmem>>, vector<16xf32>,
          %swap3A_1096 = vector.shape_cast %swap3A_1095 : vector<16xf32> to vector<16xf32>
          %swap3A_1097 = vector.shape_cast %broadcast_in_dim3A_861 : vector<16xf32> to vector<16xf32>
          tpu.vector_store %swap3A_1093[%swap3A_1094], %swap3A_1097 {strides = array<i32>} : memref<256xf32, #tpu.memory_space<vmem>>, vector<16xf32>,
          %swap3A_1098 = arith.constant 0 : i32
          %swap3A_1099 = tpu.memref_slice %arg9[%scan3A_1078, %swap3A_1098] : memref<64x256xf32, #tpu.memory_space<vmem>> -> memref<1x256xf32, #tpu.memory_space<vmem>>
          %swap3A_1100 = tpu.memref_squeeze %swap3A_1099 : memref<1x256xf32, #tpu.memory_space<vmem>> -> memref<256xf32, #tpu.memory_space<vmem>>
          %swap3A_1101 = arith.constant 16 : index
          %swap3A_1102 = tpu.vector_load %swap3A_1100[%swap3A_1101] {strides = array<i32>} : memref<256xf32, #tpu.memory_space<vmem>>, vector<16xf32>,
          %swap3A_1103 = vector.shape_cast %swap3A_1102 : vector<16xf32> to vector<16xf32>
          %swap3A_1104 = vector.shape_cast %broadcast_in_dim3A_861 : vector<16xf32> to vector<16xf32>
          tpu.vector_store %swap3A_1100[%swap3A_1101], %swap3A_1104 {strides = array<i32>} : memref<256xf32, #tpu.memory_space<vmem>>, vector<16xf32>,
          %swap3A_1105 = arith.constant 0 : i32
          %swap3A_1106 = tpu.memref_slice %arg9[%scan3A_1078, %swap3A_1105] : memref<64x256xf32, #tpu.memory_space<vmem>> -> memref<1x256xf32, #tpu.memory_space<vmem>>
          %swap3A_1107 = tpu.memref_squeeze %swap3A_1106 : memref<1x256xf32, #tpu.memory_space<vmem>> -> memref<256xf32, #tpu.memory_space<vmem>>
          %swap3A_1108 = arith.constant 32 : index
          %swap3A_1109 = tpu.vector_load %swap3A_1107[%swap3A_1108] {strides = array<i32>} : memref<256xf32, #tpu.memory_space<vmem>>, vector<16xf32>,
          %swap3A_1110 = vector.shape_cast %swap3A_1109 : vector<16xf32> to vector<16xf32>
          %swap3A_1111 = vector.shape_cast %broadcast_in_dim3A_861 : vector<16xf32> to vector<16xf32>
          tpu.vector_store %swap3A_1107[%swap3A_1108], %swap3A_1111 {strides = array<i32>} : memref<256xf32, #tpu.memory_space<vmem>>, vector<16xf32>,
          %swap3A_1112 = arith.constant 0 : i32
          %swap3A_1113 = tpu.memref_slice %arg9[%scan3A_1078, %swap3A_1112] : memref<64x256xf32, #tpu.memory_space<vmem>> -> memref<1x256xf32, #tpu.memory_space<vmem>>
          %swap3A_1114 = tpu.memref_squeeze %swap3A_1113 : memref<1x256xf32, #tpu.memory_space<vmem>> -> memref<256xf32, #tpu.memory_space<vmem>>
          %swap3A_1115 = arith.constant 48 : index
          %swap3A_1116 = tpu.vector_load %swap3A_1114[%swap3A_1115] {strides = array<i32>} : memref<256xf32, #tpu.memory_space<vmem>>, vector<16xf32>,
          %swap3A_1117 = vector.shape_cast %swap3A_1116 : vector<16xf32> to vector<16xf32>
          %swap3A_1118 = vector.shape_cast %broadcast_in_dim3A_861 : vector<16xf32> to vector<16xf32>
          tpu.vector_store %swap3A_1114[%swap3A_1115], %swap3A_1118 {strides = array<i32>} : memref<256xf32, #tpu.memory_space<vmem>>, vector<16xf32>,
          %swap3A_1119 = arith.constant 0 : i32
          %swap3A_1120 = tpu.memref_slice %arg9[%scan3A_1078, %swap3A_1119] : memref<64x256xf32, #tpu.memory_space<vmem>> -> memref<1x256xf32, #tpu.memory_space<vmem>>
          %swap3A_1121 = tpu.memref_squeeze %swap3A_1120 : memref<1x256xf32, #tpu.memory_space<vmem>> -> memref<256xf32, #tpu.memory_space<vmem>>
          %swap3A_1122 = arith.constant 64 : index
          %swap3A_1123 = tpu.vector_load %swap3A_1121[%swap3A_1122] {strides = array<i32>} : memref<256xf32, #tpu.memory_space<vmem>>, vector<16xf32>,
          %swap3A_1124 = vector.shape_cast %swap3A_1123 : vector<16xf32> to vector<16xf32>
          %swap3A_1125 = vector.shape_cast %broadcast_in_dim3A_861 : vector<16xf32> to vector<16xf32>
          tpu.vector_store %swap3A_1121[%swap3A_1122], %swap3A_1125 {strides = array<i32>} : memref<256xf32, #tpu.memory_space<vmem>>, vector<16xf32>,
          %swap3A_1126 = arith.constant 0 : i32
          %swap3A_1127 = tpu.memref_slice %arg9[%scan3A_1078, %swap3A_1126] : memref<64x256xf32, #tpu.memory_space<vmem>> -> memref<1x256xf32, #tpu.memory_space<vmem>>
          %swap3A_1128 = tpu.memref_squeeze %swap3A_1127 : memref<1x256xf32, #tpu.memory_space<vmem>> -> memref<256xf32, #tpu.memory_space<vmem>>
          %swap3A_1129 = arith.constant 80 : index
          %swap3A_1130 = tpu.vector_load %swap3A_1128[%swap3A_1129] {strides = array<i32>} : memref<256xf32, #tpu.memory_space<vmem>>, vector<16xf32>,
          %swap3A_1131 = vector.shape_cast %swap3A_1130 : vector<16xf32> to vector<16xf32>
          %swap3A_1132 = vector.shape_cast %broadcast_in_dim3A_861 : vector<16xf32> to vector<16xf32>
          tpu.vector_store %swap3A_1128[%swap3A_1129], %swap3A_1132 {strides = array<i32>} : memref<256xf32, #tpu.memory_space<vmem>>, vector<16xf32>,
          %swap3A_1133 = arith.constant 0 : i32
          %swap3A_1134 = tpu.memref_slice %arg9[%scan3A_1078, %swap3A_1133] : memref<64x256xf32, #tpu.memory_space<vmem>> -> memref<1x256xf32, #tpu.memory_space<vmem>>
          %swap3A_1135 = tpu.memref_squeeze %swap3A_1134 : memref<1x256xf32, #tpu.memory_space<vmem>> -> memref<256xf32, #tpu.memory_space<vmem>>
          %swap3A_1136 = arith.constant 96 : index
          %swap3A_1137 = tpu.vector_load %swap3A_1135[%swap3A_1136] {strides = array<i32>} : memref<256xf32, #tpu.memory_space<vmem>>, vector<16xf32>,
          %swap3A_1138 = vector.shape_cast %swap3A_1137 : vector<16xf32> to vector<16xf32>
          %swap3A_1139 = vector.shape_cast %broadcast_in_dim3A_861 : vector<16xf32> to vector<16xf32>
          tpu.vector_store %swap3A_1135[%swap3A_1136], %swap3A_1139 {strides = array<i32>} : memref<256xf32, #tpu.memory_space<vmem>>, vector<16xf32>,
          %swap3A_1140 = arith.constant 0 : i32
          %swap3A_1141 = tpu.memref_slice %arg9[%scan3A_1078, %swap3A_1140] : memref<64x256xf32, #tpu.memory_space<vmem>> -> memref<1x256xf32, #tpu.memory_space<vmem>>
          %swap3A_1142 = tpu.memref_squeeze %swap3A_1141 : memref<1x256xf32, #tpu.memory_space<vmem>> -> memref<256xf32, #tpu.memory_space<vmem>>
          %swap3A_1143 = arith.constant 112 : index
          %swap3A_1144 = tpu.vector_load %swap3A_1142[%swap3A_1143] {strides = array<i32>} : memref<256xf32, #tpu.memory_space<vmem>>, vector<16xf32>,
          %swap3A_1145 = vector.shape_cast %swap3A_1144 : vector<16xf32> to vector<16xf32>
          %swap3A_1146 = vector.shape_cast %broadcast_in_dim3A_861 : vector<16xf32> to vector<16xf32>
          tpu.vector_store %swap3A_1142[%swap3A_1143], %swap3A_1146 {strides = array<i32>} : memref<256xf32, #tpu.memory_space<vmem>>, vector<16xf32>,
          %swap3A_1147 = arith.constant 0 : i32
          %swap3A_1148 = tpu.memref_slice %arg9[%scan3A_1078, %swap3A_1147] : memref<64x256xf32, #tpu.memory_space<vmem>> -> memref<1x256xf32, #tpu.memory_space<vmem>>
          %swap3A_1149 = tpu.memref_squeeze %swap3A_1148 : memref<1x256xf32, #tpu.memory_space<vmem>> -> memref<256xf32, #tpu.memory_space<vmem>>
          %swap3A_1150 = arith.constant 128 : index
          %swap3A_1151 = tpu.vector_load %swap3A_1149[%swap3A_1150] {strides = array<i32>} : memref<256xf32, #tpu.memory_space<vmem>>, vector<16xf32>,
          %swap3A_1152 = vector.shape_cast %swap3A_1151 : vector<16xf32> to vector<16xf32>
          %swap3A_1153 = vector.shape_cast %broadcast_in_dim3A_861 : vector<16xf32> to vector<16xf32>
          tpu.vector_store %swap3A_1149[%swap3A_1150], %swap3A_1153 {strides = array<i32>} : memref<256xf32, #tpu.memory_space<vmem>>, vector<16xf32>,
          %swap3A_1154 = arith.constant 0 : i32
          %swap3A_1155 = tpu.memref_slice %arg9[%scan3A_1078, %swap3A_1154] : memref<64x256xf32, #tpu.memory_space<vmem>> -> memref<1x256xf32, #tpu.memory_space<vmem>>
          %swap3A_1156 = tpu.memref_squeeze %swap3A_1155 : memref<1x256xf32, #tpu.memory_space<vmem>> -> memref<256xf32, #tpu.memory_space<vmem>>
          %swap3A_1157 = arith.constant 144 : index
          %swap3A_1158 = tpu.vector_load %swap3A_1156[%swap3A_1157] {strides = array<i32>} : memref<256xf32, #tpu.memory_space<vmem>>, vector<16xf32>,
          %swap3A_1159 = vector.shape_cast %swap3A_1158 : vector<16xf32> to vector<16xf32>
          %swap3A_1160 = vector.shape_cast %broadcast_in_dim3A_861 : vector<16xf32> to vector<16xf32>
          tpu.vector_store %swap3A_1156[%swap3A_1157], %swap3A_1160 {strides = array<i32>} : memref<256xf32, #tpu.memory_space<vmem>>, vector<16xf32>,
          %swap3A_1161 = arith.constant 0 : i32
          %swap3A_1162 = tpu.memref_slice %arg9[%scan3A_1078, %swap3A_1161] : memref<64x256xf32, #tpu.memory_space<vmem>> -> memref<1x256xf32, #tpu.memory_space<vmem>>
          %swap3A_1163 = tpu.memref_squeeze %swap3A_1162 : memref<1x256xf32, #tpu.memory_space<vmem>> -> memref<256xf32, #tpu.memory_space<vmem>>
          %swap3A_1164 = arith.constant 160 : index
          %swap3A_1165 = tpu.vector_load %swap3A_1163[%swap3A_1164] {strides = array<i32>} : memref<256xf32, #tpu.memory_space<vmem>>, vector<16xf32>,
          %swap3A_1166 = vector.shape_cast %swap3A_1165 : vector<16xf32> to vector<16xf32>
          %swap3A_1167 = vector.shape_cast %broadcast_in_dim3A_861 : vector<16xf32> to vector<16xf32>
          tpu.vector_store %swap3A_1163[%swap3A_1164], %swap3A_1167 {strides = array<i32>} : memref<256xf32, #tpu.memory_space<vmem>>, vector<16xf32>,
          %swap3A_1168 = arith.constant 0 : i32
          %swap3A_1169 = tpu.memref_slice %arg9[%scan3A_1078, %swap3A_1168] : memref<64x256xf32, #tpu.memory_space<vmem>> -> memref<1x256xf32, #tpu.memory_space<vmem>>
          %swap3A_1170 = tpu.memref_squeeze %swap3A_1169 : memref<1x256xf32, #tpu.memory_space<vmem>> -> memref<256xf32, #tpu.memory_space<vmem>>
          %swap3A_1171 = arith.constant 176 : index
          %swap3A_1172 = tpu.vector_load %swap3A_1170[%swap3A_1171] {strides = array<i32>} : memref<256xf32, #tpu.memory_space<vmem>>, vector<16xf32>,
          %swap3A_1173 = vector.shape_cast %swap3A_1172 : vector<16xf32> to vector<16xf32>
          %swap3A_1174 = vector.shape_cast %broadcast_in_dim3A_861 : vector<16xf32> to vector<16xf32>
          tpu.vector_store %swap3A_1170[%swap3A_1171], %swap3A_1174 {strides = array<i32>} : memref<256xf32, #tpu.memory_space<vmem>>, vector<16xf32>,
          %swap3A_1175 = arith.constant 0 : i32
          %swap3A_1176 = tpu.memref_slice %arg9[%scan3A_1078, %swap3A_1175] : memref<64x256xf32, #tpu.memory_space<vmem>> -> memref<1x256xf32, #tpu.memory_space<vmem>>
          %swap3A_1177 = tpu.memref_squeeze %swap3A_1176 : memref<1x256xf32, #tpu.memory_space<vmem>> -> memref<256xf32, #tpu.memory_space<vmem>>
          %swap3A_1178 = arith.constant 192 : index
          %swap3A_1179 = tpu.vector_load %swap3A_1177[%swap3A_1178] {strides = array<i32>} : memref<256xf32, #tpu.memory_space<vmem>>, vector<16xf32>,
          %swap3A_1180 = vector.shape_cast %swap3A_1179 : vector<16xf32> to vector<16xf32>
          %swap3A_1181 = vector.shape_cast %broadcast_in_dim3A_861 : vector<16xf32> to vector<16xf32>
          tpu.vector_store %swap3A_1177[%swap3A_1178], %swap3A_1181 {strides = array<i32>} : memref<256xf32, #tpu.memory_space<vmem>>, vector<16xf32>,
          %swap3A_1182 = arith.constant 0 : i32
          %swap3A_1183 = tpu.memref_slice %arg9[%scan3A_1078, %swap3A_1182] : memref<64x256xf32, #tpu.memory_space<vmem>> -> memref<1x256xf32, #tpu.memory_space<vmem>>
          %swap3A_1184 = tpu.memref_squeeze %swap3A_1183 : memref<1x256xf32, #tpu.memory_space<vmem>> -> memref<256xf32, #tpu.memory_space<vmem>>
          %swap3A_1185 = arith.constant 208 : index
          %swap3A_1186 = tpu.vector_load %swap3A_1184[%swap3A_1185] {strides = array<i32>} : memref<256xf32, #tpu.memory_space<vmem>>, vector<16xf32>,
          %swap3A_1187 = vector.shape_cast %swap3A_1186 : vector<16xf32> to vector<16xf32>
          %swap3A_1188 = vector.shape_cast %broadcast_in_dim3A_861 : vector<16xf32> to vector<16xf32>
          tpu.vector_store %swap3A_1184[%swap3A_1185], %swap3A_1188 {strides = array<i32>} : memref<256xf32, #tpu.memory_space<vmem>>, vector<16xf32>,
          %swap3A_1189 = arith.constant 0 : i32
          %swap3A_1190 = tpu.memref_slice %arg9[%scan3A_1078, %swap3A_1189] : memref<64x256xf32, #tpu.memory_space<vmem>> -> memref<1x256xf32, #tpu.memory_space<vmem>>
          %swap3A_1191 = tpu.memref_squeeze %swap3A_1190 : memref<1x256xf32, #tpu.memory_space<vmem>> -> memref<256xf32, #tpu.memory_space<vmem>>
          %swap3A_1192 = arith.constant 224 : index
          %swap3A_1193 = tpu.vector_load %swap3A_1191[%swap3A_1192] {strides = array<i32>} : memref<256xf32, #tpu.memory_space<vmem>>, vector<16xf32>,
          %swap3A_1194 = vector.shape_cast %swap3A_1193 : vector<16xf32> to vector<16xf32>
          %swap3A_1195 = vector.shape_cast %broadcast_in_dim3A_861 : vector<16xf32> to vector<16xf32>
          tpu.vector_store %swap3A_1191[%swap3A_1192], %swap3A_1195 {strides = array<i32>} : memref<256xf32, #tpu.memory_space<vmem>>, vector<16xf32>,
          %swap3A_1196 = arith.constant 0 : i32
          %swap3A_1197 = tpu.memref_slice %arg9[%scan3A_1078, %swap3A_1196] : memref<64x256xf32, #tpu.memory_space<vmem>> -> memref<1x256xf32, #tpu.memory_space<vmem>>
          %swap3A_1198 = tpu.memref_squeeze %swap3A_1197 : memref<1x256xf32, #tpu.memory_space<vmem>> -> memref<256xf32, #tpu.memory_space<vmem>>
          %swap3A_1199 = arith.constant 240 : index
          %swap3A_1200 = tpu.vector_load %swap3A_1198[%swap3A_1199] {strides = array<i32>} : memref<256xf32, #tpu.memory_space<vmem>>, vector<16xf32>,
          %swap3A_1201 = vector.shape_cast %swap3A_1200 : vector<16xf32> to vector<16xf32>
          %swap3A_1202 = vector.shape_cast %broadcast_in_dim3A_861 : vector<16xf32> to vector<16xf32>
          tpu.vector_store %swap3A_1198[%swap3A_1199], %swap3A_1202 {strides = array<i32>} : memref<256xf32, #tpu.memory_space<vmem>>, vector<16xf32>,
        } else {
        }
      }
      %scan3A_1077 = arith.constant 64 : i32
    } else {
    }
    %add3A_943 = arith.constant 128 : i32
    %add3A_944 = arith.addi %mul3A_2, %add3A_943 : i32
    %dma_start3A_945 = arith.constant 0 : i32
    %dma_start3A_946 = tpu.memref_slice %arg4[%add3A_944, %dma_start3A_945] : memref<16384x256xf32, #tpu.memory_space<hbm>> -> memref<64x256xf32, #tpu.memory_space<hbm>>
    %dma_start3A_947 = arith.constant 0 : i32
    %dma_start3A_948 = tpu.memref_slice %arg4[%add3A_944, %dma_start3A_947] : memref<16384x256xf32, #tpu.memory_space<hbm>> -> memref<64x256xf32, #tpu.memory_space<hbm>>
    tpu.enqueue_dma source(%arg9 : memref<64x256xf32, #tpu.memory_space<vmem>>) target(%dma_start3A_948 : memref<64x256xf32, #tpu.memory_space<hbm>>) target_semaphore(%arg21 : memref<!tpu.dma_semaphore, #tpu.memory_space<semaphore_mem>>)
    %dma_wait3A_949 = arith.constant 3 : i32
    %dma_wait3A_950 = arith.constant 0 : i32
    %dma_wait3A_951 = tpu.memref_slice %arg6[%dma_wait3A_949, %dma_wait3A_950] : memref<8x64xi32, #tpu.memory_space<vmem>> -> memref<1x64xi32, #tpu.memory_space<vmem>>
    %dma_wait3A_952 = tpu.memref_squeeze %dma_wait3A_951 : memref<1x64xi32, #tpu.memory_space<vmem>> -> memref<64xi32, #tpu.memory_space<vmem>>
    %dma_wait3A_953 = arith.constant 0 : i32
    %dma_wait3A_954 = arith.constant 0 : i32
    %dma_wait3A_955 = tpu.memref_slice %arg2[%select_n3A, %dma_wait3A_953, %dma_wait3A_954] : memref<8x512x256xf32, #tpu.memory_space<hbm>> -> memref<1x512x256xf32, #tpu.memory_space<hbm>>
    %dma_wait3A_956 = tpu.memref_squeeze %dma_wait3A_955 : memref<1x512x256xf32, #tpu.memory_space<hbm>> -> memref<512x256xf32, #tpu.memory_space<hbm>>
    %dma_wait3A_957 = arith.constant 0 : i32
    %dma_wait3A_958 = arith.constant 0 : i32
    %dma_wait3A_959 = tpu.memref_slice %dma_wait3A_956[%dma_wait3A_957, %dma_wait3A_958] : memref<512x256xf32, #tpu.memory_space<hbm>> -> memref<512x256xf32, #tpu.memory_space<hbm>>
    tpu.wait_indirect_dma semaphore(%arg16 : memref<!tpu.dma_semaphore, #tpu.memory_space<semaphore_mem>>) src(%dma_wait3A_959 : memref<512x256xf32, #tpu.memory_space<hbm>>) dst(%arg10 : memref<64x256xf32, #tpu.memory_space<vmem>>)
    %convert_element_type3A_960 = arith.extui %eq3A_402 : i1 to i32
    %cond3A_961 = arith.constant 0 : i32
    %cond3A_962 = arith.cmpi ne, %convert_element_type3A_960, %cond3A_961 : i32
    scf.if %cond3A_962 {
      %scan3A = arith.constant 0 : i32
      %scan3A_1073 = arith.constant 0 : i32
      %scan3A_1074 = arith.constant 64 : i32
      %scan3A_1075 = arith.addi %scan3A_1073, %scan3A_1074 : i32
      %scan3A_1076 = arith.constant 1 : i32
      scf.for %scan3A_1078 = %scan3A_1073 to %scan3A_1075 step %scan3A_1076  : i32 {
        %add3A_1079 = arith.constant 192 : i32
        %add3A_1080 = arith.addi %add3A_1079, %scan3A_1078 : i32
        %get3A_1081 = arith.index_cast %add3A_1080 : i32 to index
        %get3A_1082 = tpu.vector_load %arg5[%get3A_1081] {strides = array<i32>} : memref<528xi32, #tpu.memory_space<vmem>>, vector<16xi32>,
        %get3A_1083 = vector.shape_cast %get3A_1082 : vector<16xi32> to vector<16xi32>
        %slice3A_1084 = vector.extract_strided_slice %get3A_1083 {offsets = [0], sizes = [1], strides = [1]} : vector<16xi32> to vector<1xi32>
        %squeeze3A_1085 = vector.extract %slice3A_1084[0] : i32 from vector<1xi32>
        %eq3A_1086 = arith.constant 0 : i32
        %eq3A_1087 = arith.cmpi eq, %squeeze3A_1085, %eq3A_1086 : i32
        %convert_element_type3A_1088 = arith.extui %eq3A_1087 : i1 to i32
        %cond3A_1089 = arith.constant 0 : i32
        %cond3A_1090 = arith.cmpi ne, %convert_element_type3A_1088, %cond3A_1089 : i32
        scf.if %cond3A_1090 {
          %swap3A_1091 = arith.constant 0 : i32
          %swap3A_1092 = tpu.memref_slice %arg10[%scan3A_1078, %swap3A_1091] : memref<64x256xf32, #tpu.memory_space<vmem>> -> memref<1x256xf32, #tpu.memory_space<vmem>>
          %swap3A_1093 = tpu.memref_squeeze %swap3A_1092 : memref<1x256xf32, #tpu.memory_space<vmem>> -> memref<256xf32, #tpu.memory_space<vmem>>
          %swap3A_1094 = arith.constant 0 : index
          %swap3A_1095 = tpu.vector_load %swap3A_1093[%swap3A_1094] {strides = array<i32>} : memref<256xf32, #tpu.memory_space<vmem>>, vector<16xf32>,
          %swap3A_1096 = vector.shape_cast %swap3A_1095 : vector<16xf32> to vector<16xf32>
          %swap3A_1097 = vector.shape_cast %broadcast_in_dim3A_861 : vector<16xf32> to vector<16xf32>
          tpu.vector_store %swap3A_1093[%swap3A_1094], %swap3A_1097 {strides = array<i32>} : memref<256xf32, #tpu.memory_space<vmem>>, vector<16xf32>,
          %swap3A_1098 = arith.constant 0 : i32
          %swap3A_1099 = tpu.memref_slice %arg10[%scan3A_1078, %swap3A_1098] : memref<64x256xf32, #tpu.memory_space<vmem>> -> memref<1x256xf32, #tpu.memory_space<vmem>>
          %swap3A_1100 = tpu.memref_squeeze %swap3A_1099 : memref<1x256xf32, #tpu.memory_space<vmem>> -> memref<256xf32, #tpu.memory_space<vmem>>
          %swap3A_1101 = arith.constant 16 : index
          %swap3A_1102 = tpu.vector_load %swap3A_1100[%swap3A_1101] {strides = array<i32>} : memref<256xf32, #tpu.memory_space<vmem>>, vector<16xf32>,
          %swap3A_1103 = vector.shape_cast %swap3A_1102 : vector<16xf32> to vector<16xf32>
          %swap3A_1104 = vector.shape_cast %broadcast_in_dim3A_861 : vector<16xf32> to vector<16xf32>
          tpu.vector_store %swap3A_1100[%swap3A_1101], %swap3A_1104 {strides = array<i32>} : memref<256xf32, #tpu.memory_space<vmem>>, vector<16xf32>,
          %swap3A_1105 = arith.constant 0 : i32
          %swap3A_1106 = tpu.memref_slice %arg10[%scan3A_1078, %swap3A_1105] : memref<64x256xf32, #tpu.memory_space<vmem>> -> memref<1x256xf32, #tpu.memory_space<vmem>>
          %swap3A_1107 = tpu.memref_squeeze %swap3A_1106 : memref<1x256xf32, #tpu.memory_space<vmem>> -> memref<256xf32, #tpu.memory_space<vmem>>
          %swap3A_1108 = arith.constant 32 : index
          %swap3A_1109 = tpu.vector_load %swap3A_1107[%swap3A_1108] {strides = array<i32>} : memref<256xf32, #tpu.memory_space<vmem>>, vector<16xf32>,
          %swap3A_1110 = vector.shape_cast %swap3A_1109 : vector<16xf32> to vector<16xf32>
          %swap3A_1111 = vector.shape_cast %broadcast_in_dim3A_861 : vector<16xf32> to vector<16xf32>
          tpu.vector_store %swap3A_1107[%swap3A_1108], %swap3A_1111 {strides = array<i32>} : memref<256xf32, #tpu.memory_space<vmem>>, vector<16xf32>,
          %swap3A_1112 = arith.constant 0 : i32
          %swap3A_1113 = tpu.memref_slice %arg10[%scan3A_1078, %swap3A_1112] : memref<64x256xf32, #tpu.memory_space<vmem>> -> memref<1x256xf32, #tpu.memory_space<vmem>>
          %swap3A_1114 = tpu.memref_squeeze %swap3A_1113 : memref<1x256xf32, #tpu.memory_space<vmem>> -> memref<256xf32, #tpu.memory_space<vmem>>
          %swap3A_1115 = arith.constant 48 : index
          %swap3A_1116 = tpu.vector_load %swap3A_1114[%swap3A_1115] {strides = array<i32>} : memref<256xf32, #tpu.memory_space<vmem>>, vector<16xf32>,
          %swap3A_1117 = vector.shape_cast %swap3A_1116 : vector<16xf32> to vector<16xf32>
          %swap3A_1118 = vector.shape_cast %broadcast_in_dim3A_861 : vector<16xf32> to vector<16xf32>
          tpu.vector_store %swap3A_1114[%swap3A_1115], %swap3A_1118 {strides = array<i32>} : memref<256xf32, #tpu.memory_space<vmem>>, vector<16xf32>,
          %swap3A_1119 = arith.constant 0 : i32
          %swap3A_1120 = tpu.memref_slice %arg10[%scan3A_1078, %swap3A_1119] : memref<64x256xf32, #tpu.memory_space<vmem>> -> memref<1x256xf32, #tpu.memory_space<vmem>>
          %swap3A_1121 = tpu.memref_squeeze %swap3A_1120 : memref<1x256xf32, #tpu.memory_space<vmem>> -> memref<256xf32, #tpu.memory_space<vmem>>
          %swap3A_1122 = arith.constant 64 : index
          %swap3A_1123 = tpu.vector_load %swap3A_1121[%swap3A_1122] {strides = array<i32>} : memref<256xf32, #tpu.memory_space<vmem>>, vector<16xf32>,
          %swap3A_1124 = vector.shape_cast %swap3A_1123 : vector<16xf32> to vector<16xf32>
          %swap3A_1125 = vector.shape_cast %broadcast_in_dim3A_861 : vector<16xf32> to vector<16xf32>
          tpu.vector_store %swap3A_1121[%swap3A_1122], %swap3A_1125 {strides = array<i32>} : memref<256xf32, #tpu.memory_space<vmem>>, vector<16xf32>,
          %swap3A_1126 = arith.constant 0 : i32
          %swap3A_1127 = tpu.memref_slice %arg10[%scan3A_1078, %swap3A_1126] : memref<64x256xf32, #tpu.memory_space<vmem>> -> memref<1x256xf32, #tpu.memory_space<vmem>>
          %swap3A_1128 = tpu.memref_squeeze %swap3A_1127 : memref<1x256xf32, #tpu.memory_space<vmem>> -> memref<256xf32, #tpu.memory_space<vmem>>
          %swap3A_1129 = arith.constant 80 : index
          %swap3A_1130 = tpu.vector_load %swap3A_1128[%swap3A_1129] {strides = array<i32>} : memref<256xf32, #tpu.memory_space<vmem>>, vector<16xf32>,
          %swap3A_1131 = vector.shape_cast %swap3A_1130 : vector<16xf32> to vector<16xf32>
          %swap3A_1132 = vector.shape_cast %broadcast_in_dim3A_861 : vector<16xf32> to vector<16xf32>
          tpu.vector_store %swap3A_1128[%swap3A_1129], %swap3A_1132 {strides = array<i32>} : memref<256xf32, #tpu.memory_space<vmem>>, vector<16xf32>,
          %swap3A_1133 = arith.constant 0 : i32
          %swap3A_1134 = tpu.memref_slice %arg10[%scan3A_1078, %swap3A_1133] : memref<64x256xf32, #tpu.memory_space<vmem>> -> memref<1x256xf32, #tpu.memory_space<vmem>>
          %swap3A_1135 = tpu.memref_squeeze %swap3A_1134 : memref<1x256xf32, #tpu.memory_space<vmem>> -> memref<256xf32, #tpu.memory_space<vmem>>
          %swap3A_1136 = arith.constant 96 : index
          %swap3A_1137 = tpu.vector_load %swap3A_1135[%swap3A_1136] {strides = array<i32>} : memref<256xf32, #tpu.memory_space<vmem>>, vector<16xf32>,
          %swap3A_1138 = vector.shape_cast %swap3A_1137 : vector<16xf32> to vector<16xf32>
          %swap3A_1139 = vector.shape_cast %broadcast_in_dim3A_861 : vector<16xf32> to vector<16xf32>
          tpu.vector_store %swap3A_1135[%swap3A_1136], %swap3A_1139 {strides = array<i32>} : memref<256xf32, #tpu.memory_space<vmem>>, vector<16xf32>,
          %swap3A_1140 = arith.constant 0 : i32
          %swap3A_1141 = tpu.memref_slice %arg10[%scan3A_1078, %swap3A_1140] : memref<64x256xf32, #tpu.memory_space<vmem>> -> memref<1x256xf32, #tpu.memory_space<vmem>>
          %swap3A_1142 = tpu.memref_squeeze %swap3A_1141 : memref<1x256xf32, #tpu.memory_space<vmem>> -> memref<256xf32, #tpu.memory_space<vmem>>
          %swap3A_1143 = arith.constant 112 : index
          %swap3A_1144 = tpu.vector_load %swap3A_1142[%swap3A_1143] {strides = array<i32>} : memref<256xf32, #tpu.memory_space<vmem>>, vector<16xf32>,
          %swap3A_1145 = vector.shape_cast %swap3A_1144 : vector<16xf32> to vector<16xf32>
          %swap3A_1146 = vector.shape_cast %broadcast_in_dim3A_861 : vector<16xf32> to vector<16xf32>
          tpu.vector_store %swap3A_1142[%swap3A_1143], %swap3A_1146 {strides = array<i32>} : memref<256xf32, #tpu.memory_space<vmem>>, vector<16xf32>,
          %swap3A_1147 = arith.constant 0 : i32
          %swap3A_1148 = tpu.memref_slice %arg10[%scan3A_1078, %swap3A_1147] : memref<64x256xf32, #tpu.memory_space<vmem>> -> memref<1x256xf32, #tpu.memory_space<vmem>>
          %swap3A_1149 = tpu.memref_squeeze %swap3A_1148 : memref<1x256xf32, #tpu.memory_space<vmem>> -> memref<256xf32, #tpu.memory_space<vmem>>
          %swap3A_1150 = arith.constant 128 : index
          %swap3A_1151 = tpu.vector_load %swap3A_1149[%swap3A_1150] {strides = array<i32>} : memref<256xf32, #tpu.memory_space<vmem>>, vector<16xf32>,
          %swap3A_1152 = vector.shape_cast %swap3A_1151 : vector<16xf32> to vector<16xf32>
          %swap3A_1153 = vector.shape_cast %broadcast_in_dim3A_861 : vector<16xf32> to vector<16xf32>
          tpu.vector_store %swap3A_1149[%swap3A_1150], %swap3A_1153 {strides = array<i32>} : memref<256xf32, #tpu.memory_space<vmem>>, vector<16xf32>,
          %swap3A_1154 = arith.constant 0 : i32
          %swap3A_1155 = tpu.memref_slice %arg10[%scan3A_1078, %swap3A_1154] : memref<64x256xf32, #tpu.memory_space<vmem>> -> memref<1x256xf32, #tpu.memory_space<vmem>>
          %swap3A_1156 = tpu.memref_squeeze %swap3A_1155 : memref<1x256xf32, #tpu.memory_space<vmem>> -> memref<256xf32, #tpu.memory_space<vmem>>
          %swap3A_1157 = arith.constant 144 : index
          %swap3A_1158 = tpu.vector_load %swap3A_1156[%swap3A_1157] {strides = array<i32>} : memref<256xf32, #tpu.memory_space<vmem>>, vector<16xf32>,
          %swap3A_1159 = vector.shape_cast %swap3A_1158 : vector<16xf32> to vector<16xf32>
          %swap3A_1160 = vector.shape_cast %broadcast_in_dim3A_861 : vector<16xf32> to vector<16xf32>
          tpu.vector_store %swap3A_1156[%swap3A_1157], %swap3A_1160 {strides = array<i32>} : memref<256xf32, #tpu.memory_space<vmem>>, vector<16xf32>,
          %swap3A_1161 = arith.constant 0 : i32
          %swap3A_1162 = tpu.memref_slice %arg10[%scan3A_1078, %swap3A_1161] : memref<64x256xf32, #tpu.memory_space<vmem>> -> memref<1x256xf32, #tpu.memory_space<vmem>>
          %swap3A_1163 = tpu.memref_squeeze %swap3A_1162 : memref<1x256xf32, #tpu.memory_space<vmem>> -> memref<256xf32, #tpu.memory_space<vmem>>
          %swap3A_1164 = arith.constant 160 : index
          %swap3A_1165 = tpu.vector_load %swap3A_1163[%swap3A_1164] {strides = array<i32>} : memref<256xf32, #tpu.memory_space<vmem>>, vector<16xf32>,
          %swap3A_1166 = vector.shape_cast %swap3A_1165 : vector<16xf32> to vector<16xf32>
          %swap3A_1167 = vector.shape_cast %broadcast_in_dim3A_861 : vector<16xf32> to vector<16xf32>
          tpu.vector_store %swap3A_1163[%swap3A_1164], %swap3A_1167 {strides = array<i32>} : memref<256xf32, #tpu.memory_space<vmem>>, vector<16xf32>,
          %swap3A_1168 = arith.constant 0 : i32
          %swap3A_1169 = tpu.memref_slice %arg10[%scan3A_1078, %swap3A_1168] : memref<64x256xf32, #tpu.memory_space<vmem>> -> memref<1x256xf32, #tpu.memory_space<vmem>>
          %swap3A_1170 = tpu.memref_squeeze %swap3A_1169 : memref<1x256xf32, #tpu.memory_space<vmem>> -> memref<256xf32, #tpu.memory_space<vmem>>
          %swap3A_1171 = arith.constant 176 : index
          %swap3A_1172 = tpu.vector_load %swap3A_1170[%swap3A_1171] {strides = array<i32>} : memref<256xf32, #tpu.memory_space<vmem>>, vector<16xf32>,
          %swap3A_1173 = vector.shape_cast %swap3A_1172 : vector<16xf32> to vector<16xf32>
          %swap3A_1174 = vector.shape_cast %broadcast_in_dim3A_861 : vector<16xf32> to vector<16xf32>
          tpu.vector_store %swap3A_1170[%swap3A_1171], %swap3A_1174 {strides = array<i32>} : memref<256xf32, #tpu.memory_space<vmem>>, vector<16xf32>,
          %swap3A_1175 = arith.constant 0 : i32
          %swap3A_1176 = tpu.memref_slice %arg10[%scan3A_1078, %swap3A_1175] : memref<64x256xf32, #tpu.memory_space<vmem>> -> memref<1x256xf32, #tpu.memory_space<vmem>>
          %swap3A_1177 = tpu.memref_squeeze %swap3A_1176 : memref<1x256xf32, #tpu.memory_space<vmem>> -> memref<256xf32, #tpu.memory_space<vmem>>
          %swap3A_1178 = arith.constant 192 : index
          %swap3A_1179 = tpu.vector_load %swap3A_1177[%swap3A_1178] {strides = array<i32>} : memref<256xf32, #tpu.memory_space<vmem>>, vector<16xf32>,
          %swap3A_1180 = vector.shape_cast %swap3A_1179 : vector<16xf32> to vector<16xf32>
          %swap3A_1181 = vector.shape_cast %broadcast_in_dim3A_861 : vector<16xf32> to vector<16xf32>
          tpu.vector_store %swap3A_1177[%swap3A_1178], %swap3A_1181 {strides = array<i32>} : memref<256xf32, #tpu.memory_space<vmem>>, vector<16xf32>,
          %swap3A_1182 = arith.constant 0 : i32
          %swap3A_1183 = tpu.memref_slice %arg10[%scan3A_1078, %swap3A_1182] : memref<64x256xf32, #tpu.memory_space<vmem>> -> memref<1x256xf32, #tpu.memory_space<vmem>>
          %swap3A_1184 = tpu.memref_squeeze %swap3A_1183 : memref<1x256xf32, #tpu.memory_space<vmem>> -> memref<256xf32, #tpu.memory_space<vmem>>
          %swap3A_1185 = arith.constant 208 : index
          %swap3A_1186 = tpu.vector_load %swap3A_1184[%swap3A_1185] {strides = array<i32>} : memref<256xf32, #tpu.memory_space<vmem>>, vector<16xf32>,
          %swap3A_1187 = vector.shape_cast %swap3A_1186 : vector<16xf32> to vector<16xf32>
          %swap3A_1188 = vector.shape_cast %broadcast_in_dim3A_861 : vector<16xf32> to vector<16xf32>
          tpu.vector_store %swap3A_1184[%swap3A_1185], %swap3A_1188 {strides = array<i32>} : memref<256xf32, #tpu.memory_space<vmem>>, vector<16xf32>,
          %swap3A_1189 = arith.constant 0 : i32
          %swap3A_1190 = tpu.memref_slice %arg10[%scan3A_1078, %swap3A_1189] : memref<64x256xf32, #tpu.memory_space<vmem>> -> memref<1x256xf32, #tpu.memory_space<vmem>>
          %swap3A_1191 = tpu.memref_squeeze %swap3A_1190 : memref<1x256xf32, #tpu.memory_space<vmem>> -> memref<256xf32, #tpu.memory_space<vmem>>
          %swap3A_1192 = arith.constant 224 : index
          %swap3A_1193 = tpu.vector_load %swap3A_1191[%swap3A_1192] {strides = array<i32>} : memref<256xf32, #tpu.memory_space<vmem>>, vector<16xf32>,
          %swap3A_1194 = vector.shape_cast %swap3A_1193 : vector<16xf32> to vector<16xf32>
          %swap3A_1195 = vector.shape_cast %broadcast_in_dim3A_861 : vector<16xf32> to vector<16xf32>
          tpu.vector_store %swap3A_1191[%swap3A_1192], %swap3A_1195 {strides = array<i32>} : memref<256xf32, #tpu.memory_space<vmem>>, vector<16xf32>,
          %swap3A_1196 = arith.constant 0 : i32
          %swap3A_1197 = tpu.memref_slice %arg10[%scan3A_1078, %swap3A_1196] : memref<64x256xf32, #tpu.memory_space<vmem>> -> memref<1x256xf32, #tpu.memory_space<vmem>>
          %swap3A_1198 = tpu.memref_squeeze %swap3A_1197 : memref<1x256xf32, #tpu.memory_space<vmem>> -> memref<256xf32, #tpu.memory_space<vmem>>
          %swap3A_1199 = arith.constant 240 : index
          %swap3A_1200 = tpu.vector_load %swap3A_1198[%swap3A_1199] {strides = array<i32>} : memref<256xf32, #tpu.memory_space<vmem>>, vector<16xf32>,
          %swap3A_1201 = vector.shape_cast %swap3A_1200 : vector<16xf32> to vector<16xf32>
          %swap3A_1202 = vector.shape_cast %broadcast_in_dim3A_861 : vector<16xf32> to vector<16xf32>
          tpu.vector_store %swap3A_1198[%swap3A_1199], %swap3A_1202 {strides = array<i32>} : memref<256xf32, #tpu.memory_space<vmem>>, vector<16xf32>,
        } else {
        }
      }
      %scan3A_1077 = arith.constant 64 : i32
    } else {
    }
    %add3A_963 = arith.constant 192 : i32
    %add3A_964 = arith.addi %mul3A_2, %add3A_963 : i32
    %dma_start3A_965 = arith.constant 0 : i32
    %dma_start3A_966 = tpu.memref_slice %arg4[%add3A_964, %dma_start3A_965] : memref<16384x256xf32, #tpu.memory_space<hbm>> -> memref<64x256xf32, #tpu.memory_space<hbm>>
    %dma_start3A_967 = arith.constant 0 : i32
    %dma_start3A_968 = tpu.memref_slice %arg4[%add3A_964, %dma_start3A_967] : memref<16384x256xf32, #tpu.memory_space<hbm>> -> memref<64x256xf32, #tpu.memory_space<hbm>>
    tpu.enqueue_dma source(%arg10 : memref<64x256xf32, #tpu.memory_space<vmem>>) target(%dma_start3A_968 : memref<64x256xf32, #tpu.memory_space<hbm>>) target_semaphore(%arg22 : memref<!tpu.dma_semaphore, #tpu.memory_space<semaphore_mem>>)
    %dma_wait3A_969 = arith.constant 4 : i32
    %dma_wait3A_970 = arith.constant 0 : i32
    %dma_wait3A_971 = tpu.memref_slice %arg6[%dma_wait3A_969, %dma_wait3A_970] : memref<8x64xi32, #tpu.memory_space<vmem>> -> memref<1x64xi32, #tpu.memory_space<vmem>>
    %dma_wait3A_972 = tpu.memref_squeeze %dma_wait3A_971 : memref<1x64xi32, #tpu.memory_space<vmem>> -> memref<64xi32, #tpu.memory_space<vmem>>
    %dma_wait3A_973 = arith.constant 0 : i32
    %dma_wait3A_974 = arith.constant 0 : i32
    %dma_wait3A_975 = tpu.memref_slice %arg2[%select_n3A, %dma_wait3A_973, %dma_wait3A_974] : memref<8x512x256xf32, #tpu.memory_space<hbm>> -> memref<1x512x256xf32, #tpu.memory_space<hbm>>
    %dma_wait3A_976 = tpu.memref_squeeze %dma_wait3A_975 : memref<1x512x256xf32, #tpu.memory_space<hbm>> -> memref<512x256xf32, #tpu.memory_space<hbm>>
    %dma_wait3A_977 = arith.constant 0 : i32
    %dma_wait3A_978 = arith.constant 0 : i32
    %dma_wait3A_979 = tpu.memref_slice %dma_wait3A_976[%dma_wait3A_977, %dma_wait3A_978] : memref<512x256xf32, #tpu.memory_space<hbm>> -> memref<512x256xf32, #tpu.memory_space<hbm>>
    tpu.wait_indirect_dma semaphore(%arg17 : memref<!tpu.dma_semaphore, #tpu.memory_space<semaphore_mem>>) src(%dma_wait3A_979 : memref<512x256xf32, #tpu.memory_space<hbm>>) dst(%arg11 : memref<64x256xf32, #tpu.memory_space<vmem>>)
    %convert_element_type3A_980 = arith.extui %eq3A_500 : i1 to i32
    %cond3A_981 = arith.constant 0 : i32
    %cond3A_982 = arith.cmpi ne, %convert_element_type3A_980, %cond3A_981 : i32
    scf.if %cond3A_982 {
      %scan3A = arith.constant 0 : i32
      %scan3A_1073 = arith.constant 0 : i32
      %scan3A_1074 = arith.constant 64 : i32
      %scan3A_1075 = arith.addi %scan3A_1073, %scan3A_1074 : i32
      %scan3A_1076 = arith.constant 1 : i32
      scf.for %scan3A_1078 = %scan3A_1073 to %scan3A_1075 step %scan3A_1076  : i32 {
        %add3A_1079 = arith.constant 256 : i32
        %add3A_1080 = arith.addi %add3A_1079, %scan3A_1078 : i32
        %get3A_1081 = arith.index_cast %add3A_1080 : i32 to index
        %get3A_1082 = tpu.vector_load %arg5[%get3A_1081] {strides = array<i32>} : memref<528xi32, #tpu.memory_space<vmem>>, vector<16xi32>,
        %get3A_1083 = vector.shape_cast %get3A_1082 : vector<16xi32> to vector<16xi32>
        %slice3A_1084 = vector.extract_strided_slice %get3A_1083 {offsets = [0], sizes = [1], strides = [1]} : vector<16xi32> to vector<1xi32>
        %squeeze3A_1085 = vector.extract %slice3A_1084[0] : i32 from vector<1xi32>
        %eq3A_1086 = arith.constant 0 : i32
        %eq3A_1087 = arith.cmpi eq, %squeeze3A_1085, %eq3A_1086 : i32
        %convert_element_type3A_1088 = arith.extui %eq3A_1087 : i1 to i32
        %cond3A_1089 = arith.constant 0 : i32
        %cond3A_1090 = arith.cmpi ne, %convert_element_type3A_1088, %cond3A_1089 : i32
        scf.if %cond3A_1090 {
          %swap3A_1091 = arith.constant 0 : i32
          %swap3A_1092 = tpu.memref_slice %arg11[%scan3A_1078, %swap3A_1091] : memref<64x256xf32, #tpu.memory_space<vmem>> -> memref<1x256xf32, #tpu.memory_space<vmem>>
          %swap3A_1093 = tpu.memref_squeeze %swap3A_1092 : memref<1x256xf32, #tpu.memory_space<vmem>> -> memref<256xf32, #tpu.memory_space<vmem>>
          %swap3A_1094 = arith.constant 0 : index
          %swap3A_1095 = tpu.vector_load %swap3A_1093[%swap3A_1094] {strides = array<i32>} : memref<256xf32, #tpu.memory_space<vmem>>, vector<16xf32>,
          %swap3A_1096 = vector.shape_cast %swap3A_1095 : vector<16xf32> to vector<16xf32>
          %swap3A_1097 = vector.shape_cast %broadcast_in_dim3A_861 : vector<16xf32> to vector<16xf32>
          tpu.vector_store %swap3A_1093[%swap3A_1094], %swap3A_1097 {strides = array<i32>} : memref<256xf32, #tpu.memory_space<vmem>>, vector<16xf32>,
          %swap3A_1098 = arith.constant 0 : i32
          %swap3A_1099 = tpu.memref_slice %arg11[%scan3A_1078, %swap3A_1098] : memref<64x256xf32, #tpu.memory_space<vmem>> -> memref<1x256xf32, #tpu.memory_space<vmem>>
          %swap3A_1100 = tpu.memref_squeeze %swap3A_1099 : memref<1x256xf32, #tpu.memory_space<vmem>> -> memref<256xf32, #tpu.memory_space<vmem>>
          %swap3A_1101 = arith.constant 16 : index
          %swap3A_1102 = tpu.vector_load %swap3A_1100[%swap3A_1101] {strides = array<i32>} : memref<256xf32, #tpu.memory_space<vmem>>, vector<16xf32>,
          %swap3A_1103 = vector.shape_cast %swap3A_1102 : vector<16xf32> to vector<16xf32>
          %swap3A_1104 = vector.shape_cast %broadcast_in_dim3A_861 : vector<16xf32> to vector<16xf32>
          tpu.vector_store %swap3A_1100[%swap3A_1101], %swap3A_1104 {strides = array<i32>} : memref<256xf32, #tpu.memory_space<vmem>>, vector<16xf32>,
          %swap3A_1105 = arith.constant 0 : i32
          %swap3A_1106 = tpu.memref_slice %arg11[%scan3A_1078, %swap3A_1105] : memref<64x256xf32, #tpu.memory_space<vmem>> -> memref<1x256xf32, #tpu.memory_space<vmem>>
          %swap3A_1107 = tpu.memref_squeeze %swap3A_1106 : memref<1x256xf32, #tpu.memory_space<vmem>> -> memref<256xf32, #tpu.memory_space<vmem>>
          %swap3A_1108 = arith.constant 32 : index
          %swap3A_1109 = tpu.vector_load %swap3A_1107[%swap3A_1108] {strides = array<i32>} : memref<256xf32, #tpu.memory_space<vmem>>, vector<16xf32>,
          %swap3A_1110 = vector.shape_cast %swap3A_1109 : vector<16xf32> to vector<16xf32>
          %swap3A_1111 = vector.shape_cast %broadcast_in_dim3A_861 : vector<16xf32> to vector<16xf32>
          tpu.vector_store %swap3A_1107[%swap3A_1108], %swap3A_1111 {strides = array<i32>} : memref<256xf32, #tpu.memory_space<vmem>>, vector<16xf32>,
          %swap3A_1112 = arith.constant 0 : i32
          %swap3A_1113 = tpu.memref_slice %arg11[%scan3A_1078, %swap3A_1112] : memref<64x256xf32, #tpu.memory_space<vmem>> -> memref<1x256xf32, #tpu.memory_space<vmem>>
          %swap3A_1114 = tpu.memref_squeeze %swap3A_1113 : memref<1x256xf32, #tpu.memory_space<vmem>> -> memref<256xf32, #tpu.memory_space<vmem>>
          %swap3A_1115 = arith.constant 48 : index
          %swap3A_1116 = tpu.vector_load %swap3A_1114[%swap3A_1115] {strides = array<i32>} : memref<256xf32, #tpu.memory_space<vmem>>, vector<16xf32>,
          %swap3A_1117 = vector.shape_cast %swap3A_1116 : vector<16xf32> to vector<16xf32>
          %swap3A_1118 = vector.shape_cast %broadcast_in_dim3A_861 : vector<16xf32> to vector<16xf32>
          tpu.vector_store %swap3A_1114[%swap3A_1115], %swap3A_1118 {strides = array<i32>} : memref<256xf32, #tpu.memory_space<vmem>>, vector<16xf32>,
          %swap3A_1119 = arith.constant 0 : i32
          %swap3A_1120 = tpu.memref_slice %arg11[%scan3A_1078, %swap3A_1119] : memref<64x256xf32, #tpu.memory_space<vmem>> -> memref<1x256xf32, #tpu.memory_space<vmem>>
          %swap3A_1121 = tpu.memref_squeeze %swap3A_1120 : memref<1x256xf32, #tpu.memory_space<vmem>> -> memref<256xf32, #tpu.memory_space<vmem>>
          %swap3A_1122 = arith.constant 64 : index
          %swap3A_1123 = tpu.vector_load %swap3A_1121[%swap3A_1122] {strides = array<i32>} : memref<256xf32, #tpu.memory_space<vmem>>, vector<16xf32>,
          %swap3A_1124 = vector.shape_cast %swap3A_1123 : vector<16xf32> to vector<16xf32>
          %swap3A_1125 = vector.shape_cast %broadcast_in_dim3A_861 : vector<16xf32> to vector<16xf32>
          tpu.vector_store %swap3A_1121[%swap3A_1122], %swap3A_1125 {strides = array<i32>} : memref<256xf32, #tpu.memory_space<vmem>>, vector<16xf32>,
          %swap3A_1126 = arith.constant 0 : i32
          %swap3A_1127 = tpu.memref_slice %arg11[%scan3A_1078, %swap3A_1126] : memref<64x256xf32, #tpu.memory_space<vmem>> -> memref<1x256xf32, #tpu.memory_space<vmem>>
          %swap3A_1128 = tpu.memref_squeeze %swap3A_1127 : memref<1x256xf32, #tpu.memory_space<vmem>> -> memref<256xf32, #tpu.memory_space<vmem>>
          %swap3A_1129 = arith.constant 80 : index
          %swap3A_1130 = tpu.vector_load %swap3A_1128[%swap3A_1129] {strides = array<i32>} : memref<256xf32, #tpu.memory_space<vmem>>, vector<16xf32>,
          %swap3A_1131 = vector.shape_cast %swap3A_1130 : vector<16xf32> to vector<16xf32>
          %swap3A_1132 = vector.shape_cast %broadcast_in_dim3A_861 : vector<16xf32> to vector<16xf32>
          tpu.vector_store %swap3A_1128[%swap3A_1129], %swap3A_1132 {strides = array<i32>} : memref<256xf32, #tpu.memory_space<vmem>>, vector<16xf32>,
          %swap3A_1133 = arith.constant 0 : i32
          %swap3A_1134 = tpu.memref_slice %arg11[%scan3A_1078, %swap3A_1133] : memref<64x256xf32, #tpu.memory_space<vmem>> -> memref<1x256xf32, #tpu.memory_space<vmem>>
          %swap3A_1135 = tpu.memref_squeeze %swap3A_1134 : memref<1x256xf32, #tpu.memory_space<vmem>> -> memref<256xf32, #tpu.memory_space<vmem>>
          %swap3A_1136 = arith.constant 96 : index
          %swap3A_1137 = tpu.vector_load %swap3A_1135[%swap3A_1136] {strides = array<i32>} : memref<256xf32, #tpu.memory_space<vmem>>, vector<16xf32>,
          %swap3A_1138 = vector.shape_cast %swap3A_1137 : vector<16xf32> to vector<16xf32>
          %swap3A_1139 = vector.shape_cast %broadcast_in_dim3A_861 : vector<16xf32> to vector<16xf32>
          tpu.vector_store %swap3A_1135[%swap3A_1136], %swap3A_1139 {strides = array<i32>} : memref<256xf32, #tpu.memory_space<vmem>>, vector<16xf32>,
          %swap3A_1140 = arith.constant 0 : i32
          %swap3A_1141 = tpu.memref_slice %arg11[%scan3A_1078, %swap3A_1140] : memref<64x256xf32, #tpu.memory_space<vmem>> -> memref<1x256xf32, #tpu.memory_space<vmem>>
          %swap3A_1142 = tpu.memref_squeeze %swap3A_1141 : memref<1x256xf32, #tpu.memory_space<vmem>> -> memref<256xf32, #tpu.memory_space<vmem>>
          %swap3A_1143 = arith.constant 112 : index
          %swap3A_1144 = tpu.vector_load %swap3A_1142[%swap3A_1143] {strides = array<i32>} : memref<256xf32, #tpu.memory_space<vmem>>, vector<16xf32>,
          %swap3A_1145 = vector.shape_cast %swap3A_1144 : vector<16xf32> to vector<16xf32>
          %swap3A_1146 = vector.shape_cast %broadcast_in_dim3A_861 : vector<16xf32> to vector<16xf32>
          tpu.vector_store %swap3A_1142[%swap3A_1143], %swap3A_1146 {strides = array<i32>} : memref<256xf32, #tpu.memory_space<vmem>>, vector<16xf32>,
          %swap3A_1147 = arith.constant 0 : i32
          %swap3A_1148 = tpu.memref_slice %arg11[%scan3A_1078, %swap3A_1147] : memref<64x256xf32, #tpu.memory_space<vmem>> -> memref<1x256xf32, #tpu.memory_space<vmem>>
          %swap3A_1149 = tpu.memref_squeeze %swap3A_1148 : memref<1x256xf32, #tpu.memory_space<vmem>> -> memref<256xf32, #tpu.memory_space<vmem>>
          %swap3A_1150 = arith.constant 128 : index
          %swap3A_1151 = tpu.vector_load %swap3A_1149[%swap3A_1150] {strides = array<i32>} : memref<256xf32, #tpu.memory_space<vmem>>, vector<16xf32>,
          %swap3A_1152 = vector.shape_cast %swap3A_1151 : vector<16xf32> to vector<16xf32>
          %swap3A_1153 = vector.shape_cast %broadcast_in_dim3A_861 : vector<16xf32> to vector<16xf32>
          tpu.vector_store %swap3A_1149[%swap3A_1150], %swap3A_1153 {strides = array<i32>} : memref<256xf32, #tpu.memory_space<vmem>>, vector<16xf32>,
          %swap3A_1154 = arith.constant 0 : i32
          %swap3A_1155 = tpu.memref_slice %arg11[%scan3A_1078, %swap3A_1154] : memref<64x256xf32, #tpu.memory_space<vmem>> -> memref<1x256xf32, #tpu.memory_space<vmem>>
          %swap3A_1156 = tpu.memref_squeeze %swap3A_1155 : memref<1x256xf32, #tpu.memory_space<vmem>> -> memref<256xf32, #tpu.memory_space<vmem>>
          %swap3A_1157 = arith.constant 144 : index
          %swap3A_1158 = tpu.vector_load %swap3A_1156[%swap3A_1157] {strides = array<i32>} : memref<256xf32, #tpu.memory_space<vmem>>, vector<16xf32>,
          %swap3A_1159 = vector.shape_cast %swap3A_1158 : vector<16xf32> to vector<16xf32>
          %swap3A_1160 = vector.shape_cast %broadcast_in_dim3A_861 : vector<16xf32> to vector<16xf32>
          tpu.vector_store %swap3A_1156[%swap3A_1157], %swap3A_1160 {strides = array<i32>} : memref<256xf32, #tpu.memory_space<vmem>>, vector<16xf32>,
          %swap3A_1161 = arith.constant 0 : i32
          %swap3A_1162 = tpu.memref_slice %arg11[%scan3A_1078, %swap3A_1161] : memref<64x256xf32, #tpu.memory_space<vmem>> -> memref<1x256xf32, #tpu.memory_space<vmem>>
          %swap3A_1163 = tpu.memref_squeeze %swap3A_1162 : memref<1x256xf32, #tpu.memory_space<vmem>> -> memref<256xf32, #tpu.memory_space<vmem>>
          %swap3A_1164 = arith.constant 160 : index
          %swap3A_1165 = tpu.vector_load %swap3A_1163[%swap3A_1164] {strides = array<i32>} : memref<256xf32, #tpu.memory_space<vmem>>, vector<16xf32>,
          %swap3A_1166 = vector.shape_cast %swap3A_1165 : vector<16xf32> to vector<16xf32>
          %swap3A_1167 = vector.shape_cast %broadcast_in_dim3A_861 : vector<16xf32> to vector<16xf32>
          tpu.vector_store %swap3A_1163[%swap3A_1164], %swap3A_1167 {strides = array<i32>} : memref<256xf32, #tpu.memory_space<vmem>>, vector<16xf32>,
          %swap3A_1168 = arith.constant 0 : i32
          %swap3A_1169 = tpu.memref_slice %arg11[%scan3A_1078, %swap3A_1168] : memref<64x256xf32, #tpu.memory_space<vmem>> -> memref<1x256xf32, #tpu.memory_space<vmem>>
          %swap3A_1170 = tpu.memref_squeeze %swap3A_1169 : memref<1x256xf32, #tpu.memory_space<vmem>> -> memref<256xf32, #tpu.memory_space<vmem>>
          %swap3A_1171 = arith.constant 176 : index
          %swap3A_1172 = tpu.vector_load %swap3A_1170[%swap3A_1171] {strides = array<i32>} : memref<256xf32, #tpu.memory_space<vmem>>, vector<16xf32>,
          %swap3A_1173 = vector.shape_cast %swap3A_1172 : vector<16xf32> to vector<16xf32>
          %swap3A_1174 = vector.shape_cast %broadcast_in_dim3A_861 : vector<16xf32> to vector<16xf32>
          tpu.vector_store %swap3A_1170[%swap3A_1171], %swap3A_1174 {strides = array<i32>} : memref<256xf32, #tpu.memory_space<vmem>>, vector<16xf32>,
          %swap3A_1175 = arith.constant 0 : i32
          %swap3A_1176 = tpu.memref_slice %arg11[%scan3A_1078, %swap3A_1175] : memref<64x256xf32, #tpu.memory_space<vmem>> -> memref<1x256xf32, #tpu.memory_space<vmem>>
          %swap3A_1177 = tpu.memref_squeeze %swap3A_1176 : memref<1x256xf32, #tpu.memory_space<vmem>> -> memref<256xf32, #tpu.memory_space<vmem>>
          %swap3A_1178 = arith.constant 192 : index
          %swap3A_1179 = tpu.vector_load %swap3A_1177[%swap3A_1178] {strides = array<i32>} : memref<256xf32, #tpu.memory_space<vmem>>, vector<16xf32>,
          %swap3A_1180 = vector.shape_cast %swap3A_1179 : vector<16xf32> to vector<16xf32>
          %swap3A_1181 = vector.shape_cast %broadcast_in_dim3A_861 : vector<16xf32> to vector<16xf32>
          tpu.vector_store %swap3A_1177[%swap3A_1178], %swap3A_1181 {strides = array<i32>} : memref<256xf32, #tpu.memory_space<vmem>>, vector<16xf32>,
          %swap3A_1182 = arith.constant 0 : i32
          %swap3A_1183 = tpu.memref_slice %arg11[%scan3A_1078, %swap3A_1182] : memref<64x256xf32, #tpu.memory_space<vmem>> -> memref<1x256xf32, #tpu.memory_space<vmem>>
          %swap3A_1184 = tpu.memref_squeeze %swap3A_1183 : memref<1x256xf32, #tpu.memory_space<vmem>> -> memref<256xf32, #tpu.memory_space<vmem>>
          %swap3A_1185 = arith.constant 208 : index
          %swap3A_1186 = tpu.vector_load %swap3A_1184[%swap3A_1185] {strides = array<i32>} : memref<256xf32, #tpu.memory_space<vmem>>, vector<16xf32>,
          %swap3A_1187 = vector.shape_cast %swap3A_1186 : vector<16xf32> to vector<16xf32>
          %swap3A_1188 = vector.shape_cast %broadcast_in_dim3A_861 : vector<16xf32> to vector<16xf32>
          tpu.vector_store %swap3A_1184[%swap3A_1185], %swap3A_1188 {strides = array<i32>} : memref<256xf32, #tpu.memory_space<vmem>>, vector<16xf32>,
          %swap3A_1189 = arith.constant 0 : i32
          %swap3A_1190 = tpu.memref_slice %arg11[%scan3A_1078, %swap3A_1189] : memref<64x256xf32, #tpu.memory_space<vmem>> -> memref<1x256xf32, #tpu.memory_space<vmem>>
          %swap3A_1191 = tpu.memref_squeeze %swap3A_1190 : memref<1x256xf32, #tpu.memory_space<vmem>> -> memref<256xf32, #tpu.memory_space<vmem>>
          %swap3A_1192 = arith.constant 224 : index
          %swap3A_1193 = tpu.vector_load %swap3A_1191[%swap3A_1192] {strides = array<i32>} : memref<256xf32, #tpu.memory_space<vmem>>, vector<16xf32>,
          %swap3A_1194 = vector.shape_cast %swap3A_1193 : vector<16xf32> to vector<16xf32>
          %swap3A_1195 = vector.shape_cast %broadcast_in_dim3A_861 : vector<16xf32> to vector<16xf32>
          tpu.vector_store %swap3A_1191[%swap3A_1192], %swap3A_1195 {strides = array<i32>} : memref<256xf32, #tpu.memory_space<vmem>>, vector<16xf32>,
          %swap3A_1196 = arith.constant 0 : i32
          %swap3A_1197 = tpu.memref_slice %arg11[%scan3A_1078, %swap3A_1196] : memref<64x256xf32, #tpu.memory_space<vmem>> -> memref<1x256xf32, #tpu.memory_space<vmem>>
          %swap3A_1198 = tpu.memref_squeeze %swap3A_1197 : memref<1x256xf32, #tpu.memory_space<vmem>> -> memref<256xf32, #tpu.memory_space<vmem>>
          %swap3A_1199 = arith.constant 240 : index
          %swap3A_1200 = tpu.vector_load %swap3A_1198[%swap3A_1199] {strides = array<i32>} : memref<256xf32, #tpu.memory_space<vmem>>, vector<16xf32>,
          %swap3A_1201 = vector.shape_cast %swap3A_1200 : vector<16xf32> to vector<16xf32>
          %swap3A_1202 = vector.shape_cast %broadcast_in_dim3A_861 : vector<16xf32> to vector<16xf32>
          tpu.vector_store %swap3A_1198[%swap3A_1199], %swap3A_1202 {strides = array<i32>} : memref<256xf32, #tpu.memory_space<vmem>>, vector<16xf32>,
        } else {
        }
      }
      %scan3A_1077 = arith.constant 64 : i32
    } else {
    }
    %add3A_983 = arith.constant 256 : i32
    %add3A_984 = arith.addi %mul3A_2, %add3A_983 : i32
    %dma_start3A_985 = arith.constant 0 : i32
    %dma_start3A_986 = tpu.memref_slice %arg4[%add3A_984, %dma_start3A_985] : memref<16384x256xf32, #tpu.memory_space<hbm>> -> memref<64x256xf32, #tpu.memory_space<hbm>>
    %dma_start3A_987 = arith.constant 0 : i32
    %dma_start3A_988 = tpu.memref_slice %arg4[%add3A_984, %dma_start3A_987] : memref<16384x256xf32, #tpu.memory_space<hbm>> -> memref<64x256xf32, #tpu.memory_space<hbm>>
    tpu.enqueue_dma source(%arg11 : memref<64x256xf32, #tpu.memory_space<vmem>>) target(%dma_start3A_988 : memref<64x256xf32, #tpu.memory_space<hbm>>) target_semaphore(%arg23 : memref<!tpu.dma_semaphore, #tpu.memory_space<semaphore_mem>>)
    %dma_wait3A_989 = arith.constant 5 : i32
    %dma_wait3A_990 = arith.constant 0 : i32
    %dma_wait3A_991 = tpu.memref_slice %arg6[%dma_wait3A_989, %dma_wait3A_990] : memref<8x64xi32, #tpu.memory_space<vmem>> -> memref<1x64xi32, #tpu.memory_space<vmem>>
    %dma_wait3A_992 = tpu.memref_squeeze %dma_wait3A_991 : memref<1x64xi32, #tpu.memory_space<vmem>> -> memref<64xi32, #tpu.memory_space<vmem>>
    %dma_wait3A_993 = arith.constant 0 : i32
    %dma_wait3A_994 = arith.constant 0 : i32
    %dma_wait3A_995 = tpu.memref_slice %arg2[%select_n3A, %dma_wait3A_993, %dma_wait3A_994] : memref<8x512x256xf32, #tpu.memory_space<hbm>> -> memref<1x512x256xf32, #tpu.memory_space<hbm>>
    %dma_wait3A_996 = tpu.memref_squeeze %dma_wait3A_995 : memref<1x512x256xf32, #tpu.memory_space<hbm>> -> memref<512x256xf32, #tpu.memory_space<hbm>>
    %dma_wait3A_997 = arith.constant 0 : i32
    %dma_wait3A_998 = arith.constant 0 : i32
    %dma_wait3A_999 = tpu.memref_slice %dma_wait3A_996[%dma_wait3A_997, %dma_wait3A_998] : memref<512x256xf32, #tpu.memory_space<hbm>> -> memref<512x256xf32, #tpu.memory_space<hbm>>
    tpu.wait_indirect_dma semaphore(%arg18 : memref<!tpu.dma_semaphore, #tpu.memory_space<semaphore_mem>>) src(%dma_wait3A_999 : memref<512x256xf32, #tpu.memory_space<hbm>>) dst(%arg12 : memref<64x256xf32, #tpu.memory_space<vmem>>)
    %convert_element_type3A_1000 = arith.extui %eq3A_598 : i1 to i32
    %cond3A_1001 = arith.constant 0 : i32
    %cond3A_1002 = arith.cmpi ne, %convert_element_type3A_1000, %cond3A_1001 : i32
    scf.if %cond3A_1002 {
      %scan3A = arith.constant 0 : i32
      %scan3A_1073 = arith.constant 0 : i32
      %scan3A_1074 = arith.constant 64 : i32
      %scan3A_1075 = arith.addi %scan3A_1073, %scan3A_1074 : i32
      %scan3A_1076 = arith.constant 1 : i32
      scf.for %scan3A_1078 = %scan3A_1073 to %scan3A_1075 step %scan3A_1076  : i32 {
        %add3A_1079 = arith.constant 320 : i32
        %add3A_1080 = arith.addi %add3A_1079, %scan3A_1078 : i32
        %get3A_1081 = arith.index_cast %add3A_1080 : i32 to index
        %get3A_1082 = tpu.vector_load %arg5[%get3A_1081] {strides = array<i32>} : memref<528xi32, #tpu.memory_space<vmem>>, vector<16xi32>,
        %get3A_1083 = vector.shape_cast %get3A_1082 : vector<16xi32> to vector<16xi32>
        %slice3A_1084 = vector.extract_strided_slice %get3A_1083 {offsets = [0], sizes = [1], strides = [1]} : vector<16xi32> to vector<1xi32>
        %squeeze3A_1085 = vector.extract %slice3A_1084[0] : i32 from vector<1xi32>
        %eq3A_1086 = arith.constant 0 : i32
        %eq3A_1087 = arith.cmpi eq, %squeeze3A_1085, %eq3A_1086 : i32
        %convert_element_type3A_1088 = arith.extui %eq3A_1087 : i1 to i32
        %cond3A_1089 = arith.constant 0 : i32
        %cond3A_1090 = arith.cmpi ne, %convert_element_type3A_1088, %cond3A_1089 : i32
        scf.if %cond3A_1090 {
          %swap3A_1091 = arith.constant 0 : i32
          %swap3A_1092 = tpu.memref_slice %arg12[%scan3A_1078, %swap3A_1091] : memref<64x256xf32, #tpu.memory_space<vmem>> -> memref<1x256xf32, #tpu.memory_space<vmem>>
          %swap3A_1093 = tpu.memref_squeeze %swap3A_1092 : memref<1x256xf32, #tpu.memory_space<vmem>> -> memref<256xf32, #tpu.memory_space<vmem>>
          %swap3A_1094 = arith.constant 0 : index
          %swap3A_1095 = tpu.vector_load %swap3A_1093[%swap3A_1094] {strides = array<i32>} : memref<256xf32, #tpu.memory_space<vmem>>, vector<16xf32>,
          %swap3A_1096 = vector.shape_cast %swap3A_1095 : vector<16xf32> to vector<16xf32>
          %swap3A_1097 = vector.shape_cast %broadcast_in_dim3A_861 : vector<16xf32> to vector<16xf32>
          tpu.vector_store %swap3A_1093[%swap3A_1094], %swap3A_1097 {strides = array<i32>} : memref<256xf32, #tpu.memory_space<vmem>>, vector<16xf32>,
          %swap3A_1098 = arith.constant 0 : i32
          %swap3A_1099 = tpu.memref_slice %arg12[%scan3A_1078, %swap3A_1098] : memref<64x256xf32, #tpu.memory_space<vmem>> -> memref<1x256xf32, #tpu.memory_space<vmem>>
          %swap3A_1100 = tpu.memref_squeeze %swap3A_1099 : memref<1x256xf32, #tpu.memory_space<vmem>> -> memref<256xf32, #tpu.memory_space<vmem>>
          %swap3A_1101 = arith.constant 16 : index
          %swap3A_1102 = tpu.vector_load %swap3A_1100[%swap3A_1101] {strides = array<i32>} : memref<256xf32, #tpu.memory_space<vmem>>, vector<16xf32>,
          %swap3A_1103 = vector.shape_cast %swap3A_1102 : vector<16xf32> to vector<16xf32>
          %swap3A_1104 = vector.shape_cast %broadcast_in_dim3A_861 : vector<16xf32> to vector<16xf32>
          tpu.vector_store %swap3A_1100[%swap3A_1101], %swap3A_1104 {strides = array<i32>} : memref<256xf32, #tpu.memory_space<vmem>>, vector<16xf32>,
          %swap3A_1105 = arith.constant 0 : i32
          %swap3A_1106 = tpu.memref_slice %arg12[%scan3A_1078, %swap3A_1105] : memref<64x256xf32, #tpu.memory_space<vmem>> -> memref<1x256xf32, #tpu.memory_space<vmem>>
          %swap3A_1107 = tpu.memref_squeeze %swap3A_1106 : memref<1x256xf32, #tpu.memory_space<vmem>> -> memref<256xf32, #tpu.memory_space<vmem>>
          %swap3A_1108 = arith.constant 32 : index
          %swap3A_1109 = tpu.vector_load %swap3A_1107[%swap3A_1108] {strides = array<i32>} : memref<256xf32, #tpu.memory_space<vmem>>, vector<16xf32>,
          %swap3A_1110 = vector.shape_cast %swap3A_1109 : vector<16xf32> to vector<16xf32>
          %swap3A_1111 = vector.shape_cast %broadcast_in_dim3A_861 : vector<16xf32> to vector<16xf32>
          tpu.vector_store %swap3A_1107[%swap3A_1108], %swap3A_1111 {strides = array<i32>} : memref<256xf32, #tpu.memory_space<vmem>>, vector<16xf32>,
          %swap3A_1112 = arith.constant 0 : i32
          %swap3A_1113 = tpu.memref_slice %arg12[%scan3A_1078, %swap3A_1112] : memref<64x256xf32, #tpu.memory_space<vmem>> -> memref<1x256xf32, #tpu.memory_space<vmem>>
          %swap3A_1114 = tpu.memref_squeeze %swap3A_1113 : memref<1x256xf32, #tpu.memory_space<vmem>> -> memref<256xf32, #tpu.memory_space<vmem>>
          %swap3A_1115 = arith.constant 48 : index
          %swap3A_1116 = tpu.vector_load %swap3A_1114[%swap3A_1115] {strides = array<i32>} : memref<256xf32, #tpu.memory_space<vmem>>, vector<16xf32>,
          %swap3A_1117 = vector.shape_cast %swap3A_1116 : vector<16xf32> to vector<16xf32>
          %swap3A_1118 = vector.shape_cast %broadcast_in_dim3A_861 : vector<16xf32> to vector<16xf32>
          tpu.vector_store %swap3A_1114[%swap3A_1115], %swap3A_1118 {strides = array<i32>} : memref<256xf32, #tpu.memory_space<vmem>>, vector<16xf32>,
          %swap3A_1119 = arith.constant 0 : i32
          %swap3A_1120 = tpu.memref_slice %arg12[%scan3A_1078, %swap3A_1119] : memref<64x256xf32, #tpu.memory_space<vmem>> -> memref<1x256xf32, #tpu.memory_space<vmem>>
          %swap3A_1121 = tpu.memref_squeeze %swap3A_1120 : memref<1x256xf32, #tpu.memory_space<vmem>> -> memref<256xf32, #tpu.memory_space<vmem>>
          %swap3A_1122 = arith.constant 64 : index
          %swap3A_1123 = tpu.vector_load %swap3A_1121[%swap3A_1122] {strides = array<i32>} : memref<256xf32, #tpu.memory_space<vmem>>, vector<16xf32>,
          %swap3A_1124 = vector.shape_cast %swap3A_1123 : vector<16xf32> to vector<16xf32>
          %swap3A_1125 = vector.shape_cast %broadcast_in_dim3A_861 : vector<16xf32> to vector<16xf32>
          tpu.vector_store %swap3A_1121[%swap3A_1122], %swap3A_1125 {strides = array<i32>} : memref<256xf32, #tpu.memory_space<vmem>>, vector<16xf32>,
          %swap3A_1126 = arith.constant 0 : i32
          %swap3A_1127 = tpu.memref_slice %arg12[%scan3A_1078, %swap3A_1126] : memref<64x256xf32, #tpu.memory_space<vmem>> -> memref<1x256xf32, #tpu.memory_space<vmem>>
          %swap3A_1128 = tpu.memref_squeeze %swap3A_1127 : memref<1x256xf32, #tpu.memory_space<vmem>> -> memref<256xf32, #tpu.memory_space<vmem>>
          %swap3A_1129 = arith.constant 80 : index
          %swap3A_1130 = tpu.vector_load %swap3A_1128[%swap3A_1129] {strides = array<i32>} : memref<256xf32, #tpu.memory_space<vmem>>, vector<16xf32>,
          %swap3A_1131 = vector.shape_cast %swap3A_1130 : vector<16xf32> to vector<16xf32>
          %swap3A_1132 = vector.shape_cast %broadcast_in_dim3A_861 : vector<16xf32> to vector<16xf32>
          tpu.vector_store %swap3A_1128[%swap3A_1129], %swap3A_1132 {strides = array<i32>} : memref<256xf32, #tpu.memory_space<vmem>>, vector<16xf32>,
          %swap3A_1133 = arith.constant 0 : i32
          %swap3A_1134 = tpu.memref_slice %arg12[%scan3A_1078, %swap3A_1133] : memref<64x256xf32, #tpu.memory_space<vmem>> -> memref<1x256xf32, #tpu.memory_space<vmem>>
          %swap3A_1135 = tpu.memref_squeeze %swap3A_1134 : memref<1x256xf32, #tpu.memory_space<vmem>> -> memref<256xf32, #tpu.memory_space<vmem>>
          %swap3A_1136 = arith.constant 96 : index
          %swap3A_1137 = tpu.vector_load %swap3A_1135[%swap3A_1136] {strides = array<i32>} : memref<256xf32, #tpu.memory_space<vmem>>, vector<16xf32>,
          %swap3A_1138 = vector.shape_cast %swap3A_1137 : vector<16xf32> to vector<16xf32>
          %swap3A_1139 = vector.shape_cast %broadcast_in_dim3A_861 : vector<16xf32> to vector<16xf32>
          tpu.vector_store %swap3A_1135[%swap3A_1136], %swap3A_1139 {strides = array<i32>} : memref<256xf32, #tpu.memory_space<vmem>>, vector<16xf32>,
          %swap3A_1140 = arith.constant 0 : i32
          %swap3A_1141 = tpu.memref_slice %arg12[%scan3A_1078, %swap3A_1140] : memref<64x256xf32, #tpu.memory_space<vmem>> -> memref<1x256xf32, #tpu.memory_space<vmem>>
          %swap3A_1142 = tpu.memref_squeeze %swap3A_1141 : memref<1x256xf32, #tpu.memory_space<vmem>> -> memref<256xf32, #tpu.memory_space<vmem>>
          %swap3A_1143 = arith.constant 112 : index
          %swap3A_1144 = tpu.vector_load %swap3A_1142[%swap3A_1143] {strides = array<i32>} : memref<256xf32, #tpu.memory_space<vmem>>, vector<16xf32>,
          %swap3A_1145 = vector.shape_cast %swap3A_1144 : vector<16xf32> to vector<16xf32>
          %swap3A_1146 = vector.shape_cast %broadcast_in_dim3A_861 : vector<16xf32> to vector<16xf32>
          tpu.vector_store %swap3A_1142[%swap3A_1143], %swap3A_1146 {strides = array<i32>} : memref<256xf32, #tpu.memory_space<vmem>>, vector<16xf32>,
          %swap3A_1147 = arith.constant 0 : i32
          %swap3A_1148 = tpu.memref_slice %arg12[%scan3A_1078, %swap3A_1147] : memref<64x256xf32, #tpu.memory_space<vmem>> -> memref<1x256xf32, #tpu.memory_space<vmem>>
          %swap3A_1149 = tpu.memref_squeeze %swap3A_1148 : memref<1x256xf32, #tpu.memory_space<vmem>> -> memref<256xf32, #tpu.memory_space<vmem>>
          %swap3A_1150 = arith.constant 128 : index
          %swap3A_1151 = tpu.vector_load %swap3A_1149[%swap3A_1150] {strides = array<i32>} : memref<256xf32, #tpu.memory_space<vmem>>, vector<16xf32>,
          %swap3A_1152 = vector.shape_cast %swap3A_1151 : vector<16xf32> to vector<16xf32>
          %swap3A_1153 = vector.shape_cast %broadcast_in_dim3A_861 : vector<16xf32> to vector<16xf32>
          tpu.vector_store %swap3A_1149[%swap3A_1150], %swap3A_1153 {strides = array<i32>} : memref<256xf32, #tpu.memory_space<vmem>>, vector<16xf32>,
          %swap3A_1154 = arith.constant 0 : i32
          %swap3A_1155 = tpu.memref_slice %arg12[%scan3A_1078, %swap3A_1154] : memref<64x256xf32, #tpu.memory_space<vmem>> -> memref<1x256xf32, #tpu.memory_space<vmem>>
          %swap3A_1156 = tpu.memref_squeeze %swap3A_1155 : memref<1x256xf32, #tpu.memory_space<vmem>> -> memref<256xf32, #tpu.memory_space<vmem>>
          %swap3A_1157 = arith.constant 144 : index
          %swap3A_1158 = tpu.vector_load %swap3A_1156[%swap3A_1157] {strides = array<i32>} : memref<256xf32, #tpu.memory_space<vmem>>, vector<16xf32>,
          %swap3A_1159 = vector.shape_cast %swap3A_1158 : vector<16xf32> to vector<16xf32>
          %swap3A_1160 = vector.shape_cast %broadcast_in_dim3A_861 : vector<16xf32> to vector<16xf32>
          tpu.vector_store %swap3A_1156[%swap3A_1157], %swap3A_1160 {strides = array<i32>} : memref<256xf32, #tpu.memory_space<vmem>>, vector<16xf32>,
          %swap3A_1161 = arith.constant 0 : i32
          %swap3A_1162 = tpu.memref_slice %arg12[%scan3A_1078, %swap3A_1161] : memref<64x256xf32, #tpu.memory_space<vmem>> -> memref<1x256xf32, #tpu.memory_space<vmem>>
          %swap3A_1163 = tpu.memref_squeeze %swap3A_1162 : memref<1x256xf32, #tpu.memory_space<vmem>> -> memref<256xf32, #tpu.memory_space<vmem>>
          %swap3A_1164 = arith.constant 160 : index
          %swap3A_1165 = tpu.vector_load %swap3A_1163[%swap3A_1164] {strides = array<i32>} : memref<256xf32, #tpu.memory_space<vmem>>, vector<16xf32>,
          %swap3A_1166 = vector.shape_cast %swap3A_1165 : vector<16xf32> to vector<16xf32>
          %swap3A_1167 = vector.shape_cast %broadcast_in_dim3A_861 : vector<16xf32> to vector<16xf32>
          tpu.vector_store %swap3A_1163[%swap3A_1164], %swap3A_1167 {strides = array<i32>} : memref<256xf32, #tpu.memory_space<vmem>>, vector<16xf32>,
          %swap3A_1168 = arith.constant 0 : i32
          %swap3A_1169 = tpu.memref_slice %arg12[%scan3A_1078, %swap3A_1168] : memref<64x256xf32, #tpu.memory_space<vmem>> -> memref<1x256xf32, #tpu.memory_space<vmem>>
          %swap3A_1170 = tpu.memref_squeeze %swap3A_1169 : memref<1x256xf32, #tpu.memory_space<vmem>> -> memref<256xf32, #tpu.memory_space<vmem>>
          %swap3A_1171 = arith.constant 176 : index
          %swap3A_1172 = tpu.vector_load %swap3A_1170[%swap3A_1171] {strides = array<i32>} : memref<256xf32, #tpu.memory_space<vmem>>, vector<16xf32>,
          %swap3A_1173 = vector.shape_cast %swap3A_1172 : vector<16xf32> to vector<16xf32>
          %swap3A_1174 = vector.shape_cast %broadcast_in_dim3A_861 : vector<16xf32> to vector<16xf32>
          tpu.vector_store %swap3A_1170[%swap3A_1171], %swap3A_1174 {strides = array<i32>} : memref<256xf32, #tpu.memory_space<vmem>>, vector<16xf32>,
          %swap3A_1175 = arith.constant 0 : i32
          %swap3A_1176 = tpu.memref_slice %arg12[%scan3A_1078, %swap3A_1175] : memref<64x256xf32, #tpu.memory_space<vmem>> -> memref<1x256xf32, #tpu.memory_space<vmem>>
          %swap3A_1177 = tpu.memref_squeeze %swap3A_1176 : memref<1x256xf32, #tpu.memory_space<vmem>> -> memref<256xf32, #tpu.memory_space<vmem>>
          %swap3A_1178 = arith.constant 192 : index
          %swap3A_1179 = tpu.vector_load %swap3A_1177[%swap3A_1178] {strides = array<i32>} : memref<256xf32, #tpu.memory_space<vmem>>, vector<16xf32>,
          %swap3A_1180 = vector.shape_cast %swap3A_1179 : vector<16xf32> to vector<16xf32>
          %swap3A_1181 = vector.shape_cast %broadcast_in_dim3A_861 : vector<16xf32> to vector<16xf32>
          tpu.vector_store %swap3A_1177[%swap3A_1178], %swap3A_1181 {strides = array<i32>} : memref<256xf32, #tpu.memory_space<vmem>>, vector<16xf32>,
          %swap3A_1182 = arith.constant 0 : i32
          %swap3A_1183 = tpu.memref_slice %arg12[%scan3A_1078, %swap3A_1182] : memref<64x256xf32, #tpu.memory_space<vmem>> -> memref<1x256xf32, #tpu.memory_space<vmem>>
          %swap3A_1184 = tpu.memref_squeeze %swap3A_1183 : memref<1x256xf32, #tpu.memory_space<vmem>> -> memref<256xf32, #tpu.memory_space<vmem>>
          %swap3A_1185 = arith.constant 208 : index
          %swap3A_1186 = tpu.vector_load %swap3A_1184[%swap3A_1185] {strides = array<i32>} : memref<256xf32, #tpu.memory_space<vmem>>, vector<16xf32>,
          %swap3A_1187 = vector.shape_cast %swap3A_1186 : vector<16xf32> to vector<16xf32>
          %swap3A_1188 = vector.shape_cast %broadcast_in_dim3A_861 : vector<16xf32> to vector<16xf32>
          tpu.vector_store %swap3A_1184[%swap3A_1185], %swap3A_1188 {strides = array<i32>} : memref<256xf32, #tpu.memory_space<vmem>>, vector<16xf32>,
          %swap3A_1189 = arith.constant 0 : i32
          %swap3A_1190 = tpu.memref_slice %arg12[%scan3A_1078, %swap3A_1189] : memref<64x256xf32, #tpu.memory_space<vmem>> -> memref<1x256xf32, #tpu.memory_space<vmem>>
          %swap3A_1191 = tpu.memref_squeeze %swap3A_1190 : memref<1x256xf32, #tpu.memory_space<vmem>> -> memref<256xf32, #tpu.memory_space<vmem>>
          %swap3A_1192 = arith.constant 224 : index
          %swap3A_1193 = tpu.vector_load %swap3A_1191[%swap3A_1192] {strides = array<i32>} : memref<256xf32, #tpu.memory_space<vmem>>, vector<16xf32>,
          %swap3A_1194 = vector.shape_cast %swap3A_1193 : vector<16xf32> to vector<16xf32>
          %swap3A_1195 = vector.shape_cast %broadcast_in_dim3A_861 : vector<16xf32> to vector<16xf32>
          tpu.vector_store %swap3A_1191[%swap3A_1192], %swap3A_1195 {strides = array<i32>} : memref<256xf32, #tpu.memory_space<vmem>>, vector<16xf32>,
          %swap3A_1196 = arith.constant 0 : i32
          %swap3A_1197 = tpu.memref_slice %arg12[%scan3A_1078, %swap3A_1196] : memref<64x256xf32, #tpu.memory_space<vmem>> -> memref<1x256xf32, #tpu.memory_space<vmem>>
          %swap3A_1198 = tpu.memref_squeeze %swap3A_1197 : memref<1x256xf32, #tpu.memory_space<vmem>> -> memref<256xf32, #tpu.memory_space<vmem>>
          %swap3A_1199 = arith.constant 240 : index
          %swap3A_1200 = tpu.vector_load %swap3A_1198[%swap3A_1199] {strides = array<i32>} : memref<256xf32, #tpu.memory_space<vmem>>, vector<16xf32>,
          %swap3A_1201 = vector.shape_cast %swap3A_1200 : vector<16xf32> to vector<16xf32>
          %swap3A_1202 = vector.shape_cast %broadcast_in_dim3A_861 : vector<16xf32> to vector<16xf32>
          tpu.vector_store %swap3A_1198[%swap3A_1199], %swap3A_1202 {strides = array<i32>} : memref<256xf32, #tpu.memory_space<vmem>>, vector<16xf32>,
        } else {
        }
      }
      %scan3A_1077 = arith.constant 64 : i32
    } else {
    }
    %add3A_1003 = arith.constant 320 : i32
    %add3A_1004 = arith.addi %mul3A_2, %add3A_1003 : i32
    %dma_start3A_1005 = arith.constant 0 : i32
    %dma_start3A_1006 = tpu.memref_slice %arg4[%add3A_1004, %dma_start3A_1005] : memref<16384x256xf32, #tpu.memory_space<hbm>> -> memref<64x256xf32, #tpu.memory_space<hbm>>
    %dma_start3A_1007 = arith.constant 0 : i32
    %dma_start3A_1008 = tpu.memref_slice %arg4[%add3A_1004, %dma_start3A_1007] : memref<16384x256xf32, #tpu.memory_space<hbm>> -> memref<64x256xf32, #tpu.memory_space<hbm>>
    tpu.enqueue_dma source(%arg12 : memref<64x256xf32, #tpu.memory_space<vmem>>) target(%dma_start3A_1008 : memref<64x256xf32, #tpu.memory_space<hbm>>) target_semaphore(%arg24 : memref<!tpu.dma_semaphore, #tpu.memory_space<semaphore_mem>>)
    %dma_wait3A_1009 = arith.constant 6 : i32
    %dma_wait3A_1010 = arith.constant 0 : i32
    %dma_wait3A_1011 = tpu.memref_slice %arg6[%dma_wait3A_1009, %dma_wait3A_1010] : memref<8x64xi32, #tpu.memory_space<vmem>> -> memref<1x64xi32, #tpu.memory_space<vmem>>
    %dma_wait3A_1012 = tpu.memref_squeeze %dma_wait3A_1011 : memref<1x64xi32, #tpu.memory_space<vmem>> -> memref<64xi32, #tpu.memory_space<vmem>>
    %dma_wait3A_1013 = arith.constant 0 : i32
    %dma_wait3A_1014 = arith.constant 0 : i32
    %dma_wait3A_1015 = tpu.memref_slice %arg2[%select_n3A, %dma_wait3A_1013, %dma_wait3A_1014] : memref<8x512x256xf32, #tpu.memory_space<hbm>> -> memref<1x512x256xf32, #tpu.memory_space<hbm>>
    %dma_wait3A_1016 = tpu.memref_squeeze %dma_wait3A_1015 : memref<1x512x256xf32, #tpu.memory_space<hbm>> -> memref<512x256xf32, #tpu.memory_space<hbm>>
    %dma_wait3A_1017 = arith.constant 0 : i32
    %dma_wait3A_1018 = arith.constant 0 : i32
    %dma_wait3A_1019 = tpu.memref_slice %dma_wait3A_1016[%dma_wait3A_1017, %dma_wait3A_1018] : memref<512x256xf32, #tpu.memory_space<hbm>> -> memref<512x256xf32, #tpu.memory_space<hbm>>
    tpu.wait_indirect_dma semaphore(%arg13 : memref<!tpu.dma_semaphore, #tpu.memory_space<semaphore_mem>>) src(%dma_wait3A_1019 : memref<512x256xf32, #tpu.memory_space<hbm>>) dst(%arg7 : memref<64x256xf32, #tpu.memory_space<vmem>>)
    %convert_element_type3A_1020 = arith.extui %eq3A_696 : i1 to i32
    %cond3A_1021 = arith.constant 0 : i32
    %cond3A_1022 = arith.cmpi ne, %convert_element_type3A_1020, %cond3A_1021 : i32
    scf.if %cond3A_1022 {
      %scan3A = arith.constant 0 : i32
      %scan3A_1073 = arith.constant 0 : i32
      %scan3A_1074 = arith.constant 64 : i32
      %scan3A_1075 = arith.addi %scan3A_1073, %scan3A_1074 : i32
      %scan3A_1076 = arith.constant 1 : i32
      scf.for %scan3A_1078 = %scan3A_1073 to %scan3A_1075 step %scan3A_1076  : i32 {
        %add3A_1079 = arith.constant 384 : i32
        %add3A_1080 = arith.addi %add3A_1079, %scan3A_1078 : i32
        %get3A_1081 = arith.index_cast %add3A_1080 : i32 to index
        %get3A_1082 = tpu.vector_load %arg5[%get3A_1081] {strides = array<i32>} : memref<528xi32, #tpu.memory_space<vmem>>, vector<16xi32>,
        %get3A_1083 = vector.shape_cast %get3A_1082 : vector<16xi32> to vector<16xi32>
        %slice3A_1084 = vector.extract_strided_slice %get3A_1083 {offsets = [0], sizes = [1], strides = [1]} : vector<16xi32> to vector<1xi32>
        %squeeze3A_1085 = vector.extract %slice3A_1084[0] : i32 from vector<1xi32>
        %eq3A_1086 = arith.constant 0 : i32
        %eq3A_1087 = arith.cmpi eq, %squeeze3A_1085, %eq3A_1086 : i32
        %convert_element_type3A_1088 = arith.extui %eq3A_1087 : i1 to i32
        %cond3A_1089 = arith.constant 0 : i32
        %cond3A_1090 = arith.cmpi ne, %convert_element_type3A_1088, %cond3A_1089 : i32
        scf.if %cond3A_1090 {
          %swap3A_1091 = arith.constant 0 : i32
          %swap3A_1092 = tpu.memref_slice %arg7[%scan3A_1078, %swap3A_1091] : memref<64x256xf32, #tpu.memory_space<vmem>> -> memref<1x256xf32, #tpu.memory_space<vmem>>
          %swap3A_1093 = tpu.memref_squeeze %swap3A_1092 : memref<1x256xf32, #tpu.memory_space<vmem>> -> memref<256xf32, #tpu.memory_space<vmem>>
          %swap3A_1094 = arith.constant 0 : index
          %swap3A_1095 = tpu.vector_load %swap3A_1093[%swap3A_1094] {strides = array<i32>} : memref<256xf32, #tpu.memory_space<vmem>>, vector<16xf32>,
          %swap3A_1096 = vector.shape_cast %swap3A_1095 : vector<16xf32> to vector<16xf32>
          %swap3A_1097 = vector.shape_cast %broadcast_in_dim3A_861 : vector<16xf32> to vector<16xf32>
          tpu.vector_store %swap3A_1093[%swap3A_1094], %swap3A_1097 {strides = array<i32>} : memref<256xf32, #tpu.memory_space<vmem>>, vector<16xf32>,
          %swap3A_1098 = arith.constant 0 : i32
          %swap3A_1099 = tpu.memref_slice %arg7[%scan3A_1078, %swap3A_1098] : memref<64x256xf32, #tpu.memory_space<vmem>> -> memref<1x256xf32, #tpu.memory_space<vmem>>
          %swap3A_1100 = tpu.memref_squeeze %swap3A_1099 : memref<1x256xf32, #tpu.memory_space<vmem>> -> memref<256xf32, #tpu.memory_space<vmem>>
          %swap3A_1101 = arith.constant 16 : index
          %swap3A_1102 = tpu.vector_load %swap3A_1100[%swap3A_1101] {strides = array<i32>} : memref<256xf32, #tpu.memory_space<vmem>>, vector<16xf32>,
          %swap3A_1103 = vector.shape_cast %swap3A_1102 : vector<16xf32> to vector<16xf32>
          %swap3A_1104 = vector.shape_cast %broadcast_in_dim3A_861 : vector<16xf32> to vector<16xf32>
          tpu.vector_store %swap3A_1100[%swap3A_1101], %swap3A_1104 {strides = array<i32>} : memref<256xf32, #tpu.memory_space<vmem>>, vector<16xf32>,
          %swap3A_1105 = arith.constant 0 : i32
          %swap3A_1106 = tpu.memref_slice %arg7[%scan3A_1078, %swap3A_1105] : memref<64x256xf32, #tpu.memory_space<vmem>> -> memref<1x256xf32, #tpu.memory_space<vmem>>
          %swap3A_1107 = tpu.memref_squeeze %swap3A_1106 : memref<1x256xf32, #tpu.memory_space<vmem>> -> memref<256xf32, #tpu.memory_space<vmem>>
          %swap3A_1108 = arith.constant 32 : index
          %swap3A_1109 = tpu.vector_load %swap3A_1107[%swap3A_1108] {strides = array<i32>} : memref<256xf32, #tpu.memory_space<vmem>>, vector<16xf32>,
          %swap3A_1110 = vector.shape_cast %swap3A_1109 : vector<16xf32> to vector<16xf32>
          %swap3A_1111 = vector.shape_cast %broadcast_in_dim3A_861 : vector<16xf32> to vector<16xf32>
          tpu.vector_store %swap3A_1107[%swap3A_1108], %swap3A_1111 {strides = array<i32>} : memref<256xf32, #tpu.memory_space<vmem>>, vector<16xf32>,
          %swap3A_1112 = arith.constant 0 : i32
          %swap3A_1113 = tpu.memref_slice %arg7[%scan3A_1078, %swap3A_1112] : memref<64x256xf32, #tpu.memory_space<vmem>> -> memref<1x256xf32, #tpu.memory_space<vmem>>
          %swap3A_1114 = tpu.memref_squeeze %swap3A_1113 : memref<1x256xf32, #tpu.memory_space<vmem>> -> memref<256xf32, #tpu.memory_space<vmem>>
          %swap3A_1115 = arith.constant 48 : index
          %swap3A_1116 = tpu.vector_load %swap3A_1114[%swap3A_1115] {strides = array<i32>} : memref<256xf32, #tpu.memory_space<vmem>>, vector<16xf32>,
          %swap3A_1117 = vector.shape_cast %swap3A_1116 : vector<16xf32> to vector<16xf32>
          %swap3A_1118 = vector.shape_cast %broadcast_in_dim3A_861 : vector<16xf32> to vector<16xf32>
          tpu.vector_store %swap3A_1114[%swap3A_1115], %swap3A_1118 {strides = array<i32>} : memref<256xf32, #tpu.memory_space<vmem>>, vector<16xf32>,
          %swap3A_1119 = arith.constant 0 : i32
          %swap3A_1120 = tpu.memref_slice %arg7[%scan3A_1078, %swap3A_1119] : memref<64x256xf32, #tpu.memory_space<vmem>> -> memref<1x256xf32, #tpu.memory_space<vmem>>
          %swap3A_1121 = tpu.memref_squeeze %swap3A_1120 : memref<1x256xf32, #tpu.memory_space<vmem>> -> memref<256xf32, #tpu.memory_space<vmem>>
          %swap3A_1122 = arith.constant 64 : index
          %swap3A_1123 = tpu.vector_load %swap3A_1121[%swap3A_1122] {strides = array<i32>} : memref<256xf32, #tpu.memory_space<vmem>>, vector<16xf32>,
          %swap3A_1124 = vector.shape_cast %swap3A_1123 : vector<16xf32> to vector<16xf32>
          %swap3A_1125 = vector.shape_cast %broadcast_in_dim3A_861 : vector<16xf32> to vector<16xf32>
          tpu.vector_store %swap3A_1121[%swap3A_1122], %swap3A_1125 {strides = array<i32>} : memref<256xf32, #tpu.memory_space<vmem>>, vector<16xf32>,
          %swap3A_1126 = arith.constant 0 : i32
          %swap3A_1127 = tpu.memref_slice %arg7[%scan3A_1078, %swap3A_1126] : memref<64x256xf32, #tpu.memory_space<vmem>> -> memref<1x256xf32, #tpu.memory_space<vmem>>
          %swap3A_1128 = tpu.memref_squeeze %swap3A_1127 : memref<1x256xf32, #tpu.memory_space<vmem>> -> memref<256xf32, #tpu.memory_space<vmem>>
          %swap3A_1129 = arith.constant 80 : index
          %swap3A_1130 = tpu.vector_load %swap3A_1128[%swap3A_1129] {strides = array<i32>} : memref<256xf32, #tpu.memory_space<vmem>>, vector<16xf32>,
          %swap3A_1131 = vector.shape_cast %swap3A_1130 : vector<16xf32> to vector<16xf32>
          %swap3A_1132 = vector.shape_cast %broadcast_in_dim3A_861 : vector<16xf32> to vector<16xf32>
          tpu.vector_store %swap3A_1128[%swap3A_1129], %swap3A_1132 {strides = array<i32>} : memref<256xf32, #tpu.memory_space<vmem>>, vector<16xf32>,
          %swap3A_1133 = arith.constant 0 : i32
          %swap3A_1134 = tpu.memref_slice %arg7[%scan3A_1078, %swap3A_1133] : memref<64x256xf32, #tpu.memory_space<vmem>> -> memref<1x256xf32, #tpu.memory_space<vmem>>
          %swap3A_1135 = tpu.memref_squeeze %swap3A_1134 : memref<1x256xf32, #tpu.memory_space<vmem>> -> memref<256xf32, #tpu.memory_space<vmem>>
          %swap3A_1136 = arith.constant 96 : index
          %swap3A_1137 = tpu.vector_load %swap3A_1135[%swap3A_1136] {strides = array<i32>} : memref<256xf32, #tpu.memory_space<vmem>>, vector<16xf32>,
          %swap3A_1138 = vector.shape_cast %swap3A_1137 : vector<16xf32> to vector<16xf32>
          %swap3A_1139 = vector.shape_cast %broadcast_in_dim3A_861 : vector<16xf32> to vector<16xf32>
          tpu.vector_store %swap3A_1135[%swap3A_1136], %swap3A_1139 {strides = array<i32>} : memref<256xf32, #tpu.memory_space<vmem>>, vector<16xf32>,
          %swap3A_1140 = arith.constant 0 : i32
          %swap3A_1141 = tpu.memref_slice %arg7[%scan3A_1078, %swap3A_1140] : memref<64x256xf32, #tpu.memory_space<vmem>> -> memref<1x256xf32, #tpu.memory_space<vmem>>
          %swap3A_1142 = tpu.memref_squeeze %swap3A_1141 : memref<1x256xf32, #tpu.memory_space<vmem>> -> memref<256xf32, #tpu.memory_space<vmem>>
          %swap3A_1143 = arith.constant 112 : index
          %swap3A_1144 = tpu.vector_load %swap3A_1142[%swap3A_1143] {strides = array<i32>} : memref<256xf32, #tpu.memory_space<vmem>>, vector<16xf32>,
          %swap3A_1145 = vector.shape_cast %swap3A_1144 : vector<16xf32> to vector<16xf32>
          %swap3A_1146 = vector.shape_cast %broadcast_in_dim3A_861 : vector<16xf32> to vector<16xf32>
          tpu.vector_store %swap3A_1142[%swap3A_1143], %swap3A_1146 {strides = array<i32>} : memref<256xf32, #tpu.memory_space<vmem>>, vector<16xf32>,
          %swap3A_1147 = arith.constant 0 : i32
          %swap3A_1148 = tpu.memref_slice %arg7[%scan3A_1078, %swap3A_1147] : memref<64x256xf32, #tpu.memory_space<vmem>> -> memref<1x256xf32, #tpu.memory_space<vmem>>
          %swap3A_1149 = tpu.memref_squeeze %swap3A_1148 : memref<1x256xf32, #tpu.memory_space<vmem>> -> memref<256xf32, #tpu.memory_space<vmem>>
          %swap3A_1150 = arith.constant 128 : index
          %swap3A_1151 = tpu.vector_load %swap3A_1149[%swap3A_1150] {strides = array<i32>} : memref<256xf32, #tpu.memory_space<vmem>>, vector<16xf32>,
          %swap3A_1152 = vector.shape_cast %swap3A_1151 : vector<16xf32> to vector<16xf32>
          %swap3A_1153 = vector.shape_cast %broadcast_in_dim3A_861 : vector<16xf32> to vector<16xf32>
          tpu.vector_store %swap3A_1149[%swap3A_1150], %swap3A_1153 {strides = array<i32>} : memref<256xf32, #tpu.memory_space<vmem>>, vector<16xf32>,
          %swap3A_1154 = arith.constant 0 : i32
          %swap3A_1155 = tpu.memref_slice %arg7[%scan3A_1078, %swap3A_1154] : memref<64x256xf32, #tpu.memory_space<vmem>> -> memref<1x256xf32, #tpu.memory_space<vmem>>
          %swap3A_1156 = tpu.memref_squeeze %swap3A_1155 : memref<1x256xf32, #tpu.memory_space<vmem>> -> memref<256xf32, #tpu.memory_space<vmem>>
          %swap3A_1157 = arith.constant 144 : index
          %swap3A_1158 = tpu.vector_load %swap3A_1156[%swap3A_1157] {strides = array<i32>} : memref<256xf32, #tpu.memory_space<vmem>>, vector<16xf32>,
          %swap3A_1159 = vector.shape_cast %swap3A_1158 : vector<16xf32> to vector<16xf32>
          %swap3A_1160 = vector.shape_cast %broadcast_in_dim3A_861 : vector<16xf32> to vector<16xf32>
          tpu.vector_store %swap3A_1156[%swap3A_1157], %swap3A_1160 {strides = array<i32>} : memref<256xf32, #tpu.memory_space<vmem>>, vector<16xf32>,
          %swap3A_1161 = arith.constant 0 : i32
          %swap3A_1162 = tpu.memref_slice %arg7[%scan3A_1078, %swap3A_1161] : memref<64x256xf32, #tpu.memory_space<vmem>> -> memref<1x256xf32, #tpu.memory_space<vmem>>
          %swap3A_1163 = tpu.memref_squeeze %swap3A_1162 : memref<1x256xf32, #tpu.memory_space<vmem>> -> memref<256xf32, #tpu.memory_space<vmem>>
          %swap3A_1164 = arith.constant 160 : index
          %swap3A_1165 = tpu.vector_load %swap3A_1163[%swap3A_1164] {strides = array<i32>} : memref<256xf32, #tpu.memory_space<vmem>>, vector<16xf32>,
          %swap3A_1166 = vector.shape_cast %swap3A_1165 : vector<16xf32> to vector<16xf32>
          %swap3A_1167 = vector.shape_cast %broadcast_in_dim3A_861 : vector<16xf32> to vector<16xf32>
          tpu.vector_store %swap3A_1163[%swap3A_1164], %swap3A_1167 {strides = array<i32>} : memref<256xf32, #tpu.memory_space<vmem>>, vector<16xf32>,
          %swap3A_1168 = arith.constant 0 : i32
          %swap3A_1169 = tpu.memref_slice %arg7[%scan3A_1078, %swap3A_1168] : memref<64x256xf32, #tpu.memory_space<vmem>> -> memref<1x256xf32, #tpu.memory_space<vmem>>
          %swap3A_1170 = tpu.memref_squeeze %swap3A_1169 : memref<1x256xf32, #tpu.memory_space<vmem>> -> memref<256xf32, #tpu.memory_space<vmem>>
          %swap3A_1171 = arith.constant 176 : index
          %swap3A_1172 = tpu.vector_load %swap3A_1170[%swap3A_1171] {strides = array<i32>} : memref<256xf32, #tpu.memory_space<vmem>>, vector<16xf32>,
          %swap3A_1173 = vector.shape_cast %swap3A_1172 : vector<16xf32> to vector<16xf32>
          %swap3A_1174 = vector.shape_cast %broadcast_in_dim3A_861 : vector<16xf32> to vector<16xf32>
          tpu.vector_store %swap3A_1170[%swap3A_1171], %swap3A_1174 {strides = array<i32>} : memref<256xf32, #tpu.memory_space<vmem>>, vector<16xf32>,
          %swap3A_1175 = arith.constant 0 : i32
          %swap3A_1176 = tpu.memref_slice %arg7[%scan3A_1078, %swap3A_1175] : memref<64x256xf32, #tpu.memory_space<vmem>> -> memref<1x256xf32, #tpu.memory_space<vmem>>
          %swap3A_1177 = tpu.memref_squeeze %swap3A_1176 : memref<1x256xf32, #tpu.memory_space<vmem>> -> memref<256xf32, #tpu.memory_space<vmem>>
          %swap3A_1178 = arith.constant 192 : index
          %swap3A_1179 = tpu.vector_load %swap3A_1177[%swap3A_1178] {strides = array<i32>} : memref<256xf32, #tpu.memory_space<vmem>>, vector<16xf32>,
          %swap3A_1180 = vector.shape_cast %swap3A_1179 : vector<16xf32> to vector<16xf32>
          %swap3A_1181 = vector.shape_cast %broadcast_in_dim3A_861 : vector<16xf32> to vector<16xf32>
          tpu.vector_store %swap3A_1177[%swap3A_1178], %swap3A_1181 {strides = array<i32>} : memref<256xf32, #tpu.memory_space<vmem>>, vector<16xf32>,
          %swap3A_1182 = arith.constant 0 : i32
          %swap3A_1183 = tpu.memref_slice %arg7[%scan3A_1078, %swap3A_1182] : memref<64x256xf32, #tpu.memory_space<vmem>> -> memref<1x256xf32, #tpu.memory_space<vmem>>
          %swap3A_1184 = tpu.memref_squeeze %swap3A_1183 : memref<1x256xf32, #tpu.memory_space<vmem>> -> memref<256xf32, #tpu.memory_space<vmem>>
          %swap3A_1185 = arith.constant 208 : index
          %swap3A_1186 = tpu.vector_load %swap3A_1184[%swap3A_1185] {strides = array<i32>} : memref<256xf32, #tpu.memory_space<vmem>>, vector<16xf32>,
          %swap3A_1187 = vector.shape_cast %swap3A_1186 : vector<16xf32> to vector<16xf32>
          %swap3A_1188 = vector.shape_cast %broadcast_in_dim3A_861 : vector<16xf32> to vector<16xf32>
          tpu.vector_store %swap3A_1184[%swap3A_1185], %swap3A_1188 {strides = array<i32>} : memref<256xf32, #tpu.memory_space<vmem>>, vector<16xf32>,
          %swap3A_1189 = arith.constant 0 : i32
          %swap3A_1190 = tpu.memref_slice %arg7[%scan3A_1078, %swap3A_1189] : memref<64x256xf32, #tpu.memory_space<vmem>> -> memref<1x256xf32, #tpu.memory_space<vmem>>
          %swap3A_1191 = tpu.memref_squeeze %swap3A_1190 : memref<1x256xf32, #tpu.memory_space<vmem>> -> memref<256xf32, #tpu.memory_space<vmem>>
          %swap3A_1192 = arith.constant 224 : index
          %swap3A_1193 = tpu.vector_load %swap3A_1191[%swap3A_1192] {strides = array<i32>} : memref<256xf32, #tpu.memory_space<vmem>>, vector<16xf32>,
          %swap3A_1194 = vector.shape_cast %swap3A_1193 : vector<16xf32> to vector<16xf32>
          %swap3A_1195 = vector.shape_cast %broadcast_in_dim3A_861 : vector<16xf32> to vector<16xf32>
          tpu.vector_store %swap3A_1191[%swap3A_1192], %swap3A_1195 {strides = array<i32>} : memref<256xf32, #tpu.memory_space<vmem>>, vector<16xf32>,
          %swap3A_1196 = arith.constant 0 : i32
          %swap3A_1197 = tpu.memref_slice %arg7[%scan3A_1078, %swap3A_1196] : memref<64x256xf32, #tpu.memory_space<vmem>> -> memref<1x256xf32, #tpu.memory_space<vmem>>
          %swap3A_1198 = tpu.memref_squeeze %swap3A_1197 : memref<1x256xf32, #tpu.memory_space<vmem>> -> memref<256xf32, #tpu.memory_space<vmem>>
          %swap3A_1199 = arith.constant 240 : index
          %swap3A_1200 = tpu.vector_load %swap3A_1198[%swap3A_1199] {strides = array<i32>} : memref<256xf32, #tpu.memory_space<vmem>>, vector<16xf32>,
          %swap3A_1201 = vector.shape_cast %swap3A_1200 : vector<16xf32> to vector<16xf32>
          %swap3A_1202 = vector.shape_cast %broadcast_in_dim3A_861 : vector<16xf32> to vector<16xf32>
          tpu.vector_store %swap3A_1198[%swap3A_1199], %swap3A_1202 {strides = array<i32>} : memref<256xf32, #tpu.memory_space<vmem>>, vector<16xf32>,
        } else {
        }
      }
      %scan3A_1077 = arith.constant 64 : i32
    } else {
    }
    %add3A_1023 = arith.constant 384 : i32
    %add3A_1024 = arith.addi %mul3A_2, %add3A_1023 : i32
    %dma_start3A_1025 = arith.constant 0 : i32
    %dma_start3A_1026 = tpu.memref_slice %arg4[%add3A_1024, %dma_start3A_1025] : memref<16384x256xf32, #tpu.memory_space<hbm>> -> memref<64x256xf32, #tpu.memory_space<hbm>>
    %dma_start3A_1027 = arith.constant 0 : i32
    %dma_start3A_1028 = tpu.memref_slice %arg4[%add3A_1024, %dma_start3A_1027] : memref<16384x256xf32, #tpu.memory_space<hbm>> -> memref<64x256xf32, #tpu.memory_space<hbm>>
    tpu.enqueue_dma source(%arg7 : memref<64x256xf32, #tpu.memory_space<vmem>>) target(%dma_start3A_1028 : memref<64x256xf32, #tpu.memory_space<hbm>>) target_semaphore(%arg19 : memref<!tpu.dma_semaphore, #tpu.memory_space<semaphore_mem>>)
    %dma_wait3A_1029 = arith.constant 7 : i32
    %dma_wait3A_1030 = arith.constant 0 : i32
    %dma_wait3A_1031 = tpu.memref_slice %arg6[%dma_wait3A_1029, %dma_wait3A_1030] : memref<8x64xi32, #tpu.memory_space<vmem>> -> memref<1x64xi32, #tpu.memory_space<vmem>>
    %dma_wait3A_1032 = tpu.memref_squeeze %dma_wait3A_1031 : memref<1x64xi32, #tpu.memory_space<vmem>> -> memref<64xi32, #tpu.memory_space<vmem>>
    %dma_wait3A_1033 = arith.constant 0 : i32
    %dma_wait3A_1034 = arith.constant 0 : i32
    %dma_wait3A_1035 = tpu.memref_slice %arg2[%select_n3A, %dma_wait3A_1033, %dma_wait3A_1034] : memref<8x512x256xf32, #tpu.memory_space<hbm>> -> memref<1x512x256xf32, #tpu.memory_space<hbm>>
    %dma_wait3A_1036 = tpu.memref_squeeze %dma_wait3A_1035 : memref<1x512x256xf32, #tpu.memory_space<hbm>> -> memref<512x256xf32, #tpu.memory_space<hbm>>
    %dma_wait3A_1037 = arith.constant 0 : i32
    %dma_wait3A_1038 = arith.constant 0 : i32
    %dma_wait3A_1039 = tpu.memref_slice %dma_wait3A_1036[%dma_wait3A_1037, %dma_wait3A_1038] : memref<512x256xf32, #tpu.memory_space<hbm>> -> memref<512x256xf32, #tpu.memory_space<hbm>>
    tpu.wait_indirect_dma semaphore(%arg14 : memref<!tpu.dma_semaphore, #tpu.memory_space<semaphore_mem>>) src(%dma_wait3A_1039 : memref<512x256xf32, #tpu.memory_space<hbm>>) dst(%arg8 : memref<64x256xf32, #tpu.memory_space<vmem>>)
    %convert_element_type3A_1040 = arith.extui %eq3A_794 : i1 to i32
    %cond3A_1041 = arith.constant 0 : i32
    %cond3A_1042 = arith.cmpi ne, %convert_element_type3A_1040, %cond3A_1041 : i32
    scf.if %cond3A_1042 {
      %scan3A = arith.constant 0 : i32
      %scan3A_1073 = arith.constant 0 : i32
      %scan3A_1074 = arith.constant 64 : i32
      %scan3A_1075 = arith.addi %scan3A_1073, %scan3A_1074 : i32
      %scan3A_1076 = arith.constant 1 : i32
      scf.for %scan3A_1078 = %scan3A_1073 to %scan3A_1075 step %scan3A_1076  : i32 {
        %add3A_1079 = arith.constant 448 : i32
        %add3A_1080 = arith.addi %add3A_1079, %scan3A_1078 : i32
        %get3A_1081 = arith.index_cast %add3A_1080 : i32 to index
        %get3A_1082 = tpu.vector_load %arg5[%get3A_1081] {strides = array<i32>} : memref<528xi32, #tpu.memory_space<vmem>>, vector<16xi32>,
        %get3A_1083 = vector.shape_cast %get3A_1082 : vector<16xi32> to vector<16xi32>
        %slice3A_1084 = vector.extract_strided_slice %get3A_1083 {offsets = [0], sizes = [1], strides = [1]} : vector<16xi32> to vector<1xi32>
        %squeeze3A_1085 = vector.extract %slice3A_1084[0] : i32 from vector<1xi32>
        %eq3A_1086 = arith.constant 0 : i32
        %eq3A_1087 = arith.cmpi eq, %squeeze3A_1085, %eq3A_1086 : i32
        %convert_element_type3A_1088 = arith.extui %eq3A_1087 : i1 to i32
        %cond3A_1089 = arith.constant 0 : i32
        %cond3A_1090 = arith.cmpi ne, %convert_element_type3A_1088, %cond3A_1089 : i32
        scf.if %cond3A_1090 {
          %swap3A_1091 = arith.constant 0 : i32
          %swap3A_1092 = tpu.memref_slice %arg8[%scan3A_1078, %swap3A_1091] : memref<64x256xf32, #tpu.memory_space<vmem>> -> memref<1x256xf32, #tpu.memory_space<vmem>>
          %swap3A_1093 = tpu.memref_squeeze %swap3A_1092 : memref<1x256xf32, #tpu.memory_space<vmem>> -> memref<256xf32, #tpu.memory_space<vmem>>
          %swap3A_1094 = arith.constant 0 : index
          %swap3A_1095 = tpu.vector_load %swap3A_1093[%swap3A_1094] {strides = array<i32>} : memref<256xf32, #tpu.memory_space<vmem>>, vector<16xf32>,
          %swap3A_1096 = vector.shape_cast %swap3A_1095 : vector<16xf32> to vector<16xf32>
          %swap3A_1097 = vector.shape_cast %broadcast_in_dim3A_861 : vector<16xf32> to vector<16xf32>
          tpu.vector_store %swap3A_1093[%swap3A_1094], %swap3A_1097 {strides = array<i32>} : memref<256xf32, #tpu.memory_space<vmem>>, vector<16xf32>,
          %swap3A_1098 = arith.constant 0 : i32
          %swap3A_1099 = tpu.memref_slice %arg8[%scan3A_1078, %swap3A_1098] : memref<64x256xf32, #tpu.memory_space<vmem>> -> memref<1x256xf32, #tpu.memory_space<vmem>>
          %swap3A_1100 = tpu.memref_squeeze %swap3A_1099 : memref<1x256xf32, #tpu.memory_space<vmem>> -> memref<256xf32, #tpu.memory_space<vmem>>
          %swap3A_1101 = arith.constant 16 : index
          %swap3A_1102 = tpu.vector_load %swap3A_1100[%swap3A_1101] {strides = array<i32>} : memref<256xf32, #tpu.memory_space<vmem>>, vector<16xf32>,
          %swap3A_1103 = vector.shape_cast %swap3A_1102 : vector<16xf32> to vector<16xf32>
          %swap3A_1104 = vector.shape_cast %broadcast_in_dim3A_861 : vector<16xf32> to vector<16xf32>
          tpu.vector_store %swap3A_1100[%swap3A_1101], %swap3A_1104 {strides = array<i32>} : memref<256xf32, #tpu.memory_space<vmem>>, vector<16xf32>,
          %swap3A_1105 = arith.constant 0 : i32
          %swap3A_1106 = tpu.memref_slice %arg8[%scan3A_1078, %swap3A_1105] : memref<64x256xf32, #tpu.memory_space<vmem>> -> memref<1x256xf32, #tpu.memory_space<vmem>>
          %swap3A_1107 = tpu.memref_squeeze %swap3A_1106 : memref<1x256xf32, #tpu.memory_space<vmem>> -> memref<256xf32, #tpu.memory_space<vmem>>
          %swap3A_1108 = arith.constant 32 : index
          %swap3A_1109 = tpu.vector_load %swap3A_1107[%swap3A_1108] {strides = array<i32>} : memref<256xf32, #tpu.memory_space<vmem>>, vector<16xf32>,
          %swap3A_1110 = vector.shape_cast %swap3A_1109 : vector<16xf32> to vector<16xf32>
          %swap3A_1111 = vector.shape_cast %broadcast_in_dim3A_861 : vector<16xf32> to vector<16xf32>
          tpu.vector_store %swap3A_1107[%swap3A_1108], %swap3A_1111 {strides = array<i32>} : memref<256xf32, #tpu.memory_space<vmem>>, vector<16xf32>,
          %swap3A_1112 = arith.constant 0 : i32
          %swap3A_1113 = tpu.memref_slice %arg8[%scan3A_1078, %swap3A_1112] : memref<64x256xf32, #tpu.memory_space<vmem>> -> memref<1x256xf32, #tpu.memory_space<vmem>>
          %swap3A_1114 = tpu.memref_squeeze %swap3A_1113 : memref<1x256xf32, #tpu.memory_space<vmem>> -> memref<256xf32, #tpu.memory_space<vmem>>
          %swap3A_1115 = arith.constant 48 : index
          %swap3A_1116 = tpu.vector_load %swap3A_1114[%swap3A_1115] {strides = array<i32>} : memref<256xf32, #tpu.memory_space<vmem>>, vector<16xf32>,
          %swap3A_1117 = vector.shape_cast %swap3A_1116 : vector<16xf32> to vector<16xf32>
          %swap3A_1118 = vector.shape_cast %broadcast_in_dim3A_861 : vector<16xf32> to vector<16xf32>
          tpu.vector_store %swap3A_1114[%swap3A_1115], %swap3A_1118 {strides = array<i32>} : memref<256xf32, #tpu.memory_space<vmem>>, vector<16xf32>,
          %swap3A_1119 = arith.constant 0 : i32
          %swap3A_1120 = tpu.memref_slice %arg8[%scan3A_1078, %swap3A_1119] : memref<64x256xf32, #tpu.memory_space<vmem>> -> memref<1x256xf32, #tpu.memory_space<vmem>>
          %swap3A_1121 = tpu.memref_squeeze %swap3A_1120 : memref<1x256xf32, #tpu.memory_space<vmem>> -> memref<256xf32, #tpu.memory_space<vmem>>
          %swap3A_1122 = arith.constant 64 : index
          %swap3A_1123 = tpu.vector_load %swap3A_1121[%swap3A_1122] {strides = array<i32>} : memref<256xf32, #tpu.memory_space<vmem>>, vector<16xf32>,
          %swap3A_1124 = vector.shape_cast %swap3A_1123 : vector<16xf32> to vector<16xf32>
          %swap3A_1125 = vector.shape_cast %broadcast_in_dim3A_861 : vector<16xf32> to vector<16xf32>
          tpu.vector_store %swap3A_1121[%swap3A_1122], %swap3A_1125 {strides = array<i32>} : memref<256xf32, #tpu.memory_space<vmem>>, vector<16xf32>,
          %swap3A_1126 = arith.constant 0 : i32
          %swap3A_1127 = tpu.memref_slice %arg8[%scan3A_1078, %swap3A_1126] : memref<64x256xf32, #tpu.memory_space<vmem>> -> memref<1x256xf32, #tpu.memory_space<vmem>>
          %swap3A_1128 = tpu.memref_squeeze %swap3A_1127 : memref<1x256xf32, #tpu.memory_space<vmem>> -> memref<256xf32, #tpu.memory_space<vmem>>
          %swap3A_1129 = arith.constant 80 : index
          %swap3A_1130 = tpu.vector_load %swap3A_1128[%swap3A_1129] {strides = array<i32>} : memref<256xf32, #tpu.memory_space<vmem>>, vector<16xf32>,
          %swap3A_1131 = vector.shape_cast %swap3A_1130 : vector<16xf32> to vector<16xf32>
          %swap3A_1132 = vector.shape_cast %broadcast_in_dim3A_861 : vector<16xf32> to vector<16xf32>
          tpu.vector_store %swap3A_1128[%swap3A_1129], %swap3A_1132 {strides = array<i32>} : memref<256xf32, #tpu.memory_space<vmem>>, vector<16xf32>,
          %swap3A_1133 = arith.constant 0 : i32
          %swap3A_1134 = tpu.memref_slice %arg8[%scan3A_1078, %swap3A_1133] : memref<64x256xf32, #tpu.memory_space<vmem>> -> memref<1x256xf32, #tpu.memory_space<vmem>>
          %swap3A_1135 = tpu.memref_squeeze %swap3A_1134 : memref<1x256xf32, #tpu.memory_space<vmem>> -> memref<256xf32, #tpu.memory_space<vmem>>
          %swap3A_1136 = arith.constant 96 : index
          %swap3A_1137 = tpu.vector_load %swap3A_1135[%swap3A_1136] {strides = array<i32>} : memref<256xf32, #tpu.memory_space<vmem>>, vector<16xf32>,
          %swap3A_1138 = vector.shape_cast %swap3A_1137 : vector<16xf32> to vector<16xf32>
          %swap3A_1139 = vector.shape_cast %broadcast_in_dim3A_861 : vector<16xf32> to vector<16xf32>
          tpu.vector_store %swap3A_1135[%swap3A_1136], %swap3A_1139 {strides = array<i32>} : memref<256xf32, #tpu.memory_space<vmem>>, vector<16xf32>,
          %swap3A_1140 = arith.constant 0 : i32
          %swap3A_1141 = tpu.memref_slice %arg8[%scan3A_1078, %swap3A_1140] : memref<64x256xf32, #tpu.memory_space<vmem>> -> memref<1x256xf32, #tpu.memory_space<vmem>>
          %swap3A_1142 = tpu.memref_squeeze %swap3A_1141 : memref<1x256xf32, #tpu.memory_space<vmem>> -> memref<256xf32, #tpu.memory_space<vmem>>
          %swap3A_1143 = arith.constant 112 : index
          %swap3A_1144 = tpu.vector_load %swap3A_1142[%swap3A_1143] {strides = array<i32>} : memref<256xf32, #tpu.memory_space<vmem>>, vector<16xf32>,
          %swap3A_1145 = vector.shape_cast %swap3A_1144 : vector<16xf32> to vector<16xf32>
          %swap3A_1146 = vector.shape_cast %broadcast_in_dim3A_861 : vector<16xf32> to vector<16xf32>
          tpu.vector_store %swap3A_1142[%swap3A_1143], %swap3A_1146 {strides = array<i32>} : memref<256xf32, #tpu.memory_space<vmem>>, vector<16xf32>,
          %swap3A_1147 = arith.constant 0 : i32
          %swap3A_1148 = tpu.memref_slice %arg8[%scan3A_1078, %swap3A_1147] : memref<64x256xf32, #tpu.memory_space<vmem>> -> memref<1x256xf32, #tpu.memory_space<vmem>>
          %swap3A_1149 = tpu.memref_squeeze %swap3A_1148 : memref<1x256xf32, #tpu.memory_space<vmem>> -> memref<256xf32, #tpu.memory_space<vmem>>
          %swap3A_1150 = arith.constant 128 : index
          %swap3A_1151 = tpu.vector_load %swap3A_1149[%swap3A_1150] {strides = array<i32>} : memref<256xf32, #tpu.memory_space<vmem>>, vector<16xf32>,
          %swap3A_1152 = vector.shape_cast %swap3A_1151 : vector<16xf32> to vector<16xf32>
          %swap3A_1153 = vector.shape_cast %broadcast_in_dim3A_861 : vector<16xf32> to vector<16xf32>
          tpu.vector_store %swap3A_1149[%swap3A_1150], %swap3A_1153 {strides = array<i32>} : memref<256xf32, #tpu.memory_space<vmem>>, vector<16xf32>,
          %swap3A_1154 = arith.constant 0 : i32
          %swap3A_1155 = tpu.memref_slice %arg8[%scan3A_1078, %swap3A_1154] : memref<64x256xf32, #tpu.memory_space<vmem>> -> memref<1x256xf32, #tpu.memory_space<vmem>>
          %swap3A_1156 = tpu.memref_squeeze %swap3A_1155 : memref<1x256xf32, #tpu.memory_space<vmem>> -> memref<256xf32, #tpu.memory_space<vmem>>
          %swap3A_1157 = arith.constant 144 : index
          %swap3A_1158 = tpu.vector_load %swap3A_1156[%swap3A_1157] {strides = array<i32>} : memref<256xf32, #tpu.memory_space<vmem>>, vector<16xf32>,
          %swap3A_1159 = vector.shape_cast %swap3A_1158 : vector<16xf32> to vector<16xf32>
          %swap3A_1160 = vector.shape_cast %broadcast_in_dim3A_861 : vector<16xf32> to vector<16xf32>
          tpu.vector_store %swap3A_1156[%swap3A_1157], %swap3A_1160 {strides = array<i32>} : memref<256xf32, #tpu.memory_space<vmem>>, vector<16xf32>,
          %swap3A_1161 = arith.constant 0 : i32
          %swap3A_1162 = tpu.memref_slice %arg8[%scan3A_1078, %swap3A_1161] : memref<64x256xf32, #tpu.memory_space<vmem>> -> memref<1x256xf32, #tpu.memory_space<vmem>>
          %swap3A_1163 = tpu.memref_squeeze %swap3A_1162 : memref<1x256xf32, #tpu.memory_space<vmem>> -> memref<256xf32, #tpu.memory_space<vmem>>
          %swap3A_1164 = arith.constant 160 : index
          %swap3A_1165 = tpu.vector_load %swap3A_1163[%swap3A_1164] {strides = array<i32>} : memref<256xf32, #tpu.memory_space<vmem>>, vector<16xf32>,
          %swap3A_1166 = vector.shape_cast %swap3A_1165 : vector<16xf32> to vector<16xf32>
          %swap3A_1167 = vector.shape_cast %broadcast_in_dim3A_861 : vector<16xf32> to vector<16xf32>
          tpu.vector_store %swap3A_1163[%swap3A_1164], %swap3A_1167 {strides = array<i32>} : memref<256xf32, #tpu.memory_space<vmem>>, vector<16xf32>,
          %swap3A_1168 = arith.constant 0 : i32
          %swap3A_1169 = tpu.memref_slice %arg8[%scan3A_1078, %swap3A_1168] : memref<64x256xf32, #tpu.memory_space<vmem>> -> memref<1x256xf32, #tpu.memory_space<vmem>>
          %swap3A_1170 = tpu.memref_squeeze %swap3A_1169 : memref<1x256xf32, #tpu.memory_space<vmem>> -> memref<256xf32, #tpu.memory_space<vmem>>
          %swap3A_1171 = arith.constant 176 : index
          %swap3A_1172 = tpu.vector_load %swap3A_1170[%swap3A_1171] {strides = array<i32>} : memref<256xf32, #tpu.memory_space<vmem>>, vector<16xf32>,
          %swap3A_1173 = vector.shape_cast %swap3A_1172 : vector<16xf32> to vector<16xf32>
          %swap3A_1174 = vector.shape_cast %broadcast_in_dim3A_861 : vector<16xf32> to vector<16xf32>
          tpu.vector_store %swap3A_1170[%swap3A_1171], %swap3A_1174 {strides = array<i32>} : memref<256xf32, #tpu.memory_space<vmem>>, vector<16xf32>,
          %swap3A_1175 = arith.constant 0 : i32
          %swap3A_1176 = tpu.memref_slice %arg8[%scan3A_1078, %swap3A_1175] : memref<64x256xf32, #tpu.memory_space<vmem>> -> memref<1x256xf32, #tpu.memory_space<vmem>>
          %swap3A_1177 = tpu.memref_squeeze %swap3A_1176 : memref<1x256xf32, #tpu.memory_space<vmem>> -> memref<256xf32, #tpu.memory_space<vmem>>
          %swap3A_1178 = arith.constant 192 : index
          %swap3A_1179 = tpu.vector_load %swap3A_1177[%swap3A_1178] {strides = array<i32>} : memref<256xf32, #tpu.memory_space<vmem>>, vector<16xf32>,
          %swap3A_1180 = vector.shape_cast %swap3A_1179 : vector<16xf32> to vector<16xf32>
          %swap3A_1181 = vector.shape_cast %broadcast_in_dim3A_861 : vector<16xf32> to vector<16xf32>
          tpu.vector_store %swap3A_1177[%swap3A_1178], %swap3A_1181 {strides = array<i32>} : memref<256xf32, #tpu.memory_space<vmem>>, vector<16xf32>,
          %swap3A_1182 = arith.constant 0 : i32
          %swap3A_1183 = tpu.memref_slice %arg8[%scan3A_1078, %swap3A_1182] : memref<64x256xf32, #tpu.memory_space<vmem>> -> memref<1x256xf32, #tpu.memory_space<vmem>>
          %swap3A_1184 = tpu.memref_squeeze %swap3A_1183 : memref<1x256xf32, #tpu.memory_space<vmem>> -> memref<256xf32, #tpu.memory_space<vmem>>
          %swap3A_1185 = arith.constant 208 : index
          %swap3A_1186 = tpu.vector_load %swap3A_1184[%swap3A_1185] {strides = array<i32>} : memref<256xf32, #tpu.memory_space<vmem>>, vector<16xf32>,
          %swap3A_1187 = vector.shape_cast %swap3A_1186 : vector<16xf32> to vector<16xf32>
          %swap3A_1188 = vector.shape_cast %broadcast_in_dim3A_861 : vector<16xf32> to vector<16xf32>
          tpu.vector_store %swap3A_1184[%swap3A_1185], %swap3A_1188 {strides = array<i32>} : memref<256xf32, #tpu.memory_space<vmem>>, vector<16xf32>,
          %swap3A_1189 = arith.constant 0 : i32
          %swap3A_1190 = tpu.memref_slice %arg8[%scan3A_1078, %swap3A_1189] : memref<64x256xf32, #tpu.memory_space<vmem>> -> memref<1x256xf32, #tpu.memory_space<vmem>>
          %swap3A_1191 = tpu.memref_squeeze %swap3A_1190 : memref<1x256xf32, #tpu.memory_space<vmem>> -> memref<256xf32, #tpu.memory_space<vmem>>
          %swap3A_1192 = arith.constant 224 : index
          %swap3A_1193 = tpu.vector_load %swap3A_1191[%swap3A_1192] {strides = array<i32>} : memref<256xf32, #tpu.memory_space<vmem>>, vector<16xf32>,
          %swap3A_1194 = vector.shape_cast %swap3A_1193 : vector<16xf32> to vector<16xf32>
          %swap3A_1195 = vector.shape_cast %broadcast_in_dim3A_861 : vector<16xf32> to vector<16xf32>
          tpu.vector_store %swap3A_1191[%swap3A_1192], %swap3A_1195 {strides = array<i32>} : memref<256xf32, #tpu.memory_space<vmem>>, vector<16xf32>,
          %swap3A_1196 = arith.constant 0 : i32
          %swap3A_1197 = tpu.memref_slice %arg8[%scan3A_1078, %swap3A_1196] : memref<64x256xf32, #tpu.memory_space<vmem>> -> memref<1x256xf32, #tpu.memory_space<vmem>>
          %swap3A_1198 = tpu.memref_squeeze %swap3A_1197 : memref<1x256xf32, #tpu.memory_space<vmem>> -> memref<256xf32, #tpu.memory_space<vmem>>
          %swap3A_1199 = arith.constant 240 : index
          %swap3A_1200 = tpu.vector_load %swap3A_1198[%swap3A_1199] {strides = array<i32>} : memref<256xf32, #tpu.memory_space<vmem>>, vector<16xf32>,
          %swap3A_1201 = vector.shape_cast %swap3A_1200 : vector<16xf32> to vector<16xf32>
          %swap3A_1202 = vector.shape_cast %broadcast_in_dim3A_861 : vector<16xf32> to vector<16xf32>
          tpu.vector_store %swap3A_1198[%swap3A_1199], %swap3A_1202 {strides = array<i32>} : memref<256xf32, #tpu.memory_space<vmem>>, vector<16xf32>,
        } else {
        }
      }
      %scan3A_1077 = arith.constant 64 : i32
    } else {
    }
    %add3A_1043 = arith.constant 448 : i32
    %add3A_1044 = arith.addi %mul3A_2, %add3A_1043 : i32
    %dma_start3A_1045 = arith.constant 0 : i32
    %dma_start3A_1046 = tpu.memref_slice %arg4[%add3A_1044, %dma_start3A_1045] : memref<16384x256xf32, #tpu.memory_space<hbm>> -> memref<64x256xf32, #tpu.memory_space<hbm>>
    %dma_start3A_1047 = arith.constant 0 : i32
    %dma_start3A_1048 = tpu.memref_slice %arg4[%add3A_1044, %dma_start3A_1047] : memref<16384x256xf32, #tpu.memory_space<hbm>> -> memref<64x256xf32, #tpu.memory_space<hbm>>
    tpu.enqueue_dma source(%arg8 : memref<64x256xf32, #tpu.memory_space<vmem>>) target(%dma_start3A_1048 : memref<64x256xf32, #tpu.memory_space<hbm>>) target_semaphore(%arg20 : memref<!tpu.dma_semaphore, #tpu.memory_space<semaphore_mem>>)
    %dma_wait3A_1049 = arith.constant 0 : i32
    %dma_wait3A_1050 = tpu.memref_slice %arg4[%add3A_944, %dma_wait3A_1049] : memref<16384x256xf32, #tpu.memory_space<hbm>> -> memref<64x256xf32, #tpu.memory_space<hbm>>
    %dma_wait3A_1051 = arith.constant 0 : i32
    %dma_wait3A_1052 = tpu.memref_slice %arg4[%add3A_944, %dma_wait3A_1051] : memref<16384x256xf32, #tpu.memory_space<hbm>> -> memref<64x256xf32, #tpu.memory_space<hbm>>
    tpu.wait_dma2 semaphore(%arg21 : memref<!tpu.dma_semaphore, #tpu.memory_space<semaphore_mem>>) src(%arg9 : memref<64x256xf32, #tpu.memory_space<vmem>>) dst(%dma_wait3A_1052 : memref<64x256xf32, #tpu.memory_space<hbm>>)
    %dma_wait3A_1053 = arith.constant 0 : i32
    %dma_wait3A_1054 = tpu.memref_slice %arg4[%add3A_964, %dma_wait3A_1053] : memref<16384x256xf32, #tpu.memory_space<hbm>> -> memref<64x256xf32, #tpu.memory_space<hbm>>
    %dma_wait3A_1055 = arith.constant 0 : i32
    %dma_wait3A_1056 = tpu.memref_slice %arg4[%add3A_964, %dma_wait3A_1055] : memref<16384x256xf32, #tpu.memory_space<hbm>> -> memref<64x256xf32, #tpu.memory_space<hbm>>
    tpu.wait_dma2 semaphore(%arg22 : memref<!tpu.dma_semaphore, #tpu.memory_space<semaphore_mem>>) src(%arg10 : memref<64x256xf32, #tpu.memory_space<vmem>>) dst(%dma_wait3A_1056 : memref<64x256xf32, #tpu.memory_space<hbm>>)
    %dma_wait3A_1057 = arith.constant 0 : i32
    %dma_wait3A_1058 = tpu.memref_slice %arg4[%add3A_984, %dma_wait3A_1057] : memref<16384x256xf32, #tpu.memory_space<hbm>> -> memref<64x256xf32, #tpu.memory_space<hbm>>
    %dma_wait3A_1059 = arith.constant 0 : i32
    %dma_wait3A_1060 = tpu.memref_slice %arg4[%add3A_984, %dma_wait3A_1059] : memref<16384x256xf32, #tpu.memory_space<hbm>> -> memref<64x256xf32, #tpu.memory_space<hbm>>
    tpu.wait_dma2 semaphore(%arg23 : memref<!tpu.dma_semaphore, #tpu.memory_space<semaphore_mem>>) src(%arg11 : memref<64x256xf32, #tpu.memory_space<vmem>>) dst(%dma_wait3A_1060 : memref<64x256xf32, #tpu.memory_space<hbm>>)
    %dma_wait3A_1061 = arith.constant 0 : i32
    %dma_wait3A_1062 = tpu.memref_slice %arg4[%add3A_1004, %dma_wait3A_1061] : memref<16384x256xf32, #tpu.memory_space<hbm>> -> memref<64x256xf32, #tpu.memory_space<hbm>>
    %dma_wait3A_1063 = arith.constant 0 : i32
    %dma_wait3A_1064 = tpu.memref_slice %arg4[%add3A_1004, %dma_wait3A_1063] : memref<16384x256xf32, #tpu.memory_space<hbm>> -> memref<64x256xf32, #tpu.memory_space<hbm>>
    tpu.wait_dma2 semaphore(%arg24 : memref<!tpu.dma_semaphore, #tpu.memory_space<semaphore_mem>>) src(%arg12 : memref<64x256xf32, #tpu.memory_space<vmem>>) dst(%dma_wait3A_1064 : memref<64x256xf32, #tpu.memory_space<hbm>>)
    %dma_wait3A_1065 = arith.constant 0 : i32
    %dma_wait3A_1066 = tpu.memref_slice %arg4[%add3A_1024, %dma_wait3A_1065] : memref<16384x256xf32, #tpu.memory_space<hbm>> -> memref<64x256xf32, #tpu.memory_space<hbm>>
    %dma_wait3A_1067 = arith.constant 0 : i32
    %dma_wait3A_1068 = tpu.memref_slice %arg4[%add3A_1024, %dma_wait3A_1067] : memref<16384x256xf32, #tpu.memory_space<hbm>> -> memref<64x256xf32, #tpu.memory_space<hbm>>
    tpu.wait_dma2 semaphore(%arg19 : memref<!tpu.dma_semaphore, #tpu.memory_space<semaphore_mem>>) src(%arg7 : memref<64x256xf32, #tpu.memory_space<vmem>>) dst(%dma_wait3A_1068 : memref<64x256xf32, #tpu.memory_space<hbm>>)
    %dma_wait3A_1069 = arith.constant 0 : i32
    %dma_wait3A_1070 = tpu.memref_slice %arg4[%add3A_1044, %dma_wait3A_1069] : memref<16384x256xf32, #tpu.memory_space<hbm>> -> memref<64x256xf32, #tpu.memory_space<hbm>>
    %dma_wait3A_1071 = arith.constant 0 : i32
    %dma_wait3A_1072 = tpu.memref_slice %arg4[%add3A_1044, %dma_wait3A_1071] : memref<16384x256xf32, #tpu.memory_space<hbm>> -> memref<64x256xf32, #tpu.memory_space<hbm>>
    tpu.wait_dma2 semaphore(%arg20 : memref<!tpu.dma_semaphore, #tpu.memory_space<semaphore_mem>>) src(%arg8 : memref<64x256xf32, #tpu.memory_space<vmem>>) dst(%dma_wait3A_1072 : memref<64x256xf32, #tpu.memory_space<hbm>>)
    return
  }
}

module attributes {stable_mosaic.version = 14 : i64} {
  func.func @_mel_tc_body(%arg0: memref<8x2048xi32, #tpu.memory_space<vmem>>, %arg1: memref<8xi32, #tpu.memory_space<vmem>>) attributes {dimension_semantics = [], scalar_prefetch = 0 : i64, scratch_operands = 0 : i64, tpu.core_type = #tpu.core_type<tc>} {
    %get3A = arith.constant 0 : index
    %get3A_0 = arith.constant 0 : index
    %get3A_1 = vector.load %arg0[%get3A, %get3A_0] : memref<8x2048xi32, #tpu.memory_space<vmem>>, vector<8x2048xi32>
    %iota3A = tpu.iota {dimensions = array<i32: 1>} : vector<8x2048xi32>
    %eq3A = arith.constant 0 : i32
    %eq3A_2 = vector.broadcast %eq3A : i32 to vector<8x2048xi32>
    %eq3A_3 = arith.cmpi eq, %get3A_1, %eq3A_2 : vector<8x2048xi32>
    %jit3A = arith.constant 2048 : i32
    %broadcast_in_dim3A = vector.broadcast %jit3A : i32 to vector<8x2048xi32>
    %select_n3A = arith.select %eq3A_3, %iota3A, %broadcast_in_dim3A : vector<8x2048xi1>, vector<8x2048xi32>
    %reduce_min3A = arith.constant dense<2147483647> : vector<8xi32>
    %reduce_min3A_4 = vector.multi_reduction <minsi>, %select_n3A, %reduce_min3A [1] : vector<8x2048xi32> to vector<8xi32>
    %swap3A = arith.constant 0 : index
    %swap3A_5 = vector.load %arg1[%swap3A] : memref<8xi32, #tpu.memory_space<vmem>>, vector<8xi32>
    tpu.vector_store %arg1[%swap3A], %reduce_min3A_4 {strides = array<i32>} : memref<8xi32, #tpu.memory_space<vmem>>, vector<8xi32>,
    return
  }
}

</mosaic_0001>

<sc_bundles>
// kernel: kernel.4.cloned.1.call-start
scs
__scs_entry_jumppad:
0x0: {  	(pc) =	sbr.rel $0x88, $3  }
0x1: {  	(tag) =	ssettag $0x0;
	lr =	simm.s32 $0x1  }
0x2: {  	[smem:$0x3F9F] =	sst lr;
	_ =	strace $0xD0000000  }
0x3: {  	_ = 	snop  }
0x4: {  	_ = 	snop  }
0x5: {  	_ = 	snop  }
0x6: {  	_ = 	snop  }
0x7: {  	_ = 	snop  }
__scs_overlays_trampoline_lowered:
0x8: {  	[smem:$0x3FAE] =	sst s0  }
0x9: {  	[smem:$0x3FAF] =	sst s1  }
0xa: {  	[smem:$0x3FB0] =	sst s2  }
0xb: {  	[smem:$0x3FB1] =	sst s3  }
0xc: {  	[smem:$0x3FB2] =	sst s4  }
0xd: {  	[smem:$0x3FB3] =	sst s5  }
0xe: {  	[smem:$0x3FB4] =	sst s6  }
0xf: {  	[smem:$0x3FB5] =	sst s7  }
0x10: {  	[smem:$0x3FB6] =	sst s8  }
0x11: {  	[smem:$0x3FB7] =	sst s9;
	s0 =	simm.s32 @!p0 $0x0  }
0x12: {  	s1 =	sld [smem:$0x3F9D];
	s0 =	simm.s32 @p0 $0x1  }
0x13: {  	[smem:$0x3FB8] =	sst s0;
	s0 =	simm.s32 @!p1 $0x0  }
0x14: {  	s2 =	sld [smem:$0x3F9C];
	s0 =	simm.s32 @p1 $0x1  }
0x15: {  	[smem:$0x3FB9] =	sst s0;
	s0 =	simm.s32 @!p2 $0x0  }
0x16: {  	s3 =	sld [smem:$0x3FDB];
	s0 =	simm.s32 @p2 $0x1  }
0x17: {  	s4 =	simm.s32 $0x1BF5;
	[smem:$0x3FBB] =	sst s0  }
0x18: {  	s0 =	sld [smem:$0x3F9E];
	_ =	swait.ge [sflag:s4], $0x0  }
0x19: {  	s7 =	sld [smem:$0x3F9F]  }
0x1a: {  	s8 =	sadd.s32 $0xFFFFE003, lr  }
0x1b: {  	s9 =	sadd.s32 $0xFFFFFEF7, lr;
	s5 =	simm.s32 $0xFFFFFFFF;
	p2 =	slt.u32 s8, $0xFFFFF086  }
0x1c: {  	p1 =	slt.u32 s9, $0xF7A;
	s5 =	simm.s32 @!p2 $0x0  }
0x1d: {  	s5 =	simm.s32 @p1 $0x1;
	p0 =	seq.s32 s7, s2  }
0x1e: {  	s7 =	smul.u32 @!p0 $0xF7A, s2;
	p2 =	seq.s32 @!p0 s5, $0x0  }
0x1f: {  	s9 =	smul.u32 $0xF7A, s1;
	s8 =	simm.s32 @!p0 $0x1BF5;
	p2 =	por !p2, p0  }
0x20: {  	[sflag:s8] =	ssyncset.s32 @!p0 $0xFFFFF086;
	s6 =	sadd.s32 @!p0 s3, s7;
	s7 =	simm.s32 @!p0 $0x108  }
0x21: {  	s3 =	sadd.s32 s3, s9;
	s6 =	sadd.s32 @!p0 $0x88, s6;
	s7 =	simm.s32 @p2 $0x1082  }
0x22: {  	[simem:s7], [sflag:s8] =	dma.local @!p0 [hbm:s6], $0xF7A  }
0x23: {  	s9 =	sor.u32 $0xD0000000, s2;
	s6 =	simm.s32 $0x108;
	_ =	swait.ge @!p0 [sflag:s8], $0x0  }
0x24: {  	s3 =	sadd.s32 $0x88, s3;
	s6 =	simm.s32 @!p1 $0x1082;
	[sflag:s4] =	ssyncset.s32 $0xFFFFF086  }
0x25: {  	[simem:s6], [sflag:s4] =	dma.local [hbm:s3], $0xF7A  }
0x26: {  	[smem:$0x3F9F] =	sst s1;
	(tag) =	ssettag s2;
	_ =	strace s9  }
0x27: {  	s1 =	sld [smem:$0x3FAF]  }
0x28: {  	s2 =	sld [smem:$0x3FB0]  }
0x29: {  	s4 =	sld [smem:$0x3FB2]  }
0x2a: {  	p0 =	seq.s32 s5, $0x0;
	s5 =	sld [smem:$0x3FB3]  }
0x2b: {  	s6 =	sld [smem:$0x3FB4]  }
0x2c: {  	s7 =	sld [smem:$0x3FB5]  }
0x2d: {  	s3 =	simm.s32 $0x108;
	s8 =	sld [smem:$0x3FB6]  }
0x2e: {  	s3 =	simm.s32 @!p0 $0x1082;
	s9 =	sld [smem:$0x3FB7]  }
0x2f: {  	lr =	sadd.s32 s0, s3;
	s0 =	sld [smem:$0x3FAE]  }
0x30: {  	s3 =	sld [smem:$0x3FB1]  }
0x31: {  	[smem:$0x3FBA] =	sst s10  }
0x32: {  	s10 =	sld [smem:$0x3FB8];
	_ =	sdelay $0x3  }
0x33: {  	p0 =	seq.s32 s10, $0x1;
	s10 =	sld [smem:$0x3FBA];
	_ =	sdelay $0x3  }
0x34: {  	[smem:$0x3FBA] =	sst s10  }
0x35: {  	s10 =	sld [smem:$0x3FB9];
	_ =	sdelay $0x3  }
0x36: {  	p1 =	seq.s32 s10, $0x1;
	s10 =	sld [smem:$0x3FBA];
	_ =	sdelay $0x3  }
0x37: {  	[smem:$0x3FBA] =	sst s10  }
0x38: {  	s10 =	sld [smem:$0x3FBB]  }
0x39: {  	_ = 	snop;
	(pc) =	sbr.ind lr, $3  }
0x3a: {  	_ = 	snop  }
0x3b: {  	_ = 	snop  }
0x3c: {  	p2 =	seq.s32 s10, $0x1;
	s10 =	sld [smem:$0x3FBA]  }
0x3d: {  	_ =	shalt  }
0x3e: {  	_ =	shalt  }
0x3f: {  	_ =	shalt  }
0x40: {  	_ =	shalt  }
0x41: {  	_ =	shalt  }
0x42: {  	_ =	shalt  }
0x43: {  	_ =	shalt  }
0x44: {  	_ =	shalt  }
0x45: {  	_ =	shalt  }
0x46: {  	_ =	shalt  }
0x47: {  	_ =	shalt  }
0x48: {  	_ =	shalt  }
0x49: {  	_ =	shalt  }
0x4a: {  	_ =	shalt  }
0x4b: {  	_ =	shalt  }
0x4c: {  	_ =	shalt  }
0x4d: {  	_ =	shalt  }
0x4e: {  	_ =	shalt  }
0x4f: {  	_ =	shalt  }
0x50: {  	_ =	shalt  }
0x51: {  	_ =	shalt  }
0x52: {  	_ =	shalt  }
0x53: {  	_ =	shalt  }
0x54: {  	_ =	shalt  }
0x55: {  	_ =	shalt  }
0x56: {  	_ =	shalt  }
0x57: {  	_ =	shalt  }
0x58: {  	_ =	shalt  }
0x59: {  	_ =	shalt  }
0x5a: {  	_ =	shalt  }
0x5b: {  	_ =	shalt  }
0x5c: {  	_ =	shalt  }
0x5d: {  	_ =	shalt  }
0x5e: {  	_ =	shalt  }
0x5f: {  	_ =	shalt  }
0x60: {  	_ =	shalt  }
0x61: {  	_ =	shalt  }
0x62: {  	_ =	shalt  }
0x63: {  	_ =	shalt  }
0x64: {  	_ =	shalt  }
0x65: {  	_ =	shalt  }
0x66: {  	_ =	shalt  }
0x67: {  	_ =	shalt  }
0x68: {  	_ =	shalt  }
0x69: {  	_ =	shalt  }
0x6a: {  	_ =	shalt  }
0x6b: {  	_ =	shalt  }
0x6c: {  	_ =	shalt  }
0x6d: {  	_ =	shalt  }
0x6e: {  	_ =	shalt  }
0x6f: {  	_ =	shalt  }
0x70: {  	_ =	shalt  }
0x71: {  	_ =	shalt  }
0x72: {  	_ =	shalt  }
0x73: {  	_ =	shalt  }
0x74: {  	_ =	shalt  }
0x75: {  	_ =	shalt  }
0x76: {  	_ =	shalt  }
0x77: {  	_ =	shalt  }
0x78: {  	_ =	shalt  }
0x79: {  	_ =	shalt  }
0x7a: {  	_ =	shalt  }
0x7b: {  	_ =	shalt  }
0x7c: {  	_ =	shalt  }
0x7d: {  	_ =	shalt  }
0x7e: {  	_ =	shalt  }
0x7f: {  	_ =	shalt  }
0x80: {  	_ =	shalt  }
0x81: {  	_ =	shalt  }
0x82: {  	_ =	shalt  }
0x83: {  	_ =	shalt  }
0x84: {  	_ =	shalt  }
0x85: {  	_ =	shalt  }
0x86: {  	_ =	shalt  }
0x87: {  	_ =	shalt  }
.Lfunc_end0:
.L_simem_size_0:
called_computation_lowered:
.L_overlay_start_0:
0x88: {  	s2 =	sld [smem:$0x3FD9]  }
0x89: {  	s3 =	sld [smem:$0x3FFE];
	_ =	sdelay $0x1  }
0x8a: {  	s1 =	srdreg.scid  }
0x8b: {  	s0 =	sand.u32 $0x1, s1  }
0x8c: {  	s14 =	sshll.u32 s0, $0xA;
	s2 =	sadd.s32 s3, s2  }
0x8d: {  	s2 =	sadd.s32 s2, s14  }
0x8e: {  	[smem:$0x3FC6] =	sst s2  }
0x8f: {  	_ = 	snop  }
0x90: {  	s2 =	sld [smem:$0x3FD0];
	_ =	sdelay $0x2  }
0x91: {  	s4 =	simm.s32 $0xA;
	s5 =	simm.s32 $0x10;
	s15 =	sld [smem:$0x3FC9]  }
0x92: {  	[smem:s5], [sflag:s4] =	dma.local [hbm:s2], $0x1  }
0x93: {  	_ =	swait.eq [sflag:s4], $0x1  }
0x94: {  	[sflag:s4] =	ssyncset.done $0x0  }
0x95: {  	[sflag:s4] =	ssyncadd.s32 $0xFFFFFFFF  }
0x96: {  	s16 =	sld [smem:$0x10];
	(tm) =	ssettm $0x1  }
0x97: {  	s17 =	sld [smem:$0x3FFB];
	_ =	sdelay $0x3  }
0x98: {  	_ =	strace s17  }
0x99: {  	s4 =	sld [smem:$0x3FFC];
	_ =	sdelay $0x3  }
0x9a: {  	_ =	strace s4  }
0x9b: {  	s4 =	sld [smem:$0x3FFD];
	_ =	sdelay $0x3  }
0x9c: {  	_ =	strace s4  }
0x9d: {  	_ =	strace $0x8FFFFFFF  }
0x9e: {  	s18 =	sld [smem:$0x3FDB];
	_ =	sdelay $0x1  }
0x9f: {  	s19 =	simm.s32 $_scs_section_size  }
0xa0: {  	s6 =	simm.s32 $_size__tile_overlayer_lowered;
	s7 =	simm.s32 $_tile_overlayer_lowered  }
0xa1: {  	s22 =	simm.s32 $0x1BFF;
	s21 =	sshll.u32 s7, $0x1;
	s4 =	sadd.s32 s19, s18  }
0xa2: {  	s8 =	simm.s32 $0x0;
	s20 =	sshll.u32 s6, $0x1;
	s6 =	sadd.s32 s21, s4  }
0xa3: {  	[timem:s8], [sflag:s22] =	dma.local [hbm:s6], s20  }
0xa4: {  	_ =	swait.ge [sflag:s22], s20  }
0xa5: {  	s5 =	ssub.s32 $0x0, s20;
	[sflag:s22] =	ssyncset.done $0x0  }
0xa6: {  	[sflag:s22] =	ssyncadd.s32 s5;
	_ =	sdelay $0x1  }
0xa7: {  	s23 =	simm.s32 $0x1B8B  }
0xa8: {  	_ =	swait.ge [sflag:s23], $0x1  }
0xa9: {  	[sflag:s23] =	ssyncset.done $0x0  }
0xaa: {  	s25 =	simm.s32 $0x1B8E;
	s24 =	sld [smem:$0x3FFE];
	[sflag:s23] =	ssyncadd.s32 $0xFFFFFFFF  }
0xab: {  	s26 =	simm.s32 $execute0_lowered;
	[smem:$0x3FD2] =	sst s25  }
0xac: {  	s6 =	sshll.u32 s26, $0x1;
	_ =	strace $0x80000046;
	[dreg:$0x1] =	wrdreg $0xFFFFFFFF  }
0xad: {  	s28 =	simm.s32 $_size_execute0_lowered;
	s4 =	sadd.s32 s4, s6;
	[dreg:$0x0] =	wrdreg $0x0  }
0xae: {  	s6 =	sshll.u32 s28, $0x1;
	[dreg:$0x2] =	wrdreg s4  }
0xaf: {  	[dreg:$0x3] =	wrdreg s6  }
0xb0: {  	[dreg:$0x4] =	wrdreg $0xC0  }
0xb1: {  	_ =	task [dreg:s8], $0x5FFFF  }
0xb2: {  	[dreg:$0x1] =	wrdreg $0xFFFFFFFF  }
0xb3: {  	[dreg:$0x0] =	wrdreg $0x60  }
0xb4: {  	[dreg:$0x2] =	wrdreg s15  }
0xb5: {  	[dreg:$0x3] =	wrdreg s24  }
0xb6: {  	[dreg:$0x4] =	wrdreg s16  }
0xb7: {  	[dreg:$0x5] =	wrdreg $0x9  }
0xb8: {  	_ =	task.clear_ibuf [dreg:s8], $0x6FFFF;
	_ =	strace $0x90000046  }
0xb9: {  	s29 =	simm.s32 $0x9;
	_ =	strace $0x80000048  }
0xba: {  	_ =	swait.ge [sflag:s29], $0x1  }
0xbb: {  	[sflag:s29] =	ssyncadd.s32 $0xFFFFFFFF  }
0xbc: {  	_ =	strace $0x90000048  }
0xbd: {  	_ =	sfence  }
0xbe: {  	s30 =	sld [smem:$0x0];
	_ =	sdelay $0x2  }
0xbf: {  	s31 =	sshll.u32 s1, $0xD;
	s1 =	sshrl.u32 s1, $0x2  }
0xc0: {  	s3 =	sand.u32 $0x4000, s31;
	s1 =	sadd.s32 s1, s30  }
0xc1: {  	s0 =	sor.u32 s3, s0;
	s1 =	sshll.u32 s1, $0x11  }
0xc2: {  	s0 =	sor.u32 s1, s0  }
0xc3: {  	s0 =	sadd.s32 $0x8F2B, s0  }
0xc4: {  	[sflag:s0] =	ssyncadd.remote.s32 $0x1  }
0xc5: {  	_ =	sfence.sel $0xFFFF  }
0xc6: {  	[dreg:$0x0] =	wrdreg $0xFFFFFFFF;
	(pc) =	sbr.abs _section_cstart, $3  }
0xc7: {  	[dreg:$0x1] =	wrdreg $0xFFFFFFFF  }
0xc8: {  	_ =	task.clear_ibuf [dreg:s8], $0x2FFFF;
	_ =	strace $0x9FFFFFFF  }
0xc9: {  	(tm) =	ssettm $0x7FFFFFFF  }
tec
execute0_lowered:
.L_overlay_start_1:
0x0: {  	(tag) =	ssettag $0x1  }
0x1: {  	s0 =	rddreg [dreg:$0x0]  }
0x2: {  	s1 =	rddreg [dreg:$0x1]  }
0x3: {  	s2 =	srdreg.scid;
	s7 =	stileid.u32  }
0x4: {  	s3 =	rddreg [dreg:$0x2];
	s15 =	simm.s32 $0x680;
	s16 =	simm.s32 $0xE80  }
0x5: {  	s13 =	simm.s32 $0x1680;
	s17 =	simm.s32 $0x2680;
	s14 =	simm.s32 $0x2E80  }
0x6: {  	s12 =	simm.s32 $0xC680;
	s11 =	simm.s32 $0x10680;
	s10 =	simm.s32 $0x14680  }
0x7: {  	v0 =	vimm.s32 $0x76543210;
	s18 =	simm.s32 $0x1;
	s19 =	simm.s32 $0x7;
	s20 =	simm.s32 $0x2  }
0x8: {  	v1 =	vimm.s32 $0xFEDCBA98;
	v2 =	vimm.s32 $0xBA98FEDC;
	v3 =	vimm.s32 $0x32107654;
	s31 =	simm.s32 $0x0;
	s4 =	sand.u32 $0x1, s2;
	s5 =	sshll.u32 s7, $0x1  }
0x9: {  	v4 =	vimm.s32 $0xDCFE98BA;
	v5 =	vimm.s32 $0x54761032;
	s2 =	simm.s32 $0x0;
	s7 =	sshll.u32 s7, $0xD;
	s5 =	sor.u32 s4, s5  }
0xa: {  	v6 =	vimm.s32 $0xEFCDAB89;
	v7 =	vimm.s32 $0x67452301;
	[smem:$0x7FF] =	sst s2;
	s4 =	ssub.s32 $0x2, s4;
	s22 =	sand.u32 $0x1C000, s7  }
0xb: {  	v1 =	vunpack.c.l.s4.s8 v1;
	v0 =	vunpack.c.l.s4.s8 v0;
	v2 =	vunpack.c.l.s4.s8 v2;
	s6 =	sshll.u32 s5, $0x6;
	_ =	strace $0x80000047;
	s21 =	sshrl.u32 s4, $0x1  }
0xc: {  	v3 =	vunpack.c.l.s4.s8 v3;
	v4 =	vunpack.c.l.s4.s8 v4;
	v5 =	vunpack.c.l.s4.s8 v5;
	s5 =	sshll.u32 s5, $0xE;
	s1 =	sadd.s32 s6, s1;
	s4 =	ssub.s32 s4, s21  }
0xd: {  	v6 =	vunpack.c.l.s4.s8 v6;
	v7 =	vunpack.c.l.s4.s8 v7;
	v1 =	vunpack.c.0.s8.s32 v1;
	s3 =	sadd.s32 s3, s5;
	s5 =	sadd.s32 s0, s22;
	s0 =	simm.s32 $0x1E80  }
0xe: {  	v2 =	vunpack.c.0.s8.s32 v2;
	v3 =	vunpack.c.0.s8.s32 v3;
	v4 =	vunpack.c.0.s8.s32 v4;
	s22 =	simm.s32 $0x3680;
	s21 =	simm.s32 $0x8;
	s1 =	sadd.s32 $0x600, s1  }
0xf: {  	v5 =	vunpack.c.0.s8.s32 v5;
	v6 =	vunpack.c.0.s8.s32 v6;
	v7 =	vunpack.c.0.s8.s32 v7;
	s23 =	sadd.s32 $0x800, s3;
	s24 =	sadd.s32 $0x1000, s3;
	[dreg:$0x4] =	wrdreg s1  }
.Ltmp0:
0x10: {  	v0 =	vunpack.c.0.s8.s32 v0;
	s25 =	sadd.s32 $0x1800, s3;
	v2 =	vcombine.low v3, v2;
	v1 =	vand.u32 $0xF, v1;
	[dreg:$0x5] =	wrdreg s23;
	(pc) =	sbr.rel .LBB2_1-.Ltmp0, $4  }
0x11: {  	s26 =	sadd.s32 $0x2000, s3;
	s28 =	sadd.s32 $0x3000, s3;
	v3 =	vcombine.low v5, v4;
	v4 =	vcombine.low v7, v6;
	v6 =	vlaneseq.u32;
	[dreg:$0x6] =	wrdreg s24  }
0x12: {  	vm0 =	vmmov $0xffff;
	s29 =	sadd.s32 $0x3800, s3;
	s30 =	smax.u32 s4, $0x1;
	[dreg:$0x7] =	wrdreg s25;
	v0 =	vcombine.low v1, v0;
	v5 =	vshrl.u32 v6, $0x3  }
0x13: {  	s4 =	simm.s32 $0xD;
	[dreg:$0x8] =	wrdreg s26;
	s26 =	sadd.s32 $0x2800, s3;
	v1 =	vand.u32 $0xF, v2;
	v2 =	vand.u32 $0xF, v3;
	v3 =	vand.u32 $0xF, v4  }
0x14: {  	s24 =	simm.s32 $0x3E80;
	s23 =	simm.s32 $0x4680;
	s25 =	simm.s32 $0x4E80;
	v4 =	vand.u32 $0x7, v6;
	v5 =	vmul.u32 $0x8, v5;
	v6 =	vor.u32 $0x8, v6  }
.LBB2_28:
0x15: {  	[hbm4b:s29+s2] =	stream.linear.scatter [tilespmem:s23], [sflag:$0x8], $0x4000, $0x38;
	[tilespmem:$0x18680] =	vst v63  }
0x16: {  	s0 =	simm.s32 $0x9  }
0x17: {  	_ =	swait.ge [sflag:s0], $0x4000  }
0x18: {  	[sflag:s0] =	ssyncset.done $0x0  }
0x19: {  	s7 =	simm.s32 $0xA;
	[sflag:s0] =	ssyncadd.s32 $0xFFFFC000  }
0x1a: {  	_ =	swait.ge [sflag:s7], $0x4000  }
0x1b: {  	[sflag:s7] =	ssyncset.done $0x0  }
0x1c: {  	s8 =	simm.s32 $0xB;
	[sflag:s7] =	ssyncadd.s32 $0xFFFFC000  }
0x1d: {  	_ =	swait.ge [sflag:s8], $0x4000  }
0x1e: {  	[sflag:s8] =	ssyncset.done $0x0  }
0x1f: {  	s9 =	simm.s32 $0xC;
	[sflag:s8] =	ssyncadd.s32 $0xFFFFC000  }
0x20: {  	_ =	swait.ge [sflag:s9], $0x4000  }
0x21: {  	[sflag:s9] =	ssyncset.done $0x0  }
0x22: {  	s31 =	sadd.s32 $0x1, s31;
	[sflag:s9] =	ssyncadd.s32 $0xFFFFC000  }
0x23: {  	p0 =	sne.s32 s31, s30;
	_ =	swait.ge [sflag:s19], $0x4000  }
.Ltmp1:
0x24: {  	[sflag:s19] =	ssyncset.done $0x0;
	(pc) =	sbr.rel @!p0 .LBB2_29-.Ltmp1, $4  }
0x25: {  	[sflag:s19] =	ssyncadd.s32 $0xFFFFC000  }
0x26: {  	_ =	swait.ge [sflag:s21], $0x4000  }
0x27: {  	[sflag:s21] =	ssyncset.done $0x0  }
0x28: {  	s0 =	simm.s32 $0x1E80;
	[sflag:s21] =	ssyncadd.s32 $0xFFFFC000  }
.LBB2_1:
0x29: {  	s1 =	rddreg [dreg:$0x4]  }
0x2a: {  	[tilespmem:s2], [sflag:$0xD] =	stream.linear.gather [hbm4b:s1+s2], $0x200, $0x38;
	[tilespmem:$0x18680] =	vst v63  }
0x2b: {  	_ =	swait.ge [sflag:s4], $0x200  }
0x2c: {  	[sflag:s4] =	ssyncset.done $0x0  }
0x2d: {  	[sflag:s4] =	ssyncadd.s32 $0xFFFFFE00  }
0x2e: {  	v29 =	vld [tilespmem:$0x0]  }
0x2f: {  	v30 =	vld [tilespmem:$0x10]  }
0x30: {  	v25 =	vld [tilespmem:$0x20]  }
0x31: {  	v19 =	vld [tilespmem:$0x30]  }
0x32: {  	v32 =	vld [tilespmem:$0x40]  }
0x33: {  	v35 =	vld [tilespmem:$0x50]  }
0x34: {  	v26 =	vld [tilespmem:$0x60]  }
0x35: {  	v33 =	vld [tilespmem:$0x80]  }
0x36: {  	v38 =	vld [tilespmem:$0x90]  }
0x37: {  	v34 =	vld [tilespmem:$0xA0]  }
0x38: {  	v36 =	vld [tilespmem:$0xB0];
	v7 =	vadd.s32 $0xFFFFFFFF, v29  }
0x39: {  	v15 =	vld [tilespmem:$0x100];
	v8 =	vadd.s32 $0xFFFFFFFF, v30;
	v9 =	vadd.s32 $0xFFFFFFFF, v25;
	v21 =	vadd.s32 $0xFFFFFFFF, v19  }
0x3a: {  	v18 =	vld [tilespmem:$0x110];
	v10 =	vadd.s32 $0xFFFFFFFF, v32;
	v11 =	vadd.s32 $0xFFFFFFFF, v35;
	v31 =	vadd.s32 $0xFFFFFFFF, v26  }
0x3b: {  	v16 =	vld [tilespmem:$0x130];
	v12 =	vadd.s32 $0xFFFFFFFF, v33;
	v41 =	vadd.s32 $0xFFFFFFFF, v38;
	vm1 =	vgt.s32 v7, $0x0  }
0x3c: {  	v22 =	vld [tilespmem:$0x70];
	v42 =	vadd.s32 $0xFFFFFFFF, v34;
	v39 =	vnsel vm1, $0x0, v7;
	vm1 =	vgt.s32 v8, $0x0  }
0x3d: {  	v43 =	vadd.s32 $0xFFFFFFFF, v36;
	vm2 =	vgt.s32 v9, $0x0;
	v7 =	vnsel vm1, $0x0, v8;
	[tilespmem:$0x280] =	vst v39  }
0x3e: {  	v17 =	vld [tilespmem:$0x120];
	v47 =	vadd.s32 $0xFFFFFFFF, v15;
	v8 =	vnsel vm2, $0x0, v9;
	vm1 =	vgt.s32 v21, $0x0;
	[tilespmem:$0x290] =	vst v7  }
0x3f: {  	v20 =	vadd.s32 $0xFFFFFFFF, v18;
	vm2 =	vgt.s32 v11, $0x0;
	v9 =	vnsel vm1, $0x0, v21;
	[tilespmem:$0x2A0] =	vst v8  }
0x40: {  	v27 =	vld [tilespmem:$0xC0];
	v24 =	vadd.s32 $0xFFFFFFFF, v16;
	vm1 =	vgt.s32 v10, $0x0;
	v23 =	vnsel vm2, $0x0, v11;
	[tilespmem:$0x2B0] =	vst v9  }
0x41: {  	v37 =	vld [tilespmem:$0xD0];
	v8 =	vadd.s32 $0xFFFFFFFF, v22;
	v7 =	vnsel vm1, $0x0, v10;
	vm1 =	vgt.s32 v31, $0x0;
	[tilespmem:$0x310] =	vst v23  }
0x42: {  	vm2 =	vgt.s32 v12, $0x0;
	v11 =	vld [tilespmem:$0x180];
	v40 =	vnsel vm1, $0x0, v31;
	vm1 =	vgt.s32 v8, $0x0;
	[tilespmem:$0x300] =	vst v7  }
0x43: {  	v23 =	vadd.s32 $0xFFFFFFFF, v17;
	v31 =	vld [tilespmem:$0xE0];
	v7 =	vnsel vm1, $0x0, v8;
	vm1 =	vgt.s32 v41, $0x0;
	[tilespmem:$0x320] =	vst v40  }
0x44: {  	v28 =	vld [tilespmem:$0xF0];
	v8 =	vnsel vm2, $0x0, v12;
	vm2 =	vgt.s32 v43, $0x0;
	v44 =	vnsel vm1, $0x0, v41;
	[tilespmem:$0x330] =	vst v7  }
0x45: {  	v9 =	vld [tilespmem:$0x160];
	vm1 =	vgt.s32 v42, $0x0;
	v45 =	vnsel vm2, $0x0, v43;
	v7 =	vadd.s32 $0xFFFFFFFF, v27;
	[tilespmem:$0x380] =	vst v8  }
0x46: {  	v8 =	vadd.s32 $0xFFFFFFFF, v37;
	v10 =	vnsel vm1, $0x0, v42;
	vm1 =	vgt.s32 v7, $0x0;
	[tilespmem:$0x390] =	vst v44  }
0x47: {  	[tilespmem:$0x3B0] =	vst v45;
	v42 =	vadd.s32 $0xFFFFFFFF, v11;
	v44 =	vshll.u32 v39, $0x1;
	v39 =	vand.u32 $0x7, v39  }
0x48: {  	v13 =	vnsel vm1, $0x0, v7;
	vm1 =	vgt.s32 v8, $0x0;
	[tilespmem:$0x3A0] =	vst v10;
	v46 =	vadd.s32 $0xFFFFFFFF, v31  }
0x49: {  	v7 =	vld [tilespmem:$0x140];
	v14 =	vnsel vm1, $0x0, v8;
	v8 =	vadd.s32 $0xFFFFFFFF, v28;
	[tilespmem:$0x400] =	vst v13;
	vm2 =	vgt.s32 v46, $0x0  }
0x4a: {  	v10 =	vld [tilespmem:$0x150];
	v53 =	vadd.s32 $0xFFFFFFFF, v9;
	vm1 =	vgt.s32 v8, $0x0;
	[tilespmem:$0x410] =	vst v14;
	v12 =	vnsel vm2, $0x0, v46  }
0x4b: {  	v44 =	vand.u32 $0xFFFFFFF0, v44;
	v21 =	vnsel vm1, $0x0, v8;
	vm1 =	vgt.s32 v47, $0x0;
	[tilespmem:$0x420] =	vst v12  }
0x4c: {  	v39 =	vor.u32 v39, v44;
	vm2 =	vgt.s32 v20, $0x0;
	v48 =	vnsel vm1, $0x0, v47;
	[tilespmem:$0x430] =	vst v21  }
0x4d: {  	v44 =	vperm.xlane v39, v4;
	v8 =	vld [tilespmem:$0x170];
	v20 =	vnsel vm2, $0x0, v20;
	vm1 =	vgt.s32 v23, $0x0;
	[tilespmem:$0x480] =	vst v48  }
0x4e: {  	v13 =	vld [tilespmem:$0x190];
	v40 =	vadd.s32 $0xFFFFFFFF, v7;
	v49 =	vnsel vm1, $0x0, v23;
	vm1 =	vgt.s32 v24, $0x0;
	[tilespmem:$0x490] =	vst v20  }
0x4f: {  	v12 =	vld [tilespmem:$0x1A0];
	v52 =	vadd.s32 $0xFFFFFFFF, v10;
	vm2 =	vgt.s32 v40, $0x0;
	v50 =	vnsel vm1, $0x0, v24;
	[tilespmem:$0x4A0] =	vst v49  }
0x50: {  	v14 =	vld [tilespmem:$0x1B0];
	v39 =	vperm.xlane v39, v6;
	vm1 =	vgt.s32 v52, $0x0;
	v51 =	vnsel vm2, $0x0, v40;
	[tilespmem:$0x4B0] =	vst v50  }
0x51: {  	v62 =	vadd.s32 v5, v44;
	v20 =	vld [tilespmem:$0x1C0];
	v55 =	vnsel vm1, $0x0, v52;
	vm1 =	vgt.s32 v53, $0x0;
	[tilespmem:$0x500] =	vst v51  }
0x52: {  	v23 =	vld [tilespmem:$0x1D0];
	v54 =	vadd.s32 $0xFFFFFFFF, v8;
	v41 =	vnsel vm1, $0x0, v53;
	vm1 =	vgt.s32 v42, $0x0;
	[tilespmem:$0x510] =	vst v55  }
0x53: {  	v56 =	vadd.s32 $0xFFFFFFFF, v13;
	v24 =	vld [tilespmem:$0x1E0];
	vm2 =	vgt.s32 v54, $0x0;
	v42 =	vnsel vm1, $0x0, v42;
	[tilespmem:$0x520] =	vst v41  }
0x54: {  	v21 =	vld [tilespmem:$0x1F0];
	v43 =	vadd.s32 $0xFFFFFFFF, v12;
	vm1 =	vgt.s32 v56, $0x0;
	v40 =	vnsel vm2, $0x0, v54;
	[tilespmem:$0x580] =	vst v42  }
0x55: {  	v58 =	vadd.s32 $0xFFFFFFFF, v14;
	vm2 =	vgt.s32 v43, $0x0;
	v57 =	vnsel vm1, $0x0, v56;
	[tilespmem:$0x530] =	vst v40  }
0x56: {  	vm1 =	vgt.s32 v58, $0x0;
	v59 =	vadd.s32 $0xFFFFFFFF, v20;
	v43 =	vnsel vm2, $0x0, v43;
	[tilespmem:$0x590] =	vst v57  }
0x57: {  	v60 =	vadd.s32 $0xFFFFFFFF, v23;
	vm2 =	vgt.s32 v59, $0x0;
	v40 =	vnsel vm1, $0x0, v58;
	[tilespmem:$0x5A0] =	vst v43  }
0x58: {  	vm1 =	vgt.s32 v60, $0x0;
	v61 =	vadd.s32 $0xFFFFFFFF, v24;
	v42 =	vnsel vm2, $0x0, v59;
	[tilespmem:$0x5B0] =	vst v40  }
0x59: {  	v63 =	vadd.s32 $0xFFFFFFFF, v21;
	v41 =	vnsel vm1, $0x0, v60;
	vm1 =	vgt.s32 v61, $0x0;
	[tilespmem:$0x600] =	vst v42  }
0x5a: {  	v39 =	vadd.s32 v5, v39;
	[tilespmem:$0x610] =	vst v41;
	v40 =	vnsel vm1, $0x0, v61;
	vm1 =	vgt.s32 v63, $0x0  }
0x5b: {  	[tilespmem:$0x620] =	vst v40;
	v45 =	vnsel vm1, $0x0, v63  }
0x5c: {  	[tilespmem:$0x630] =	vst v45  }
0x5d: {  	[tilespmem:s15], [sflag:$0x1] =	stream.indirect_vreg.gather [hbm4b:s5+s2], $0x80, v62, vm0, $0xb8;
	[tilespmem:$0x18680] =	vst v63  }
0x5e: {  	_ = 	snop  }
0x5f: {  	[tilespmem:s16], [sflag:$0x1] =	stream.indirect_vreg.gather [hbm4b:s5+s2], $0x80, v39, vm0, $0xb8;
	[tilespmem:$0x18680] =	vst v63  }
0x60: {  	v39 =	vld [tilespmem:$0x290];
	_ =	sdelay $0x4  }
0x61: {  	v46 =	vshll.u32 v39, $0x1  }
0x62: {  	v39 =	vand.u32 $0x7, v39;
	v40 =	vand.u32 $0xFFFFFFF0, v46  }
0x63: {  	v39 =	vor.u32 v39, v40  }
0x64: {  	v40 =	vperm.xlane v39, v4;
	_ =	sdelay $0x1  }
0x65: {  	v39 =	vperm.xlane v39, v6;
	v40 =	vadd.s32 v5, v40;
	_ =	sdelay $0x1  }
0x66: {  	v39 =	vadd.s32 v5, v39;
	_ =	sdelay $0x2  }
0x67: {  	[tilespmem:s13], [sflag:$0x1] =	stream.indirect_vreg.gather [hbm4b:s5+s2], $0x80, v40, vm0, $0xb8;
	[tilespmem:$0x18680] =	vst v63  }
0x68: {  	_ = 	snop  }
0x69: {  	[tilespmem:s0], [sflag:$0x1] =	stream.indirect_vreg.gather [hbm4b:s5+s2], $0x80, v39, vm0, $0xb8;
	[tilespmem:$0x18680] =	vst v63  }
0x6a: {  	v39 =	vld [tilespmem:$0x2A0];
	_ =	sdelay $0x4  }
0x6b: {  	v47 =	vshll.u32 v39, $0x1  }
0x6c: {  	v39 =	vand.u32 $0x7, v39;
	v40 =	vand.u32 $0xFFFFFFF0, v47  }
0x6d: {  	v39 =	vor.u32 v39, v40  }
0x6e: {  	v40 =	vperm.xlane v39, v4;
	_ =	sdelay $0x1  }
0x6f: {  	v39 =	vperm.xlane v39, v6;
	v40 =	vadd.s32 v5, v40;
	_ =	sdelay $0x1  }
0x70: {  	v39 =	vadd.s32 v5, v39;
	_ =	sdelay $0x2  }
0x71: {  	[tilespmem:s17], [sflag:$0x1] =	stream.indirect_vreg.gather [hbm4b:s5+s2], $0x80, v40, vm0, $0xb8;
	[tilespmem:$0x18680] =	vst v63  }
0x72: {  	_ = 	snop  }
0x73: {  	[tilespmem:s14], [sflag:$0x1] =	stream.indirect_vreg.gather [hbm4b:s5+s2], $0x80, v39, vm0, $0xb8;
	[tilespmem:$0x18680] =	vst v63  }
0x74: {  	v39 =	vld [tilespmem:$0x2B0];
	_ =	sdelay $0x4  }
0x75: {  	v48 =	vshll.u32 v39, $0x1  }
0x76: {  	v39 =	vand.u32 $0x7, v39;
	v40 =	vand.u32 $0xFFFFFFF0, v48  }
0x77: {  	v39 =	vor.u32 v39, v40  }
0x78: {  	v40 =	vperm.xlane v39, v4;
	_ =	sdelay $0x1  }
0x79: {  	v39 =	vperm.xlane v39, v6;
	v40 =	vadd.s32 v5, v40;
	_ =	sdelay $0x1  }
0x7a: {  	v39 =	vadd.s32 v5, v39;
	_ =	sdelay $0x2  }
0x7b: {  	[tilespmem:s22], [sflag:$0x1] =	stream.indirect_vreg.gather [hbm4b:s5+s2], $0x80, v40, vm0, $0xb8;
	[tilespmem:$0x18680] =	vst v63  }
0x7c: {  	_ = 	snop  }
0x7d: {  	[tilespmem:s24], [sflag:$0x1] =	stream.indirect_vreg.gather [hbm4b:s5+s2], $0x80, v39, vm0, $0xb8;
	[tilespmem:$0x18680] =	vst v63  }
0x7e: {  	v39 =	vld [tilespmem:$0x300];
	_ =	sdelay $0x4  }
0x7f: {  	v49 =	vshll.u32 v39, $0x1  }
0x80: {  	v39 =	vand.u32 $0x7, v39;
	v40 =	vand.u32 $0xFFFFFFF0, v49  }
0x81: {  	v39 =	vor.u32 v39, v40  }
0x82: {  	v40 =	vperm.xlane v39, v4;
	_ =	sdelay $0x1  }
0x83: {  	v39 =	vperm.xlane v39, v6;
	v40 =	vadd.s32 v5, v40;
	_ =	sdelay $0x1  }
0x84: {  	v39 =	vadd.s32 v5, v39;
	_ =	sdelay $0x2  }
0x85: {  	[tilespmem:s23], [sflag:$0x2] =	stream.indirect_vreg.gather [hbm4b:s5+s2], $0x80, v40, vm0, $0xb8;
	[tilespmem:$0x18680] =	vst v63  }
0x86: {  	_ = 	snop  }
0x87: {  	[tilespmem:s25], [sflag:$0x2] =	stream.indirect_vreg.gather [hbm4b:s5+s2], $0x80, v39, vm0, $0xb8;
	[tilespmem:$0x18680] =	vst v63  }
0x88: {  	v39 =	vld [tilespmem:$0x310];
	_ =	sdelay $0x4  }
0x89: {  	v50 =	vshll.u32 v39, $0x1  }
0x8a: {  	v39 =	vand.u32 $0x7, v39;
	v40 =	vand.u32 $0xFFFFFFF0, v50  }
0x8b: {  	v39 =	vor.u32 v39, v40  }
0x8c: {  	v40 =	vperm.xlane v39, v4;
	_ =	sdelay $0x1  }
0x8d: {  	v39 =	vperm.xlane v39, v6;
	v40 =	vadd.s32 v5, v40;
	_ =	sdelay $0x1  }
0x8e: {  	v39 =	vadd.s32 v5, v39;
	_ =	sdelay $0x1  }
0x8f: {  	s14 =	simm.s32 $0x5680  }
0x90: {  	[tilespmem:s14], [sflag:$0x2] =	stream.indirect_vreg.gather [hbm4b:s5+s2], $0x80, v40, vm0, $0xb8;
	[tilespmem:$0x18680] =	vst v63  }
0x91: {  	s17 =	simm.s32 $0x5E80  }
0x92: {  	[tilespmem:s17], [sflag:$0x2] =	stream.indirect_vreg.gather [hbm4b:s5+s2], $0x80, v39, vm0, $0xb8;
	[tilespmem:$0x18680] =	vst v63  }
0x93: {  	v39 =	vld [tilespmem:$0x320];
	_ =	sdelay $0x4  }
0x94: {  	v51 =	vshll.u32 v39, $0x1  }
0x95: {  	v39 =	vand.u32 $0x7, v39;
	v40 =	vand.u32 $0xFFFFFFF0, v51  }
0x96: {  	v39 =	vor.u32 v39, v40  }
0x97: {  	v40 =	vperm.xlane v39, v4;
	_ =	sdelay $0x1  }
0x98: {  	v39 =	vperm.xlane v39, v6;
	v40 =	vadd.s32 v5, v40;
	_ =	sdelay $0x1  }
0x99: {  	v39 =	vadd.s32 v5, v39;
	_ =	sdelay $0x1  }
0x9a: {  	s22 =	simm.s32 $0x6680  }
0x9b: {  	[tilespmem:s22], [sflag:$0x2] =	stream.indirect_vreg.gather [hbm4b:s5+s2], $0x80, v40, vm0, $0xb8;
	[tilespmem:$0x18680] =	vst v63  }
0x9c: {  	s24 =	simm.s32 $0x6E80  }
0x9d: {  	[tilespmem:s24], [sflag:$0x2] =	stream.indirect_vreg.gather [hbm4b:s5+s2], $0x80, v39, vm0, $0xb8;
	[tilespmem:$0x18680] =	vst v63  }
0x9e: {  	v39 =	vld [tilespmem:$0x330];
	_ =	sdelay $0x4  }
0x9f: {  	v52 =	vshll.u32 v39, $0x1  }
0xa0: {  	v39 =	vand.u32 $0x7, v39;
	v40 =	vand.u32 $0xFFFFFFF0, v52  }
0xa1: {  	v39 =	vor.u32 v39, v40  }
0xa2: {  	v40 =	vperm.xlane v39, v4;
	_ =	sdelay $0x1  }
0xa3: {  	v39 =	vperm.xlane v39, v6;
	v40 =	vadd.s32 v5, v40;
	_ =	sdelay $0x1  }
0xa4: {  	v39 =	vadd.s32 v5, v39;
	_ =	sdelay $0x1  }
0xa5: {  	s25 =	simm.s32 $0x7680  }
0xa6: {  	[tilespmem:s25], [sflag:$0x2] =	stream.indirect_vreg.gather [hbm4b:s5+s2], $0x80, v40, vm0, $0xb8;
	[tilespmem:$0x18680] =	vst v63  }
0xa7: {  	s1 =	simm.s32 $0x7E80  }
0xa8: {  	[tilespmem:s1], [sflag:$0x2] =	stream.indirect_vreg.gather [hbm4b:s5+s2], $0x80, v39, vm0, $0xb8;
	[tilespmem:$0x18680] =	vst v63  }
0xa9: {  	v39 =	vld [tilespmem:$0x380];
	_ =	sdelay $0x4  }
0xaa: {  	v53 =	vshll.u32 v39, $0x1  }
0xab: {  	v39 =	vand.u32 $0x7, v39;
	v40 =	vand.u32 $0xFFFFFFF0, v53  }
0xac: {  	v39 =	vor.u32 v39, v40  }
0xad: {  	v40 =	vperm.xlane v39, v4;
	_ =	sdelay $0x1  }
0xae: {  	v39 =	vperm.xlane v39, v6;
	v40 =	vadd.s32 v5, v40;
	_ =	sdelay $0x1  }
0xaf: {  	v39 =	vadd.s32 v5, v39;
	_ =	sdelay $0x1  }
0xb0: {  	s6 =	simm.s32 $0x8680  }
0xb1: {  	[tilespmem:s6], [sflag:$0x3] =	stream.indirect_vreg.gather [hbm4b:s5+s2], $0x80, v40, vm0, $0xb8;
	[tilespmem:$0x18680] =	vst v63  }
0xb2: {  	s7 =	simm.s32 $0x8E80  }
0xb3: {  	[tilespmem:s7], [sflag:$0x3] =	stream.indirect_vreg.gather [hbm4b:s5+s2], $0x80, v39, vm0, $0xb8;
	[tilespmem:$0x18680] =	vst v63  }
0xb4: {  	v39 =	vld [tilespmem:$0x390];
	_ =	sdelay $0x4  }
0xb5: {  	v54 =	vshll.u32 v39, $0x1  }
0xb6: {  	v39 =	vand.u32 $0x7, v39;
	v40 =	vand.u32 $0xFFFFFFF0, v54  }
0xb7: {  	v39 =	vor.u32 v39, v40  }
0xb8: {  	v40 =	vperm.xlane v39, v4;
	_ =	sdelay $0x1  }
0xb9: {  	v39 =	vperm.xlane v39, v6;
	v40 =	vadd.s32 v5, v40;
	_ =	sdelay $0x1  }
0xba: {  	v39 =	vadd.s32 v5, v39;
	_ =	sdelay $0x1  }
0xbb: {  	s8 =	simm.s32 $0x9680  }
0xbc: {  	[tilespmem:s8], [sflag:$0x3] =	stream.indirect_vreg.gather [hbm4b:s5+s2], $0x80, v40, vm0, $0xb8;
	[tilespmem:$0x18680] =	vst v63  }
0xbd: {  	s9 =	simm.s32 $0x9E80  }
0xbe: {  	[tilespmem:s9], [sflag:$0x3] =	stream.indirect_vreg.gather [hbm4b:s5+s2], $0x80, v39, vm0, $0xb8;
	[tilespmem:$0x18680] =	vst v63  }
0xbf: {  	v39 =	vld [tilespmem:$0x3A0];
	_ =	sdelay $0x4  }
0xc0: {  	v55 =	vshll.u32 v39, $0x1  }
0xc1: {  	v39 =	vand.u32 $0x7, v39;
	v40 =	vand.u32 $0xFFFFFFF0, v55  }
0xc2: {  	v39 =	vor.u32 v39, v40  }
0xc3: {  	v40 =	vperm.xlane v39, v4;
	_ =	sdelay $0x1  }
0xc4: {  	v39 =	vperm.xlane v39, v6;
	v40 =	vadd.s32 v5, v40;
	_ =	sdelay $0x1  }
0xc5: {  	v39 =	vadd.s32 v5, v39;
	_ =	sdelay $0x1  }
0xc6: {  	s14 =	simm.s32 $0xA680  }
0xc7: {  	[tilespmem:s14], [sflag:$0x3] =	stream.indirect_vreg.gather [hbm4b:s5+s2], $0x80, v40, vm0, $0xb8;
	[tilespmem:$0x18680] =	vst v63  }
0xc8: {  	s17 =	simm.s32 $0xAE80  }
0xc9: {  	[tilespmem:s17], [sflag:$0x3] =	stream.indirect_vreg.gather [hbm4b:s5+s2], $0x80, v39, vm0, $0xb8;
	[tilespmem:$0x18680] =	vst v63  }
0xca: {  	v39 =	vld [tilespmem:$0x3B0];
	_ =	sdelay $0x4  }
0xcb: {  	v56 =	vshll.u32 v39, $0x1  }
0xcc: {  	v39 =	vand.u32 $0x7, v39;
	v40 =	vand.u32 $0xFFFFFFF0, v56  }
0xcd: {  	v39 =	vor.u32 v39, v40  }
0xce: {  	v40 =	vperm.xlane v39, v4;
	_ =	sdelay $0x1  }
0xcf: {  	v39 =	vperm.xlane v39, v6;
	v40 =	vadd.s32 v5, v40;
	_ =	sdelay $0x1  }
0xd0: {  	v39 =	vadd.s32 v5, v39;
	_ =	sdelay $0x1  }
0xd1: {  	s22 =	simm.s32 $0xB680  }
0xd2: {  	[tilespmem:s22], [sflag:$0x3] =	stream.indirect_vreg.gather [hbm4b:s5+s2], $0x80, v40, vm0, $0xb8;
	[tilespmem:$0x18680] =	vst v63  }
0xd3: {  	s24 =	simm.s32 $0xBE80  }
0xd4: {  	[tilespmem:s24], [sflag:$0x3] =	stream.indirect_vreg.gather [hbm4b:s5+s2], $0x80, v39, vm0, $0xb8;
	[tilespmem:$0x18680] =	vst v63  }
0xd5: {  	v39 =	vld [tilespmem:$0x400];
	_ =	sdelay $0x4  }
0xd6: {  	v57 =	vshll.u32 v39, $0x1  }
0xd7: {  	v39 =	vand.u32 $0x7, v39;
	v40 =	vand.u32 $0xFFFFFFF0, v57  }
0xd8: {  	v39 =	vor.u32 v39, v40  }
0xd9: {  	v40 =	vperm.xlane v39, v4;
	_ =	sdelay $0x1  }
0xda: {  	v39 =	vperm.xlane v39, v6;
	v40 =	vadd.s32 v5, v40;
	_ =	sdelay $0x1  }
0xdb: {  	v39 =	vadd.s32 v5, v39;
	_ =	sdelay $0x2  }
0xdc: {  	[tilespmem:s12], [sflag:$0x4] =	stream.indirect_vreg.gather [hbm4b:s5+s2], $0x80, v40, vm0, $0xb8;
	[tilespmem:$0x18680] =	vst v63  }
0xdd: {  	s25 =	simm.s32 $0xCE80  }
0xde: {  	[tilespmem:s25], [sflag:$0x4] =	stream.indirect_vreg.gather [hbm4b:s5+s2], $0x80, v39, vm0, $0xb8;
	[tilespmem:$0x18680] =	vst v63  }
0xdf: {  	v39 =	vld [tilespmem:$0x410];
	_ =	sdelay $0x4  }
0xe0: {  	v58 =	vshll.u32 v39, $0x1  }
0xe1: {  	v39 =	vand.u32 $0x7, v39;
	v40 =	vand.u32 $0xFFFFFFF0, v58  }
0xe2: {  	v39 =	vor.u32 v39, v40  }
0xe3: {  	v40 =	vperm.xlane v39, v4;
	_ =	sdelay $0x1  }
0xe4: {  	v39 =	vperm.xlane v39, v6;
	v40 =	vadd.s32 v5, v40;
	_ =	sdelay $0x1  }
0xe5: {  	v39 =	vadd.s32 v5, v39;
	_ =	sdelay $0x1  }
0xe6: {  	s1 =	simm.s32 $0xD680  }
0xe7: {  	[tilespmem:s1], [sflag:$0x4] =	stream.indirect_vreg.gather [hbm4b:s5+s2], $0x80, v40, vm0, $0xb8;
	[tilespmem:$0x18680] =	vst v63  }
0xe8: {  	s6 =	simm.s32 $0xDE80  }
0xe9: {  	[tilespmem:s6], [sflag:$0x4] =	stream.indirect_vreg.gather [hbm4b:s5+s2], $0x80, v39, vm0, $0xb8;
	[tilespmem:$0x18680] =	vst v63  }
0xea: {  	v39 =	vld [tilespmem:$0x420];
	_ =	sdelay $0x4  }
0xeb: {  	v59 =	vshll.u32 v39, $0x1  }
0xec: {  	v39 =	vand.u32 $0x7, v39;
	v40 =	vand.u32 $0xFFFFFFF0, v59  }
0xed: {  	v39 =	vor.u32 v39, v40  }
0xee: {  	v40 =	vperm.xlane v39, v4;
	_ =	sdelay $0x1  }
0xef: {  	v39 =	vperm.xlane v39, v6;
	v40 =	vadd.s32 v5, v40;
	_ =	sdelay $0x1  }
0xf0: {  	v39 =	vadd.s32 v5, v39;
	_ =	sdelay $0x1  }
0xf1: {  	s7 =	simm.s32 $0xE680  }
0xf2: {  	[tilespmem:s7], [sflag:$0x4] =	stream.indirect_vreg.gather [hbm4b:s5+s2], $0x80, v40, vm0, $0xb8;
	[tilespmem:$0x18680] =	vst v63  }
0xf3: {  	s8 =	simm.s32 $0xEE80  }
0xf4: {  	[tilespmem:s8], [sflag:$0x4] =	stream.indirect_vreg.gather [hbm4b:s5+s2], $0x80, v39, vm0, $0xb8;
	[tilespmem:$0x18680] =	vst v63  }
0xf5: {  	v39 =	vld [tilespmem:$0x430];
	_ =	sdelay $0x4  }
0xf6: {  	v60 =	vshll.u32 v39, $0x1  }
0xf7: {  	v39 =	vand.u32 $0x7, v39;
	v40 =	vand.u32 $0xFFFFFFF0, v60  }
0xf8: {  	v39 =	vor.u32 v39, v40  }
0xf9: {  	v40 =	vperm.xlane v39, v4;
	_ =	sdelay $0x1  }
0xfa: {  	v39 =	vperm.xlane v39, v6;
	v40 =	vadd.s32 v5, v40;
	_ =	sdelay $0x1  }
0xfb: {  	v39 =	vadd.s32 v5, v39;
	_ =	sdelay $0x1  }
0xfc: {  	s9 =	simm.s32 $0xF680  }
0xfd: {  	[tilespmem:s9], [sflag:$0x4] =	stream.indirect_vreg.gather [hbm4b:s5+s2], $0x80, v40, vm0, $0xb8;
	[tilespmem:$0x18680] =	vst v63  }
0xfe: {  	s12 =	simm.s32 $0xFE80  }
0xff: {  	[tilespmem:s12], [sflag:$0x4] =	stream.indirect_vreg.gather [hbm4b:s5+s2], $0x80, v39, vm0, $0xb8;
	[tilespmem:$0x18680] =	vst v63  }
0x100: {  	v39 =	vld [tilespmem:$0x480];
	_ =	sdelay $0x4  }
0x101: {  	v61 =	vshll.u32 v39, $0x1  }
0x102: {  	v39 =	vand.u32 $0x7, v39;
	v40 =	vand.u32 $0xFFFFFFF0, v61  }
0x103: {  	v39 =	vor.u32 v39, v40  }
0x104: {  	v40 =	vperm.xlane v39, v4;
	_ =	sdelay $0x1  }
0x105: {  	v39 =	vperm.xlane v39, v6;
	v40 =	vadd.s32 v5, v40;
	_ =	sdelay $0x1  }
0x106: {  	v39 =	vadd.s32 v5, v39;
	_ =	sdelay $0x2  }
0x107: {  	[tilespmem:s11], [sflag:$0x5] =	stream.indirect_vreg.gather [hbm4b:s5+s2], $0x80, v40, vm0, $0xb8;
	[tilespmem:$0x18680] =	vst v63  }
0x108: {  	s14 =	simm.s32 $0x10E80  }
0x109: {  	[tilespmem:s14], [sflag:$0x5] =	stream.indirect_vreg.gather [hbm4b:s5+s2], $0x80, v39, vm0, $0xb8;
	[tilespmem:$0x18680] =	vst v63  }
0x10a: {  	v39 =	vld [tilespmem:$0x490];
	_ =	sdelay $0x4  }
0x10b: {  	v62 =	vshll.u32 v39, $0x1  }
0x10c: {  	v39 =	vand.u32 $0x7, v39;
	v40 =	vand.u32 $0xFFFFFFF0, v62  }
0x10d: {  	v39 =	vor.u32 v39, v40  }
0x10e: {  	v40 =	vperm.xlane v39, v4;
	_ =	sdelay $0x1  }
0x10f: {  	v39 =	vperm.xlane v39, v6;
	v40 =	vadd.s32 v5, v40;
	_ =	sdelay $0x1  }
0x110: {  	v39 =	vadd.s32 v5, v39;
	_ =	sdelay $0x1  }
0x111: {  	s17 =	simm.s32 $0x11680  }
0x112: {  	[tilespmem:s17], [sflag:$0x5] =	stream.indirect_vreg.gather [hbm4b:s5+s2], $0x80, v40, vm0, $0xb8;
	[tilespmem:$0x18680] =	vst v63  }
0x113: {  	s22 =	simm.s32 $0x11E80  }
0x114: {  	[tilespmem:s22], [sflag:$0x5] =	stream.indirect_vreg.gather [hbm4b:s5+s2], $0x80, v39, vm0, $0xb8;
	[tilespmem:$0x18680] =	vst v63  }
0x115: {  	v39 =	vld [tilespmem:$0x4A0];
	_ =	sdelay $0x4  }
0x116: {  	v63 =	vshll.u32 v39, $0x1  }
0x117: {  	v39 =	vand.u32 $0x7, v39;
	v40 =	vand.u32 $0xFFFFFFF0, v63  }
0x118: {  	v39 =	vor.u32 v39, v40  }
0x119: {  	v40 =	vperm.xlane v39, v4;
	_ =	sdelay $0x1  }
0x11a: {  	v39 =	vperm.xlane v39, v6;
	v40 =	vadd.s32 v5, v40;
	_ =	sdelay $0x1  }
0x11b: {  	v39 =	vadd.s32 v5, v39  }
0x11c: {  	vm1 =	vlt.s32 v29, v30  }
0x11d: {  	vm2 =	vlt.s32 v32, v35;
	v29 =	vsel vm1, v29, v30;
	s24 =	simm.s32 $0x12680  }
0x11e: {  	v44 =	vsel vm2, v32, v35;
	vm1 =	vlt.s32 v29, v25;
	[tilespmem:s24], [sflag:$0x5] =	stream.indirect_vreg.gather [hbm4b:s5+s2], $0x80, v40, vm0, $0xb8;
	[tilespmem:$0x18680] =	vst v63  }
0x11f: {  	v25 =	vsel vm1, v29, v25;
	vm1 =	vlt.s32 v44, v26;
	s25 =	simm.s32 $0x12E80  }
0x120: {  	v26 =	vsel vm1, v44, v26;
	vm1 =	vlt.s32 v33, v38;
	[tilespmem:s25], [sflag:$0x5] =	stream.indirect_vreg.gather [hbm4b:s5+s2], $0x80, v39, vm0, $0xb8;
	[tilespmem:$0x18680] =	vst v63  }
0x121: {  	v49 =	vsel vm1, v33, v38;
	v39 =	vld [tilespmem:$0x4B0]  }
0x122: {  	vm2 =	vlt.s32 v26, v22;
	vm3 =	vlt.s32 v49, v34  }
0x123: {  	v22 =	vsel vm2, v26, v22;
	vm1 =	vlt.s32 v25, v19;
	v50 =	vsel vm3, v49, v34  }
0x124: {  	v19 =	vsel vm1, v25, v19;
	vm1 =	vlt.s32 v22, $0x1;
	vm2 =	vlt.s32 v50, v36  }
0x125: {  	v22 =	vnsel vm1, $0x1, v22;
	v25 =	vsel vm2, v50, v36  }
0x126: {  	vm2 =	vlt.s32 v19, $0x1;
	vm1 =	vlt.s32 v25, $0x1;
	v45 =	vshll.u32 v39, $0x1  }
0x127: {  	v52 =	vperm.xlane v22, v0;
	v46 =	vand.u32 $0x7, v39;
	v32 =	vand.u32 $0xFFFFFFF0, v45  }
0x128: {  	v25 =	vnsel vm1, $0x1, v25;
	vm1 =	vlt.s32 v27, v37;
	v47 =	vor.u32 v46, v32  }
0x129: {  	v27 =	vsel vm1, v27, v37;
	vm1 =	vlt.s32 v22, v52;
	v48 =	vperm.xlane v47, v4  }
0x12a: {  	v19 =	vnsel vm2, $0x1, v19;
	v22 =	vsel vm1, v22, v52;
	v54 =	vperm.xlane v25, v0  }
0x12b: {  	vm1 =	vlt.s32 v27, v31;
	v29 =	vperm.xlane v47, v6;
	v30 =	vadd.s32 v5, v48  }
0x12c: {  	v53 =	vperm.xlane v19, v0;
	v55 =	vsel vm1, v27, v31;
	vm1 =	vlt.s32 v25, v54  }
0x12d: {  	v25 =	vsel vm1, v25, v54;
	vm1 =	vlt.s32 v55, v28;
	v51 =	vadd.s32 v5, v29  }
0x12e: {  	vm2 =	vlt.s32 v19, v53;
	v26 =	vsel vm1, v55, v28  }
0x12f: {  	v19 =	vsel vm2, v19, v53;
	vm2 =	vlt.s32 v26, $0x1;
	s1 =	simm.s32 $0x13680  }
0x130: {  	v26 =	vnsel vm2, $0x1, v26;
	v29 =	vperm.xlane v22, v1;
	[tilespmem:s1], [sflag:$0x5] =	stream.indirect_vreg.gather [hbm4b:s5+s2], $0x80, v30, vm0, $0xb8;
	[tilespmem:$0x18680] =	vst v63  }
0x131: {  	s6 =	simm.s32 $0x13E80;
	v59 =	vperm.xlane v26, v0  }
0x132: {  	v57 =	vperm.xlane v25, v1;
	vm1 =	vlt.s32 v22, v29;
	[tilespmem:s6], [sflag:$0x5] =	stream.indirect_vreg.gather [hbm4b:s5+s2], $0x80, v51, vm0, $0xb8;
	[tilespmem:$0x18680] =	vst v63  }
0x133: {  	v58 =	vperm.xlane v19, v1;
	vm2 =	vlt.s32 v26, v59;
	v22 =	vsel vm1, v22, v29;
	v56 =	vld [tilespmem:$0x500]  }
0x134: {  	v26 =	vsel vm2, v26, v59;
	vm1 =	vlt.s32 v25, v57;
	v61 =	vperm.xlane v22, v2  }
0x135: {  	v33 =	vperm.xlane v26, v1;
	v25 =	vsel vm1, v25, v57  }
0x136: {  	vm1 =	vlt.s32 v19, v58;
	v63 =	vperm.xlane v25, v2;
	vm2 =	vlt.s32 v22, v61  }
0x137: {  	v19 =	vsel vm1, v19, v58;
	v22 =	vsel vm2, v22, v61;
	vm2 =	vlt.s32 v15, v18  }
0x138: {  	vm1 =	vlt.s32 v25, v63;
	v15 =	vsel vm2, v15, v18;
	v60 =	vshll.u32 v56, $0x1  }
0x139: {  	v34 =	vperm.xlane v22, v3;
	v27 =	vand.u32 $0x7, v56;
	v30 =	vand.u32 $0xFFFFFFF0, v60  }
0x13a: {  	vm2 =	vlt.s32 v26, v33;
	v25 =	vsel vm1, v25, v63;
	v27 =	vor.u32 v27, v30  }
0x13b: {  	v26 =	vsel vm2, v26, v33;
	vm1 =	vlt.s32 v15, v17;
	v62 =	vperm.xlane v27, v4  }
0x13c: {  	v36 =	vperm.xlane v25, v3;
	v15 =	vsel vm1, v15, v17;
	v35 =	vperm.xlane v26, v2  }
0x13d: {  	vm1 =	vlt.s32 v15, v16;
	v27 =	vperm.xlane v27, v6;
	v29 =	vadd.s32 v5, v62  }
0x13e: {  	vm2 =	vlt.s32 v22, v34;
	v15 =	vsel vm1, v15, v16;
	vm1 =	vlt.s32 v26, v35  }
0x13f: {  	v18 =	vsel vm2, v22, v34;
	v37 =	vsel vm1, v26, v35;
	v27 =	vadd.s32 v5, v27  }
0x140: {  	vm1 =	vlt.s32 v25, v36;
	vm2 =	vlt.s32 v15, $0x1;
	v39 =	vperm.xlane v37, v3  }
0x141: {  	v41 =	vperm.xlane v19, v2;
	v38 =	vsel vm1, v25, v36;
	v15 =	vnsel vm2, $0x1, v15  }
0x142: {  	v42 =	vperm.xlane v15, v0;
	vm1 =	vlt.s32 v37, v39;
	[tilespmem:s10], [sflag:$0x6] =	stream.indirect_vreg.gather [hbm4b:s5+s2], $0x80, v29, vm0, $0xb8;
	[tilespmem:$0x18680] =	vst v63  }
0x143: {  	s7 =	simm.s32 $0x14E80;
	v16 =	vsel vm1, v37, v39  }
0x144: {  	vm1 =	vlt.s32 v19, v41;
	vm2 =	vlt.s32 v15, v42;
	[tilespmem:s7], [sflag:$0x6] =	stream.indirect_vreg.gather [hbm4b:s5+s2], $0x80, v27, vm0, $0xb8;
	[tilespmem:$0x18680] =	vst v63  }
0x145: {  	v43 =	vsel vm1, v19, v41;
	v15 =	vsel vm2, v15, v42;
	vm1 =	vlt.s32 v7, v10;
	v40 =	vld [tilespmem:$0x510]  }
0x146: {  	v44 =	vperm.xlane v15, v1;
	v7 =	vsel vm1, v7, v10  }
0x147: {  	(v2sf) =	vpush v18, $0x0;
	vm2 =	vlt.s32 v7, v9  }
0x148: {  	vm1 =	vlt.s32 v15, v44;
	v7 =	vsel vm2, v7, v9;
	vm2 =	vlt.s32 v11, v13  }
0x149: {  	v15 =	vsel vm1, v15, v44;
	v11 =	vsel vm2, v11, v13;
	vm1 =	vlt.s32 v7, v8  }
0x14a: {  	vm2 =	vlt.s32 v11, v12;
	v7 =	vsel vm1, v7, v8;
	v45 =	vshll.u32 v40, $0x1  }
0x14b: {  	vm1 =	vlt.s32 v20, v23;
	v46 =	vand.u32 $0x7, v40;
	v18 =	vand.u32 $0xFFFFFFF0, v45  }
0x14c: {  	v50 =	vperm.xlane v15, v2;
	v8 =	vsel vm2, v11, v12;
	v10 =	vor.u32 v46, v18  }
0x14d: {  	vm2 =	vlt.s32 v7, $0x1;
	v48 =	vsel vm1, v20, v23;
	v47 =	vperm.xlane v10, v4  }
0x14e: {  	v7 =	vnsel vm2, $0x1, v7;
	vm1 =	vlt.s32 v8, v14;
	vm2 =	vlt.s32 v48, v24  }
0x14f: {  	v8 =	vsel vm1, v8, v14;
	v10 =	vperm.xlane v10, v6;
	v9 =	vadd.s32 v5, v47  }
0x150: {  	v49 =	vperm.xlane v7, v0;
	v11 =	vsel vm2, v48, v24;
	vm1 =	vlt.s32 v8, $0x1  }
0x151: {  	vm2 =	vlt.s32 v11, v21;
	v8 =	vnsel vm1, $0x1, v8;
	v10 =	vadd.s32 v5, v10  }
0x152: {  	vm1 =	vlt.s32 v7, v49;
	v51 =	vsel vm2, v11, v21;
	vm2 =	vlt.s32 v15, v50  }
0x153: {  	s8 =	simm.s32 $0x15680;
	v7 =	vsel vm1, v7, v49;
	v52 =	vperm.xlane v8, v0;
	vm1 =	vlt.s32 v51, $0x1  }
0x154: {  	v13 =	vsel vm2, v15, v50;
	[tilespmem:s8], [sflag:$0x6] =	stream.indirect_vreg.gather [hbm4b:s5+s2], $0x80, v9, vm0, $0xb8;
	v9 =	vnsel vm1, $0x1, v51;
	[tilespmem:$0x18680] =	vst v63  }
0x155: {  	s9 =	simm.s32 $0x15E80;
	v53 =	vperm.xlane v7, v1;
	vm1 =	vlt.s32 v8, v52;
	v55 =	vperm.xlane v9, v0  }
0x156: {  	(v2sf) =	vpush v38, $0x0;
	v15 =	vperm.xlane v13, v3;
	v8 =	vsel vm1, v8, v52;
	[tilespmem:s9], [sflag:$0x6] =	stream.indirect_vreg.gather [hbm4b:s5+s2], $0x80, v10, vm0, $0xb8;
	[tilespmem:$0x18680] =	vst v63  }
0x157: {  	vm2 =	vlt.s32 v7, v53;
	v56 =	vperm.xlane v8, v1;
	v54 =	vld [tilespmem:$0x520];
	vm1 =	vlt.s32 v9, v55  }
0x158: {  	(v2sf) =	vpush v16, $0x0;
	v7 =	vsel vm2, v7, v53;
	v9 =	vsel vm1, v9, v55  }
0x159: {  	vm2 =	vlt.s32 v13, v15;
	vm1 =	vlt.s32 v8, v56;
	v14 =	vperm.xlane v9, v1  }
0x15a: {  	v57 =	vperm.xlane v7, v2;
	v13 =	vsel vm2, v13, v15;
	v8 =	vsel vm1, v8, v56  }
0x15b: {  	(v2sf) =	vpush v13, $0x0;
	v61 =	vperm.xlane v8, v2;
	vm1 =	vlt.s32 v9, v14  }
0x15c: {  	v58 =	vshll.u32 v54, $0x1;
	v9 =	vsel vm1, v9, v14;
	vm1 =	vlt.s32 v7, v57  }
0x15d: {  	v59 =	vand.u32 $0x7, v54;
	v60 =	vand.u32 $0xFFFFFFF0, v58;
	v7 =	vsel vm1, v7, v57  }
0x15e: {  	vm1 =	vlt.s32 v8, v61;
	v62 =	vperm.xlane v9, v2;
	v10 =	vor.u32 v59, v60  }
0x15f: {  	v8 =	vsel vm1, v8, v61;
	v63 =	vperm.xlane v7, v3;
	v12 =	vperm.xlane v10, v4  }
0x160: {  	v10 =	vperm.xlane v10, v6;
	v16 =	vperm.xlane v8, v3;
	vm1 =	vlt.s32 v9, v62  }
0x161: {  	v9 =	vsel vm1, v9, v62;
	vm1 =	vlt.s32 v7, v63;
	v12 =	vadd.s32 v5, v12  }
0x162: {  	v10 =	vadd.s32 v5, v10;
	v11 =	vperm.xlane v9, v3;
	v7 =	vsel vm1, v7, v63  }
0x163: {  	vm2 =	vlt.s32 v8, v16;
	(v2sf) =	vpush v7, $0x0;
	v7 =	vperm.xlane v43, v3  }
0x164: {  	v8 =	vsel vm2, v8, v16;
	vm1 =	vlt.s32 v9, v11  }
0x165: {  	s10 =	simm.s32 $0x16680;
	(v2sf) =	vpush v8, $0x0;
	v8 =	vsel vm1, v9, v11;
	vm1 =	vlt.s32 v43, v7  }
0x166: {  	(v2sf) =	vpush v8, $0x0;
	v7 =	vsel vm1, v43, v7;
	[tilespmem:s10], [sflag:$0x6] =	stream.indirect_vreg.gather [hbm4b:s5+s2], $0x80, v12, vm0, $0xb8;
	[tilespmem:$0x18680] =	vst v63  }
0x167: {  	s11 =	simm.s32 $0x16E80;
	(v2sf) =	vpush v7, $0x0  }
0x168: {  	[tilespmem:s11], [sflag:$0x6] =	stream.indirect_vreg.gather [hbm4b:s5+s2], $0x80, v10, vm0, $0xb8;
	[tilespmem:$0x18680] =	vst v63  }
0x169: {  	v8 =	vld [tilespmem:$0x530];
	_ =	sdelay $0x4  }
0x16a: {  	v7 =	vshll.u32 v8, $0x1  }
0x16b: {  	s11 =	spop (v2sf);
	v8 =	vand.u32 $0x7, v8;
	v7 =	vand.u32 $0xFFFFFFF0, v7  }
0x16c: {  	s10 =	spop (v2sf);
	v7 =	vor.u32 v8, v7  }
0x16d: {  	s9 =	spop (v2sf);
	v8 =	vperm.xlane v7, v4  }
0x16e: {  	s8 =	spop (v2sf)  }
0x16f: {  	v7 =	vperm.xlane v7, v6;
	s7 =	spop (v2sf);
	v8 =	vadd.s32 v5, v8  }
0x170: {  	s1 =	spop (v2sf)  }
0x171: {  	v7 =	vadd.s32 v5, v7;
	s6 =	spop (v2sf)  }
0x172: {  	s0 =	spop (v2sf)  }
0x173: {  	s12 =	simm.s32 $0x17680;
	p0 =	sne.s32 s0, $0x0  }
0x174: {  	[tilespmem:s12], [sflag:$0x6] =	stream.indirect_vreg.gather [hbm4b:s5+s2], $0x80, v8, vm0, $0xb8;
	[tilespmem:$0x18680] =	vst v63  }
.Ltmp2:
0x175: {  	s12 =	simm.s32 $0x17E80;
	(pc) =	sbr.rel @p0 .LBB2_5-.Ltmp2, $4  }
0x176: {  	[tilespmem:s12], [sflag:$0x6] =	stream.indirect_vreg.gather [hbm4b:s5+s2], $0x80, v7, vm0, $0xb8;
	[tilespmem:$0x18680] =	vst v63  }
0x177: {  	s14 =	simm.s32 $0x2680;
	_ =	swait.ge [sflag:s18], $0x4000  }
0x178: {  	s17 =	simm.s32 $0x1E80;
	s22 =	simm.s32 $0x2E80;
	[sflag:s18] =	ssyncset.done $0x0  }
0x179: {  	s24 =	simm.s32 $0x3680;
	s25 =	simm.s32 $0x3E80;
	[sflag:s18] =	ssyncadd.s32 $0xFFFFC000  }
0x17a: {  	v7 =	vld [tilespmem:s2+$0x0];
	_ =	sdelay $0x4  }
0x17b: {  	(v2sf) =	vpush v7, $0x0;
	_ =	sdelay $0xe  }
0x17c: {  	s0 =	spop (v2sf)  }
0x17d: {  	p0 =	sne.s32 s0, $0x0  }
0x17e: {  	s0 =	sand.u32 @!p0 $0x3800, s2;
	s12 =	sand.u32 @!p0 $0x380, s2  }
0x17f: {  	v7 =	vimm.f32 @!p0 $0.0e+00;
	s0 =	sor.u32 @!p0 s12, s0  }
0x180: {  	[tilespmem:s0+$0x680] =	vst @!p0 v7  }
0x181: {  	[tilespmem:s0+$0x690] =	vst @!p0 v7  }
0x182: {  	[tilespmem:s0+$0x6A0] =	vst @!p0 v7  }
0x183: {  	[tilespmem:s0+$0x6B0] =	vst @!p0 v7  }
0x184: {  	[tilespmem:s0+$0x6C0] =	vst @!p0 v7  }
0x185: {  	[tilespmem:s0+$0x6D0] =	vst @!p0 v7  }
0x186: {  	[tilespmem:s0+$0x6E0] =	vst @!p0 v7  }
0x187: {  	[tilespmem:s0+$0x6F0] =	vst @!p0 v7  }
0x188: {  	[tilespmem:s0+$0xA80] =	vst @!p0 v7  }
0x189: {  	[tilespmem:s0+$0xA90] =	vst @!p0 v7  }
0x18a: {  	[tilespmem:s0+$0xAA0] =	vst @!p0 v7  }
0x18b: {  	[tilespmem:s0+$0xAB0] =	vst @!p0 v7  }
0x18c: {  	[tilespmem:s0+$0xAC0] =	vst @!p0 v7  }
0x18d: {  	s4 =	smov.u32 s30;
	s30 =	smov.u32 s29;
	[tilespmem:s0+$0xAD0] =	vst @!p0 v7  }
0x18e: {  	s29 =	smov.u32 s28;
	s28 =	smov.u32 s26;
	s14 =	smov.u32 s3;
	[tilespmem:s0+$0xAE0] =	vst @!p0 v7  }
0x18f: {  	s13 =	simm.s32 $0x1;
	s12 =	simm.s32 $0x100;
	[tilespmem:s0+$0xAF0] =	vst @!p0 v7;
	s0 =	simm.s32 $0x0  }
.LBB2_3:
0x190: {  	v7 =	vld [tilespmem:s13+$0x0];
	s16 =	smov.u32 s12;
	s12 =	sadd.s32 $0x100, s12  }
0x191: {  	p0 =	sne.s32 s12, $0x4000;
	_ =	sdelay $0x3  }
0x192: {  	(v2sf) =	vpush v7, $0x0;
	_ =	sdelay $0xe  }
0x193: {  	s17 =	spop (v2sf)  }
0x194: {  	s0 =	sadd.s32 $0x80, s0;
	p1 =	sne.s32 s17, $0x0  }
0x195: {  	s16 =	sand.u32 @!p1 $0x3800, s16;
	s17 =	sand.u32 @!p1 $0x380, s0  }
0x196: {  	v7 =	vimm.f32 @!p1 $0.0e+00;
	s16 =	sor.u32 @!p1 s17, s16  }
0x197: {  	[tilespmem:s16+$0x680] =	vst @!p1 v7  }
0x198: {  	[tilespmem:s16+$0x690] =	vst @!p1 v7  }
0x199: {  	[tilespmem:s16+$0x6A0] =	vst @!p1 v7  }
0x19a: {  	[tilespmem:s16+$0x6B0] =	vst @!p1 v7  }
0x19b: {  	[tilespmem:s16+$0x6C0] =	vst @!p1 v7  }
0x19c: {  	[tilespmem:s16+$0x6D0] =	vst @!p1 v7  }
0x19d: {  	[tilespmem:s16+$0x6E0] =	vst @!p1 v7  }
0x19e: {  	[tilespmem:s16+$0x6F0] =	vst @!p1 v7  }
0x19f: {  	[tilespmem:s16+$0xA80] =	vst @!p1 v7  }
0x1a0: {  	[tilespmem:s16+$0xA90] =	vst @!p1 v7  }
0x1a1: {  	[tilespmem:s16+$0xAA0] =	vst @!p1 v7  }
.Ltmp3:
0x1a2: {  	[tilespmem:s16+$0xAB0] =	vst @!p1 v7;
	(pc) =	sbr.rel @p0 .LBB2_3-.Ltmp3, $4  }
0x1a3: {  	[tilespmem:s16+$0xAC0] =	vst @!p1 v7  }
0x1a4: {  	[tilespmem:s16+$0xAD0] =	vst @!p1 v7  }
0x1a5: {  	[tilespmem:s16+$0xAE0] =	vst @!p1 v7  }
0x1a6: {  	s13 =	sadd.s32 $0x1, s13;
	[tilespmem:s16+$0xAF0] =	vst @!p1 v7  }
0x1a7: {  	s3 =	smov.u32 s14  }
0x1a8: {  	s26 =	smov.u32 s28;
	s28 =	smov.u32 s29;
	s29 =	smov.u32 s30  }
0x1a9: {  	s30 =	smov.u32 s4;
	s4 =	simm.s32 $0xD;
	s16 =	simm.s32 $0xE80  }
0x1aa: {  	s13 =	simm.s32 $0x1680;
	s17 =	simm.s32 $0x1E80;
	s14 =	simm.s32 $0x2680  }
0x1ab: {  	s22 =	simm.s32 $0x2E80;
	s24 =	simm.s32 $0x3680;
	s25 =	simm.s32 $0x3E80  }
.LBB2_5:
0x1ac: {  	s12 =	simm.s32 $0x0  }
0x1ad: {  	[hbm4b:s3+s12] =	stream.linear.scatter [tilespmem:s15], [sflag:$0x7], $0x4000, $0x38;
	[tilespmem:$0x18680] =	vst v63  }
0x1ae: {  	_ =	swait.ge [sflag:s19], $0x4000  }
0x1af: {  	[sflag:s19] =	ssyncset.done $0x0  }
0x1b0: {  	[sflag:s19] =	ssyncadd.s32 $0xFFFFC000  }
0x1b1: {  	v7 =	vld [tilespmem:$0x580];
	_ =	sdelay $0x4  }
0x1b2: {  	v8 =	vshll.u32 v7, $0x1  }
0x1b3: {  	v7 =	vand.u32 $0x7, v7;
	v8 =	vand.u32 $0xFFFFFFF0, v8  }
0x1b4: {  	v7 =	vor.u32 v7, v8  }
0x1b5: {  	v8 =	vperm.xlane v7, v4;
	_ =	sdelay $0x1  }
0x1b6: {  	v7 =	vperm.xlane v7, v6;
	v8 =	vadd.s32 v5, v8;
	_ =	sdelay $0x1  }
0x1b7: {  	v7 =	vadd.s32 v5, v7;
	_ =	sdelay $0x2  }
0x1b8: {  	[tilespmem:s15], [sflag:$0x1] =	stream.indirect_vreg.gather [hbm4b:s5+s12], $0x80, v8, vm0, $0xb8;
	[tilespmem:$0x18680] =	vst v63  }
0x1b9: {  	_ = 	snop  }
0x1ba: {  	[tilespmem:s16], [sflag:$0x1] =	stream.indirect_vreg.gather [hbm4b:s5+s12], $0x80, v7, vm0, $0xb8;
	[tilespmem:$0x18680] =	vst v63  }
0x1bb: {  	v7 =	vld [tilespmem:$0x590];
	_ =	sdelay $0x4  }
0x1bc: {  	v8 =	vshll.u32 v7, $0x1  }
0x1bd: {  	v7 =	vand.u32 $0x7, v7;
	v8 =	vand.u32 $0xFFFFFFF0, v8  }
0x1be: {  	v7 =	vor.u32 v7, v8  }
0x1bf: {  	v8 =	vperm.xlane v7, v4;
	_ =	sdelay $0x1  }
0x1c0: {  	v7 =	vperm.xlane v7, v6;
	v8 =	vadd.s32 v5, v8;
	_ =	sdelay $0x1  }
0x1c1: {  	v7 =	vadd.s32 v5, v7;
	_ =	sdelay $0x2  }
0x1c2: {  	[tilespmem:s13], [sflag:$0x1] =	stream.indirect_vreg.gather [hbm4b:s5+s12], $0x80, v8, vm0, $0xb8;
	[tilespmem:$0x18680] =	vst v63  }
0x1c3: {  	_ = 	snop  }
0x1c4: {  	[tilespmem:s17], [sflag:$0x1] =	stream.indirect_vreg.gather [hbm4b:s5+s12], $0x80, v7, vm0, $0xb8;
	[tilespmem:$0x18680] =	vst v63  }
0x1c5: {  	v7 =	vld [tilespmem:$0x5A0];
	_ =	sdelay $0x4  }
0x1c6: {  	v8 =	vshll.u32 v7, $0x1  }
0x1c7: {  	v7 =	vand.u32 $0x7, v7;
	v8 =	vand.u32 $0xFFFFFFF0, v8  }
0x1c8: {  	v7 =	vor.u32 v7, v8  }
0x1c9: {  	v8 =	vperm.xlane v7, v4;
	_ =	sdelay $0x1  }
0x1ca: {  	v7 =	vperm.xlane v7, v6;
	v8 =	vadd.s32 v5, v8;
	_ =	sdelay $0x1  }
0x1cb: {  	v7 =	vadd.s32 v5, v7;
	_ =	sdelay $0x2  }
0x1cc: {  	[tilespmem:s14], [sflag:$0x1] =	stream.indirect_vreg.gather [hbm4b:s5+s12], $0x80, v8, vm0, $0xb8;
	[tilespmem:$0x18680] =	vst v63  }
0x1cd: {  	_ = 	snop  }
0x1ce: {  	[tilespmem:s22], [sflag:$0x1] =	stream.indirect_vreg.gather [hbm4b:s5+s12], $0x80, v7, vm0, $0xb8;
	[tilespmem:$0x18680] =	vst v63  }
0x1cf: {  	v7 =	vld [tilespmem:$0x5B0];
	_ =	sdelay $0x4  }
0x1d0: {  	v8 =	vshll.u32 v7, $0x1  }
0x1d1: {  	v7 =	vand.u32 $0x7, v7;
	v8 =	vand.u32 $0xFFFFFFF0, v8  }
0x1d2: {  	v7 =	vor.u32 v7, v8  }
0x1d3: {  	v8 =	vperm.xlane v7, v4;
	_ =	sdelay $0x1  }
0x1d4: {  	v7 =	vperm.xlane v7, v6;
	v8 =	vadd.s32 v5, v8;
	_ =	sdelay $0x1  }
0x1d5: {  	v7 =	vadd.s32 v5, v7;
	_ =	sdelay $0x1  }
0x1d6: {  	p0 =	sne.s32 s11, $0x0  }
0x1d7: {  	[tilespmem:s24], [sflag:$0x1] =	stream.indirect_vreg.gather [hbm4b:s5+s12], $0x80, v8, vm0, $0xb8;
	[tilespmem:$0x18680] =	vst v63  }
.Ltmp4:
0x1d8: {  	_ = 	snop;
	(pc) =	sbr.rel @p0 .LBB2_9-.Ltmp4, $4  }
0x1d9: {  	[tilespmem:s25], [sflag:$0x1] =	stream.indirect_vreg.gather [hbm4b:s5+s12], $0x80, v7, vm0, $0xb8;
	[tilespmem:$0x18680] =	vst v63  }
0x1da: {  	s17 =	simm.s32 $0x2680;
	_ =	swait.ge [sflag:s20], $0x4000  }
0x1db: {  	s14 =	simm.s32 $0x2E80;
	s22 =	simm.s32 $0x3680;
	[sflag:s20] =	ssyncset.done $0x0  }
0x1dc: {  	s24 =	simm.s32 $0x3E80;
	s25 =	simm.s32 $0x4E80;
	[sflag:s20] =	ssyncadd.s32 $0xFFFFC000  }
0x1dd: {  	s0 =	simm.s32 $0x40  }
0x1de: {  	v7 =	vld [tilespmem:s0+$0x0];
	_ =	sdelay $0x4  }
0x1df: {  	(v2sf) =	vpush v7, $0x0;
	_ =	sdelay $0xe  }
0x1e0: {  	s16 =	spop (v2sf)  }
0x1e1: {  	p0 =	sne.s32 s16, $0x0  }
0x1e2: {  	s0 =	sand.u32 @!p0 $0x3800, s12;
	s11 =	sand.u32 @!p0 $0x380, s12  }
0x1e3: {  	v7 =	vimm.f32 @!p0 $0.0e+00;
	s0 =	sor.u32 @!p0 s11, s0  }
0x1e4: {  	[tilespmem:s0+$0x4680] =	vst @!p0 v7  }
0x1e5: {  	[tilespmem:s0+$0x4690] =	vst @!p0 v7  }
0x1e6: {  	[tilespmem:s0+$0x46A0] =	vst @!p0 v7  }
0x1e7: {  	[tilespmem:s0+$0x46B0] =	vst @!p0 v7  }
0x1e8: {  	[tilespmem:s0+$0x46C0] =	vst @!p0 v7  }
0x1e9: {  	[tilespmem:s0+$0x46D0] =	vst @!p0 v7  }
0x1ea: {  	[tilespmem:s0+$0x46E0] =	vst @!p0 v7  }
0x1eb: {  	[tilespmem:s0+$0x46F0] =	vst @!p0 v7  }
0x1ec: {  	[tilespmem:s0+$0x4A80] =	vst @!p0 v7  }
0x1ed: {  	[tilespmem:s0+$0x4A90] =	vst @!p0 v7  }
0x1ee: {  	[tilespmem:s0+$0x4AA0] =	vst @!p0 v7  }
0x1ef: {  	[tilespmem:s0+$0x4AB0] =	vst @!p0 v7  }
0x1f0: {  	[tilespmem:s0+$0x4AC0] =	vst @!p0 v7  }
0x1f1: {  	[tilespmem:s0+$0x4AD0] =	vst @!p0 v7  }
0x1f2: {  	[tilespmem:s0+$0x4AE0] =	vst @!p0 v7  }
0x1f3: {  	s11 =	simm.s32 $0x100;
	[tilespmem:s0+$0x4AF0] =	vst @!p0 v7;
	s0 =	simm.s32 $0x41  }
.LBB2_7:
0x1f4: {  	v7 =	vld [tilespmem:s0+$0x0];
	s13 =	smov.u32 s11;
	s11 =	sadd.s32 $0x100, s11  }
0x1f5: {  	p0 =	sne.s32 s11, $0x4000;
	_ =	sdelay $0x3  }
0x1f6: {  	(v2sf) =	vpush v7, $0x0;
	_ =	sdelay $0xe  }
0x1f7: {  	s16 =	spop (v2sf)  }
0x1f8: {  	s12 =	sadd.s32 $0x80, s12;
	p1 =	sne.s32 s16, $0x0  }
0x1f9: {  	s13 =	sand.u32 @!p1 $0x3800, s13;
	s16 =	sand.u32 @!p1 $0x380, s12  }
0x1fa: {  	v7 =	vimm.f32 @!p1 $0.0e+00;
	s13 =	sor.u32 @!p1 s16, s13  }
0x1fb: {  	[tilespmem:s13+$0x4680] =	vst @!p1 v7  }
0x1fc: {  	[tilespmem:s13+$0x4690] =	vst @!p1 v7  }
0x1fd: {  	[tilespmem:s13+$0x46A0] =	vst @!p1 v7  }
0x1fe: {  	[tilespmem:s13+$0x46B0] =	vst @!p1 v7  }
0x1ff: {  	[tilespmem:s13+$0x46C0] =	vst @!p1 v7  }
0x200: {  	[tilespmem:s13+$0x46D0] =	vst @!p1 v7  }
0x201: {  	[tilespmem:s13+$0x46E0] =	vst @!p1 v7  }
0x202: {  	[tilespmem:s13+$0x46F0] =	vst @!p1 v7  }
0x203: {  	[tilespmem:s13+$0x4A80] =	vst @!p1 v7  }
0x204: {  	[tilespmem:s13+$0x4A90] =	vst @!p1 v7  }
0x205: {  	[tilespmem:s13+$0x4AA0] =	vst @!p1 v7  }
.Ltmp5:
0x206: {  	[tilespmem:s13+$0x4AB0] =	vst @!p1 v7;
	(pc) =	sbr.rel @p0 .LBB2_7-.Ltmp5, $4  }
0x207: {  	[tilespmem:s13+$0x4AC0] =	vst @!p1 v7  }
0x208: {  	[tilespmem:s13+$0x4AD0] =	vst @!p1 v7  }
0x209: {  	[tilespmem:s13+$0x4AE0] =	vst @!p1 v7  }
0x20a: {  	s0 =	sadd.s32 $0x1, s0;
	[tilespmem:s13+$0x4AF0] =	vst @!p1 v7  }
0x20b: {  	s16 =	simm.s32 $0xE80;
	s13 =	simm.s32 $0x1680  }
.LBB2_9:
0x20c: {  	s11 =	simm.s32 $0x0;
	s0 =	rddreg [dreg:$0x5]  }
0x20d: {  	[hbm4b:s0+s11] =	stream.linear.scatter [tilespmem:s23], [sflag:$0x8], $0x4000, $0x38;
	[tilespmem:$0x18680] =	vst v63  }
0x20e: {  	_ =	swait.ge [sflag:s21], $0x4000  }
0x20f: {  	[sflag:s21] =	ssyncset.done $0x0  }
0x210: {  	[sflag:s21] =	ssyncadd.s32 $0xFFFFC000  }
0x211: {  	v7 =	vld [tilespmem:$0x600];
	_ =	sdelay $0x4  }
0x212: {  	v8 =	vshll.u32 v7, $0x1  }
0x213: {  	v7 =	vand.u32 $0x7, v7;
	v8 =	vand.u32 $0xFFFFFFF0, v8  }
0x214: {  	v7 =	vor.u32 v7, v8  }
0x215: {  	v8 =	vperm.xlane v7, v4;
	_ =	sdelay $0x1  }
0x216: {  	v7 =	vperm.xlane v7, v6;
	v8 =	vadd.s32 v5, v8;
	_ =	sdelay $0x1  }
0x217: {  	v7 =	vadd.s32 v5, v7;
	_ =	sdelay $0x2  }
0x218: {  	[tilespmem:s23], [sflag:$0x2] =	stream.indirect_vreg.gather [hbm4b:s5+s11], $0x80, v8, vm0, $0xb8;
	[tilespmem:$0x18680] =	vst v63  }
0x219: {  	_ = 	snop  }
0x21a: {  	[tilespmem:s25], [sflag:$0x2] =	stream.indirect_vreg.gather [hbm4b:s5+s11], $0x80, v7, vm0, $0xb8;
	[tilespmem:$0x18680] =	vst v63  }
0x21b: {  	v7 =	vld [tilespmem:$0x610];
	_ =	sdelay $0x4  }
0x21c: {  	v8 =	vshll.u32 v7, $0x1  }
0x21d: {  	v7 =	vand.u32 $0x7, v7;
	v8 =	vand.u32 $0xFFFFFFF0, v8  }
0x21e: {  	v7 =	vor.u32 v7, v8  }
0x21f: {  	v8 =	vperm.xlane v7, v4;
	_ =	sdelay $0x1  }
0x220: {  	v7 =	vperm.xlane v7, v6;
	v8 =	vadd.s32 v5, v8;
	_ =	sdelay $0x1  }
0x221: {  	v7 =	vadd.s32 v5, v7;
	_ =	sdelay $0x1  }
0x222: {  	s12 =	simm.s32 $0x5680  }
0x223: {  	[tilespmem:s12], [sflag:$0x2] =	stream.indirect_vreg.gather [hbm4b:s5+s11], $0x80, v8, vm0, $0xb8;
	[tilespmem:$0x18680] =	vst v63  }
0x224: {  	s12 =	simm.s32 $0x5E80  }
0x225: {  	[tilespmem:s12], [sflag:$0x2] =	stream.indirect_vreg.gather [hbm4b:s5+s11], $0x80, v7, vm0, $0xb8;
	[tilespmem:$0x18680] =	vst v63  }
0x226: {  	v7 =	vld [tilespmem:$0x620];
	_ =	sdelay $0x4  }
0x227: {  	v8 =	vshll.u32 v7, $0x1  }
0x228: {  	v7 =	vand.u32 $0x7, v7;
	v8 =	vand.u32 $0xFFFFFFF0, v8  }
0x229: {  	v7 =	vor.u32 v7, v8  }
0x22a: {  	v8 =	vperm.xlane v7, v4;
	_ =	sdelay $0x1  }
0x22b: {  	v7 =	vperm.xlane v7, v6;
	v8 =	vadd.s32 v5, v8;
	_ =	sdelay $0x1  }
0x22c: {  	v7 =	vadd.s32 v5, v7;
	_ =	sdelay $0x1  }
0x22d: {  	s12 =	simm.s32 $0x6680  }
0x22e: {  	[tilespmem:s12], [sflag:$0x2] =	stream.indirect_vreg.gather [hbm4b:s5+s11], $0x80, v8, vm0, $0xb8;
	[tilespmem:$0x18680] =	vst v63  }
0x22f: {  	s12 =	simm.s32 $0x6E80  }
0x230: {  	[tilespmem:s12], [sflag:$0x2] =	stream.indirect_vreg.gather [hbm4b:s5+s11], $0x80, v7, vm0, $0xb8;
	[tilespmem:$0x18680] =	vst v63  }
0x231: {  	v7 =	vld [tilespmem:$0x630];
	_ =	sdelay $0x4  }
0x232: {  	v8 =	vshll.u32 v7, $0x1  }
0x233: {  	v7 =	vand.u32 $0x7, v7;
	v8 =	vand.u32 $0xFFFFFFF0, v8  }
0x234: {  	v7 =	vor.u32 v7, v8  }
0x235: {  	v8 =	vperm.xlane v7, v4;
	_ =	sdelay $0x1  }
0x236: {  	v7 =	vperm.xlane v7, v6;
	v8 =	vadd.s32 v5, v8;
	_ =	sdelay $0x1  }
0x237: {  	v7 =	vadd.s32 v5, v7;
	_ =	sdelay $0x1  }
0x238: {  	s12 =	simm.s32 $0x7680  }
0x239: {  	[tilespmem:s12], [sflag:$0x2] =	stream.indirect_vreg.gather [hbm4b:s5+s11], $0x80, v8, vm0, $0xb8;
	[tilespmem:$0x18680] =	vst v63  }
0x23a: {  	p0 =	sne.s32 s10, $0x0;
	s12 =	simm.s32 $0x7E80  }
0x23b: {  	[tilespmem:s12], [sflag:$0x2] =	stream.indirect_vreg.gather [hbm4b:s5+s11], $0x80, v7, vm0, $0xb8;
	[tilespmem:$0x18680] =	vst v63  }
.Ltmp6:
0x23c: {  	_ = 	snop;
	(pc) =	sbr.rel @p0 .LBB2_13-.Ltmp6, $4  }
0x23d: {  	s12 =	simm.s32 $0x3  }
0x23e: {  	_ =	swait.ge [sflag:s12], $0x4000  }
0x23f: {  	[sflag:s12] =	ssyncset.done $0x0  }
0x240: {  	[sflag:s12] =	ssyncadd.s32 $0xFFFFC000  }
0x241: {  	s0 =	simm.s32 $0x80  }
0x242: {  	v7 =	vld [tilespmem:s0+$0x0];
	_ =	sdelay $0x4  }
0x243: {  	(v2sf) =	vpush v7, $0x0;
	_ =	sdelay $0xe  }
0x244: {  	s13 =	spop (v2sf)  }
0x245: {  	p0 =	sne.s32 s13, $0x0  }
0x246: {  	s0 =	sand.u32 @!p0 $0x3800, s11;
	s10 =	sand.u32 @!p0 $0x380, s11  }
0x247: {  	v7 =	vimm.f32 @!p0 $0.0e+00;
	s0 =	sor.u32 @!p0 s10, s0  }
0x248: {  	[tilespmem:s0+$0x8680] =	vst @!p0 v7  }
0x249: {  	[tilespmem:s0+$0x8690] =	vst @!p0 v7  }
0x24a: {  	[tilespmem:s0+$0x86A0] =	vst @!p0 v7  }
0x24b: {  	[tilespmem:s0+$0x86B0] =	vst @!p0 v7  }
0x24c: {  	[tilespmem:s0+$0x86C0] =	vst @!p0 v7  }
0x24d: {  	[tilespmem:s0+$0x86D0] =	vst @!p0 v7  }
0x24e: {  	[tilespmem:s0+$0x86E0] =	vst @!p0 v7  }
0x24f: {  	[tilespmem:s0+$0x86F0] =	vst @!p0 v7  }
0x250: {  	[tilespmem:s0+$0x8A80] =	vst @!p0 v7  }
0x251: {  	[tilespmem:s0+$0x8A90] =	vst @!p0 v7  }
0x252: {  	[tilespmem:s0+$0x8AA0] =	vst @!p0 v7  }
0x253: {  	[tilespmem:s0+$0x8AB0] =	vst @!p0 v7  }
0x254: {  	[tilespmem:s0+$0x8AC0] =	vst @!p0 v7  }
0x255: {  	[tilespmem:s0+$0x8AD0] =	vst @!p0 v7  }
0x256: {  	[tilespmem:s0+$0x8AE0] =	vst @!p0 v7  }
0x257: {  	s10 =	simm.s32 $0x100;
	[tilespmem:s0+$0x8AF0] =	vst @!p0 v7;
	s0 =	simm.s32 $0x81  }
.LBB2_11:
0x258: {  	v7 =	vld [tilespmem:s0+$0x0];
	s12 =	smov.u32 s10;
	s10 =	sadd.s32 $0x100, s10  }
0x259: {  	p0 =	sne.s32 s10, $0x4000;
	_ =	sdelay $0x3  }
0x25a: {  	(v2sf) =	vpush v7, $0x0;
	_ =	sdelay $0xe  }
0x25b: {  	s13 =	spop (v2sf)  }
0x25c: {  	s11 =	sadd.s32 $0x80, s11;
	p1 =	sne.s32 s13, $0x0  }
0x25d: {  	s12 =	sand.u32 @!p1 $0x3800, s12;
	s13 =	sand.u32 @!p1 $0x380, s11  }
0x25e: {  	v7 =	vimm.f32 @!p1 $0.0e+00;
	s12 =	sor.u32 @!p1 s13, s12  }
0x25f: {  	[tilespmem:s12+$0x8680] =	vst @!p1 v7  }
0x260: {  	[tilespmem:s12+$0x8690] =	vst @!p1 v7  }
0x261: {  	[tilespmem:s12+$0x86A0] =	vst @!p1 v7  }
0x262: {  	[tilespmem:s12+$0x86B0] =	vst @!p1 v7  }
0x263: {  	[tilespmem:s12+$0x86C0] =	vst @!p1 v7  }
0x264: {  	[tilespmem:s12+$0x86D0] =	vst @!p1 v7  }
0x265: {  	[tilespmem:s12+$0x86E0] =	vst @!p1 v7  }
0x266: {  	[tilespmem:s12+$0x86F0] =	vst @!p1 v7  }
0x267: {  	[tilespmem:s12+$0x8A80] =	vst @!p1 v7  }
0x268: {  	[tilespmem:s12+$0x8A90] =	vst @!p1 v7  }
0x269: {  	[tilespmem:s12+$0x8AA0] =	vst @!p1 v7  }
.Ltmp7:
0x26a: {  	[tilespmem:s12+$0x8AB0] =	vst @!p1 v7;
	(pc) =	sbr.rel @p0 .LBB2_11-.Ltmp7, $4  }
0x26b: {  	[tilespmem:s12+$0x8AC0] =	vst @!p1 v7  }
0x26c: {  	[tilespmem:s12+$0x8AD0] =	vst @!p1 v7  }
0x26d: {  	[tilespmem:s12+$0x8AE0] =	vst @!p1 v7  }
0x26e: {  	s0 =	sadd.s32 $0x1, s0;
	[tilespmem:s12+$0x8AF0] =	vst @!p1 v7  }
0x26f: {  	s13 =	simm.s32 $0x1680  }
.LBB2_13:
0x270: {  	s10 =	simm.s32 $0x0;
	s0 =	simm.s32 $0x8680;
	p0 =	sne.s32 s9, $0x0  }
.Ltmp8:
0x271: {  	s11 =	rddreg [dreg:$0x6];
	s12 =	simm.s32 $0x4;
	(pc) =	sbr.rel @p0 .LBB2_16-.Ltmp8, $4  }
0x272: {  	[hbm4b:s11+s10] =	stream.linear.scatter [tilespmem:s0], [sflag:$0x9], $0x4000, $0x38;
	[tilespmem:$0x18680] =	vst v63  }
0x273: {  	_ =	swait.ge [sflag:s12], $0x4000  }
0x274: {  	[sflag:s12] =	ssyncset.done $0x0  }
0x275: {  	[sflag:s12] =	ssyncadd.s32 $0xFFFFC000  }
0x276: {  	s0 =	simm.s32 $0xC0  }
0x277: {  	v7 =	vld [tilespmem:s0+$0x0];
	_ =	sdelay $0x4  }
0x278: {  	(v2sf) =	vpush v7, $0x0;
	_ =	sdelay $0xe  }
0x279: {  	s12 =	spop (v2sf)  }
0x27a: {  	p0 =	sne.s32 s12, $0x0  }
0x27b: {  	s0 =	sand.u32 @!p0 $0x3800, s10;
	s9 =	sand.u32 @!p0 $0x380, s10  }
0x27c: {  	v7 =	vimm.f32 @!p0 $0.0e+00;
	s0 =	sor.u32 @!p0 s9, s0  }
0x27d: {  	[tilespmem:s0+$0xC680] =	vst @!p0 v7  }
0x27e: {  	[tilespmem:s0+$0xC690] =	vst @!p0 v7  }
0x27f: {  	[tilespmem:s0+$0xC6A0] =	vst @!p0 v7  }
0x280: {  	[tilespmem:s0+$0xC6B0] =	vst @!p0 v7  }
0x281: {  	[tilespmem:s0+$0xC6C0] =	vst @!p0 v7  }
0x282: {  	[tilespmem:s0+$0xC6D0] =	vst @!p0 v7  }
0x283: {  	[tilespmem:s0+$0xC6E0] =	vst @!p0 v7  }
0x284: {  	[tilespmem:s0+$0xC6F0] =	vst @!p0 v7  }
0x285: {  	[tilespmem:s0+$0xCA80] =	vst @!p0 v7  }
0x286: {  	[tilespmem:s0+$0xCA90] =	vst @!p0 v7  }
0x287: {  	[tilespmem:s0+$0xCAA0] =	vst @!p0 v7  }
0x288: {  	[tilespmem:s0+$0xCAB0] =	vst @!p0 v7  }
0x289: {  	[tilespmem:s0+$0xCAC0] =	vst @!p0 v7  }
0x28a: {  	[tilespmem:s0+$0xCAD0] =	vst @!p0 v7  }
0x28b: {  	[tilespmem:s0+$0xCAE0] =	vst @!p0 v7  }
0x28c: {  	s9 =	simm.s32 $0x100;
	[tilespmem:s0+$0xCAF0] =	vst @!p0 v7;
	s0 =	simm.s32 $0xC1  }
.LBB2_15:
0x28d: {  	v7 =	vld [tilespmem:s0+$0x0];
	s11 =	smov.u32 s9;
	s9 =	sadd.s32 $0x100, s9  }
0x28e: {  	p0 =	sne.s32 s9, $0x4000;
	_ =	sdelay $0x3  }
0x28f: {  	(v2sf) =	vpush v7, $0x0;
	_ =	sdelay $0xe  }
0x290: {  	s12 =	spop (v2sf)  }
0x291: {  	s10 =	sadd.s32 $0x80, s10;
	p1 =	sne.s32 s12, $0x0  }
0x292: {  	s11 =	sand.u32 @!p1 $0x3800, s11;
	s12 =	sand.u32 @!p1 $0x380, s10  }
0x293: {  	v7 =	vimm.f32 @!p1 $0.0e+00;
	s11 =	sor.u32 @!p1 s12, s11  }
0x294: {  	[tilespmem:s11+$0xC680] =	vst @!p1 v7  }
0x295: {  	[tilespmem:s11+$0xC690] =	vst @!p1 v7  }
0x296: {  	[tilespmem:s11+$0xC6A0] =	vst @!p1 v7  }
0x297: {  	[tilespmem:s11+$0xC6B0] =	vst @!p1 v7  }
0x298: {  	[tilespmem:s11+$0xC6C0] =	vst @!p1 v7  }
0x299: {  	[tilespmem:s11+$0xC6D0] =	vst @!p1 v7  }
0x29a: {  	[tilespmem:s11+$0xC6E0] =	vst @!p1 v7  }
0x29b: {  	[tilespmem:s11+$0xC6F0] =	vst @!p1 v7  }
0x29c: {  	[tilespmem:s11+$0xCA80] =	vst @!p1 v7  }
0x29d: {  	[tilespmem:s11+$0xCA90] =	vst @!p1 v7  }
0x29e: {  	[tilespmem:s11+$0xCAA0] =	vst @!p1 v7  }
.Ltmp9:
0x29f: {  	[tilespmem:s11+$0xCAB0] =	vst @!p1 v7;
	(pc) =	sbr.rel @p0 .LBB2_15-.Ltmp9, $4  }
0x2a0: {  	[tilespmem:s11+$0xCAC0] =	vst @!p1 v7  }
0x2a1: {  	[tilespmem:s11+$0xCAD0] =	vst @!p1 v7  }
0x2a2: {  	[tilespmem:s11+$0xCAE0] =	vst @!p1 v7  }
0x2a3: {  	s0 =	sadd.s32 $0x1, s0;
	[tilespmem:s11+$0xCAF0] =	vst @!p1 v7  }
.LBB2_16:
0x2a4: {  	s9 =	simm.s32 $0x0;
	s12 =	simm.s32 $0xC680;
	p0 =	sne.s32 s8, $0x0  }
.Ltmp10:
0x2a5: {  	s0 =	rddreg [dreg:$0x7];
	s11 =	simm.s32 $0x5;
	(pc) =	sbr.rel @p0 .LBB2_19-.Ltmp10, $4  }
0x2a6: {  	[hbm4b:s0+s9] =	stream.linear.scatter [tilespmem:s12], [sflag:$0xA], $0x4000, $0x38;
	[tilespmem:$0x18680] =	vst v63  }
0x2a7: {  	_ =	swait.ge [sflag:s11], $0x4000  }
0x2a8: {  	[sflag:s11] =	ssyncset.done $0x0  }
0x2a9: {  	[sflag:s11] =	ssyncadd.s32 $0xFFFFC000  }
0x2aa: {  	s0 =	simm.s32 $0x100  }
0x2ab: {  	v7 =	vld [tilespmem:s0+$0x0];
	_ =	sdelay $0x4  }
0x2ac: {  	(v2sf) =	vpush v7, $0x0;
	_ =	sdelay $0xe  }
0x2ad: {  	s11 =	spop (v2sf)  }
0x2ae: {  	p0 =	sne.s32 s11, $0x0  }
0x2af: {  	s0 =	sand.u32 @!p0 $0x3800, s9;
	s8 =	sand.u32 @!p0 $0x380, s9  }
0x2b0: {  	v7 =	vimm.f32 @!p0 $0.0e+00;
	s0 =	sor.u32 @!p0 s8, s0  }
0x2b1: {  	s10 =	sadd.s32 @!p0 $0x10680, s0;
	[tilespmem:s0+$0x10680] =	vst @!p0 v7  }
0x2b2: {  	[tilespmem:s10+$0x10] =	vst @!p0 v7  }
0x2b3: {  	[tilespmem:s10+$0x20] =	vst @!p0 v7  }
0x2b4: {  	[tilespmem:s10+$0x30] =	vst @!p0 v7  }
0x2b5: {  	[tilespmem:s10+$0x40] =	vst @!p0 v7  }
0x2b6: {  	[tilespmem:s10+$0x50] =	vst @!p0 v7  }
0x2b7: {  	[tilespmem:s10+$0x60] =	vst @!p0 v7  }
0x2b8: {  	[tilespmem:s10+$0x70] =	vst @!p0 v7  }
0x2b9: {  	[tilespmem:s10+$0x400] =	vst @!p0 v7  }
0x2ba: {  	[tilespmem:s10+$0x410] =	vst @!p0 v7  }
0x2bb: {  	[tilespmem:s10+$0x420] =	vst @!p0 v7  }
0x2bc: {  	[tilespmem:s10+$0x430] =	vst @!p0 v7  }
0x2bd: {  	[tilespmem:s10+$0x440] =	vst @!p0 v7  }
0x2be: {  	[tilespmem:s10+$0x450] =	vst @!p0 v7  }
0x2bf: {  	[tilespmem:s10+$0x460] =	vst @!p0 v7  }
0x2c0: {  	s8 =	simm.s32 $0x100;
	[tilespmem:s10+$0x470] =	vst @!p0 v7;
	s10 =	simm.s32 $0x101  }
.LBB2_18:
0x2c1: {  	v7 =	vld [tilespmem:s10+$0x0];
	s0 =	smov.u32 s8;
	s8 =	sadd.s32 $0x100, s8  }
0x2c2: {  	p0 =	sne.s32 s8, $0x4000;
	_ =	sdelay $0x3  }
0x2c3: {  	(v2sf) =	vpush v7, $0x0;
	_ =	sdelay $0xe  }
0x2c4: {  	s11 =	spop (v2sf)  }
0x2c5: {  	s9 =	sadd.s32 $0x80, s9;
	p1 =	sne.s32 s11, $0x0  }
0x2c6: {  	s0 =	sand.u32 @!p1 $0x3800, s0;
	s11 =	sand.u32 @!p1 $0x380, s9  }
0x2c7: {  	v7 =	vimm.f32 @!p1 $0.0e+00;
	s0 =	sor.u32 @!p1 s11, s0  }
0x2c8: {  	s11 =	sadd.s32 @!p1 $0x10680, s0;
	[tilespmem:s0+$0x10680] =	vst @!p1 v7  }
0x2c9: {  	[tilespmem:s11+$0x10] =	vst @!p1 v7  }
0x2ca: {  	[tilespmem:s11+$0x20] =	vst @!p1 v7  }
0x2cb: {  	[tilespmem:s11+$0x30] =	vst @!p1 v7  }
0x2cc: {  	[tilespmem:s11+$0x40] =	vst @!p1 v7  }
0x2cd: {  	[tilespmem:s11+$0x50] =	vst @!p1 v7  }
0x2ce: {  	[tilespmem:s11+$0x60] =	vst @!p1 v7  }
0x2cf: {  	[tilespmem:s11+$0x70] =	vst @!p1 v7  }
0x2d0: {  	[tilespmem:s11+$0x400] =	vst @!p1 v7  }
0x2d1: {  	[tilespmem:s11+$0x410] =	vst @!p1 v7  }
0x2d2: {  	[tilespmem:s11+$0x420] =	vst @!p1 v7  }
.Ltmp11:
0x2d3: {  	[tilespmem:s11+$0x430] =	vst @!p1 v7;
	(pc) =	sbr.rel @p0 .LBB2_18-.Ltmp11, $4  }
0x2d4: {  	[tilespmem:s11+$0x440] =	vst @!p1 v7  }
0x2d5: {  	[tilespmem:s11+$0x450] =	vst @!p1 v7  }
0x2d6: {  	[tilespmem:s11+$0x460] =	vst @!p1 v7  }
0x2d7: {  	s10 =	sadd.s32 $0x1, s10;
	[tilespmem:s11+$0x470] =	vst @!p1 v7  }
.LBB2_19:
0x2d8: {  	s8 =	simm.s32 $0x0;
	s11 =	simm.s32 $0x10680;
	p0 =	sne.s32 s7, $0x0  }
.Ltmp12:
0x2d9: {  	s0 =	rddreg [dreg:$0x8];
	s10 =	simm.s32 $0x6;
	(pc) =	sbr.rel @p0 .LBB2_22-.Ltmp12, $4  }
0x2da: {  	[hbm4b:s0+s8] =	stream.linear.scatter [tilespmem:s11], [sflag:$0xB], $0x4000, $0x38;
	[tilespmem:$0x18680] =	vst v63  }
0x2db: {  	_ =	swait.ge [sflag:s10], $0x4000  }
0x2dc: {  	[sflag:s10] =	ssyncset.done $0x0  }
0x2dd: {  	[sflag:s10] =	ssyncadd.s32 $0xFFFFC000  }
0x2de: {  	s0 =	simm.s32 $0x140  }
0x2df: {  	v7 =	vld [tilespmem:s0+$0x0];
	_ =	sdelay $0x4  }
0x2e0: {  	(v2sf) =	vpush v7, $0x0;
	_ =	sdelay $0xe  }
0x2e1: {  	s10 =	spop (v2sf)  }
0x2e2: {  	p0 =	sne.s32 s10, $0x0  }
0x2e3: {  	s0 =	sand.u32 @!p0 $0x3800, s8;
	s7 =	sand.u32 @!p0 $0x380, s8  }
0x2e4: {  	v7 =	vimm.f32 @!p0 $0.0e+00;
	s0 =	sor.u32 @!p0 s7, s0  }
0x2e5: {  	s9 =	sadd.s32 @!p0 $0x14680, s0;
	[tilespmem:s0+$0x14680] =	vst @!p0 v7  }
0x2e6: {  	[tilespmem:s9+$0x10] =	vst @!p0 v7  }
0x2e7: {  	[tilespmem:s9+$0x20] =	vst @!p0 v7  }
0x2e8: {  	[tilespmem:s9+$0x30] =	vst @!p0 v7  }
0x2e9: {  	[tilespmem:s9+$0x40] =	vst @!p0 v7  }
0x2ea: {  	[tilespmem:s9+$0x50] =	vst @!p0 v7  }
0x2eb: {  	[tilespmem:s9+$0x60] =	vst @!p0 v7  }
0x2ec: {  	[tilespmem:s9+$0x70] =	vst @!p0 v7  }
0x2ed: {  	[tilespmem:s9+$0x400] =	vst @!p0 v7  }
0x2ee: {  	[tilespmem:s9+$0x410] =	vst @!p0 v7  }
0x2ef: {  	[tilespmem:s9+$0x420] =	vst @!p0 v7  }
0x2f0: {  	[tilespmem:s9+$0x430] =	vst @!p0 v7  }
0x2f1: {  	[tilespmem:s9+$0x440] =	vst @!p0 v7  }
0x2f2: {  	[tilespmem:s9+$0x450] =	vst @!p0 v7  }
0x2f3: {  	[tilespmem:s9+$0x460] =	vst @!p0 v7  }
0x2f4: {  	s7 =	simm.s32 $0x100;
	[tilespmem:s9+$0x470] =	vst @!p0 v7;
	s9 =	simm.s32 $0x141  }
.LBB2_21:
0x2f5: {  	v7 =	vld [tilespmem:s9+$0x0];
	s0 =	smov.u32 s7;
	s7 =	sadd.s32 $0x100, s7  }
0x2f6: {  	p0 =	sne.s32 s7, $0x4000;
	_ =	sdelay $0x3  }
0x2f7: {  	(v2sf) =	vpush v7, $0x0;
	_ =	sdelay $0xe  }
0x2f8: {  	s10 =	spop (v2sf)  }
0x2f9: {  	s8 =	sadd.s32 $0x80, s8;
	p1 =	sne.s32 s10, $0x0  }
0x2fa: {  	s0 =	sand.u32 @!p1 $0x3800, s0;
	s10 =	sand.u32 @!p1 $0x380, s8  }
0x2fb: {  	v7 =	vimm.f32 @!p1 $0.0e+00;
	s0 =	sor.u32 @!p1 s10, s0  }
0x2fc: {  	s10 =	sadd.s32 @!p1 $0x14680, s0;
	[tilespmem:s0+$0x14680] =	vst @!p1 v7  }
0x2fd: {  	[tilespmem:s10+$0x10] =	vst @!p1 v7  }
0x2fe: {  	[tilespmem:s10+$0x20] =	vst @!p1 v7  }
0x2ff: {  	[tilespmem:s10+$0x30] =	vst @!p1 v7  }
0x300: {  	[tilespmem:s10+$0x40] =	vst @!p1 v7  }
0x301: {  	[tilespmem:s10+$0x50] =	vst @!p1 v7  }
0x302: {  	[tilespmem:s10+$0x60] =	vst @!p1 v7  }
0x303: {  	[tilespmem:s10+$0x70] =	vst @!p1 v7  }
0x304: {  	[tilespmem:s10+$0x400] =	vst @!p1 v7  }
0x305: {  	[tilespmem:s10+$0x410] =	vst @!p1 v7  }
0x306: {  	[tilespmem:s10+$0x420] =	vst @!p1 v7  }
.Ltmp13:
0x307: {  	[tilespmem:s10+$0x430] =	vst @!p1 v7;
	(pc) =	sbr.rel @p0 .LBB2_21-.Ltmp13, $4  }
0x308: {  	[tilespmem:s10+$0x440] =	vst @!p1 v7  }
0x309: {  	[tilespmem:s10+$0x450] =	vst @!p1 v7  }
0x30a: {  	[tilespmem:s10+$0x460] =	vst @!p1 v7  }
0x30b: {  	s9 =	sadd.s32 $0x1, s9;
	[tilespmem:s10+$0x470] =	vst @!p1 v7  }
.LBB2_22:
0x30c: {  	p0 =	sne.s32 s1, $0x0  }
.Ltmp14:
0x30d: {  	s7 =	simm.s32 $0x0;
	s10 =	simm.s32 $0x14680;
	(pc) =	sbr.rel @p0 .LBB2_25-.Ltmp14, $4  }
0x30e: {  	[hbm4b:s26+s7] =	stream.linear.scatter [tilespmem:s10], [sflag:$0xC], $0x4000, $0x38;
	[tilespmem:$0x18680] =	vst v63  }
0x30f: {  	_ =	swait.ge [sflag:s18], $0x4000  }
0x310: {  	[sflag:s18] =	ssyncset.done $0x0  }
0x311: {  	[sflag:s18] =	ssyncadd.s32 $0xFFFFC000  }
0x312: {  	s0 =	simm.s32 $0x180  }
0x313: {  	v7 =	vld [tilespmem:s0+$0x0];
	_ =	sdelay $0x4  }
0x314: {  	(v2sf) =	vpush v7, $0x0;
	_ =	sdelay $0xe  }
0x315: {  	s9 =	spop (v2sf)  }
0x316: {  	p0 =	sne.s32 s9, $0x0  }
0x317: {  	s0 =	sand.u32 @!p0 $0x3800, s7;
	s1 =	sand.u32 @!p0 $0x380, s7  }
0x318: {  	v7 =	vimm.f32 @!p0 $0.0e+00;
	s0 =	sor.u32 @!p0 s1, s0  }
0x319: {  	[tilespmem:s0+$0x680] =	vst @!p0 v7  }
0x31a: {  	[tilespmem:s0+$0x690] =	vst @!p0 v7  }
0x31b: {  	[tilespmem:s0+$0x6A0] =	vst @!p0 v7  }
0x31c: {  	[tilespmem:s0+$0x6B0] =	vst @!p0 v7  }
0x31d: {  	[tilespmem:s0+$0x6C0] =	vst @!p0 v7  }
0x31e: {  	[tilespmem:s0+$0x6D0] =	vst @!p0 v7  }
0x31f: {  	[tilespmem:s0+$0x6E0] =	vst @!p0 v7  }
0x320: {  	[tilespmem:s0+$0x6F0] =	vst @!p0 v7  }
0x321: {  	[tilespmem:s0+$0xA80] =	vst @!p0 v7  }
0x322: {  	[tilespmem:s0+$0xA90] =	vst @!p0 v7  }
0x323: {  	[tilespmem:s0+$0xAA0] =	vst @!p0 v7  }
0x324: {  	[tilespmem:s0+$0xAB0] =	vst @!p0 v7  }
0x325: {  	[tilespmem:s0+$0xAC0] =	vst @!p0 v7  }
0x326: {  	[tilespmem:s0+$0xAD0] =	vst @!p0 v7  }
0x327: {  	[tilespmem:s0+$0xAE0] =	vst @!p0 v7  }
0x328: {  	s1 =	simm.s32 $0x100;
	[tilespmem:s0+$0xAF0] =	vst @!p0 v7;
	s0 =	simm.s32 $0x181  }
.LBB2_24:
0x329: {  	v7 =	vld [tilespmem:s0+$0x0];
	s8 =	smov.u32 s1;
	s1 =	sadd.s32 $0x100, s1  }
0x32a: {  	p0 =	sne.s32 s1, $0x4000;
	_ =	sdelay $0x3  }
0x32b: {  	(v2sf) =	vpush v7, $0x0;
	_ =	sdelay $0xe  }
0x32c: {  	s9 =	spop (v2sf)  }
0x32d: {  	s7 =	sadd.s32 $0x80, s7;
	p1 =	sne.s32 s9, $0x0  }
0x32e: {  	s8 =	sand.u32 @!p1 $0x3800, s8;
	s9 =	sand.u32 @!p1 $0x380, s7  }
0x32f: {  	v7 =	vimm.f32 @!p1 $0.0e+00;
	s8 =	sor.u32 @!p1 s9, s8  }
0x330: {  	[tilespmem:s8+$0x680] =	vst @!p1 v7  }
0x331: {  	[tilespmem:s8+$0x690] =	vst @!p1 v7  }
0x332: {  	[tilespmem:s8+$0x6A0] =	vst @!p1 v7  }
0x333: {  	[tilespmem:s8+$0x6B0] =	vst @!p1 v7  }
0x334: {  	[tilespmem:s8+$0x6C0] =	vst @!p1 v7  }
0x335: {  	[tilespmem:s8+$0x6D0] =	vst @!p1 v7  }
0x336: {  	[tilespmem:s8+$0x6E0] =	vst @!p1 v7  }
0x337: {  	[tilespmem:s8+$0x6F0] =	vst @!p1 v7  }
0x338: {  	[tilespmem:s8+$0xA80] =	vst @!p1 v7  }
0x339: {  	[tilespmem:s8+$0xA90] =	vst @!p1 v7  }
0x33a: {  	[tilespmem:s8+$0xAA0] =	vst @!p1 v7  }
.Ltmp15:
0x33b: {  	[tilespmem:s8+$0xAB0] =	vst @!p1 v7;
	(pc) =	sbr.rel @p0 .LBB2_24-.Ltmp15, $4  }
0x33c: {  	[tilespmem:s8+$0xAC0] =	vst @!p1 v7  }
0x33d: {  	[tilespmem:s8+$0xAD0] =	vst @!p1 v7  }
0x33e: {  	[tilespmem:s8+$0xAE0] =	vst @!p1 v7  }
0x33f: {  	s0 =	sadd.s32 $0x1, s0;
	[tilespmem:s8+$0xAF0] =	vst @!p1 v7  }
.LBB2_25:
0x340: {  	p0 =	sne.s32 s6, $0x0  }
.Ltmp16:
0x341: {  	s1 =	simm.s32 $0x0;
	(pc) =	sbr.rel @p0 .LBB2_28-.Ltmp16, $4  }
0x342: {  	[hbm4b:s28+s1] =	stream.linear.scatter [tilespmem:s15], [sflag:$0x7], $0x4000, $0x38;
	[tilespmem:$0x18680] =	vst v63  }
0x343: {  	_ =	swait.ge [sflag:s20], $0x4000  }
0x344: {  	[sflag:s20] =	ssyncset.done $0x0  }
0x345: {  	[sflag:s20] =	ssyncadd.s32 $0xFFFFC000  }
0x346: {  	s0 =	simm.s32 $0x1C0  }
0x347: {  	v7 =	vld [tilespmem:s0+$0x0];
	_ =	sdelay $0x4  }
0x348: {  	(v2sf) =	vpush v7, $0x0;
	_ =	sdelay $0xe  }
0x349: {  	s9 =	spop (v2sf)  }
0x34a: {  	p0 =	sne.s32 s9, $0x0  }
0x34b: {  	s0 =	sand.u32 @!p0 $0x3800, s1;
	s6 =	sand.u32 @!p0 $0x380, s1  }
0x34c: {  	v7 =	vimm.f32 @!p0 $0.0e+00;
	s0 =	sor.u32 @!p0 s6, s0  }
0x34d: {  	[tilespmem:s0+$0x4680] =	vst @!p0 v7  }
0x34e: {  	[tilespmem:s0+$0x4690] =	vst @!p0 v7  }
0x34f: {  	[tilespmem:s0+$0x46A0] =	vst @!p0 v7  }
0x350: {  	[tilespmem:s0+$0x46B0] =	vst @!p0 v7  }
0x351: {  	[tilespmem:s0+$0x46C0] =	vst @!p0 v7  }
0x352: {  	[tilespmem:s0+$0x46D0] =	vst @!p0 v7  }
0x353: {  	[tilespmem:s0+$0x46E0] =	vst @!p0 v7  }
0x354: {  	[tilespmem:s0+$0x46F0] =	vst @!p0 v7  }
0x355: {  	[tilespmem:s0+$0x4A80] =	vst @!p0 v7  }
0x356: {  	[tilespmem:s0+$0x4A90] =	vst @!p0 v7  }
0x357: {  	[tilespmem:s0+$0x4AA0] =	vst @!p0 v7  }
0x358: {  	[tilespmem:s0+$0x4AB0] =	vst @!p0 v7  }
0x359: {  	[tilespmem:s0+$0x4AC0] =	vst @!p0 v7  }
0x35a: {  	[tilespmem:s0+$0x4AD0] =	vst @!p0 v7  }
0x35b: {  	[tilespmem:s0+$0x4AE0] =	vst @!p0 v7  }
0x35c: {  	s6 =	simm.s32 $0x100;
	[tilespmem:s0+$0x4AF0] =	vst @!p0 v7;
	s0 =	simm.s32 $0x1C1  }
.LBB2_27:
0x35d: {  	v7 =	vld [tilespmem:s0+$0x0];
	s7 =	smov.u32 s6;
	s6 =	sadd.s32 $0x100, s6  }
0x35e: {  	p0 =	sne.s32 s6, $0x4000;
	_ =	sdelay $0x3  }
0x35f: {  	(v2sf) =	vpush v7, $0x0;
	_ =	sdelay $0xe  }
0x360: {  	s8 =	spop (v2sf)  }
0x361: {  	s1 =	sadd.s32 $0x80, s1;
	p1 =	sne.s32 s8, $0x0  }
0x362: {  	s7 =	sand.u32 @!p1 $0x3800, s7;
	s8 =	sand.u32 @!p1 $0x380, s1  }
0x363: {  	v7 =	vimm.f32 @!p1 $0.0e+00;
	s7 =	sor.u32 @!p1 s8, s7  }
0x364: {  	[tilespmem:s7+$0x4680] =	vst @!p1 v7  }
0x365: {  	[tilespmem:s7+$0x4690] =	vst @!p1 v7  }
0x366: {  	[tilespmem:s7+$0x46A0] =	vst @!p1 v7  }
0x367: {  	[tilespmem:s7+$0x46B0] =	vst @!p1 v7  }
0x368: {  	[tilespmem:s7+$0x46C0] =	vst @!p1 v7  }
0x369: {  	[tilespmem:s7+$0x46D0] =	vst @!p1 v7  }
0x36a: {  	[tilespmem:s7+$0x46E0] =	vst @!p1 v7  }
0x36b: {  	[tilespmem:s7+$0x46F0] =	vst @!p1 v7  }
0x36c: {  	[tilespmem:s7+$0x4A80] =	vst @!p1 v7  }
0x36d: {  	[tilespmem:s7+$0x4A90] =	vst @!p1 v7  }
0x36e: {  	[tilespmem:s7+$0x4AA0] =	vst @!p1 v7  }
.Ltmp17:
0x36f: {  	[tilespmem:s7+$0x4AB0] =	vst @!p1 v7;
	(pc) =	sbr.rel @p0 .LBB2_27-.Ltmp17, $4  }
0x370: {  	[tilespmem:s7+$0x4AC0] =	vst @!p1 v7  }
0x371: {  	[tilespmem:s7+$0x4AD0] =	vst @!p1 v7  }
0x372: {  	[tilespmem:s7+$0x4AE0] =	vst @!p1 v7  }
0x373: {  	s0 =	sadd.s32 $0x1, s0;
	[tilespmem:s7+$0x4AF0] =	vst @!p1 v7  }
.Ltmp18:
0x374: {  	_ = 	snop;
	(pc) =	sbr.rel .LBB2_28-.Ltmp18, $1  }
0x375: {  	_ =	sdelay $0x3  }
.LBB2_29:
0x376: {  	_ =	sfence.sel $0x180000  }
0x377: {  	[bflag:$0x0] =	sbarrier.arrive $0xFFFF  }
0x378: {  	_ =	strace $0x90000047  }
0x379: {  	s0 =	stileid.u32;
	[bflag:$0x2] =	sbarrier.arrive $0xFFFF  }
0x37a: {  	p0 =	sne.s32 s0, $0x0;
	s0 =	rddreg [dreg:$0x3]  }
0x37b: {  	s0 =	sadd.s32 @!p0 $0x100000, s0  }
0x37c: {  	[sflag:s0] =	ssyncadd.tile.s32 @!p0 $0x1;
	_ =	shalt  }
.Lfunc_end2:
_tile_overlayer_lowered:
.L_overlay_start_2:
0x37d: {  	(tag) =	ssettag $0x2  }
0x37e: {  	s0 =	rddreg [dreg:$0x0];
	s2 =	stileid.u32  }
0x37f: {  	s1 =	rddreg [dreg:$0x1];
	p0 =	sne.s32 s2, $0x0  }
0x380: {  	s3 =	rddreg [dreg:$0x2];
	[bflag:$0x3] =	sbarrier.arrive $0xFFFF;
	s2 =	simm.s32 @!p0 $0x1C0D  }
0x381: {  	[timem:s3], [sflag:s2] =	dma.local @!p0 [hbm:s0], s1  }
0x382: {  	s0 =	simm.s32 @!p0 $0xD  }
0x383: {  	_ =	swait.ge @!p0 [sflag:s0], s1  }
0x384: {  	s1 =	ssub.s32 @!p0 $0x0, s1;
	[sflag:s0] =	ssyncset.done @!p0 $0x0  }
0x385: {  	[sflag:s0] =	ssyncadd.s32 @!p0 s1  }
0x386: {  	[bflag:$0x3] =	sbarrier.arrive $0xFFFF  }
0x387: {  	_ =	shalt  }

</sc_bundles>
